<compile_context>
chip_gen: v7x
topology: tpu7x:2x2x1
jax: 0.10.2.dev20260603
libtpu: 0.0.44.dev20260713+nightly
codegen_flags: <defaults>
</compile_context>

<pallas_src>
import functools

import jax
import jax.numpy as jnp
from jax import lax
from jax.experimental import pallas as pl
from jax.experimental.pallas import tpu as pltpu
from jax.experimental.pallas import tpu_sc as plsc

_BATCH = 4096
_SEQ = 200
_EMBED = 64
_CLASSES = 50
_LANES = 16

_NC = 2
_NS = 16
_NW = _NC * _NS
_RPW = _BATCH // _NW
_G0 = 128
_G1 = _SEQ - _G0
_VOCAB = 1000000
_PAIRS = _VOCAB // 2

_W = 256
_NBF = _VOCAB // _W
_TAILC = _VOCAB - _NBF * _W
_NI = 123


def _tp_body(tab_hbm, out_hbm, slab_a, slab_b, outb_a, outb_b,
             isem0, isem1, osem0, osem1):
    wid = lax.axis_index("s") * _NC + lax.axis_index("c")

    slabs = (slab_a, slab_b)
    outbs = (outb_a, outb_b)
    isems = (isem0, isem1)
    osems = (osem0, osem1)

    iota = jax.lax.iota(jnp.int32, _LANES)
    diags = [(iota + d) % _LANES for d in range(_LANES)]
    cols = [((iota + d) % 2) * _EMBED + iota for d in range(2)]
    ridx = [iota + g * _LANES for g in range(4)]

    def issue_in(c, slot):
        @pl.when(c < _NBF)
        def _():
            off = pl.multiple_of(c * _W, _W)
            pltpu.async_copy(tab_hbm.at[:, pl.ds(off, _W)],
                             slabs[slot], isems[slot])

    def wait_in(slot):
        pltpu.make_async_copy(tab_hbm.at[:, pl.ds(0, _W)],
                              slabs[slot], isems[slot]).wait()

    def transpose(slot, ncb):
        items = [(d, g) for d in range(_LANES) for g in range(4)]
        lookahead = 8

        def cb_body(cb, car):
            cb16 = cb * _LANES
            gidxs = [cb16 + diags[d] for d in range(_LANES)]
            pending = {}
            for t in range(len(items) + lookahead):
                if t < len(items):
                    d, g = items[t]
                    pending[t] = plsc.load_gather(
                        slabs[slot], [ridx[g], gidxs[d]])
                if t >= lookahead:
                    d, g = items[t - lookahead]
                    plsc.store_scatter(
                        outbs[slot],
                        [gidxs[d] >> 1, cols[d % 2] + g * _LANES],
                        pending.pop(t - lookahead))
            return car
        lax.fori_loop(0, ncb, cb_body, 0)

    def issue_out(c, slot):
        off = pl.multiple_of(c * (_W // 2), _W // 2)
        pltpu.async_copy(outbs[slot], out_hbm.at[pl.ds(off, _W // 2)],
                         osems[slot])

    def wait_out_full(slot):
        pltpu.make_async_copy(outbs[slot], out_hbm.at[pl.ds(0, _W // 2)],
                              osems[slot]).wait()

    def step(i, slot, nslot):
        c = wid + 32 * i
        issue_in(c + 32, nslot)

        @pl.when(c < _NBF)
        def _():
            wait_in(slot)

            @pl.when(i >= 2)
            def _():
                wait_out_full(slot)

            transpose(slot, _W // _LANES)
            issue_out(c, slot)

    issue_in(wid, 0)

    def outer(i0, car):
        step(2 * i0, 0, 1)
        step(2 * i0 + 1, 1, 0)
        return car

    lax.fori_loop(0, (_NI - 1) // 2, outer, 0)
    step(_NI - 1, 0, 1)

    wait_out_full(1)
    wait_out_full(0)


_transpose_tab = functools.partial(
    pl.kernel,
    mesh=plsc.VectorSubcoreMesh(core_axis_name="c", subcore_axis_name="s"),
    compiler_params=pltpu.CompilerParams(needs_layout_passes=False),
    out_type=jax.ShapeDtypeStruct((_PAIRS, 2 * _EMBED), jnp.float32),
    scratch_types=[
        pltpu.VMEM((_EMBED, _W), jnp.float32),
        pltpu.VMEM((_EMBED, _W), jnp.float32),
        pltpu.VMEM((_W // 2, 2 * _EMBED), jnp.float32),
        pltpu.VMEM((_W // 2, 2 * _EMBED), jnp.float32),
        pltpu.SemaphoreType.DMA,
        pltpu.SemaphoreType.DMA,
        pltpu.SemaphoreType.DMA,
        pltpu.SemaphoreType.DMA,
    ],
)(_tp_body)


def _pool_body(x2_hbm, xp_hbm, tab_hbm, out_hbm,
               idx_v, par_v, rows_v, pooled_v, sem0, sem1):
    wid = lax.axis_index("s") * _NC + lax.axis_index("c")
    base = pl.multiple_of(wid * _RPW, _RPW)

    pltpu.sync_copy(x2_hbm.at[pl.ds(base * _SEQ, _RPW * _SEQ)], idx_v)
    pltpu.sync_copy(xp_hbm.at[pl.ds(base * _SEQ, _RPW * _SEQ)],
                    par_v.at[pl.ds(0, _RPW * _SEQ)])

    sems = (sem0, sem1)

    def issue(r, slot):
        off = pl.multiple_of(r * _SEQ, 8)
        pltpu.async_copy(tab_hbm.at[idx_v.at[pl.ds(off, _G0)]],
                         rows_v.at[slot, pl.ds(0, _G0)], sems[slot])
        pltpu.async_copy(tab_hbm.at[idx_v.at[pl.ds(off + _G0, _G1)]],
                         rows_v.at[slot, pl.ds(_G0, _G1)], sems[slot])

    def wait(slot):
        pltpu.make_async_copy(tab_hbm.at[idx_v.at[pl.ds(0, _G0)]],
                              rows_v.at[slot, pl.ds(0, _G0)], sems[slot]).wait()
        pltpu.make_async_copy(tab_hbm.at[idx_v.at[pl.ds(0, _G1)]],
                              rows_v.at[slot, pl.ds(_G0, _G1)], sems[slot]).wait()

    issue(0, 0)

    inv = jnp.float32(1.0 / _SEQ)

    def step(r, slot, nslot):
        @pl.when(r + 1 < _RPW)
        def _():
            issue(r + 1, nslot)

        wait(slot)

        zero = jnp.zeros((_LANES,), jnp.float32)

        def body(j, accs):
            pv = par_v[pl.ds(r * _SEQ + j, _LANES)]
            half = pv[0] * _EMBED
            return tuple(
                accs[d] + rows_v[slot, j, pl.ds(half + d * _LANES, _LANES)]
                for d in range(_EMBED // _LANES))

        accs = lax.fori_loop(0, _SEQ, body, (zero,) * (_EMBED // _LANES))
        for d in range(_EMBED // _LANES):
            pooled_v[r, pl.ds(d * _LANES, _LANES)] = accs[d] * inv

    def outer(i, carry):
        step(2 * i, 0, 1)
        step(2 * i + 1, 1, 0)
        return carry

    lax.fori_loop(0, _RPW // 2, outer, 0)

    pltpu.sync_copy(pooled_v, out_hbm.at[pl.ds(base, _RPW)])


_pool = functools.partial(
    pl.kernel,
    mesh=plsc.VectorSubcoreMesh(core_axis_name="c", subcore_axis_name="s"),
    out_type=jax.ShapeDtypeStruct((_BATCH, _EMBED), jnp.float32),
    scratch_types=[
        pltpu.VMEM((_RPW * _SEQ,), jnp.int32),
        pltpu.VMEM((_RPW * _SEQ + _LANES,), jnp.int32),
        pltpu.VMEM((2, _SEQ, 2 * _EMBED), jnp.float32),
        pltpu.VMEM((_RPW, _EMBED), jnp.float32),
        pltpu.SemaphoreType.DMA,
        pltpu.SemaphoreType.DMA,
    ],
)(_pool_body)


def _fc_body(p_ref, w_ref, b_ref, o_ref):
    o_ref[...] = (
        jnp.dot(p_ref[...], w_ref[...], preferred_element_type=jnp.float32)
        + b_ref[...]
    )


def kernel(x, emb_table, fc_w, fc_b):
    tab2 = _transpose_tab(emb_table.T)
    tail = emb_table[_NBF * _W:].reshape(_TAILC // 2, 2 * _EMBED)
    tab2 = jax.lax.dynamic_update_slice(tab2, tail, (_NBF * (_W // 2), 0))
    x2 = jax.lax.shift_right_logical(x, 1).reshape(-1)
    xp = jax.lax.bitwise_and(x, 1).reshape(-1)
    pooled = _pool(x2, xp, tab2)
    return pl.pallas_call(
        _fc_body,
        out_shape=jax.ShapeDtypeStruct((_BATCH, _CLASSES), jnp.float32),
    )(pooled, fc_w, fc_b.reshape(1, _CLASSES))

# --- scband reference (transcript-rebuilt; emitter-appended) ---
"""Pipeline reference for scband-fast-text-model-57861799412068 (READ-ONLY COPY).

The authoritative reference and input builder live on the scoring server;
editing this copy changes nothing except your own understanding.
"""

import jax, jax.numpy as jnp
import numpy as np

VOCAB = 1000000
EMBED = 64
NUM_CLASSES = 50
BATCH = 4096
SEQ = 200


def setup_inputs(seed: int = 0) -> dict:
    key = jax.random.key(seed)
    k_x, k_emb, k_w, k_b = jax.random.split(key, 4)
    x = jax.random.randint(k_x, (BATCH, SEQ), 0, VOCAB, dtype=jnp.int64 if jax.config.jax_enable_x64 else jnp.int32)
    emb_table = jax.random.normal(k_emb, (VOCAB, EMBED), dtype=jnp.float32) * 0.02
    fc_w = jax.random.normal(k_w, (EMBED, NUM_CLASSES), dtype=jnp.float32) * (1.0 / np.sqrt(EMBED))
    fc_b = jax.random.normal(k_b, (NUM_CLASSES,), dtype=jnp.float32) * 0.01
    return {"x": x, "emb_table": emb_table, "fc_w": fc_w, "fc_b": fc_b}


def reference(x, emb_table, fc_w, fc_b):
    # embedding lookup: [B, S] -> [B, S, D]
    embedded = jnp.take(emb_table, x, axis=0)
    # mean pool over sequence dim: [B, D]
    pooled = jnp.mean(embedded, axis=1)
    # linear: [B, num_classes]
    output = pooled @ fc_w + fc_b
    return output

if __name__ == "__main__":
    import jax
    _d = setup_inputs()
    print(jax.jit(kernel)(*tuple(_d.values())))

</pallas_src>

<mosaic_0001>
#map = affine_map<(d0, d1) -> (0, 0)>
module attributes {stable_mosaic.version = 14 : i64} {
  func.func @_tp_body(%arg0: i32, %arg1: i32, %arg2: memref<64x1000000xf32, #tpu.memory_space<hbm>>, %arg3: memref<500000x128xf32, #tpu.memory_space<hbm>>, %arg4: memref<64x256xf32, #tpu.memory_space<vmem>>, %arg5: memref<64x256xf32, #tpu.memory_space<vmem>>, %arg6: memref<128x128xf32, #tpu.memory_space<vmem>>, %arg7: memref<128x128xf32, #tpu.memory_space<vmem>>, %arg8: memref<!tpu.dma_semaphore, #tpu.memory_space<semaphore_mem>>, %arg9: memref<!tpu.dma_semaphore, #tpu.memory_space<semaphore_mem>>, %arg10: memref<!tpu.dma_semaphore, #tpu.memory_space<semaphore_mem>>, %arg11: memref<!tpu.dma_semaphore, #tpu.memory_space<semaphore_mem>>) attributes {dimension_semantics = [#tpu.dimension_semantics<core_parallel>, #tpu.dimension_semantics<subcore_parallel>], iteration_bounds = array<i64: 2, 16>, scalar_prefetch = 0 : i64, scratch_operands = 8 : i64, tpu.core_type = #tpu.core_type<sc_vector_subcore>, window_params = [{transform_indices = #map}, {transform_indices = #map}]} {
    %mul3A = arith.constant 2 : i32
    %mul3A_0 = arith.muli %arg1, %mul3A : i32
    %add3A = arith.addi %mul3A_0, %arg0 : i32
    %iota3A = tpu.iota {dimensions = array<i32: 0>} : vector<16xi32>
    %add3A_1 = arith.constant 0 : i32
    %add3A_2 = vector.broadcast %add3A_1 : i32 to vector<16xi32>
    %add3A_3 = arith.addi %iota3A, %add3A_2 : vector<16xi32>
    %jit3A = arith.constant 16 : i32
    %eq3A = arith.constant 0 : i32
    %eq3A_4 = arith.cmpi eq, %jit3A, %eq3A : i32
    %jit3A_5 = arith.constant 1 : i32
    %select_n3A = arith.select %eq3A_4, %jit3A_5, %jit3A : i32
    %rem3A = vector.broadcast %select_n3A : i32 to vector<16xi32>
    %rem3A_6 = arith.remsi %add3A_3, %rem3A : vector<16xi32>
    %ne3A = arith.constant 0 : i32
    %ne3A_7 = vector.broadcast %ne3A : i32 to vector<16xi32>
    %ne3A_8 = arith.cmpi ne, %rem3A_6, %ne3A_7 : vector<16xi32>
    %lt3A = arith.constant 0 : i32
    %lt3A_9 = vector.broadcast %lt3A : i32 to vector<16xi32>
    %lt3A_10 = arith.cmpi slt, %rem3A_6, %lt3A_9 : vector<16xi32>
    %lt3A_11 = arith.constant 0 : i32
    %lt3A_12 = arith.cmpi slt, %select_n3A, %lt3A_11 : i32
    %ne3A_13 = vector.broadcast %lt3A_12 : i1 to vector<16xi1>
    %ne3A_14 = vector.broadcast %ne3A_13 : vector<16xi1> to vector<16xi1>
    %ne3A_15 = arith.xori %lt3A_10, %ne3A_14 : vector<16xi1>
    %and3A = arith.andi %ne3A_15, %ne3A_8 : vector<16xi1>
    %add3A_16 = vector.broadcast %select_n3A : i32 to vector<16xi32>
    %add3A_17 = arith.addi %rem3A_6, %add3A_16 : vector<16xi32>
    %select_n3A_18 = arith.select %and3A, %add3A_17, %rem3A_6 : vector<16xi1>, vector<16xi32>
    %add3A_19 = arith.constant 1 : i32
    %add3A_20 = vector.broadcast %add3A_19 : i32 to vector<16xi32>
    %add3A_21 = arith.addi %iota3A, %add3A_20 : vector<16xi32>
    %jit3A_22 = arith.constant 16 : i32
    %eq3A_23 = arith.constant 0 : i32
    %eq3A_24 = arith.cmpi eq, %jit3A_22, %eq3A_23 : i32
    %jit3A_25 = arith.constant 1 : i32
    %select_n3A_26 = arith.select %eq3A_24, %jit3A_25, %jit3A_22 : i32
    %rem3A_27 = vector.broadcast %select_n3A_26 : i32 to vector<16xi32>
    %rem3A_28 = arith.remsi %add3A_21, %rem3A_27 : vector<16xi32>
    %ne3A_29 = arith.constant 0 : i32
    %ne3A_30 = vector.broadcast %ne3A_29 : i32 to vector<16xi32>
    %ne3A_31 = arith.cmpi ne, %rem3A_28, %ne3A_30 : vector<16xi32>
    %lt3A_32 = arith.constant 0 : i32
    %lt3A_33 = vector.broadcast %lt3A_32 : i32 to vector<16xi32>
    %lt3A_34 = arith.cmpi slt, %rem3A_28, %lt3A_33 : vector<16xi32>
    %lt3A_35 = arith.constant 0 : i32
    %lt3A_36 = arith.cmpi slt, %select_n3A_26, %lt3A_35 : i32
    %ne3A_37 = vector.broadcast %lt3A_36 : i1 to vector<16xi1>
    %ne3A_38 = vector.broadcast %ne3A_37 : vector<16xi1> to vector<16xi1>
    %ne3A_39 = arith.xori %lt3A_34, %ne3A_38 : vector<16xi1>
    %and3A_40 = arith.andi %ne3A_39, %ne3A_31 : vector<16xi1>
    %add3A_41 = vector.broadcast %select_n3A_26 : i32 to vector<16xi32>
    %add3A_42 = arith.addi %rem3A_28, %add3A_41 : vector<16xi32>
    %select_n3A_43 = arith.select %and3A_40, %add3A_42, %rem3A_28 : vector<16xi1>, vector<16xi32>
    %add3A_44 = arith.constant 2 : i32
    %add3A_45 = vector.broadcast %add3A_44 : i32 to vector<16xi32>
    %add3A_46 = arith.addi %iota3A, %add3A_45 : vector<16xi32>
    %jit3A_47 = arith.constant 16 : i32
    %eq3A_48 = arith.constant 0 : i32
    %eq3A_49 = arith.cmpi eq, %jit3A_47, %eq3A_48 : i32
    %jit3A_50 = arith.constant 1 : i32
    %select_n3A_51 = arith.select %eq3A_49, %jit3A_50, %jit3A_47 : i32
    %rem3A_52 = vector.broadcast %select_n3A_51 : i32 to vector<16xi32>
    %rem3A_53 = arith.remsi %add3A_46, %rem3A_52 : vector<16xi32>
    %ne3A_54 = arith.constant 0 : i32
    %ne3A_55 = vector.broadcast %ne3A_54 : i32 to vector<16xi32>
    %ne3A_56 = arith.cmpi ne, %rem3A_53, %ne3A_55 : vector<16xi32>
    %lt3A_57 = arith.constant 0 : i32
    %lt3A_58 = vector.broadcast %lt3A_57 : i32 to vector<16xi32>
    %lt3A_59 = arith.cmpi slt, %rem3A_53, %lt3A_58 : vector<16xi32>
    %lt3A_60 = arith.constant 0 : i32
    %lt3A_61 = arith.cmpi slt, %select_n3A_51, %lt3A_60 : i32
    %ne3A_62 = vector.broadcast %lt3A_61 : i1 to vector<16xi1>
    %ne3A_63 = vector.broadcast %ne3A_62 : vector<16xi1> to vector<16xi1>
    %ne3A_64 = arith.xori %lt3A_59, %ne3A_63 : vector<16xi1>
    %and3A_65 = arith.andi %ne3A_64, %ne3A_56 : vector<16xi1>
    %add3A_66 = vector.broadcast %select_n3A_51 : i32 to vector<16xi32>
    %add3A_67 = arith.addi %rem3A_53, %add3A_66 : vector<16xi32>
    %select_n3A_68 = arith.select %and3A_65, %add3A_67, %rem3A_53 : vector<16xi1>, vector<16xi32>
    %add3A_69 = arith.constant 3 : i32
    %add3A_70 = vector.broadcast %add3A_69 : i32 to vector<16xi32>
    %add3A_71 = arith.addi %iota3A, %add3A_70 : vector<16xi32>
    %jit3A_72 = arith.constant 16 : i32
    %eq3A_73 = arith.constant 0 : i32
    %eq3A_74 = arith.cmpi eq, %jit3A_72, %eq3A_73 : i32
    %jit3A_75 = arith.constant 1 : i32
    %select_n3A_76 = arith.select %eq3A_74, %jit3A_75, %jit3A_72 : i32
    %rem3A_77 = vector.broadcast %select_n3A_76 : i32 to vector<16xi32>
    %rem3A_78 = arith.remsi %add3A_71, %rem3A_77 : vector<16xi32>
    %ne3A_79 = arith.constant 0 : i32
    %ne3A_80 = vector.broadcast %ne3A_79 : i32 to vector<16xi32>
    %ne3A_81 = arith.cmpi ne, %rem3A_78, %ne3A_80 : vector<16xi32>
    %lt3A_82 = arith.constant 0 : i32
    %lt3A_83 = vector.broadcast %lt3A_82 : i32 to vector<16xi32>
    %lt3A_84 = arith.cmpi slt, %rem3A_78, %lt3A_83 : vector<16xi32>
    %lt3A_85 = arith.constant 0 : i32
    %lt3A_86 = arith.cmpi slt, %select_n3A_76, %lt3A_85 : i32
    %ne3A_87 = vector.broadcast %lt3A_86 : i1 to vector<16xi1>
    %ne3A_88 = vector.broadcast %ne3A_87 : vector<16xi1> to vector<16xi1>
    %ne3A_89 = arith.xori %lt3A_84, %ne3A_88 : vector<16xi1>
    %and3A_90 = arith.andi %ne3A_89, %ne3A_81 : vector<16xi1>
    %add3A_91 = vector.broadcast %select_n3A_76 : i32 to vector<16xi32>
    %add3A_92 = arith.addi %rem3A_78, %add3A_91 : vector<16xi32>
    %select_n3A_93 = arith.select %and3A_90, %add3A_92, %rem3A_78 : vector<16xi1>, vector<16xi32>
    %add3A_94 = arith.constant 4 : i32
    %add3A_95 = vector.broadcast %add3A_94 : i32 to vector<16xi32>
    %add3A_96 = arith.addi %iota3A, %add3A_95 : vector<16xi32>
    %jit3A_97 = arith.constant 16 : i32
    %eq3A_98 = arith.constant 0 : i32
    %eq3A_99 = arith.cmpi eq, %jit3A_97, %eq3A_98 : i32
    %jit3A_100 = arith.constant 1 : i32
    %select_n3A_101 = arith.select %eq3A_99, %jit3A_100, %jit3A_97 : i32
    %rem3A_102 = vector.broadcast %select_n3A_101 : i32 to vector<16xi32>
    %rem3A_103 = arith.remsi %add3A_96, %rem3A_102 : vector<16xi32>
    %ne3A_104 = arith.constant 0 : i32
    %ne3A_105 = vector.broadcast %ne3A_104 : i32 to vector<16xi32>
    %ne3A_106 = arith.cmpi ne, %rem3A_103, %ne3A_105 : vector<16xi32>
    %lt3A_107 = arith.constant 0 : i32
    %lt3A_108 = vector.broadcast %lt3A_107 : i32 to vector<16xi32>
    %lt3A_109 = arith.cmpi slt, %rem3A_103, %lt3A_108 : vector<16xi32>
    %lt3A_110 = arith.constant 0 : i32
    %lt3A_111 = arith.cmpi slt, %select_n3A_101, %lt3A_110 : i32
    %ne3A_112 = vector.broadcast %lt3A_111 : i1 to vector<16xi1>
    %ne3A_113 = vector.broadcast %ne3A_112 : vector<16xi1> to vector<16xi1>
    %ne3A_114 = arith.xori %lt3A_109, %ne3A_113 : vector<16xi1>
    %and3A_115 = arith.andi %ne3A_114, %ne3A_106 : vector<16xi1>
    %add3A_116 = vector.broadcast %select_n3A_101 : i32 to vector<16xi32>
    %add3A_117 = arith.addi %rem3A_103, %add3A_116 : vector<16xi32>
    %select_n3A_118 = arith.select %and3A_115, %add3A_117, %rem3A_103 : vector<16xi1>, vector<16xi32>
    %add3A_119 = arith.constant 5 : i32
    %add3A_120 = vector.broadcast %add3A_119 : i32 to vector<16xi32>
    %add3A_121 = arith.addi %iota3A, %add3A_120 : vector<16xi32>
    %jit3A_122 = arith.constant 16 : i32
    %eq3A_123 = arith.constant 0 : i32
    %eq3A_124 = arith.cmpi eq, %jit3A_122, %eq3A_123 : i32
    %jit3A_125 = arith.constant 1 : i32
    %select_n3A_126 = arith.select %eq3A_124, %jit3A_125, %jit3A_122 : i32
    %rem3A_127 = vector.broadcast %select_n3A_126 : i32 to vector<16xi32>
    %rem3A_128 = arith.remsi %add3A_121, %rem3A_127 : vector<16xi32>
    %ne3A_129 = arith.constant 0 : i32
    %ne3A_130 = vector.broadcast %ne3A_129 : i32 to vector<16xi32>
    %ne3A_131 = arith.cmpi ne, %rem3A_128, %ne3A_130 : vector<16xi32>
    %lt3A_132 = arith.constant 0 : i32
    %lt3A_133 = vector.broadcast %lt3A_132 : i32 to vector<16xi32>
    %lt3A_134 = arith.cmpi slt, %rem3A_128, %lt3A_133 : vector<16xi32>
    %lt3A_135 = arith.constant 0 : i32
    %lt3A_136 = arith.cmpi slt, %select_n3A_126, %lt3A_135 : i32
    %ne3A_137 = vector.broadcast %lt3A_136 : i1 to vector<16xi1>
    %ne3A_138 = vector.broadcast %ne3A_137 : vector<16xi1> to vector<16xi1>
    %ne3A_139 = arith.xori %lt3A_134, %ne3A_138 : vector<16xi1>
    %and3A_140 = arith.andi %ne3A_139, %ne3A_131 : vector<16xi1>
    %add3A_141 = vector.broadcast %select_n3A_126 : i32 to vector<16xi32>
    %add3A_142 = arith.addi %rem3A_128, %add3A_141 : vector<16xi32>
    %select_n3A_143 = arith.select %and3A_140, %add3A_142, %rem3A_128 : vector<16xi1>, vector<16xi32>
    %add3A_144 = arith.constant 6 : i32
    %add3A_145 = vector.broadcast %add3A_144 : i32 to vector<16xi32>
    %add3A_146 = arith.addi %iota3A, %add3A_145 : vector<16xi32>
    %jit3A_147 = arith.constant 16 : i32
    %eq3A_148 = arith.constant 0 : i32
    %eq3A_149 = arith.cmpi eq, %jit3A_147, %eq3A_148 : i32
    %jit3A_150 = arith.constant 1 : i32
    %select_n3A_151 = arith.select %eq3A_149, %jit3A_150, %jit3A_147 : i32
    %rem3A_152 = vector.broadcast %select_n3A_151 : i32 to vector<16xi32>
    %rem3A_153 = arith.remsi %add3A_146, %rem3A_152 : vector<16xi32>
    %ne3A_154 = arith.constant 0 : i32
    %ne3A_155 = vector.broadcast %ne3A_154 : i32 to vector<16xi32>
    %ne3A_156 = arith.cmpi ne, %rem3A_153, %ne3A_155 : vector<16xi32>
    %lt3A_157 = arith.constant 0 : i32
    %lt3A_158 = vector.broadcast %lt3A_157 : i32 to vector<16xi32>
    %lt3A_159 = arith.cmpi slt, %rem3A_153, %lt3A_158 : vector<16xi32>
    %lt3A_160 = arith.constant 0 : i32
    %lt3A_161 = arith.cmpi slt, %select_n3A_151, %lt3A_160 : i32
    %ne3A_162 = vector.broadcast %lt3A_161 : i1 to vector<16xi1>
    %ne3A_163 = vector.broadcast %ne3A_162 : vector<16xi1> to vector<16xi1>
    %ne3A_164 = arith.xori %lt3A_159, %ne3A_163 : vector<16xi1>
    %and3A_165 = arith.andi %ne3A_164, %ne3A_156 : vector<16xi1>
    %add3A_166 = vector.broadcast %select_n3A_151 : i32 to vector<16xi32>
    %add3A_167 = arith.addi %rem3A_153, %add3A_166 : vector<16xi32>
    %select_n3A_168 = arith.select %and3A_165, %add3A_167, %rem3A_153 : vector<16xi1>, vector<16xi32>
    %add3A_169 = arith.constant 7 : i32
    %add3A_170 = vector.broadcast %add3A_169 : i32 to vector<16xi32>
    %add3A_171 = arith.addi %iota3A, %add3A_170 : vector<16xi32>
    %jit3A_172 = arith.constant 16 : i32
    %eq3A_173 = arith.constant 0 : i32
    %eq3A_174 = arith.cmpi eq, %jit3A_172, %eq3A_173 : i32
    %jit3A_175 = arith.constant 1 : i32
    %select_n3A_176 = arith.select %eq3A_174, %jit3A_175, %jit3A_172 : i32
    %rem3A_177 = vector.broadcast %select_n3A_176 : i32 to vector<16xi32>
    %rem3A_178 = arith.remsi %add3A_171, %rem3A_177 : vector<16xi32>
    %ne3A_179 = arith.constant 0 : i32
    %ne3A_180 = vector.broadcast %ne3A_179 : i32 to vector<16xi32>
    %ne3A_181 = arith.cmpi ne, %rem3A_178, %ne3A_180 : vector<16xi32>
    %lt3A_182 = arith.constant 0 : i32
    %lt3A_183 = vector.broadcast %lt3A_182 : i32 to vector<16xi32>
    %lt3A_184 = arith.cmpi slt, %rem3A_178, %lt3A_183 : vector<16xi32>
    %lt3A_185 = arith.constant 0 : i32
    %lt3A_186 = arith.cmpi slt, %select_n3A_176, %lt3A_185 : i32
    %ne3A_187 = vector.broadcast %lt3A_186 : i1 to vector<16xi1>
    %ne3A_188 = vector.broadcast %ne3A_187 : vector<16xi1> to vector<16xi1>
    %ne3A_189 = arith.xori %lt3A_184, %ne3A_188 : vector<16xi1>
    %and3A_190 = arith.andi %ne3A_189, %ne3A_181 : vector<16xi1>
    %add3A_191 = vector.broadcast %select_n3A_176 : i32 to vector<16xi32>
    %add3A_192 = arith.addi %rem3A_178, %add3A_191 : vector<16xi32>
    %select_n3A_193 = arith.select %and3A_190, %add3A_192, %rem3A_178 : vector<16xi1>, vector<16xi32>
    %add3A_194 = arith.constant 8 : i32
    %add3A_195 = vector.broadcast %add3A_194 : i32 to vector<16xi32>
    %add3A_196 = arith.addi %iota3A, %add3A_195 : vector<16xi32>
    %jit3A_197 = arith.constant 16 : i32
    %eq3A_198 = arith.constant 0 : i32
    %eq3A_199 = arith.cmpi eq, %jit3A_197, %eq3A_198 : i32
    %jit3A_200 = arith.constant 1 : i32
    %select_n3A_201 = arith.select %eq3A_199, %jit3A_200, %jit3A_197 : i32
    %rem3A_202 = vector.broadcast %select_n3A_201 : i32 to vector<16xi32>
    %rem3A_203 = arith.remsi %add3A_196, %rem3A_202 : vector<16xi32>
    %ne3A_204 = arith.constant 0 : i32
    %ne3A_205 = vector.broadcast %ne3A_204 : i32 to vector<16xi32>
    %ne3A_206 = arith.cmpi ne, %rem3A_203, %ne3A_205 : vector<16xi32>
    %lt3A_207 = arith.constant 0 : i32
    %lt3A_208 = vector.broadcast %lt3A_207 : i32 to vector<16xi32>
    %lt3A_209 = arith.cmpi slt, %rem3A_203, %lt3A_208 : vector<16xi32>
    %lt3A_210 = arith.constant 0 : i32
    %lt3A_211 = arith.cmpi slt, %select_n3A_201, %lt3A_210 : i32
    %ne3A_212 = vector.broadcast %lt3A_211 : i1 to vector<16xi1>
    %ne3A_213 = vector.broadcast %ne3A_212 : vector<16xi1> to vector<16xi1>
    %ne3A_214 = arith.xori %lt3A_209, %ne3A_213 : vector<16xi1>
    %and3A_215 = arith.andi %ne3A_214, %ne3A_206 : vector<16xi1>
    %add3A_216 = vector.broadcast %select_n3A_201 : i32 to vector<16xi32>
    %add3A_217 = arith.addi %rem3A_203, %add3A_216 : vector<16xi32>
    %select_n3A_218 = arith.select %and3A_215, %add3A_217, %rem3A_203 : vector<16xi1>, vector<16xi32>
    %add3A_219 = arith.constant 9 : i32
    %add3A_220 = vector.broadcast %add3A_219 : i32 to vector<16xi32>
    %add3A_221 = arith.addi %iota3A, %add3A_220 : vector<16xi32>
    %jit3A_222 = arith.constant 16 : i32
    %eq3A_223 = arith.constant 0 : i32
    %eq3A_224 = arith.cmpi eq, %jit3A_222, %eq3A_223 : i32
    %jit3A_225 = arith.constant 1 : i32
    %select_n3A_226 = arith.select %eq3A_224, %jit3A_225, %jit3A_222 : i32
    %rem3A_227 = vector.broadcast %select_n3A_226 : i32 to vector<16xi32>
    %rem3A_228 = arith.remsi %add3A_221, %rem3A_227 : vector<16xi32>
    %ne3A_229 = arith.constant 0 : i32
    %ne3A_230 = vector.broadcast %ne3A_229 : i32 to vector<16xi32>
    %ne3A_231 = arith.cmpi ne, %rem3A_228, %ne3A_230 : vector<16xi32>
    %lt3A_232 = arith.constant 0 : i32
    %lt3A_233 = vector.broadcast %lt3A_232 : i32 to vector<16xi32>
    %lt3A_234 = arith.cmpi slt, %rem3A_228, %lt3A_233 : vector<16xi32>
    %lt3A_235 = arith.constant 0 : i32
    %lt3A_236 = arith.cmpi slt, %select_n3A_226, %lt3A_235 : i32
    %ne3A_237 = vector.broadcast %lt3A_236 : i1 to vector<16xi1>
    %ne3A_238 = vector.broadcast %ne3A_237 : vector<16xi1> to vector<16xi1>
    %ne3A_239 = arith.xori %lt3A_234, %ne3A_238 : vector<16xi1>
    %and3A_240 = arith.andi %ne3A_239, %ne3A_231 : vector<16xi1>
    %add3A_241 = vector.broadcast %select_n3A_226 : i32 to vector<16xi32>
    %add3A_242 = arith.addi %rem3A_228, %add3A_241 : vector<16xi32>
    %select_n3A_243 = arith.select %and3A_240, %add3A_242, %rem3A_228 : vector<16xi1>, vector<16xi32>
    %add3A_244 = arith.constant 10 : i32
    %add3A_245 = vector.broadcast %add3A_244 : i32 to vector<16xi32>
    %add3A_246 = arith.addi %iota3A, %add3A_245 : vector<16xi32>
    %jit3A_247 = arith.constant 16 : i32
    %eq3A_248 = arith.constant 0 : i32
    %eq3A_249 = arith.cmpi eq, %jit3A_247, %eq3A_248 : i32
    %jit3A_250 = arith.constant 1 : i32
    %select_n3A_251 = arith.select %eq3A_249, %jit3A_250, %jit3A_247 : i32
    %rem3A_252 = vector.broadcast %select_n3A_251 : i32 to vector<16xi32>
    %rem3A_253 = arith.remsi %add3A_246, %rem3A_252 : vector<16xi32>
    %ne3A_254 = arith.constant 0 : i32
    %ne3A_255 = vector.broadcast %ne3A_254 : i32 to vector<16xi32>
    %ne3A_256 = arith.cmpi ne, %rem3A_253, %ne3A_255 : vector<16xi32>
    %lt3A_257 = arith.constant 0 : i32
    %lt3A_258 = vector.broadcast %lt3A_257 : i32 to vector<16xi32>
    %lt3A_259 = arith.cmpi slt, %rem3A_253, %lt3A_258 : vector<16xi32>
    %lt3A_260 = arith.constant 0 : i32
    %lt3A_261 = arith.cmpi slt, %select_n3A_251, %lt3A_260 : i32
    %ne3A_262 = vector.broadcast %lt3A_261 : i1 to vector<16xi1>
    %ne3A_263 = vector.broadcast %ne3A_262 : vector<16xi1> to vector<16xi1>
    %ne3A_264 = arith.xori %lt3A_259, %ne3A_263 : vector<16xi1>
    %and3A_265 = arith.andi %ne3A_264, %ne3A_256 : vector<16xi1>
    %add3A_266 = vector.broadcast %select_n3A_251 : i32 to vector<16xi32>
    %add3A_267 = arith.addi %rem3A_253, %add3A_266 : vector<16xi32>
    %select_n3A_268 = arith.select %and3A_265, %add3A_267, %rem3A_253 : vector<16xi1>, vector<16xi32>
    %add3A_269 = arith.constant 11 : i32
    %add3A_270 = vector.broadcast %add3A_269 : i32 to vector<16xi32>
    %add3A_271 = arith.addi %iota3A, %add3A_270 : vector<16xi32>
    %jit3A_272 = arith.constant 16 : i32
    %eq3A_273 = arith.constant 0 : i32
    %eq3A_274 = arith.cmpi eq, %jit3A_272, %eq3A_273 : i32
    %jit3A_275 = arith.constant 1 : i32
    %select_n3A_276 = arith.select %eq3A_274, %jit3A_275, %jit3A_272 : i32
    %rem3A_277 = vector.broadcast %select_n3A_276 : i32 to vector<16xi32>
    %rem3A_278 = arith.remsi %add3A_271, %rem3A_277 : vector<16xi32>
    %ne3A_279 = arith.constant 0 : i32
    %ne3A_280 = vector.broadcast %ne3A_279 : i32 to vector<16xi32>
    %ne3A_281 = arith.cmpi ne, %rem3A_278, %ne3A_280 : vector<16xi32>
    %lt3A_282 = arith.constant 0 : i32
    %lt3A_283 = vector.broadcast %lt3A_282 : i32 to vector<16xi32>
    %lt3A_284 = arith.cmpi slt, %rem3A_278, %lt3A_283 : vector<16xi32>
    %lt3A_285 = arith.constant 0 : i32
    %lt3A_286 = arith.cmpi slt, %select_n3A_276, %lt3A_285 : i32
    %ne3A_287 = vector.broadcast %lt3A_286 : i1 to vector<16xi1>
    %ne3A_288 = vector.broadcast %ne3A_287 : vector<16xi1> to vector<16xi1>
    %ne3A_289 = arith.xori %lt3A_284, %ne3A_288 : vector<16xi1>
    %and3A_290 = arith.andi %ne3A_289, %ne3A_281 : vector<16xi1>
    %add3A_291 = vector.broadcast %select_n3A_276 : i32 to vector<16xi32>
    %add3A_292 = arith.addi %rem3A_278, %add3A_291 : vector<16xi32>
    %select_n3A_293 = arith.select %and3A_290, %add3A_292, %rem3A_278 : vector<16xi1>, vector<16xi32>
    %add3A_294 = arith.constant 12 : i32
    %add3A_295 = vector.broadcast %add3A_294 : i32 to vector<16xi32>
    %add3A_296 = arith.addi %iota3A, %add3A_295 : vector<16xi32>
    %jit3A_297 = arith.constant 16 : i32
    %eq3A_298 = arith.constant 0 : i32
    %eq3A_299 = arith.cmpi eq, %jit3A_297, %eq3A_298 : i32
    %jit3A_300 = arith.constant 1 : i32
    %select_n3A_301 = arith.select %eq3A_299, %jit3A_300, %jit3A_297 : i32
    %rem3A_302 = vector.broadcast %select_n3A_301 : i32 to vector<16xi32>
    %rem3A_303 = arith.remsi %add3A_296, %rem3A_302 : vector<16xi32>
    %ne3A_304 = arith.constant 0 : i32
    %ne3A_305 = vector.broadcast %ne3A_304 : i32 to vector<16xi32>
    %ne3A_306 = arith.cmpi ne, %rem3A_303, %ne3A_305 : vector<16xi32>
    %lt3A_307 = arith.constant 0 : i32
    %lt3A_308 = vector.broadcast %lt3A_307 : i32 to vector<16xi32>
    %lt3A_309 = arith.cmpi slt, %rem3A_303, %lt3A_308 : vector<16xi32>
    %lt3A_310 = arith.constant 0 : i32
    %lt3A_311 = arith.cmpi slt, %select_n3A_301, %lt3A_310 : i32
    %ne3A_312 = vector.broadcast %lt3A_311 : i1 to vector<16xi1>
    %ne3A_313 = vector.broadcast %ne3A_312 : vector<16xi1> to vector<16xi1>
    %ne3A_314 = arith.xori %lt3A_309, %ne3A_313 : vector<16xi1>
    %and3A_315 = arith.andi %ne3A_314, %ne3A_306 : vector<16xi1>
    %add3A_316 = vector.broadcast %select_n3A_301 : i32 to vector<16xi32>
    %add3A_317 = arith.addi %rem3A_303, %add3A_316 : vector<16xi32>
    %select_n3A_318 = arith.select %and3A_315, %add3A_317, %rem3A_303 : vector<16xi1>, vector<16xi32>
    %add3A_319 = arith.constant 13 : i32
    %add3A_320 = vector.broadcast %add3A_319 : i32 to vector<16xi32>
    %add3A_321 = arith.addi %iota3A, %add3A_320 : vector<16xi32>
    %jit3A_322 = arith.constant 16 : i32
    %eq3A_323 = arith.constant 0 : i32
    %eq3A_324 = arith.cmpi eq, %jit3A_322, %eq3A_323 : i32
    %jit3A_325 = arith.constant 1 : i32
    %select_n3A_326 = arith.select %eq3A_324, %jit3A_325, %jit3A_322 : i32
    %rem3A_327 = vector.broadcast %select_n3A_326 : i32 to vector<16xi32>
    %rem3A_328 = arith.remsi %add3A_321, %rem3A_327 : vector<16xi32>
    %ne3A_329 = arith.constant 0 : i32
    %ne3A_330 = vector.broadcast %ne3A_329 : i32 to vector<16xi32>
    %ne3A_331 = arith.cmpi ne, %rem3A_328, %ne3A_330 : vector<16xi32>
    %lt3A_332 = arith.constant 0 : i32
    %lt3A_333 = vector.broadcast %lt3A_332 : i32 to vector<16xi32>
    %lt3A_334 = arith.cmpi slt, %rem3A_328, %lt3A_333 : vector<16xi32>
    %lt3A_335 = arith.constant 0 : i32
    %lt3A_336 = arith.cmpi slt, %select_n3A_326, %lt3A_335 : i32
    %ne3A_337 = vector.broadcast %lt3A_336 : i1 to vector<16xi1>
    %ne3A_338 = vector.broadcast %ne3A_337 : vector<16xi1> to vector<16xi1>
    %ne3A_339 = arith.xori %lt3A_334, %ne3A_338 : vector<16xi1>
    %and3A_340 = arith.andi %ne3A_339, %ne3A_331 : vector<16xi1>
    %add3A_341 = vector.broadcast %select_n3A_326 : i32 to vector<16xi32>
    %add3A_342 = arith.addi %rem3A_328, %add3A_341 : vector<16xi32>
    %select_n3A_343 = arith.select %and3A_340, %add3A_342, %rem3A_328 : vector<16xi1>, vector<16xi32>
    %add3A_344 = arith.constant 14 : i32
    %add3A_345 = vector.broadcast %add3A_344 : i32 to vector<16xi32>
    %add3A_346 = arith.addi %iota3A, %add3A_345 : vector<16xi32>
    %jit3A_347 = arith.constant 16 : i32
    %eq3A_348 = arith.constant 0 : i32
    %eq3A_349 = arith.cmpi eq, %jit3A_347, %eq3A_348 : i32
    %jit3A_350 = arith.constant 1 : i32
    %select_n3A_351 = arith.select %eq3A_349, %jit3A_350, %jit3A_347 : i32
    %rem3A_352 = vector.broadcast %select_n3A_351 : i32 to vector<16xi32>
    %rem3A_353 = arith.remsi %add3A_346, %rem3A_352 : vector<16xi32>
    %ne3A_354 = arith.constant 0 : i32
    %ne3A_355 = vector.broadcast %ne3A_354 : i32 to vector<16xi32>
    %ne3A_356 = arith.cmpi ne, %rem3A_353, %ne3A_355 : vector<16xi32>
    %lt3A_357 = arith.constant 0 : i32
    %lt3A_358 = vector.broadcast %lt3A_357 : i32 to vector<16xi32>
    %lt3A_359 = arith.cmpi slt, %rem3A_353, %lt3A_358 : vector<16xi32>
    %lt3A_360 = arith.constant 0 : i32
    %lt3A_361 = arith.cmpi slt, %select_n3A_351, %lt3A_360 : i32
    %ne3A_362 = vector.broadcast %lt3A_361 : i1 to vector<16xi1>
    %ne3A_363 = vector.broadcast %ne3A_362 : vector<16xi1> to vector<16xi1>
    %ne3A_364 = arith.xori %lt3A_359, %ne3A_363 : vector<16xi1>
    %and3A_365 = arith.andi %ne3A_364, %ne3A_356 : vector<16xi1>
    %add3A_366 = vector.broadcast %select_n3A_351 : i32 to vector<16xi32>
    %add3A_367 = arith.addi %rem3A_353, %add3A_366 : vector<16xi32>
    %select_n3A_368 = arith.select %and3A_365, %add3A_367, %rem3A_353 : vector<16xi1>, vector<16xi32>
    %add3A_369 = arith.constant 15 : i32
    %add3A_370 = vector.broadcast %add3A_369 : i32 to vector<16xi32>
    %add3A_371 = arith.addi %iota3A, %add3A_370 : vector<16xi32>
    %jit3A_372 = arith.constant 16 : i32
    %eq3A_373 = arith.constant 0 : i32
    %eq3A_374 = arith.cmpi eq, %jit3A_372, %eq3A_373 : i32
    %jit3A_375 = arith.constant 1 : i32
    %select_n3A_376 = arith.select %eq3A_374, %jit3A_375, %jit3A_372 : i32
    %rem3A_377 = vector.broadcast %select_n3A_376 : i32 to vector<16xi32>
    %rem3A_378 = arith.remsi %add3A_371, %rem3A_377 : vector<16xi32>
    %ne3A_379 = arith.constant 0 : i32
    %ne3A_380 = vector.broadcast %ne3A_379 : i32 to vector<16xi32>
    %ne3A_381 = arith.cmpi ne, %rem3A_378, %ne3A_380 : vector<16xi32>
    %lt3A_382 = arith.constant 0 : i32
    %lt3A_383 = vector.broadcast %lt3A_382 : i32 to vector<16xi32>
    %lt3A_384 = arith.cmpi slt, %rem3A_378, %lt3A_383 : vector<16xi32>
    %lt3A_385 = arith.constant 0 : i32
    %lt3A_386 = arith.cmpi slt, %select_n3A_376, %lt3A_385 : i32
    %ne3A_387 = vector.broadcast %lt3A_386 : i1 to vector<16xi1>
    %ne3A_388 = vector.broadcast %ne3A_387 : vector<16xi1> to vector<16xi1>
    %ne3A_389 = arith.xori %lt3A_384, %ne3A_388 : vector<16xi1>
    %and3A_390 = arith.andi %ne3A_389, %ne3A_381 : vector<16xi1>
    %add3A_391 = vector.broadcast %select_n3A_376 : i32 to vector<16xi32>
    %add3A_392 = arith.addi %rem3A_378, %add3A_391 : vector<16xi32>
    %select_n3A_393 = arith.select %and3A_390, %add3A_392, %rem3A_378 : vector<16xi1>, vector<16xi32>
    %add3A_394 = arith.constant 0 : i32
    %add3A_395 = vector.broadcast %add3A_394 : i32 to vector<16xi32>
    %add3A_396 = arith.addi %iota3A, %add3A_395 : vector<16xi32>
    %jit3A_397 = arith.constant 2 : i32
    %eq3A_398 = arith.constant 0 : i32
    %eq3A_399 = arith.cmpi eq, %jit3A_397, %eq3A_398 : i32
    %jit3A_400 = arith.constant 1 : i32
    %select_n3A_401 = arith.select %eq3A_399, %jit3A_400, %jit3A_397 : i32
    %rem3A_402 = vector.broadcast %select_n3A_401 : i32 to vector<16xi32>
    %rem3A_403 = arith.remsi %add3A_396, %rem3A_402 : vector<16xi32>
    %ne3A_404 = arith.constant 0 : i32
    %ne3A_405 = vector.broadcast %ne3A_404 : i32 to vector<16xi32>
    %ne3A_406 = arith.cmpi ne, %rem3A_403, %ne3A_405 : vector<16xi32>
    %lt3A_407 = arith.constant 0 : i32
    %lt3A_408 = vector.broadcast %lt3A_407 : i32 to vector<16xi32>
    %lt3A_409 = arith.cmpi slt, %rem3A_403, %lt3A_408 : vector<16xi32>
    %lt3A_410 = arith.constant 0 : i32
    %lt3A_411 = arith.cmpi slt, %select_n3A_401, %lt3A_410 : i32
    %ne3A_412 = vector.broadcast %lt3A_411 : i1 to vector<16xi1>
    %ne3A_413 = vector.broadcast %ne3A_412 : vector<16xi1> to vector<16xi1>
    %ne3A_414 = arith.xori %lt3A_409, %ne3A_413 : vector<16xi1>
    %and3A_415 = arith.andi %ne3A_414, %ne3A_406 : vector<16xi1>
    %add3A_416 = vector.broadcast %select_n3A_401 : i32 to vector<16xi32>
    %add3A_417 = arith.addi %rem3A_403, %add3A_416 : vector<16xi32>
    %select_n3A_418 = arith.select %and3A_415, %add3A_417, %rem3A_403 : vector<16xi1>, vector<16xi32>
    %mul3A_419 = arith.constant 64 : i32
    %mul3A_420 = vector.broadcast %mul3A_419 : i32 to vector<16xi32>
    %mul3A_421 = arith.muli %select_n3A_418, %mul3A_420 : vector<16xi32>
    %add3A_422 = arith.addi %mul3A_421, %iota3A : vector<16xi32>
    %add3A_423 = arith.constant 1 : i32
    %add3A_424 = vector.broadcast %add3A_423 : i32 to vector<16xi32>
    %add3A_425 = arith.addi %iota3A, %add3A_424 : vector<16xi32>
    %jit3A_426 = arith.constant 2 : i32
    %eq3A_427 = arith.constant 0 : i32
    %eq3A_428 = arith.cmpi eq, %jit3A_426, %eq3A_427 : i32
    %jit3A_429 = arith.constant 1 : i32
    %select_n3A_430 = arith.select %eq3A_428, %jit3A_429, %jit3A_426 : i32
    %rem3A_431 = vector.broadcast %select_n3A_430 : i32 to vector<16xi32>
    %rem3A_432 = arith.remsi %add3A_425, %rem3A_431 : vector<16xi32>
    %ne3A_433 = arith.constant 0 : i32
    %ne3A_434 = vector.broadcast %ne3A_433 : i32 to vector<16xi32>
    %ne3A_435 = arith.cmpi ne, %rem3A_432, %ne3A_434 : vector<16xi32>
    %lt3A_436 = arith.constant 0 : i32
    %lt3A_437 = vector.broadcast %lt3A_436 : i32 to vector<16xi32>
    %lt3A_438 = arith.cmpi slt, %rem3A_432, %lt3A_437 : vector<16xi32>
    %lt3A_439 = arith.constant 0 : i32
    %lt3A_440 = arith.cmpi slt, %select_n3A_430, %lt3A_439 : i32
    %ne3A_441 = vector.broadcast %lt3A_440 : i1 to vector<16xi1>
    %ne3A_442 = vector.broadcast %ne3A_441 : vector<16xi1> to vector<16xi1>
    %ne3A_443 = arith.xori %lt3A_438, %ne3A_442 : vector<16xi1>
    %and3A_444 = arith.andi %ne3A_443, %ne3A_435 : vector<16xi1>
    %add3A_445 = vector.broadcast %select_n3A_430 : i32 to vector<16xi32>
    %add3A_446 = arith.addi %rem3A_432, %add3A_445 : vector<16xi32>
    %select_n3A_447 = arith.select %and3A_444, %add3A_446, %rem3A_432 : vector<16xi1>, vector<16xi32>
    %mul3A_448 = arith.constant 64 : i32
    %mul3A_449 = vector.broadcast %mul3A_448 : i32 to vector<16xi32>
    %mul3A_450 = arith.muli %select_n3A_447, %mul3A_449 : vector<16xi32>
    %add3A_451 = arith.addi %mul3A_450, %iota3A : vector<16xi32>
    %add3A_452 = arith.constant 0 : i32
    %add3A_453 = vector.broadcast %add3A_452 : i32 to vector<16xi32>
    %add3A_454 = arith.addi %iota3A, %add3A_453 : vector<16xi32>
    %add3A_455 = arith.constant 16 : i32
    %add3A_456 = vector.broadcast %add3A_455 : i32 to vector<16xi32>
    %add3A_457 = arith.addi %iota3A, %add3A_456 : vector<16xi32>
    %add3A_458 = arith.constant 32 : i32
    %add3A_459 = vector.broadcast %add3A_458 : i32 to vector<16xi32>
    %add3A_460 = arith.addi %iota3A, %add3A_459 : vector<16xi32>
    %add3A_461 = arith.constant 48 : i32
    %add3A_462 = vector.broadcast %add3A_461 : i32 to vector<16xi32>
    %add3A_463 = arith.addi %iota3A, %add3A_462 : vector<16xi32>
    %lt3A_464 = arith.constant 3906 : i32
    %lt3A_465 = arith.cmpi slt, %add3A, %lt3A_464 : i32
    %convert_element_type3A = arith.extui %lt3A_465 : i1 to i32
    %cond3A = arith.constant 0 : i32
    %cond3A_466 = arith.cmpi ne, %convert_element_type3A, %cond3A : i32
    scf.if %cond3A_466 {
      %mul3A_497 = arith.constant 256 : i32
      %mul3A_498 = arith.muli %add3A, %mul3A_497 : i32
      %multiple_of3A = tpu.assume_multiple %mul3A_498, 256 : i32
      %dma_start3A = arith.constant 0 : i32
      %dma_start3A_499 = tpu.memref_slice %arg2[%dma_start3A, %multiple_of3A] : memref<64x1000000xf32, #tpu.memory_space<hbm>> -> memref<64x256xf32, #tpu.memory_space<hbm>>
      %dma_start3A_500 = arith.constant 0 : i32
      %dma_start3A_501 = tpu.memref_slice %arg2[%dma_start3A_500, %multiple_of3A] : memref<64x1000000xf32, #tpu.memory_space<hbm>> -> memref<64x256xf32, #tpu.memory_space<hbm>>
      tpu.enqueue_dma source(%dma_start3A_501 : memref<64x256xf32, #tpu.memory_space<hbm>>) target(%arg4 : memref<64x256xf32, #tpu.memory_space<vmem>>) target_semaphore(%arg8 : memref<!tpu.dma_semaphore, #tpu.memory_space<semaphore_mem>>)
    } else {
    }
    %scan3A = arith.constant 0 : i32
    %scan3A_467 = arith.constant 0 : i32
    %scan3A_468 = arith.constant 61 : i32
    %scan3A_469 = arith.addi %scan3A_467, %scan3A_468 : i32
    %scan3A_470 = arith.constant 1 : i32
    scf.for %scan3A_497 = %scan3A_467 to %scan3A_469 step %scan3A_470  : i32 {
      %mul3A_498 = arith.constant 2 : i32
      %mul3A_499 = arith.muli %mul3A_498, %scan3A_497 : i32
      %mul3A_500 = arith.constant 32 : i32
      %mul3A_501 = arith.muli %mul3A_500, %mul3A_499 : i32
      %add3A_502 = arith.addi %add3A, %mul3A_501 : i32
      %add3A_503 = arith.constant 32 : i32
      %add3A_504 = arith.addi %add3A_502, %add3A_503 : i32
      %lt3A_505 = arith.constant 3906 : i32
      %lt3A_506 = arith.cmpi slt, %add3A_504, %lt3A_505 : i32
      %convert_element_type3A_507 = arith.extui %lt3A_506 : i1 to i32
      %cond3A_508 = arith.constant 0 : i32
      %cond3A_509 = arith.cmpi ne, %convert_element_type3A_507, %cond3A_508 : i32
      scf.if %cond3A_509 {
        %mul3A_534 = arith.constant 256 : i32
        %mul3A_535 = arith.muli %add3A_504, %mul3A_534 : i32
        %multiple_of3A = tpu.assume_multiple %mul3A_535, 256 : i32
        %dma_start3A = arith.constant 0 : i32
        %dma_start3A_536 = tpu.memref_slice %arg2[%dma_start3A, %multiple_of3A] : memref<64x1000000xf32, #tpu.memory_space<hbm>> -> memref<64x256xf32, #tpu.memory_space<hbm>>
        %dma_start3A_537 = arith.constant 0 : i32
        %dma_start3A_538 = tpu.memref_slice %arg2[%dma_start3A_537, %multiple_of3A] : memref<64x1000000xf32, #tpu.memory_space<hbm>> -> memref<64x256xf32, #tpu.memory_space<hbm>>
        tpu.enqueue_dma source(%dma_start3A_538 : memref<64x256xf32, #tpu.memory_space<hbm>>) target(%arg5 : memref<64x256xf32, #tpu.memory_space<vmem>>) target_semaphore(%arg9 : memref<!tpu.dma_semaphore, #tpu.memory_space<semaphore_mem>>)
      } else {
      }
      %lt3A_510 = arith.constant 3906 : i32
      %lt3A_511 = arith.cmpi slt, %add3A_502, %lt3A_510 : i32
      %convert_element_type3A_512 = arith.extui %lt3A_511 : i1 to i32
      %cond3A_513 = arith.constant 0 : i32
      %cond3A_514 = arith.cmpi ne, %convert_element_type3A_512, %cond3A_513 : i32
      scf.if %cond3A_514 {
        %dma_wait3A_534 = arith.constant 0 : i32
        %dma_wait3A_535 = arith.constant 0 : i32
        %dma_wait3A_536 = tpu.memref_slice %arg2[%dma_wait3A_534, %dma_wait3A_535] : memref<64x1000000xf32, #tpu.memory_space<hbm>> -> memref<64x256xf32, #tpu.memory_space<hbm>>
        %dma_wait3A_537 = arith.constant 0 : i32
        %dma_wait3A_538 = arith.constant 0 : i32
        %dma_wait3A_539 = tpu.memref_slice %arg2[%dma_wait3A_537, %dma_wait3A_538] : memref<64x1000000xf32, #tpu.memory_space<hbm>> -> memref<64x256xf32, #tpu.memory_space<hbm>>
        tpu.wait_dma2 semaphore(%arg8 : memref<!tpu.dma_semaphore, #tpu.memory_space<semaphore_mem>>) src(%dma_wait3A_539 : memref<64x256xf32, #tpu.memory_space<hbm>>) dst(%arg4 : memref<64x256xf32, #tpu.memory_space<vmem>>)
        %ge3A = arith.constant 2 : i32
        %ge3A_540 = arith.cmpi sge, %mul3A_499, %ge3A : i32
        %convert_element_type3A_541 = arith.extui %ge3A_540 : i1 to i32
        %cond3A_542 = arith.constant 0 : i32
        %cond3A_543 = arith.cmpi ne, %convert_element_type3A_541, %cond3A_542 : i32
        scf.if %cond3A_543 {
          %dma_wait3A_555 = arith.constant 0 : i32
          %dma_wait3A_556 = arith.constant 0 : i32
          %dma_wait3A_557 = tpu.memref_slice %arg3[%dma_wait3A_555, %dma_wait3A_556] : memref<500000x128xf32, #tpu.memory_space<hbm>> -> memref<128x128xf32, #tpu.memory_space<hbm>>
          %dma_wait3A_558 = arith.constant 0 : i32
          %dma_wait3A_559 = arith.constant 0 : i32
          %dma_wait3A_560 = tpu.memref_slice %arg3[%dma_wait3A_558, %dma_wait3A_559] : memref<500000x128xf32, #tpu.memory_space<hbm>> -> memref<128x128xf32, #tpu.memory_space<hbm>>
          tpu.wait_dma2 semaphore(%arg10 : memref<!tpu.dma_semaphore, #tpu.memory_space<semaphore_mem>>) src(%arg6 : memref<128x128xf32, #tpu.memory_space<vmem>>) dst(%dma_wait3A_560 : memref<128x128xf32, #tpu.memory_space<hbm>>)
        } else {
        }
        %scan3A_544 = arith.constant 0 : i32
        %scan3A_545 = arith.constant 0 : i32
        %scan3A_546 = arith.constant 16 : i32
        %scan3A_547 = arith.addi %scan3A_545, %scan3A_546 : i32
        %scan3A_548 = arith.constant 1 : i32
        scf.for %scan3A_555 = %scan3A_545 to %scan3A_547 step %scan3A_548  : i32 {
          %mul3A_556 = arith.constant 16 : i32
          %mul3A_557 = arith.muli %scan3A_555, %mul3A_556 : i32
          %add3A_558 = vector.broadcast %mul3A_557 : i32 to vector<16xi32>
          %add3A_559 = arith.addi %add3A_558, %select_n3A_18 : vector<16xi32>
          %add3A_560 = vector.broadcast %mul3A_557 : i32 to vector<16xi32>
          %add3A_561 = arith.addi %add3A_560, %select_n3A_43 : vector<16xi32>
          %add3A_562 = vector.broadcast %mul3A_557 : i32 to vector<16xi32>
          %add3A_563 = arith.addi %add3A_562, %select_n3A_68 : vector<16xi32>
          %add3A_564 = vector.broadcast %mul3A_557 : i32 to vector<16xi32>
          %add3A_565 = arith.addi %add3A_564, %select_n3A_93 : vector<16xi32>
          %add3A_566 = vector.broadcast %mul3A_557 : i32 to vector<16xi32>
          %add3A_567 = arith.addi %add3A_566, %select_n3A_118 : vector<16xi32>
          %add3A_568 = vector.broadcast %mul3A_557 : i32 to vector<16xi32>
          %add3A_569 = arith.addi %add3A_568, %select_n3A_143 : vector<16xi32>
          %add3A_570 = vector.broadcast %mul3A_557 : i32 to vector<16xi32>
          %add3A_571 = arith.addi %add3A_570, %select_n3A_168 : vector<16xi32>
          %add3A_572 = vector.broadcast %mul3A_557 : i32 to vector<16xi32>
          %add3A_573 = arith.addi %add3A_572, %select_n3A_193 : vector<16xi32>
          %add3A_574 = vector.broadcast %mul3A_557 : i32 to vector<16xi32>
          %add3A_575 = arith.addi %add3A_574, %select_n3A_218 : vector<16xi32>
          %add3A_576 = vector.broadcast %mul3A_557 : i32 to vector<16xi32>
          %add3A_577 = arith.addi %add3A_576, %select_n3A_243 : vector<16xi32>
          %add3A_578 = vector.broadcast %mul3A_557 : i32 to vector<16xi32>
          %add3A_579 = arith.addi %add3A_578, %select_n3A_268 : vector<16xi32>
          %add3A_580 = vector.broadcast %mul3A_557 : i32 to vector<16xi32>
          %add3A_581 = arith.addi %add3A_580, %select_n3A_293 : vector<16xi32>
          %add3A_582 = vector.broadcast %mul3A_557 : i32 to vector<16xi32>
          %add3A_583 = arith.addi %add3A_582, %select_n3A_318 : vector<16xi32>
          %add3A_584 = vector.broadcast %mul3A_557 : i32 to vector<16xi32>
          %add3A_585 = arith.addi %add3A_584, %select_n3A_343 : vector<16xi32>
          %add3A_586 = vector.broadcast %mul3A_557 : i32 to vector<16xi32>
          %add3A_587 = arith.addi %add3A_586, %select_n3A_368 : vector<16xi32>
          %add3A_588 = vector.broadcast %mul3A_557 : i32 to vector<16xi32>
          %add3A_589 = arith.addi %add3A_588, %select_n3A_393 : vector<16xi32>
          %gather3A = tpu.vector_load_idx %arg4[%add3A_454, %add3A_559] : memref<64x256xf32, #tpu.memory_space<vmem>>[vector<16xi32>, vector<16xi32>], vector<16xf32>,
          %gather3A_590 = tpu.vector_load_idx %arg4[%add3A_457, %add3A_559] : memref<64x256xf32, #tpu.memory_space<vmem>>[vector<16xi32>, vector<16xi32>], vector<16xf32>,
          %gather3A_591 = tpu.vector_load_idx %arg4[%add3A_460, %add3A_559] : memref<64x256xf32, #tpu.memory_space<vmem>>[vector<16xi32>, vector<16xi32>], vector<16xf32>,
          %gather3A_592 = tpu.vector_load_idx %arg4[%add3A_463, %add3A_559] : memref<64x256xf32, #tpu.memory_space<vmem>>[vector<16xi32>, vector<16xi32>], vector<16xf32>,
          %gather3A_593 = tpu.vector_load_idx %arg4[%add3A_454, %add3A_561] : memref<64x256xf32, #tpu.memory_space<vmem>>[vector<16xi32>, vector<16xi32>], vector<16xf32>,
          %gather3A_594 = tpu.vector_load_idx %arg4[%add3A_457, %add3A_561] : memref<64x256xf32, #tpu.memory_space<vmem>>[vector<16xi32>, vector<16xi32>], vector<16xf32>,
          %gather3A_595 = tpu.vector_load_idx %arg4[%add3A_460, %add3A_561] : memref<64x256xf32, #tpu.memory_space<vmem>>[vector<16xi32>, vector<16xi32>], vector<16xf32>,
          %gather3A_596 = tpu.vector_load_idx %arg4[%add3A_463, %add3A_561] : memref<64x256xf32, #tpu.memory_space<vmem>>[vector<16xi32>, vector<16xi32>], vector<16xf32>,
          %gather3A_597 = tpu.vector_load_idx %arg4[%add3A_454, %add3A_563] : memref<64x256xf32, #tpu.memory_space<vmem>>[vector<16xi32>, vector<16xi32>], vector<16xf32>,
          %shift_right_arithmetic3A = arith.constant 1 : i32
          %shift_right_arithmetic3A_598 = vector.broadcast %shift_right_arithmetic3A : i32 to vector<16xi32>
          %shift_right_arithmetic3A_599 = arith.shrsi %add3A_559, %shift_right_arithmetic3A_598 : vector<16xi32>
          %add3A_600 = arith.constant 0 : i32
          %add3A_601 = vector.broadcast %add3A_600 : i32 to vector<16xi32>
          %add3A_602 = arith.addi %add3A_422, %add3A_601 : vector<16xi32>
          tpu.vector_store_idx %arg6[%shift_right_arithmetic3A_599, %add3A_602], %gather3A : memref<128x128xf32, #tpu.memory_space<vmem>>[vector<16xi32>, vector<16xi32>], vector<16xf32>,
          %gather3A_603 = tpu.vector_load_idx %arg4[%add3A_457, %add3A_563] : memref<64x256xf32, #tpu.memory_space<vmem>>[vector<16xi32>, vector<16xi32>], vector<16xf32>,
          %shift_right_arithmetic3A_604 = arith.constant 1 : i32
          %shift_right_arithmetic3A_605 = vector.broadcast %shift_right_arithmetic3A_604 : i32 to vector<16xi32>
          %shift_right_arithmetic3A_606 = arith.shrsi %add3A_559, %shift_right_arithmetic3A_605 : vector<16xi32>
          %add3A_607 = arith.constant 16 : i32
          %add3A_608 = vector.broadcast %add3A_607 : i32 to vector<16xi32>
          %add3A_609 = arith.addi %add3A_422, %add3A_608 : vector<16xi32>
          tpu.vector_store_idx %arg6[%shift_right_arithmetic3A_606, %add3A_609], %gather3A_590 : memref<128x128xf32, #tpu.memory_space<vmem>>[vector<16xi32>, vector<16xi32>], vector<16xf32>,
          %gather3A_610 = tpu.vector_load_idx %arg4[%add3A_460, %add3A_563] : memref<64x256xf32, #tpu.memory_space<vmem>>[vector<16xi32>, vector<16xi32>], vector<16xf32>,
          %shift_right_arithmetic3A_611 = arith.constant 1 : i32
          %shift_right_arithmetic3A_612 = vector.broadcast %shift_right_arithmetic3A_611 : i32 to vector<16xi32>
          %shift_right_arithmetic3A_613 = arith.shrsi %add3A_559, %shift_right_arithmetic3A_612 : vector<16xi32>
          %add3A_614 = arith.constant 32 : i32
          %add3A_615 = vector.broadcast %add3A_614 : i32 to vector<16xi32>
          %add3A_616 = arith.addi %add3A_422, %add3A_615 : vector<16xi32>
          tpu.vector_store_idx %arg6[%shift_right_arithmetic3A_613, %add3A_616], %gather3A_591 : memref<128x128xf32, #tpu.memory_space<vmem>>[vector<16xi32>, vector<16xi32>], vector<16xf32>,
          %gather3A_617 = tpu.vector_load_idx %arg4[%add3A_463, %add3A_563] : memref<64x256xf32, #tpu.memory_space<vmem>>[vector<16xi32>, vector<16xi32>], vector<16xf32>,
          %shift_right_arithmetic3A_618 = arith.constant 1 : i32
          %shift_right_arithmetic3A_619 = vector.broadcast %shift_right_arithmetic3A_618 : i32 to vector<16xi32>
          %shift_right_arithmetic3A_620 = arith.shrsi %add3A_559, %shift_right_arithmetic3A_619 : vector<16xi32>
          %add3A_621 = arith.constant 48 : i32
          %add3A_622 = vector.broadcast %add3A_621 : i32 to vector<16xi32>
          %add3A_623 = arith.addi %add3A_422, %add3A_622 : vector<16xi32>
          tpu.vector_store_idx %arg6[%shift_right_arithmetic3A_620, %add3A_623], %gather3A_592 : memref<128x128xf32, #tpu.memory_space<vmem>>[vector<16xi32>, vector<16xi32>], vector<16xf32>,
          %gather3A_624 = tpu.vector_load_idx %arg4[%add3A_454, %add3A_565] : memref<64x256xf32, #tpu.memory_space<vmem>>[vector<16xi32>, vector<16xi32>], vector<16xf32>,
          %shift_right_arithmetic3A_625 = arith.constant 1 : i32
          %shift_right_arithmetic3A_626 = vector.broadcast %shift_right_arithmetic3A_625 : i32 to vector<16xi32>
          %shift_right_arithmetic3A_627 = arith.shrsi %add3A_561, %shift_right_arithmetic3A_626 : vector<16xi32>
          %add3A_628 = arith.constant 0 : i32
          %add3A_629 = vector.broadcast %add3A_628 : i32 to vector<16xi32>
          %add3A_630 = arith.addi %add3A_451, %add3A_629 : vector<16xi32>
          tpu.vector_store_idx %arg6[%shift_right_arithmetic3A_627, %add3A_630], %gather3A_593 : memref<128x128xf32, #tpu.memory_space<vmem>>[vector<16xi32>, vector<16xi32>], vector<16xf32>,
          %gather3A_631 = tpu.vector_load_idx %arg4[%add3A_457, %add3A_565] : memref<64x256xf32, #tpu.memory_space<vmem>>[vector<16xi32>, vector<16xi32>], vector<16xf32>,
          %shift_right_arithmetic3A_632 = arith.constant 1 : i32
          %shift_right_arithmetic3A_633 = vector.broadcast %shift_right_arithmetic3A_632 : i32 to vector<16xi32>
          %shift_right_arithmetic3A_634 = arith.shrsi %add3A_561, %shift_right_arithmetic3A_633 : vector<16xi32>
          %add3A_635 = arith.constant 16 : i32
          %add3A_636 = vector.broadcast %add3A_635 : i32 to vector<16xi32>
          %add3A_637 = arith.addi %add3A_451, %add3A_636 : vector<16xi32>
          tpu.vector_store_idx %arg6[%shift_right_arithmetic3A_634, %add3A_637], %gather3A_594 : memref<128x128xf32, #tpu.memory_space<vmem>>[vector<16xi32>, vector<16xi32>], vector<16xf32>,
          %gather3A_638 = tpu.vector_load_idx %arg4[%add3A_460, %add3A_565] : memref<64x256xf32, #tpu.memory_space<vmem>>[vector<16xi32>, vector<16xi32>], vector<16xf32>,
          %shift_right_arithmetic3A_639 = arith.constant 1 : i32
          %shift_right_arithmetic3A_640 = vector.broadcast %shift_right_arithmetic3A_639 : i32 to vector<16xi32>
          %shift_right_arithmetic3A_641 = arith.shrsi %add3A_561, %shift_right_arithmetic3A_640 : vector<16xi32>
          %add3A_642 = arith.constant 32 : i32
          %add3A_643 = vector.broadcast %add3A_642 : i32 to vector<16xi32>
          %add3A_644 = arith.addi %add3A_451, %add3A_643 : vector<16xi32>
          tpu.vector_store_idx %arg6[%shift_right_arithmetic3A_641, %add3A_644], %gather3A_595 : memref<128x128xf32, #tpu.memory_space<vmem>>[vector<16xi32>, vector<16xi32>], vector<16xf32>,
          %gather3A_645 = tpu.vector_load_idx %arg4[%add3A_463, %add3A_565] : memref<64x256xf32, #tpu.memory_space<vmem>>[vector<16xi32>, vector<16xi32>], vector<16xf32>,
          %shift_right_arithmetic3A_646 = arith.constant 1 : i32
          %shift_right_arithmetic3A_647 = vector.broadcast %shift_right_arithmetic3A_646 : i32 to vector<16xi32>
          %shift_right_arithmetic3A_648 = arith.shrsi %add3A_561, %shift_right_arithmetic3A_647 : vector<16xi32>
          %add3A_649 = arith.constant 48 : i32
          %add3A_650 = vector.broadcast %add3A_649 : i32 to vector<16xi32>
          %add3A_651 = arith.addi %add3A_451, %add3A_650 : vector<16xi32>
          tpu.vector_store_idx %arg6[%shift_right_arithmetic3A_648, %add3A_651], %gather3A_596 : memref<128x128xf32, #tpu.memory_space<vmem>>[vector<16xi32>, vector<16xi32>], vector<16xf32>,
          %gather3A_652 = tpu.vector_load_idx %arg4[%add3A_454, %add3A_567] : memref<64x256xf32, #tpu.memory_space<vmem>>[vector<16xi32>, vector<16xi32>], vector<16xf32>,
          %shift_right_arithmetic3A_653 = arith.constant 1 : i32
          %shift_right_arithmetic3A_654 = vector.broadcast %shift_right_arithmetic3A_653 : i32 to vector<16xi32>
          %shift_right_arithmetic3A_655 = arith.shrsi %add3A_563, %shift_right_arithmetic3A_654 : vector<16xi32>
          %add3A_656 = arith.constant 0 : i32
          %add3A_657 = vector.broadcast %add3A_656 : i32 to vector<16xi32>
          %add3A_658 = arith.addi %add3A_422, %add3A_657 : vector<16xi32>
          tpu.vector_store_idx %arg6[%shift_right_arithmetic3A_655, %add3A_658], %gather3A_597 : memref<128x128xf32, #tpu.memory_space<vmem>>[vector<16xi32>, vector<16xi32>], vector<16xf32>,
          %gather3A_659 = tpu.vector_load_idx %arg4[%add3A_457, %add3A_567] : memref<64x256xf32, #tpu.memory_space<vmem>>[vector<16xi32>, vector<16xi32>], vector<16xf32>,
          %shift_right_arithmetic3A_660 = arith.constant 1 : i32
          %shift_right_arithmetic3A_661 = vector.broadcast %shift_right_arithmetic3A_660 : i32 to vector<16xi32>
          %shift_right_arithmetic3A_662 = arith.shrsi %add3A_563, %shift_right_arithmetic3A_661 : vector<16xi32>
          %add3A_663 = arith.constant 16 : i32
          %add3A_664 = vector.broadcast %add3A_663 : i32 to vector<16xi32>
          %add3A_665 = arith.addi %add3A_422, %add3A_664 : vector<16xi32>
          tpu.vector_store_idx %arg6[%shift_right_arithmetic3A_662, %add3A_665], %gather3A_603 : memref<128x128xf32, #tpu.memory_space<vmem>>[vector<16xi32>, vector<16xi32>], vector<16xf32>,
          %gather3A_666 = tpu.vector_load_idx %arg4[%add3A_460, %add3A_567] : memref<64x256xf32, #tpu.memory_space<vmem>>[vector<16xi32>, vector<16xi32>], vector<16xf32>,
          %shift_right_arithmetic3A_667 = arith.constant 1 : i32
          %shift_right_arithmetic3A_668 = vector.broadcast %shift_right_arithmetic3A_667 : i32 to vector<16xi32>
          %shift_right_arithmetic3A_669 = arith.shrsi %add3A_563, %shift_right_arithmetic3A_668 : vector<16xi32>
          %add3A_670 = arith.constant 32 : i32
          %add3A_671 = vector.broadcast %add3A_670 : i32 to vector<16xi32>
          %add3A_672 = arith.addi %add3A_422, %add3A_671 : vector<16xi32>
          tpu.vector_store_idx %arg6[%shift_right_arithmetic3A_669, %add3A_672], %gather3A_610 : memref<128x128xf32, #tpu.memory_space<vmem>>[vector<16xi32>, vector<16xi32>], vector<16xf32>,
          %gather3A_673 = tpu.vector_load_idx %arg4[%add3A_463, %add3A_567] : memref<64x256xf32, #tpu.memory_space<vmem>>[vector<16xi32>, vector<16xi32>], vector<16xf32>,
          %shift_right_arithmetic3A_674 = arith.constant 1 : i32
          %shift_right_arithmetic3A_675 = vector.broadcast %shift_right_arithmetic3A_674 : i32 to vector<16xi32>
          %shift_right_arithmetic3A_676 = arith.shrsi %add3A_563, %shift_right_arithmetic3A_675 : vector<16xi32>
          %add3A_677 = arith.constant 48 : i32
          %add3A_678 = vector.broadcast %add3A_677 : i32 to vector<16xi32>
          %add3A_679 = arith.addi %add3A_422, %add3A_678 : vector<16xi32>
          tpu.vector_store_idx %arg6[%shift_right_arithmetic3A_676, %add3A_679], %gather3A_617 : memref<128x128xf32, #tpu.memory_space<vmem>>[vector<16xi32>, vector<16xi32>], vector<16xf32>,
          %gather3A_680 = tpu.vector_load_idx %arg4[%add3A_454, %add3A_569] : memref<64x256xf32, #tpu.memory_space<vmem>>[vector<16xi32>, vector<16xi32>], vector<16xf32>,
          %shift_right_arithmetic3A_681 = arith.constant 1 : i32
          %shift_right_arithmetic3A_682 = vector.broadcast %shift_right_arithmetic3A_681 : i32 to vector<16xi32>
          %shift_right_arithmetic3A_683 = arith.shrsi %add3A_565, %shift_right_arithmetic3A_682 : vector<16xi32>
          %add3A_684 = arith.constant 0 : i32
          %add3A_685 = vector.broadcast %add3A_684 : i32 to vector<16xi32>
          %add3A_686 = arith.addi %add3A_451, %add3A_685 : vector<16xi32>
          tpu.vector_store_idx %arg6[%shift_right_arithmetic3A_683, %add3A_686], %gather3A_624 : memref<128x128xf32, #tpu.memory_space<vmem>>[vector<16xi32>, vector<16xi32>], vector<16xf32>,
          %gather3A_687 = tpu.vector_load_idx %arg4[%add3A_457, %add3A_569] : memref<64x256xf32, #tpu.memory_space<vmem>>[vector<16xi32>, vector<16xi32>], vector<16xf32>,
          %shift_right_arithmetic3A_688 = arith.constant 1 : i32
          %shift_right_arithmetic3A_689 = vector.broadcast %shift_right_arithmetic3A_688 : i32 to vector<16xi32>
          %shift_right_arithmetic3A_690 = arith.shrsi %add3A_565, %shift_right_arithmetic3A_689 : vector<16xi32>
          %add3A_691 = arith.constant 16 : i32
          %add3A_692 = vector.broadcast %add3A_691 : i32 to vector<16xi32>
          %add3A_693 = arith.addi %add3A_451, %add3A_692 : vector<16xi32>
          tpu.vector_store_idx %arg6[%shift_right_arithmetic3A_690, %add3A_693], %gather3A_631 : memref<128x128xf32, #tpu.memory_space<vmem>>[vector<16xi32>, vector<16xi32>], vector<16xf32>,
          %gather3A_694 = tpu.vector_load_idx %arg4[%add3A_460, %add3A_569] : memref<64x256xf32, #tpu.memory_space<vmem>>[vector<16xi32>, vector<16xi32>], vector<16xf32>,
          %shift_right_arithmetic3A_695 = arith.constant 1 : i32
          %shift_right_arithmetic3A_696 = vector.broadcast %shift_right_arithmetic3A_695 : i32 to vector<16xi32>
          %shift_right_arithmetic3A_697 = arith.shrsi %add3A_565, %shift_right_arithmetic3A_696 : vector<16xi32>
          %add3A_698 = arith.constant 32 : i32
          %add3A_699 = vector.broadcast %add3A_698 : i32 to vector<16xi32>
          %add3A_700 = arith.addi %add3A_451, %add3A_699 : vector<16xi32>
          tpu.vector_store_idx %arg6[%shift_right_arithmetic3A_697, %add3A_700], %gather3A_638 : memref<128x128xf32, #tpu.memory_space<vmem>>[vector<16xi32>, vector<16xi32>], vector<16xf32>,
          %gather3A_701 = tpu.vector_load_idx %arg4[%add3A_463, %add3A_569] : memref<64x256xf32, #tpu.memory_space<vmem>>[vector<16xi32>, vector<16xi32>], vector<16xf32>,
          %shift_right_arithmetic3A_702 = arith.constant 1 : i32
          %shift_right_arithmetic3A_703 = vector.broadcast %shift_right_arithmetic3A_702 : i32 to vector<16xi32>
          %shift_right_arithmetic3A_704 = arith.shrsi %add3A_565, %shift_right_arithmetic3A_703 : vector<16xi32>
          %add3A_705 = arith.constant 48 : i32
          %add3A_706 = vector.broadcast %add3A_705 : i32 to vector<16xi32>
          %add3A_707 = arith.addi %add3A_451, %add3A_706 : vector<16xi32>
          tpu.vector_store_idx %arg6[%shift_right_arithmetic3A_704, %add3A_707], %gather3A_645 : memref<128x128xf32, #tpu.memory_space<vmem>>[vector<16xi32>, vector<16xi32>], vector<16xf32>,
          %gather3A_708 = tpu.vector_load_idx %arg4[%add3A_454, %add3A_571] : memref<64x256xf32, #tpu.memory_space<vmem>>[vector<16xi32>, vector<16xi32>], vector<16xf32>,
          %shift_right_arithmetic3A_709 = arith.constant 1 : i32
          %shift_right_arithmetic3A_710 = vector.broadcast %shift_right_arithmetic3A_709 : i32 to vector<16xi32>
          %shift_right_arithmetic3A_711 = arith.shrsi %add3A_567, %shift_right_arithmetic3A_710 : vector<16xi32>
          %add3A_712 = arith.constant 0 : i32
          %add3A_713 = vector.broadcast %add3A_712 : i32 to vector<16xi32>
          %add3A_714 = arith.addi %add3A_422, %add3A_713 : vector<16xi32>
          tpu.vector_store_idx %arg6[%shift_right_arithmetic3A_711, %add3A_714], %gather3A_652 : memref<128x128xf32, #tpu.memory_space<vmem>>[vector<16xi32>, vector<16xi32>], vector<16xf32>,
          %gather3A_715 = tpu.vector_load_idx %arg4[%add3A_457, %add3A_571] : memref<64x256xf32, #tpu.memory_space<vmem>>[vector<16xi32>, vector<16xi32>], vector<16xf32>,
          %shift_right_arithmetic3A_716 = arith.constant 1 : i32
          %shift_right_arithmetic3A_717 = vector.broadcast %shift_right_arithmetic3A_716 : i32 to vector<16xi32>
          %shift_right_arithmetic3A_718 = arith.shrsi %add3A_567, %shift_right_arithmetic3A_717 : vector<16xi32>
          %add3A_719 = arith.constant 16 : i32
          %add3A_720 = vector.broadcast %add3A_719 : i32 to vector<16xi32>
          %add3A_721 = arith.addi %add3A_422, %add3A_720 : vector<16xi32>
          tpu.vector_store_idx %arg6[%shift_right_arithmetic3A_718, %add3A_721], %gather3A_659 : memref<128x128xf32, #tpu.memory_space<vmem>>[vector<16xi32>, vector<16xi32>], vector<16xf32>,
          %gather3A_722 = tpu.vector_load_idx %arg4[%add3A_460, %add3A_571] : memref<64x256xf32, #tpu.memory_space<vmem>>[vector<16xi32>, vector<16xi32>], vector<16xf32>,
          %shift_right_arithmetic3A_723 = arith.constant 1 : i32
          %shift_right_arithmetic3A_724 = vector.broadcast %shift_right_arithmetic3A_723 : i32 to vector<16xi32>
          %shift_right_arithmetic3A_725 = arith.shrsi %add3A_567, %shift_right_arithmetic3A_724 : vector<16xi32>
          %add3A_726 = arith.constant 32 : i32
          %add3A_727 = vector.broadcast %add3A_726 : i32 to vector<16xi32>
          %add3A_728 = arith.addi %add3A_422, %add3A_727 : vector<16xi32>
          tpu.vector_store_idx %arg6[%shift_right_arithmetic3A_725, %add3A_728], %gather3A_666 : memref<128x128xf32, #tpu.memory_space<vmem>>[vector<16xi32>, vector<16xi32>], vector<16xf32>,
          %gather3A_729 = tpu.vector_load_idx %arg4[%add3A_463, %add3A_571] : memref<64x256xf32, #tpu.memory_space<vmem>>[vector<16xi32>, vector<16xi32>], vector<16xf32>,
          %shift_right_arithmetic3A_730 = arith.constant 1 : i32
          %shift_right_arithmetic3A_731 = vector.broadcast %shift_right_arithmetic3A_730 : i32 to vector<16xi32>
          %shift_right_arithmetic3A_732 = arith.shrsi %add3A_567, %shift_right_arithmetic3A_731 : vector<16xi32>
          %add3A_733 = arith.constant 48 : i32
          %add3A_734 = vector.broadcast %add3A_733 : i32 to vector<16xi32>
          %add3A_735 = arith.addi %add3A_422, %add3A_734 : vector<16xi32>
          tpu.vector_store_idx %arg6[%shift_right_arithmetic3A_732, %add3A_735], %gather3A_673 : memref<128x128xf32, #tpu.memory_space<vmem>>[vector<16xi32>, vector<16xi32>], vector<16xf32>,
          %gather3A_736 = tpu.vector_load_idx %arg4[%add3A_454, %add3A_573] : memref<64x256xf32, #tpu.memory_space<vmem>>[vector<16xi32>, vector<16xi32>], vector<16xf32>,
          %shift_right_arithmetic3A_737 = arith.constant 1 : i32
          %shift_right_arithmetic3A_738 = vector.broadcast %shift_right_arithmetic3A_737 : i32 to vector<16xi32>
          %shift_right_arithmetic3A_739 = arith.shrsi %add3A_569, %shift_right_arithmetic3A_738 : vector<16xi32>
          %add3A_740 = arith.constant 0 : i32
          %add3A_741 = vector.broadcast %add3A_740 : i32 to vector<16xi32>
          %add3A_742 = arith.addi %add3A_451, %add3A_741 : vector<16xi32>
          tpu.vector_store_idx %arg6[%shift_right_arithmetic3A_739, %add3A_742], %gather3A_680 : memref<128x128xf32, #tpu.memory_space<vmem>>[vector<16xi32>, vector<16xi32>], vector<16xf32>,
          %gather3A_743 = tpu.vector_load_idx %arg4[%add3A_457, %add3A_573] : memref<64x256xf32, #tpu.memory_space<vmem>>[vector<16xi32>, vector<16xi32>], vector<16xf32>,
          %shift_right_arithmetic3A_744 = arith.constant 1 : i32
          %shift_right_arithmetic3A_745 = vector.broadcast %shift_right_arithmetic3A_744 : i32 to vector<16xi32>
          %shift_right_arithmetic3A_746 = arith.shrsi %add3A_569, %shift_right_arithmetic3A_745 : vector<16xi32>
          %add3A_747 = arith.constant 16 : i32
          %add3A_748 = vector.broadcast %add3A_747 : i32 to vector<16xi32>
          %add3A_749 = arith.addi %add3A_451, %add3A_748 : vector<16xi32>
          tpu.vector_store_idx %arg6[%shift_right_arithmetic3A_746, %add3A_749], %gather3A_687 : memref<128x128xf32, #tpu.memory_space<vmem>>[vector<16xi32>, vector<16xi32>], vector<16xf32>,
          %gather3A_750 = tpu.vector_load_idx %arg4[%add3A_460, %add3A_573] : memref<64x256xf32, #tpu.memory_space<vmem>>[vector<16xi32>, vector<16xi32>], vector<16xf32>,
          %shift_right_arithmetic3A_751 = arith.constant 1 : i32
          %shift_right_arithmetic3A_752 = vector.broadcast %shift_right_arithmetic3A_751 : i32 to vector<16xi32>
          %shift_right_arithmetic3A_753 = arith.shrsi %add3A_569, %shift_right_arithmetic3A_752 : vector<16xi32>
          %add3A_754 = arith.constant 32 : i32
          %add3A_755 = vector.broadcast %add3A_754 : i32 to vector<16xi32>
          %add3A_756 = arith.addi %add3A_451, %add3A_755 : vector<16xi32>
          tpu.vector_store_idx %arg6[%shift_right_arithmetic3A_753, %add3A_756], %gather3A_694 : memref<128x128xf32, #tpu.memory_space<vmem>>[vector<16xi32>, vector<16xi32>], vector<16xf32>,
          %gather3A_757 = tpu.vector_load_idx %arg4[%add3A_463, %add3A_573] : memref<64x256xf32, #tpu.memory_space<vmem>>[vector<16xi32>, vector<16xi32>], vector<16xf32>,
          %shift_right_arithmetic3A_758 = arith.constant 1 : i32
          %shift_right_arithmetic3A_759 = vector.broadcast %shift_right_arithmetic3A_758 : i32 to vector<16xi32>
          %shift_right_arithmetic3A_760 = arith.shrsi %add3A_569, %shift_right_arithmetic3A_759 : vector<16xi32>
          %add3A_761 = arith.constant 48 : i32
          %add3A_762 = vector.broadcast %add3A_761 : i32 to vector<16xi32>
          %add3A_763 = arith.addi %add3A_451, %add3A_762 : vector<16xi32>
          tpu.vector_store_idx %arg6[%shift_right_arithmetic3A_760, %add3A_763], %gather3A_701 : memref<128x128xf32, #tpu.memory_space<vmem>>[vector<16xi32>, vector<16xi32>], vector<16xf32>,
          %gather3A_764 = tpu.vector_load_idx %arg4[%add3A_454, %add3A_575] : memref<64x256xf32, #tpu.memory_space<vmem>>[vector<16xi32>, vector<16xi32>], vector<16xf32>,
          %shift_right_arithmetic3A_765 = arith.constant 1 : i32
          %shift_right_arithmetic3A_766 = vector.broadcast %shift_right_arithmetic3A_765 : i32 to vector<16xi32>
          %shift_right_arithmetic3A_767 = arith.shrsi %add3A_571, %shift_right_arithmetic3A_766 : vector<16xi32>
          %add3A_768 = arith.constant 0 : i32
          %add3A_769 = vector.broadcast %add3A_768 : i32 to vector<16xi32>
          %add3A_770 = arith.addi %add3A_422, %add3A_769 : vector<16xi32>
          tpu.vector_store_idx %arg6[%shift_right_arithmetic3A_767, %add3A_770], %gather3A_708 : memref<128x128xf32, #tpu.memory_space<vmem>>[vector<16xi32>, vector<16xi32>], vector<16xf32>,
          %gather3A_771 = tpu.vector_load_idx %arg4[%add3A_457, %add3A_575] : memref<64x256xf32, #tpu.memory_space<vmem>>[vector<16xi32>, vector<16xi32>], vector<16xf32>,
          %shift_right_arithmetic3A_772 = arith.constant 1 : i32
          %shift_right_arithmetic3A_773 = vector.broadcast %shift_right_arithmetic3A_772 : i32 to vector<16xi32>
          %shift_right_arithmetic3A_774 = arith.shrsi %add3A_571, %shift_right_arithmetic3A_773 : vector<16xi32>
          %add3A_775 = arith.constant 16 : i32
          %add3A_776 = vector.broadcast %add3A_775 : i32 to vector<16xi32>
          %add3A_777 = arith.addi %add3A_422, %add3A_776 : vector<16xi32>
          tpu.vector_store_idx %arg6[%shift_right_arithmetic3A_774, %add3A_777], %gather3A_715 : memref<128x128xf32, #tpu.memory_space<vmem>>[vector<16xi32>, vector<16xi32>], vector<16xf32>,
          %gather3A_778 = tpu.vector_load_idx %arg4[%add3A_460, %add3A_575] : memref<64x256xf32, #tpu.memory_space<vmem>>[vector<16xi32>, vector<16xi32>], vector<16xf32>,
          %shift_right_arithmetic3A_779 = arith.constant 1 : i32
          %shift_right_arithmetic3A_780 = vector.broadcast %shift_right_arithmetic3A_779 : i32 to vector<16xi32>
          %shift_right_arithmetic3A_781 = arith.shrsi %add3A_571, %shift_right_arithmetic3A_780 : vector<16xi32>
          %add3A_782 = arith.constant 32 : i32
          %add3A_783 = vector.broadcast %add3A_782 : i32 to vector<16xi32>
          %add3A_784 = arith.addi %add3A_422, %add3A_783 : vector<16xi32>
          tpu.vector_store_idx %arg6[%shift_right_arithmetic3A_781, %add3A_784], %gather3A_722 : memref<128x128xf32, #tpu.memory_space<vmem>>[vector<16xi32>, vector<16xi32>], vector<16xf32>,
          %gather3A_785 = tpu.vector_load_idx %arg4[%add3A_463, %add3A_575] : memref<64x256xf32, #tpu.memory_space<vmem>>[vector<16xi32>, vector<16xi32>], vector<16xf32>,
          %shift_right_arithmetic3A_786 = arith.constant 1 : i32
          %shift_right_arithmetic3A_787 = vector.broadcast %shift_right_arithmetic3A_786 : i32 to vector<16xi32>
          %shift_right_arithmetic3A_788 = arith.shrsi %add3A_571, %shift_right_arithmetic3A_787 : vector<16xi32>
          %add3A_789 = arith.constant 48 : i32
          %add3A_790 = vector.broadcast %add3A_789 : i32 to vector<16xi32>
          %add3A_791 = arith.addi %add3A_422, %add3A_790 : vector<16xi32>
          tpu.vector_store_idx %arg6[%shift_right_arithmetic3A_788, %add3A_791], %gather3A_729 : memref<128x128xf32, #tpu.memory_space<vmem>>[vector<16xi32>, vector<16xi32>], vector<16xf32>,
          %gather3A_792 = tpu.vector_load_idx %arg4[%add3A_454, %add3A_577] : memref<64x256xf32, #tpu.memory_space<vmem>>[vector<16xi32>, vector<16xi32>], vector<16xf32>,
          %shift_right_arithmetic3A_793 = arith.constant 1 : i32
          %shift_right_arithmetic3A_794 = vector.broadcast %shift_right_arithmetic3A_793 : i32 to vector<16xi32>
          %shift_right_arithmetic3A_795 = arith.shrsi %add3A_573, %shift_right_arithmetic3A_794 : vector<16xi32>
          %add3A_796 = arith.constant 0 : i32
          %add3A_797 = vector.broadcast %add3A_796 : i32 to vector<16xi32>
          %add3A_798 = arith.addi %add3A_451, %add3A_797 : vector<16xi32>
          tpu.vector_store_idx %arg6[%shift_right_arithmetic3A_795, %add3A_798], %gather3A_736 : memref<128x128xf32, #tpu.memory_space<vmem>>[vector<16xi32>, vector<16xi32>], vector<16xf32>,
          %gather3A_799 = tpu.vector_load_idx %arg4[%add3A_457, %add3A_577] : memref<64x256xf32, #tpu.memory_space<vmem>>[vector<16xi32>, vector<16xi32>], vector<16xf32>,
          %shift_right_arithmetic3A_800 = arith.constant 1 : i32
          %shift_right_arithmetic3A_801 = vector.broadcast %shift_right_arithmetic3A_800 : i32 to vector<16xi32>
          %shift_right_arithmetic3A_802 = arith.shrsi %add3A_573, %shift_right_arithmetic3A_801 : vector<16xi32>
          %add3A_803 = arith.constant 16 : i32
          %add3A_804 = vector.broadcast %add3A_803 : i32 to vector<16xi32>
          %add3A_805 = arith.addi %add3A_451, %add3A_804 : vector<16xi32>
          tpu.vector_store_idx %arg6[%shift_right_arithmetic3A_802, %add3A_805], %gather3A_743 : memref<128x128xf32, #tpu.memory_space<vmem>>[vector<16xi32>, vector<16xi32>], vector<16xf32>,
          %gather3A_806 = tpu.vector_load_idx %arg4[%add3A_460, %add3A_577] : memref<64x256xf32, #tpu.memory_space<vmem>>[vector<16xi32>, vector<16xi32>], vector<16xf32>,
          %shift_right_arithmetic3A_807 = arith.constant 1 : i32
          %shift_right_arithmetic3A_808 = vector.broadcast %shift_right_arithmetic3A_807 : i32 to vector<16xi32>
          %shift_right_arithmetic3A_809 = arith.shrsi %add3A_573, %shift_right_arithmetic3A_808 : vector<16xi32>
          %add3A_810 = arith.constant 32 : i32
          %add3A_811 = vector.broadcast %add3A_810 : i32 to vector<16xi32>
          %add3A_812 = arith.addi %add3A_451, %add3A_811 : vector<16xi32>
          tpu.vector_store_idx %arg6[%shift_right_arithmetic3A_809, %add3A_812], %gather3A_750 : memref<128x128xf32, #tpu.memory_space<vmem>>[vector<16xi32>, vector<16xi32>], vector<16xf32>,
          %gather3A_813 = tpu.vector_load_idx %arg4[%add3A_463, %add3A_577] : memref<64x256xf32, #tpu.memory_space<vmem>>[vector<16xi32>, vector<16xi32>], vector<16xf32>,
          %shift_right_arithmetic3A_814 = arith.constant 1 : i32
          %shift_right_arithmetic3A_815 = vector.broadcast %shift_right_arithmetic3A_814 : i32 to vector<16xi32>
          %shift_right_arithmetic3A_816 = arith.shrsi %add3A_573, %shift_right_arithmetic3A_815 : vector<16xi32>
          %add3A_817 = arith.constant 48 : i32
          %add3A_818 = vector.broadcast %add3A_817 : i32 to vector<16xi32>
          %add3A_819 = arith.addi %add3A_451, %add3A_818 : vector<16xi32>
          tpu.vector_store_idx %arg6[%shift_right_arithmetic3A_816, %add3A_819], %gather3A_757 : memref<128x128xf32, #tpu.memory_space<vmem>>[vector<16xi32>, vector<16xi32>], vector<16xf32>,
          %gather3A_820 = tpu.vector_load_idx %arg4[%add3A_454, %add3A_579] : memref<64x256xf32, #tpu.memory_space<vmem>>[vector<16xi32>, vector<16xi32>], vector<16xf32>,
          %shift_right_arithmetic3A_821 = arith.constant 1 : i32
          %shift_right_arithmetic3A_822 = vector.broadcast %shift_right_arithmetic3A_821 : i32 to vector<16xi32>
          %shift_right_arithmetic3A_823 = arith.shrsi %add3A_575, %shift_right_arithmetic3A_822 : vector<16xi32>
          %add3A_824 = arith.constant 0 : i32
          %add3A_825 = vector.broadcast %add3A_824 : i32 to vector<16xi32>
          %add3A_826 = arith.addi %add3A_422, %add3A_825 : vector<16xi32>
          tpu.vector_store_idx %arg6[%shift_right_arithmetic3A_823, %add3A_826], %gather3A_764 : memref<128x128xf32, #tpu.memory_space<vmem>>[vector<16xi32>, vector<16xi32>], vector<16xf32>,
          %gather3A_827 = tpu.vector_load_idx %arg4[%add3A_457, %add3A_579] : memref<64x256xf32, #tpu.memory_space<vmem>>[vector<16xi32>, vector<16xi32>], vector<16xf32>,
          %shift_right_arithmetic3A_828 = arith.constant 1 : i32
          %shift_right_arithmetic3A_829 = vector.broadcast %shift_right_arithmetic3A_828 : i32 to vector<16xi32>
          %shift_right_arithmetic3A_830 = arith.shrsi %add3A_575, %shift_right_arithmetic3A_829 : vector<16xi32>
          %add3A_831 = arith.constant 16 : i32
          %add3A_832 = vector.broadcast %add3A_831 : i32 to vector<16xi32>
          %add3A_833 = arith.addi %add3A_422, %add3A_832 : vector<16xi32>
          tpu.vector_store_idx %arg6[%shift_right_arithmetic3A_830, %add3A_833], %gather3A_771 : memref<128x128xf32, #tpu.memory_space<vmem>>[vector<16xi32>, vector<16xi32>], vector<16xf32>,
          %gather3A_834 = tpu.vector_load_idx %arg4[%add3A_460, %add3A_579] : memref<64x256xf32, #tpu.memory_space<vmem>>[vector<16xi32>, vector<16xi32>], vector<16xf32>,
          %shift_right_arithmetic3A_835 = arith.constant 1 : i32
          %shift_right_arithmetic3A_836 = vector.broadcast %shift_right_arithmetic3A_835 : i32 to vector<16xi32>
          %shift_right_arithmetic3A_837 = arith.shrsi %add3A_575, %shift_right_arithmetic3A_836 : vector<16xi32>
          %add3A_838 = arith.constant 32 : i32
          %add3A_839 = vector.broadcast %add3A_838 : i32 to vector<16xi32>
          %add3A_840 = arith.addi %add3A_422, %add3A_839 : vector<16xi32>
          tpu.vector_store_idx %arg6[%shift_right_arithmetic3A_837, %add3A_840], %gather3A_778 : memref<128x128xf32, #tpu.memory_space<vmem>>[vector<16xi32>, vector<16xi32>], vector<16xf32>,
          %gather3A_841 = tpu.vector_load_idx %arg4[%add3A_463, %add3A_579] : memref<64x256xf32, #tpu.memory_space<vmem>>[vector<16xi32>, vector<16xi32>], vector<16xf32>,
          %shift_right_arithmetic3A_842 = arith.constant 1 : i32
          %shift_right_arithmetic3A_843 = vector.broadcast %shift_right_arithmetic3A_842 : i32 to vector<16xi32>
          %shift_right_arithmetic3A_844 = arith.shrsi %add3A_575, %shift_right_arithmetic3A_843 : vector<16xi32>
          %add3A_845 = arith.constant 48 : i32
          %add3A_846 = vector.broadcast %add3A_845 : i32 to vector<16xi32>
          %add3A_847 = arith.addi %add3A_422, %add3A_846 : vector<16xi32>
          tpu.vector_store_idx %arg6[%shift_right_arithmetic3A_844, %add3A_847], %gather3A_785 : memref<128x128xf32, #tpu.memory_space<vmem>>[vector<16xi32>, vector<16xi32>], vector<16xf32>,
          %gather3A_848 = tpu.vector_load_idx %arg4[%add3A_454, %add3A_581] : memref<64x256xf32, #tpu.memory_space<vmem>>[vector<16xi32>, vector<16xi32>], vector<16xf32>,
          %shift_right_arithmetic3A_849 = arith.constant 1 : i32
          %shift_right_arithmetic3A_850 = vector.broadcast %shift_right_arithmetic3A_849 : i32 to vector<16xi32>
          %shift_right_arithmetic3A_851 = arith.shrsi %add3A_577, %shift_right_arithmetic3A_850 : vector<16xi32>
          %add3A_852 = arith.constant 0 : i32
          %add3A_853 = vector.broadcast %add3A_852 : i32 to vector<16xi32>
          %add3A_854 = arith.addi %add3A_451, %add3A_853 : vector<16xi32>
          tpu.vector_store_idx %arg6[%shift_right_arithmetic3A_851, %add3A_854], %gather3A_792 : memref<128x128xf32, #tpu.memory_space<vmem>>[vector<16xi32>, vector<16xi32>], vector<16xf32>,
          %gather3A_855 = tpu.vector_load_idx %arg4[%add3A_457, %add3A_581] : memref<64x256xf32, #tpu.memory_space<vmem>>[vector<16xi32>, vector<16xi32>], vector<16xf32>,
          %shift_right_arithmetic3A_856 = arith.constant 1 : i32
          %shift_right_arithmetic3A_857 = vector.broadcast %shift_right_arithmetic3A_856 : i32 to vector<16xi32>
          %shift_right_arithmetic3A_858 = arith.shrsi %add3A_577, %shift_right_arithmetic3A_857 : vector<16xi32>
          %add3A_859 = arith.constant 16 : i32
          %add3A_860 = vector.broadcast %add3A_859 : i32 to vector<16xi32>
          %add3A_861 = arith.addi %add3A_451, %add3A_860 : vector<16xi32>
          tpu.vector_store_idx %arg6[%shift_right_arithmetic3A_858, %add3A_861], %gather3A_799 : memref<128x128xf32, #tpu.memory_space<vmem>>[vector<16xi32>, vector<16xi32>], vector<16xf32>,
          %gather3A_862 = tpu.vector_load_idx %arg4[%add3A_460, %add3A_581] : memref<64x256xf32, #tpu.memory_space<vmem>>[vector<16xi32>, vector<16xi32>], vector<16xf32>,
          %shift_right_arithmetic3A_863 = arith.constant 1 : i32
          %shift_right_arithmetic3A_864 = vector.broadcast %shift_right_arithmetic3A_863 : i32 to vector<16xi32>
          %shift_right_arithmetic3A_865 = arith.shrsi %add3A_577, %shift_right_arithmetic3A_864 : vector<16xi32>
          %add3A_866 = arith.constant 32 : i32
          %add3A_867 = vector.broadcast %add3A_866 : i32 to vector<16xi32>
          %add3A_868 = arith.addi %add3A_451, %add3A_867 : vector<16xi32>
          tpu.vector_store_idx %arg6[%shift_right_arithmetic3A_865, %add3A_868], %gather3A_806 : memref<128x128xf32, #tpu.memory_space<vmem>>[vector<16xi32>, vector<16xi32>], vector<16xf32>,
          %gather3A_869 = tpu.vector_load_idx %arg4[%add3A_463, %add3A_581] : memref<64x256xf32, #tpu.memory_space<vmem>>[vector<16xi32>, vector<16xi32>], vector<16xf32>,
          %shift_right_arithmetic3A_870 = arith.constant 1 : i32
          %shift_right_arithmetic3A_871 = vector.broadcast %shift_right_arithmetic3A_870 : i32 to vector<16xi32>
          %shift_right_arithmetic3A_872 = arith.shrsi %add3A_577, %shift_right_arithmetic3A_871 : vector<16xi32>
          %add3A_873 = arith.constant 48 : i32
          %add3A_874 = vector.broadcast %add3A_873 : i32 to vector<16xi32>
          %add3A_875 = arith.addi %add3A_451, %add3A_874 : vector<16xi32>
          tpu.vector_store_idx %arg6[%shift_right_arithmetic3A_872, %add3A_875], %gather3A_813 : memref<128x128xf32, #tpu.memory_space<vmem>>[vector<16xi32>, vector<16xi32>], vector<16xf32>,
          %gather3A_876 = tpu.vector_load_idx %arg4[%add3A_454, %add3A_583] : memref<64x256xf32, #tpu.memory_space<vmem>>[vector<16xi32>, vector<16xi32>], vector<16xf32>,
          %shift_right_arithmetic3A_877 = arith.constant 1 : i32
          %shift_right_arithmetic3A_878 = vector.broadcast %shift_right_arithmetic3A_877 : i32 to vector<16xi32>
          %shift_right_arithmetic3A_879 = arith.shrsi %add3A_579, %shift_right_arithmetic3A_878 : vector<16xi32>
          %add3A_880 = arith.constant 0 : i32
          %add3A_881 = vector.broadcast %add3A_880 : i32 to vector<16xi32>
          %add3A_882 = arith.addi %add3A_422, %add3A_881 : vector<16xi32>
          tpu.vector_store_idx %arg6[%shift_right_arithmetic3A_879, %add3A_882], %gather3A_820 : memref<128x128xf32, #tpu.memory_space<vmem>>[vector<16xi32>, vector<16xi32>], vector<16xf32>,
          %gather3A_883 = tpu.vector_load_idx %arg4[%add3A_457, %add3A_583] : memref<64x256xf32, #tpu.memory_space<vmem>>[vector<16xi32>, vector<16xi32>], vector<16xf32>,
          %shift_right_arithmetic3A_884 = arith.constant 1 : i32
          %shift_right_arithmetic3A_885 = vector.broadcast %shift_right_arithmetic3A_884 : i32 to vector<16xi32>
          %shift_right_arithmetic3A_886 = arith.shrsi %add3A_579, %shift_right_arithmetic3A_885 : vector<16xi32>
          %add3A_887 = arith.constant 16 : i32
          %add3A_888 = vector.broadcast %add3A_887 : i32 to vector<16xi32>
          %add3A_889 = arith.addi %add3A_422, %add3A_888 : vector<16xi32>
          tpu.vector_store_idx %arg6[%shift_right_arithmetic3A_886, %add3A_889], %gather3A_827 : memref<128x128xf32, #tpu.memory_space<vmem>>[vector<16xi32>, vector<16xi32>], vector<16xf32>,
          %gather3A_890 = tpu.vector_load_idx %arg4[%add3A_460, %add3A_583] : memref<64x256xf32, #tpu.memory_space<vmem>>[vector<16xi32>, vector<16xi32>], vector<16xf32>,
          %shift_right_arithmetic3A_891 = arith.constant 1 : i32
          %shift_right_arithmetic3A_892 = vector.broadcast %shift_right_arithmetic3A_891 : i32 to vector<16xi32>
          %shift_right_arithmetic3A_893 = arith.shrsi %add3A_579, %shift_right_arithmetic3A_892 : vector<16xi32>
          %add3A_894 = arith.constant 32 : i32
          %add3A_895 = vector.broadcast %add3A_894 : i32 to vector<16xi32>
          %add3A_896 = arith.addi %add3A_422, %add3A_895 : vector<16xi32>
          tpu.vector_store_idx %arg6[%shift_right_arithmetic3A_893, %add3A_896], %gather3A_834 : memref<128x128xf32, #tpu.memory_space<vmem>>[vector<16xi32>, vector<16xi32>], vector<16xf32>,
          %gather3A_897 = tpu.vector_load_idx %arg4[%add3A_463, %add3A_583] : memref<64x256xf32, #tpu.memory_space<vmem>>[vector<16xi32>, vector<16xi32>], vector<16xf32>,
          %shift_right_arithmetic3A_898 = arith.constant 1 : i32
          %shift_right_arithmetic3A_899 = vector.broadcast %shift_right_arithmetic3A_898 : i32 to vector<16xi32>
          %shift_right_arithmetic3A_900 = arith.shrsi %add3A_579, %shift_right_arithmetic3A_899 : vector<16xi32>
          %add3A_901 = arith.constant 48 : i32
          %add3A_902 = vector.broadcast %add3A_901 : i32 to vector<16xi32>
          %add3A_903 = arith.addi %add3A_422, %add3A_902 : vector<16xi32>
          tpu.vector_store_idx %arg6[%shift_right_arithmetic3A_900, %add3A_903], %gather3A_841 : memref<128x128xf32, #tpu.memory_space<vmem>>[vector<16xi32>, vector<16xi32>], vector<16xf32>,
          %gather3A_904 = tpu.vector_load_idx %arg4[%add3A_454, %add3A_585] : memref<64x256xf32, #tpu.memory_space<vmem>>[vector<16xi32>, vector<16xi32>], vector<16xf32>,
          %shift_right_arithmetic3A_905 = arith.constant 1 : i32
          %shift_right_arithmetic3A_906 = vector.broadcast %shift_right_arithmetic3A_905 : i32 to vector<16xi32>
          %shift_right_arithmetic3A_907 = arith.shrsi %add3A_581, %shift_right_arithmetic3A_906 : vector<16xi32>
          %add3A_908 = arith.constant 0 : i32
          %add3A_909 = vector.broadcast %add3A_908 : i32 to vector<16xi32>
          %add3A_910 = arith.addi %add3A_451, %add3A_909 : vector<16xi32>
          tpu.vector_store_idx %arg6[%shift_right_arithmetic3A_907, %add3A_910], %gather3A_848 : memref<128x128xf32, #tpu.memory_space<vmem>>[vector<16xi32>, vector<16xi32>], vector<16xf32>,
          %gather3A_911 = tpu.vector_load_idx %arg4[%add3A_457, %add3A_585] : memref<64x256xf32, #tpu.memory_space<vmem>>[vector<16xi32>, vector<16xi32>], vector<16xf32>,
          %shift_right_arithmetic3A_912 = arith.constant 1 : i32
          %shift_right_arithmetic3A_913 = vector.broadcast %shift_right_arithmetic3A_912 : i32 to vector<16xi32>
          %shift_right_arithmetic3A_914 = arith.shrsi %add3A_581, %shift_right_arithmetic3A_913 : vector<16xi32>
          %add3A_915 = arith.constant 16 : i32
          %add3A_916 = vector.broadcast %add3A_915 : i32 to vector<16xi32>
          %add3A_917 = arith.addi %add3A_451, %add3A_916 : vector<16xi32>
          tpu.vector_store_idx %arg6[%shift_right_arithmetic3A_914, %add3A_917], %gather3A_855 : memref<128x128xf32, #tpu.memory_space<vmem>>[vector<16xi32>, vector<16xi32>], vector<16xf32>,
          %gather3A_918 = tpu.vector_load_idx %arg4[%add3A_460, %add3A_585] : memref<64x256xf32, #tpu.memory_space<vmem>>[vector<16xi32>, vector<16xi32>], vector<16xf32>,
          %shift_right_arithmetic3A_919 = arith.constant 1 : i32
          %shift_right_arithmetic3A_920 = vector.broadcast %shift_right_arithmetic3A_919 : i32 to vector<16xi32>
          %shift_right_arithmetic3A_921 = arith.shrsi %add3A_581, %shift_right_arithmetic3A_920 : vector<16xi32>
          %add3A_922 = arith.constant 32 : i32
          %add3A_923 = vector.broadcast %add3A_922 : i32 to vector<16xi32>
          %add3A_924 = arith.addi %add3A_451, %add3A_923 : vector<16xi32>
          tpu.vector_store_idx %arg6[%shift_right_arithmetic3A_921, %add3A_924], %gather3A_862 : memref<128x128xf32, #tpu.memory_space<vmem>>[vector<16xi32>, vector<16xi32>], vector<16xf32>,
          %gather3A_925 = tpu.vector_load_idx %arg4[%add3A_463, %add3A_585] : memref<64x256xf32, #tpu.memory_space<vmem>>[vector<16xi32>, vector<16xi32>], vector<16xf32>,
          %shift_right_arithmetic3A_926 = arith.constant 1 : i32
          %shift_right_arithmetic3A_927 = vector.broadcast %shift_right_arithmetic3A_926 : i32 to vector<16xi32>
          %shift_right_arithmetic3A_928 = arith.shrsi %add3A_581, %shift_right_arithmetic3A_927 : vector<16xi32>
          %add3A_929 = arith.constant 48 : i32
          %add3A_930 = vector.broadcast %add3A_929 : i32 to vector<16xi32>
          %add3A_931 = arith.addi %add3A_451, %add3A_930 : vector<16xi32>
          tpu.vector_store_idx %arg6[%shift_right_arithmetic3A_928, %add3A_931], %gather3A_869 : memref<128x128xf32, #tpu.memory_space<vmem>>[vector<16xi32>, vector<16xi32>], vector<16xf32>,
          %gather3A_932 = tpu.vector_load_idx %arg4[%add3A_454, %add3A_587] : memref<64x256xf32, #tpu.memory_space<vmem>>[vector<16xi32>, vector<16xi32>], vector<16xf32>,
          %shift_right_arithmetic3A_933 = arith.constant 1 : i32
          %shift_right_arithmetic3A_934 = vector.broadcast %shift_right_arithmetic3A_933 : i32 to vector<16xi32>
          %shift_right_arithmetic3A_935 = arith.shrsi %add3A_583, %shift_right_arithmetic3A_934 : vector<16xi32>
          %add3A_936 = arith.constant 0 : i32
          %add3A_937 = vector.broadcast %add3A_936 : i32 to vector<16xi32>
          %add3A_938 = arith.addi %add3A_422, %add3A_937 : vector<16xi32>
          tpu.vector_store_idx %arg6[%shift_right_arithmetic3A_935, %add3A_938], %gather3A_876 : memref<128x128xf32, #tpu.memory_space<vmem>>[vector<16xi32>, vector<16xi32>], vector<16xf32>,
          %gather3A_939 = tpu.vector_load_idx %arg4[%add3A_457, %add3A_587] : memref<64x256xf32, #tpu.memory_space<vmem>>[vector<16xi32>, vector<16xi32>], vector<16xf32>,
          %shift_right_arithmetic3A_940 = arith.constant 1 : i32
          %shift_right_arithmetic3A_941 = vector.broadcast %shift_right_arithmetic3A_940 : i32 to vector<16xi32>
          %shift_right_arithmetic3A_942 = arith.shrsi %add3A_583, %shift_right_arithmetic3A_941 : vector<16xi32>
          %add3A_943 = arith.constant 16 : i32
          %add3A_944 = vector.broadcast %add3A_943 : i32 to vector<16xi32>
          %add3A_945 = arith.addi %add3A_422, %add3A_944 : vector<16xi32>
          tpu.vector_store_idx %arg6[%shift_right_arithmetic3A_942, %add3A_945], %gather3A_883 : memref<128x128xf32, #tpu.memory_space<vmem>>[vector<16xi32>, vector<16xi32>], vector<16xf32>,
          %gather3A_946 = tpu.vector_load_idx %arg4[%add3A_460, %add3A_587] : memref<64x256xf32, #tpu.memory_space<vmem>>[vector<16xi32>, vector<16xi32>], vector<16xf32>,
          %shift_right_arithmetic3A_947 = arith.constant 1 : i32
          %shift_right_arithmetic3A_948 = vector.broadcast %shift_right_arithmetic3A_947 : i32 to vector<16xi32>
          %shift_right_arithmetic3A_949 = arith.shrsi %add3A_583, %shift_right_arithmetic3A_948 : vector<16xi32>
          %add3A_950 = arith.constant 32 : i32
          %add3A_951 = vector.broadcast %add3A_950 : i32 to vector<16xi32>
          %add3A_952 = arith.addi %add3A_422, %add3A_951 : vector<16xi32>
          tpu.vector_store_idx %arg6[%shift_right_arithmetic3A_949, %add3A_952], %gather3A_890 : memref<128x128xf32, #tpu.memory_space<vmem>>[vector<16xi32>, vector<16xi32>], vector<16xf32>,
          %gather3A_953 = tpu.vector_load_idx %arg4[%add3A_463, %add3A_587] : memref<64x256xf32, #tpu.memory_space<vmem>>[vector<16xi32>, vector<16xi32>], vector<16xf32>,
          %shift_right_arithmetic3A_954 = arith.constant 1 : i32
          %shift_right_arithmetic3A_955 = vector.broadcast %shift_right_arithmetic3A_954 : i32 to vector<16xi32>
          %shift_right_arithmetic3A_956 = arith.shrsi %add3A_583, %shift_right_arithmetic3A_955 : vector<16xi32>
          %add3A_957 = arith.constant 48 : i32
          %add3A_958 = vector.broadcast %add3A_957 : i32 to vector<16xi32>
          %add3A_959 = arith.addi %add3A_422, %add3A_958 : vector<16xi32>
          tpu.vector_store_idx %arg6[%shift_right_arithmetic3A_956, %add3A_959], %gather3A_897 : memref<128x128xf32, #tpu.memory_space<vmem>>[vector<16xi32>, vector<16xi32>], vector<16xf32>,
          %gather3A_960 = tpu.vector_load_idx %arg4[%add3A_454, %add3A_589] : memref<64x256xf32, #tpu.memory_space<vmem>>[vector<16xi32>, vector<16xi32>], vector<16xf32>,
          %shift_right_arithmetic3A_961 = arith.constant 1 : i32
          %shift_right_arithmetic3A_962 = vector.broadcast %shift_right_arithmetic3A_961 : i32 to vector<16xi32>
          %shift_right_arithmetic3A_963 = arith.shrsi %add3A_585, %shift_right_arithmetic3A_962 : vector<16xi32>
          %add3A_964 = arith.constant 0 : i32
          %add3A_965 = vector.broadcast %add3A_964 : i32 to vector<16xi32>
          %add3A_966 = arith.addi %add3A_451, %add3A_965 : vector<16xi32>
          tpu.vector_store_idx %arg6[%shift_right_arithmetic3A_963, %add3A_966], %gather3A_904 : memref<128x128xf32, #tpu.memory_space<vmem>>[vector<16xi32>, vector<16xi32>], vector<16xf32>,
          %gather3A_967 = tpu.vector_load_idx %arg4[%add3A_457, %add3A_589] : memref<64x256xf32, #tpu.memory_space<vmem>>[vector<16xi32>, vector<16xi32>], vector<16xf32>,
          %shift_right_arithmetic3A_968 = arith.constant 1 : i32
          %shift_right_arithmetic3A_969 = vector.broadcast %shift_right_arithmetic3A_968 : i32 to vector<16xi32>
          %shift_right_arithmetic3A_970 = arith.shrsi %add3A_585, %shift_right_arithmetic3A_969 : vector<16xi32>
          %add3A_971 = arith.constant 16 : i32
          %add3A_972 = vector.broadcast %add3A_971 : i32 to vector<16xi32>
          %add3A_973 = arith.addi %add3A_451, %add3A_972 : vector<16xi32>
          tpu.vector_store_idx %arg6[%shift_right_arithmetic3A_970, %add3A_973], %gather3A_911 : memref<128x128xf32, #tpu.memory_space<vmem>>[vector<16xi32>, vector<16xi32>], vector<16xf32>,
          %gather3A_974 = tpu.vector_load_idx %arg4[%add3A_460, %add3A_589] : memref<64x256xf32, #tpu.memory_space<vmem>>[vector<16xi32>, vector<16xi32>], vector<16xf32>,
          %shift_right_arithmetic3A_975 = arith.constant 1 : i32
          %shift_right_arithmetic3A_976 = vector.broadcast %shift_right_arithmetic3A_975 : i32 to vector<16xi32>
          %shift_right_arithmetic3A_977 = arith.shrsi %add3A_585, %shift_right_arithmetic3A_976 : vector<16xi32>
          %add3A_978 = arith.constant 32 : i32
          %add3A_979 = vector.broadcast %add3A_978 : i32 to vector<16xi32>
          %add3A_980 = arith.addi %add3A_451, %add3A_979 : vector<16xi32>
          tpu.vector_store_idx %arg6[%shift_right_arithmetic3A_977, %add3A_980], %gather3A_918 : memref<128x128xf32, #tpu.memory_space<vmem>>[vector<16xi32>, vector<16xi32>], vector<16xf32>,
          %gather3A_981 = tpu.vector_load_idx %arg4[%add3A_463, %add3A_589] : memref<64x256xf32, #tpu.memory_space<vmem>>[vector<16xi32>, vector<16xi32>], vector<16xf32>,
          %shift_right_arithmetic3A_982 = arith.constant 1 : i32
          %shift_right_arithmetic3A_983 = vector.broadcast %shift_right_arithmetic3A_982 : i32 to vector<16xi32>
          %shift_right_arithmetic3A_984 = arith.shrsi %add3A_585, %shift_right_arithmetic3A_983 : vector<16xi32>
          %add3A_985 = arith.constant 48 : i32
          %add3A_986 = vector.broadcast %add3A_985 : i32 to vector<16xi32>
          %add3A_987 = arith.addi %add3A_451, %add3A_986 : vector<16xi32>
          tpu.vector_store_idx %arg6[%shift_right_arithmetic3A_984, %add3A_987], %gather3A_925 : memref<128x128xf32, #tpu.memory_space<vmem>>[vector<16xi32>, vector<16xi32>], vector<16xf32>,
          %shift_right_arithmetic3A_988 = arith.constant 1 : i32
          %shift_right_arithmetic3A_989 = vector.broadcast %shift_right_arithmetic3A_988 : i32 to vector<16xi32>
          %shift_right_arithmetic3A_990 = arith.shrsi %add3A_587, %shift_right_arithmetic3A_989 : vector<16xi32>
          %add3A_991 = arith.constant 0 : i32
          %add3A_992 = vector.broadcast %add3A_991 : i32 to vector<16xi32>
          %add3A_993 = arith.addi %add3A_422, %add3A_992 : vector<16xi32>
          tpu.vector_store_idx %arg6[%shift_right_arithmetic3A_990, %add3A_993], %gather3A_932 : memref<128x128xf32, #tpu.memory_space<vmem>>[vector<16xi32>, vector<16xi32>], vector<16xf32>,
          %shift_right_arithmetic3A_994 = arith.constant 1 : i32
          %shift_right_arithmetic3A_995 = vector.broadcast %shift_right_arithmetic3A_994 : i32 to vector<16xi32>
          %shift_right_arithmetic3A_996 = arith.shrsi %add3A_587, %shift_right_arithmetic3A_995 : vector<16xi32>
          %add3A_997 = arith.constant 16 : i32
          %add3A_998 = vector.broadcast %add3A_997 : i32 to vector<16xi32>
          %add3A_999 = arith.addi %add3A_422, %add3A_998 : vector<16xi32>
          tpu.vector_store_idx %arg6[%shift_right_arithmetic3A_996, %add3A_999], %gather3A_939 : memref<128x128xf32, #tpu.memory_space<vmem>>[vector<16xi32>, vector<16xi32>], vector<16xf32>,
          %shift_right_arithmetic3A_1000 = arith.constant 1 : i32
          %shift_right_arithmetic3A_1001 = vector.broadcast %shift_right_arithmetic3A_1000 : i32 to vector<16xi32>
          %shift_right_arithmetic3A_1002 = arith.shrsi %add3A_587, %shift_right_arithmetic3A_1001 : vector<16xi32>
          %add3A_1003 = arith.constant 32 : i32
          %add3A_1004 = vector.broadcast %add3A_1003 : i32 to vector<16xi32>
          %add3A_1005 = arith.addi %add3A_422, %add3A_1004 : vector<16xi32>
          tpu.vector_store_idx %arg6[%shift_right_arithmetic3A_1002, %add3A_1005], %gather3A_946 : memref<128x128xf32, #tpu.memory_space<vmem>>[vector<16xi32>, vector<16xi32>], vector<16xf32>,
          %shift_right_arithmetic3A_1006 = arith.constant 1 : i32
          %shift_right_arithmetic3A_1007 = vector.broadcast %shift_right_arithmetic3A_1006 : i32 to vector<16xi32>
          %shift_right_arithmetic3A_1008 = arith.shrsi %add3A_587, %shift_right_arithmetic3A_1007 : vector<16xi32>
          %add3A_1009 = arith.constant 48 : i32
          %add3A_1010 = vector.broadcast %add3A_1009 : i32 to vector<16xi32>
          %add3A_1011 = arith.addi %add3A_422, %add3A_1010 : vector<16xi32>
          tpu.vector_store_idx %arg6[%shift_right_arithmetic3A_1008, %add3A_1011], %gather3A_953 : memref<128x128xf32, #tpu.memory_space<vmem>>[vector<16xi32>, vector<16xi32>], vector<16xf32>,
          %shift_right_arithmetic3A_1012 = arith.constant 1 : i32
          %shift_right_arithmetic3A_1013 = vector.broadcast %shift_right_arithmetic3A_1012 : i32 to vector<16xi32>
          %shift_right_arithmetic3A_1014 = arith.shrsi %add3A_589, %shift_right_arithmetic3A_1013 : vector<16xi32>
          %add3A_1015 = arith.constant 0 : i32
          %add3A_1016 = vector.broadcast %add3A_1015 : i32 to vector<16xi32>
          %add3A_1017 = arith.addi %add3A_451, %add3A_1016 : vector<16xi32>
          tpu.vector_store_idx %arg6[%shift_right_arithmetic3A_1014, %add3A_1017], %gather3A_960 : memref<128x128xf32, #tpu.memory_space<vmem>>[vector<16xi32>, vector<16xi32>], vector<16xf32>,
          %shift_right_arithmetic3A_1018 = arith.constant 1 : i32
          %shift_right_arithmetic3A_1019 = vector.broadcast %shift_right_arithmetic3A_1018 : i32 to vector<16xi32>
          %shift_right_arithmetic3A_1020 = arith.shrsi %add3A_589, %shift_right_arithmetic3A_1019 : vector<16xi32>
          %add3A_1021 = arith.constant 16 : i32
          %add3A_1022 = vector.broadcast %add3A_1021 : i32 to vector<16xi32>
          %add3A_1023 = arith.addi %add3A_451, %add3A_1022 : vector<16xi32>
          tpu.vector_store_idx %arg6[%shift_right_arithmetic3A_1020, %add3A_1023], %gather3A_967 : memref<128x128xf32, #tpu.memory_space<vmem>>[vector<16xi32>, vector<16xi32>], vector<16xf32>,
          %shift_right_arithmetic3A_1024 = arith.constant 1 : i32
          %shift_right_arithmetic3A_1025 = vector.broadcast %shift_right_arithmetic3A_1024 : i32 to vector<16xi32>
          %shift_right_arithmetic3A_1026 = arith.shrsi %add3A_589, %shift_right_arithmetic3A_1025 : vector<16xi32>
          %add3A_1027 = arith.constant 32 : i32
          %add3A_1028 = vector.broadcast %add3A_1027 : i32 to vector<16xi32>
          %add3A_1029 = arith.addi %add3A_451, %add3A_1028 : vector<16xi32>
          tpu.vector_store_idx %arg6[%shift_right_arithmetic3A_1026, %add3A_1029], %gather3A_974 : memref<128x128xf32, #tpu.memory_space<vmem>>[vector<16xi32>, vector<16xi32>], vector<16xf32>,
          %shift_right_arithmetic3A_1030 = arith.constant 1 : i32
          %shift_right_arithmetic3A_1031 = vector.broadcast %shift_right_arithmetic3A_1030 : i32 to vector<16xi32>
          %shift_right_arithmetic3A_1032 = arith.shrsi %add3A_589, %shift_right_arithmetic3A_1031 : vector<16xi32>
          %add3A_1033 = arith.constant 48 : i32
          %add3A_1034 = vector.broadcast %add3A_1033 : i32 to vector<16xi32>
          %add3A_1035 = arith.addi %add3A_451, %add3A_1034 : vector<16xi32>
          tpu.vector_store_idx %arg6[%shift_right_arithmetic3A_1032, %add3A_1035], %gather3A_981 : memref<128x128xf32, #tpu.memory_space<vmem>>[vector<16xi32>, vector<16xi32>], vector<16xf32>,
        }
        %scan3A_549 = arith.constant 16 : i32
        %mul3A_550 = arith.constant 128 : i32
        %mul3A_551 = arith.muli %add3A_502, %mul3A_550 : i32
        %multiple_of3A = tpu.assume_multiple %mul3A_551, 128 : i32
        %dma_start3A = arith.constant 0 : i32
        %dma_start3A_552 = tpu.memref_slice %arg3[%multiple_of3A, %dma_start3A] : memref<500000x128xf32, #tpu.memory_space<hbm>> -> memref<128x128xf32, #tpu.memory_space<hbm>>
        %dma_start3A_553 = arith.constant 0 : i32
        %dma_start3A_554 = tpu.memref_slice %arg3[%multiple_of3A, %dma_start3A_553] : memref<500000x128xf32, #tpu.memory_space<hbm>> -> memref<128x128xf32, #tpu.memory_space<hbm>>
        tpu.enqueue_dma source(%arg6 : memref<128x128xf32, #tpu.memory_space<vmem>>) target(%dma_start3A_554 : memref<128x128xf32, #tpu.memory_space<hbm>>) target_semaphore(%arg10 : memref<!tpu.dma_semaphore, #tpu.memory_space<semaphore_mem>>)
      } else {
      }
      %mul3A_515 = arith.constant 2 : i32
      %mul3A_516 = arith.muli %mul3A_515, %scan3A_497 : i32
      %add3A_517 = arith.constant 1 : i32
      %add3A_518 = arith.addi %mul3A_516, %add3A_517 : i32
      %mul3A_519 = arith.constant 32 : i32
      %mul3A_520 = arith.muli %mul3A_519, %add3A_518 : i32
      %add3A_521 = arith.addi %add3A, %mul3A_520 : i32
      %add3A_522 = arith.constant 32 : i32
      %add3A_523 = arith.addi %add3A_521, %add3A_522 : i32
      %lt3A_524 = arith.constant 3906 : i32
      %lt3A_525 = arith.cmpi slt, %add3A_523, %lt3A_524 : i32
      %convert_element_type3A_526 = arith.extui %lt3A_525 : i1 to i32
      %cond3A_527 = arith.constant 0 : i32
      %cond3A_528 = arith.cmpi ne, %convert_element_type3A_526, %cond3A_527 : i32
      scf.if %cond3A_528 {
        %mul3A_534 = arith.constant 256 : i32
        %mul3A_535 = arith.muli %add3A_523, %mul3A_534 : i32
        %multiple_of3A = tpu.assume_multiple %mul3A_535, 256 : i32
        %dma_start3A = arith.constant 0 : i32
        %dma_start3A_536 = tpu.memref_slice %arg2[%dma_start3A, %multiple_of3A] : memref<64x1000000xf32, #tpu.memory_space<hbm>> -> memref<64x256xf32, #tpu.memory_space<hbm>>
        %dma_start3A_537 = arith.constant 0 : i32
        %dma_start3A_538 = tpu.memref_slice %arg2[%dma_start3A_537, %multiple_of3A] : memref<64x1000000xf32, #tpu.memory_space<hbm>> -> memref<64x256xf32, #tpu.memory_space<hbm>>
        tpu.enqueue_dma source(%dma_start3A_538 : memref<64x256xf32, #tpu.memory_space<hbm>>) target(%arg4 : memref<64x256xf32, #tpu.memory_space<vmem>>) target_semaphore(%arg8 : memref<!tpu.dma_semaphore, #tpu.memory_space<semaphore_mem>>)
      } else {
      }
      %lt3A_529 = arith.constant 3906 : i32
      %lt3A_530 = arith.cmpi slt, %add3A_521, %lt3A_529 : i32
      %convert_element_type3A_531 = arith.extui %lt3A_530 : i1 to i32
      %cond3A_532 = arith.constant 0 : i32
      %cond3A_533 = arith.cmpi ne, %convert_element_type3A_531, %cond3A_532 : i32
      scf.if %cond3A_533 {
        %dma_wait3A_534 = arith.constant 0 : i32
        %dma_wait3A_535 = arith.constant 0 : i32
        %dma_wait3A_536 = tpu.memref_slice %arg2[%dma_wait3A_534, %dma_wait3A_535] : memref<64x1000000xf32, #tpu.memory_space<hbm>> -> memref<64x256xf32, #tpu.memory_space<hbm>>
        %dma_wait3A_537 = arith.constant 0 : i32
        %dma_wait3A_538 = arith.constant 0 : i32
        %dma_wait3A_539 = tpu.memref_slice %arg2[%dma_wait3A_537, %dma_wait3A_538] : memref<64x1000000xf32, #tpu.memory_space<hbm>> -> memref<64x256xf32, #tpu.memory_space<hbm>>
        tpu.wait_dma2 semaphore(%arg9 : memref<!tpu.dma_semaphore, #tpu.memory_space<semaphore_mem>>) src(%dma_wait3A_539 : memref<64x256xf32, #tpu.memory_space<hbm>>) dst(%arg5 : memref<64x256xf32, #tpu.memory_space<vmem>>)
        %ge3A = arith.constant 2 : i32
        %ge3A_540 = arith.cmpi sge, %add3A_518, %ge3A : i32
        %convert_element_type3A_541 = arith.extui %ge3A_540 : i1 to i32
        %cond3A_542 = arith.constant 0 : i32
        %cond3A_543 = arith.cmpi ne, %convert_element_type3A_541, %cond3A_542 : i32
        scf.if %cond3A_543 {
          %dma_wait3A_555 = arith.constant 0 : i32
          %dma_wait3A_556 = arith.constant 0 : i32
          %dma_wait3A_557 = tpu.memref_slice %arg3[%dma_wait3A_555, %dma_wait3A_556] : memref<500000x128xf32, #tpu.memory_space<hbm>> -> memref<128x128xf32, #tpu.memory_space<hbm>>
          %dma_wait3A_558 = arith.constant 0 : i32
          %dma_wait3A_559 = arith.constant 0 : i32
          %dma_wait3A_560 = tpu.memref_slice %arg3[%dma_wait3A_558, %dma_wait3A_559] : memref<500000x128xf32, #tpu.memory_space<hbm>> -> memref<128x128xf32, #tpu.memory_space<hbm>>
          tpu.wait_dma2 semaphore(%arg11 : memref<!tpu.dma_semaphore, #tpu.memory_space<semaphore_mem>>) src(%arg7 : memref<128x128xf32, #tpu.memory_space<vmem>>) dst(%dma_wait3A_560 : memref<128x128xf32, #tpu.memory_space<hbm>>)
        } else {
        }
        %scan3A_544 = arith.constant 0 : i32
        %scan3A_545 = arith.constant 0 : i32
        %scan3A_546 = arith.constant 16 : i32
        %scan3A_547 = arith.addi %scan3A_545, %scan3A_546 : i32
        %scan3A_548 = arith.constant 1 : i32
        scf.for %scan3A_555 = %scan3A_545 to %scan3A_547 step %scan3A_548  : i32 {
          %mul3A_556 = arith.constant 16 : i32
          %mul3A_557 = arith.muli %scan3A_555, %mul3A_556 : i32
          %add3A_558 = vector.broadcast %mul3A_557 : i32 to vector<16xi32>
          %add3A_559 = arith.addi %add3A_558, %select_n3A_18 : vector<16xi32>
          %add3A_560 = vector.broadcast %mul3A_557 : i32 to vector<16xi32>
          %add3A_561 = arith.addi %add3A_560, %select_n3A_43 : vector<16xi32>
          %add3A_562 = vector.broadcast %mul3A_557 : i32 to vector<16xi32>
          %add3A_563 = arith.addi %add3A_562, %select_n3A_68 : vector<16xi32>
          %add3A_564 = vector.broadcast %mul3A_557 : i32 to vector<16xi32>
          %add3A_565 = arith.addi %add3A_564, %select_n3A_93 : vector<16xi32>
          %add3A_566 = vector.broadcast %mul3A_557 : i32 to vector<16xi32>
          %add3A_567 = arith.addi %add3A_566, %select_n3A_118 : vector<16xi32>
          %add3A_568 = vector.broadcast %mul3A_557 : i32 to vector<16xi32>
          %add3A_569 = arith.addi %add3A_568, %select_n3A_143 : vector<16xi32>
          %add3A_570 = vector.broadcast %mul3A_557 : i32 to vector<16xi32>
          %add3A_571 = arith.addi %add3A_570, %select_n3A_168 : vector<16xi32>
          %add3A_572 = vector.broadcast %mul3A_557 : i32 to vector<16xi32>
          %add3A_573 = arith.addi %add3A_572, %select_n3A_193 : vector<16xi32>
          %add3A_574 = vector.broadcast %mul3A_557 : i32 to vector<16xi32>
          %add3A_575 = arith.addi %add3A_574, %select_n3A_218 : vector<16xi32>
          %add3A_576 = vector.broadcast %mul3A_557 : i32 to vector<16xi32>
          %add3A_577 = arith.addi %add3A_576, %select_n3A_243 : vector<16xi32>
          %add3A_578 = vector.broadcast %mul3A_557 : i32 to vector<16xi32>
          %add3A_579 = arith.addi %add3A_578, %select_n3A_268 : vector<16xi32>
          %add3A_580 = vector.broadcast %mul3A_557 : i32 to vector<16xi32>
          %add3A_581 = arith.addi %add3A_580, %select_n3A_293 : vector<16xi32>
          %add3A_582 = vector.broadcast %mul3A_557 : i32 to vector<16xi32>
          %add3A_583 = arith.addi %add3A_582, %select_n3A_318 : vector<16xi32>
          %add3A_584 = vector.broadcast %mul3A_557 : i32 to vector<16xi32>
          %add3A_585 = arith.addi %add3A_584, %select_n3A_343 : vector<16xi32>
          %add3A_586 = vector.broadcast %mul3A_557 : i32 to vector<16xi32>
          %add3A_587 = arith.addi %add3A_586, %select_n3A_368 : vector<16xi32>
          %add3A_588 = vector.broadcast %mul3A_557 : i32 to vector<16xi32>
          %add3A_589 = arith.addi %add3A_588, %select_n3A_393 : vector<16xi32>
          %gather3A = tpu.vector_load_idx %arg5[%add3A_454, %add3A_559] : memref<64x256xf32, #tpu.memory_space<vmem>>[vector<16xi32>, vector<16xi32>], vector<16xf32>,
          %gather3A_590 = tpu.vector_load_idx %arg5[%add3A_457, %add3A_559] : memref<64x256xf32, #tpu.memory_space<vmem>>[vector<16xi32>, vector<16xi32>], vector<16xf32>,
          %gather3A_591 = tpu.vector_load_idx %arg5[%add3A_460, %add3A_559] : memref<64x256xf32, #tpu.memory_space<vmem>>[vector<16xi32>, vector<16xi32>], vector<16xf32>,
          %gather3A_592 = tpu.vector_load_idx %arg5[%add3A_463, %add3A_559] : memref<64x256xf32, #tpu.memory_space<vmem>>[vector<16xi32>, vector<16xi32>], vector<16xf32>,
          %gather3A_593 = tpu.vector_load_idx %arg5[%add3A_454, %add3A_561] : memref<64x256xf32, #tpu.memory_space<vmem>>[vector<16xi32>, vector<16xi32>], vector<16xf32>,
          %gather3A_594 = tpu.vector_load_idx %arg5[%add3A_457, %add3A_561] : memref<64x256xf32, #tpu.memory_space<vmem>>[vector<16xi32>, vector<16xi32>], vector<16xf32>,
          %gather3A_595 = tpu.vector_load_idx %arg5[%add3A_460, %add3A_561] : memref<64x256xf32, #tpu.memory_space<vmem>>[vector<16xi32>, vector<16xi32>], vector<16xf32>,
          %gather3A_596 = tpu.vector_load_idx %arg5[%add3A_463, %add3A_561] : memref<64x256xf32, #tpu.memory_space<vmem>>[vector<16xi32>, vector<16xi32>], vector<16xf32>,
          %gather3A_597 = tpu.vector_load_idx %arg5[%add3A_454, %add3A_563] : memref<64x256xf32, #tpu.memory_space<vmem>>[vector<16xi32>, vector<16xi32>], vector<16xf32>,
          %shift_right_arithmetic3A = arith.constant 1 : i32
          %shift_right_arithmetic3A_598 = vector.broadcast %shift_right_arithmetic3A : i32 to vector<16xi32>
          %shift_right_arithmetic3A_599 = arith.shrsi %add3A_559, %shift_right_arithmetic3A_598 : vector<16xi32>
          %add3A_600 = arith.constant 0 : i32
          %add3A_601 = vector.broadcast %add3A_600 : i32 to vector<16xi32>
          %add3A_602 = arith.addi %add3A_422, %add3A_601 : vector<16xi32>
          tpu.vector_store_idx %arg7[%shift_right_arithmetic3A_599, %add3A_602], %gather3A : memref<128x128xf32, #tpu.memory_space<vmem>>[vector<16xi32>, vector<16xi32>], vector<16xf32>,
          %gather3A_603 = tpu.vector_load_idx %arg5[%add3A_457, %add3A_563] : memref<64x256xf32, #tpu.memory_space<vmem>>[vector<16xi32>, vector<16xi32>], vector<16xf32>,
          %shift_right_arithmetic3A_604 = arith.constant 1 : i32
          %shift_right_arithmetic3A_605 = vector.broadcast %shift_right_arithmetic3A_604 : i32 to vector<16xi32>
          %shift_right_arithmetic3A_606 = arith.shrsi %add3A_559, %shift_right_arithmetic3A_605 : vector<16xi32>
          %add3A_607 = arith.constant 16 : i32
          %add3A_608 = vector.broadcast %add3A_607 : i32 to vector<16xi32>
          %add3A_609 = arith.addi %add3A_422, %add3A_608 : vector<16xi32>
          tpu.vector_store_idx %arg7[%shift_right_arithmetic3A_606, %add3A_609], %gather3A_590 : memref<128x128xf32, #tpu.memory_space<vmem>>[vector<16xi32>, vector<16xi32>], vector<16xf32>,
          %gather3A_610 = tpu.vector_load_idx %arg5[%add3A_460, %add3A_563] : memref<64x256xf32, #tpu.memory_space<vmem>>[vector<16xi32>, vector<16xi32>], vector<16xf32>,
          %shift_right_arithmetic3A_611 = arith.constant 1 : i32
          %shift_right_arithmetic3A_612 = vector.broadcast %shift_right_arithmetic3A_611 : i32 to vector<16xi32>
          %shift_right_arithmetic3A_613 = arith.shrsi %add3A_559, %shift_right_arithmetic3A_612 : vector<16xi32>
          %add3A_614 = arith.constant 32 : i32
          %add3A_615 = vector.broadcast %add3A_614 : i32 to vector<16xi32>
          %add3A_616 = arith.addi %add3A_422, %add3A_615 : vector<16xi32>
          tpu.vector_store_idx %arg7[%shift_right_arithmetic3A_613, %add3A_616], %gather3A_591 : memref<128x128xf32, #tpu.memory_space<vmem>>[vector<16xi32>, vector<16xi32>], vector<16xf32>,
          %gather3A_617 = tpu.vector_load_idx %arg5[%add3A_463, %add3A_563] : memref<64x256xf32, #tpu.memory_space<vmem>>[vector<16xi32>, vector<16xi32>], vector<16xf32>,
          %shift_right_arithmetic3A_618 = arith.constant 1 : i32
          %shift_right_arithmetic3A_619 = vector.broadcast %shift_right_arithmetic3A_618 : i32 to vector<16xi32>
          %shift_right_arithmetic3A_620 = arith.shrsi %add3A_559, %shift_right_arithmetic3A_619 : vector<16xi32>
          %add3A_621 = arith.constant 48 : i32
          %add3A_622 = vector.broadcast %add3A_621 : i32 to vector<16xi32>
          %add3A_623 = arith.addi %add3A_422, %add3A_622 : vector<16xi32>
          tpu.vector_store_idx %arg7[%shift_right_arithmetic3A_620, %add3A_623], %gather3A_592 : memref<128x128xf32, #tpu.memory_space<vmem>>[vector<16xi32>, vector<16xi32>], vector<16xf32>,
          %gather3A_624 = tpu.vector_load_idx %arg5[%add3A_454, %add3A_565] : memref<64x256xf32, #tpu.memory_space<vmem>>[vector<16xi32>, vector<16xi32>], vector<16xf32>,
          %shift_right_arithmetic3A_625 = arith.constant 1 : i32
          %shift_right_arithmetic3A_626 = vector.broadcast %shift_right_arithmetic3A_625 : i32 to vector<16xi32>
          %shift_right_arithmetic3A_627 = arith.shrsi %add3A_561, %shift_right_arithmetic3A_626 : vector<16xi32>
          %add3A_628 = arith.constant 0 : i32
          %add3A_629 = vector.broadcast %add3A_628 : i32 to vector<16xi32>
          %add3A_630 = arith.addi %add3A_451, %add3A_629 : vector<16xi32>
          tpu.vector_store_idx %arg7[%shift_right_arithmetic3A_627, %add3A_630], %gather3A_593 : memref<128x128xf32, #tpu.memory_space<vmem>>[vector<16xi32>, vector<16xi32>], vector<16xf32>,
          %gather3A_631 = tpu.vector_load_idx %arg5[%add3A_457, %add3A_565] : memref<64x256xf32, #tpu.memory_space<vmem>>[vector<16xi32>, vector<16xi32>], vector<16xf32>,
          %shift_right_arithmetic3A_632 = arith.constant 1 : i32
          %shift_right_arithmetic3A_633 = vector.broadcast %shift_right_arithmetic3A_632 : i32 to vector<16xi32>
          %shift_right_arithmetic3A_634 = arith.shrsi %add3A_561, %shift_right_arithmetic3A_633 : vector<16xi32>
          %add3A_635 = arith.constant 16 : i32
          %add3A_636 = vector.broadcast %add3A_635 : i32 to vector<16xi32>
          %add3A_637 = arith.addi %add3A_451, %add3A_636 : vector<16xi32>
          tpu.vector_store_idx %arg7[%shift_right_arithmetic3A_634, %add3A_637], %gather3A_594 : memref<128x128xf32, #tpu.memory_space<vmem>>[vector<16xi32>, vector<16xi32>], vector<16xf32>,
          %gather3A_638 = tpu.vector_load_idx %arg5[%add3A_460, %add3A_565] : memref<64x256xf32, #tpu.memory_space<vmem>>[vector<16xi32>, vector<16xi32>], vector<16xf32>,
          %shift_right_arithmetic3A_639 = arith.constant 1 : i32
          %shift_right_arithmetic3A_640 = vector.broadcast %shift_right_arithmetic3A_639 : i32 to vector<16xi32>
          %shift_right_arithmetic3A_641 = arith.shrsi %add3A_561, %shift_right_arithmetic3A_640 : vector<16xi32>
          %add3A_642 = arith.constant 32 : i32
          %add3A_643 = vector.broadcast %add3A_642 : i32 to vector<16xi32>
          %add3A_644 = arith.addi %add3A_451, %add3A_643 : vector<16xi32>
          tpu.vector_store_idx %arg7[%shift_right_arithmetic3A_641, %add3A_644], %gather3A_595 : memref<128x128xf32, #tpu.memory_space<vmem>>[vector<16xi32>, vector<16xi32>], vector<16xf32>,
          %gather3A_645 = tpu.vector_load_idx %arg5[%add3A_463, %add3A_565] : memref<64x256xf32, #tpu.memory_space<vmem>>[vector<16xi32>, vector<16xi32>], vector<16xf32>,
          %shift_right_arithmetic3A_646 = arith.constant 1 : i32
          %shift_right_arithmetic3A_647 = vector.broadcast %shift_right_arithmetic3A_646 : i32 to vector<16xi32>
          %shift_right_arithmetic3A_648 = arith.shrsi %add3A_561, %shift_right_arithmetic3A_647 : vector<16xi32>
          %add3A_649 = arith.constant 48 : i32
          %add3A_650 = vector.broadcast %add3A_649 : i32 to vector<16xi32>
          %add3A_651 = arith.addi %add3A_451, %add3A_650 : vector<16xi32>
          tpu.vector_store_idx %arg7[%shift_right_arithmetic3A_648, %add3A_651], %gather3A_596 : memref<128x128xf32, #tpu.memory_space<vmem>>[vector<16xi32>, vector<16xi32>], vector<16xf32>,
          %gather3A_652 = tpu.vector_load_idx %arg5[%add3A_454, %add3A_567] : memref<64x256xf32, #tpu.memory_space<vmem>>[vector<16xi32>, vector<16xi32>], vector<16xf32>,
          %shift_right_arithmetic3A_653 = arith.constant 1 : i32
          %shift_right_arithmetic3A_654 = vector.broadcast %shift_right_arithmetic3A_653 : i32 to vector<16xi32>
          %shift_right_arithmetic3A_655 = arith.shrsi %add3A_563, %shift_right_arithmetic3A_654 : vector<16xi32>
          %add3A_656 = arith.constant 0 : i32
          %add3A_657 = vector.broadcast %add3A_656 : i32 to vector<16xi32>
          %add3A_658 = arith.addi %add3A_422, %add3A_657 : vector<16xi32>
          tpu.vector_store_idx %arg7[%shift_right_arithmetic3A_655, %add3A_658], %gather3A_597 : memref<128x128xf32, #tpu.memory_space<vmem>>[vector<16xi32>, vector<16xi32>], vector<16xf32>,
          %gather3A_659 = tpu.vector_load_idx %arg5[%add3A_457, %add3A_567] : memref<64x256xf32, #tpu.memory_space<vmem>>[vector<16xi32>, vector<16xi32>], vector<16xf32>,
          %shift_right_arithmetic3A_660 = arith.constant 1 : i32
          %shift_right_arithmetic3A_661 = vector.broadcast %shift_right_arithmetic3A_660 : i32 to vector<16xi32>
          %shift_right_arithmetic3A_662 = arith.shrsi %add3A_563, %shift_right_arithmetic3A_661 : vector<16xi32>
          %add3A_663 = arith.constant 16 : i32
          %add3A_664 = vector.broadcast %add3A_663 : i32 to vector<16xi32>
          %add3A_665 = arith.addi %add3A_422, %add3A_664 : vector<16xi32>
          tpu.vector_store_idx %arg7[%shift_right_arithmetic3A_662, %add3A_665], %gather3A_603 : memref<128x128xf32, #tpu.memory_space<vmem>>[vector<16xi32>, vector<16xi32>], vector<16xf32>,
          %gather3A_666 = tpu.vector_load_idx %arg5[%add3A_460, %add3A_567] : memref<64x256xf32, #tpu.memory_space<vmem>>[vector<16xi32>, vector<16xi32>], vector<16xf32>,
          %shift_right_arithmetic3A_667 = arith.constant 1 : i32
          %shift_right_arithmetic3A_668 = vector.broadcast %shift_right_arithmetic3A_667 : i32 to vector<16xi32>
          %shift_right_arithmetic3A_669 = arith.shrsi %add3A_563, %shift_right_arithmetic3A_668 : vector<16xi32>
          %add3A_670 = arith.constant 32 : i32
          %add3A_671 = vector.broadcast %add3A_670 : i32 to vector<16xi32>
          %add3A_672 = arith.addi %add3A_422, %add3A_671 : vector<16xi32>
          tpu.vector_store_idx %arg7[%shift_right_arithmetic3A_669, %add3A_672], %gather3A_610 : memref<128x128xf32, #tpu.memory_space<vmem>>[vector<16xi32>, vector<16xi32>], vector<16xf32>,
          %gather3A_673 = tpu.vector_load_idx %arg5[%add3A_463, %add3A_567] : memref<64x256xf32, #tpu.memory_space<vmem>>[vector<16xi32>, vector<16xi32>], vector<16xf32>,
          %shift_right_arithmetic3A_674 = arith.constant 1 : i32
          %shift_right_arithmetic3A_675 = vector.broadcast %shift_right_arithmetic3A_674 : i32 to vector<16xi32>
          %shift_right_arithmetic3A_676 = arith.shrsi %add3A_563, %shift_right_arithmetic3A_675 : vector<16xi32>
          %add3A_677 = arith.constant 48 : i32
          %add3A_678 = vector.broadcast %add3A_677 : i32 to vector<16xi32>
          %add3A_679 = arith.addi %add3A_422, %add3A_678 : vector<16xi32>
          tpu.vector_store_idx %arg7[%shift_right_arithmetic3A_676, %add3A_679], %gather3A_617 : memref<128x128xf32, #tpu.memory_space<vmem>>[vector<16xi32>, vector<16xi32>], vector<16xf32>,
          %gather3A_680 = tpu.vector_load_idx %arg5[%add3A_454, %add3A_569] : memref<64x256xf32, #tpu.memory_space<vmem>>[vector<16xi32>, vector<16xi32>], vector<16xf32>,
          %shift_right_arithmetic3A_681 = arith.constant 1 : i32
          %shift_right_arithmetic3A_682 = vector.broadcast %shift_right_arithmetic3A_681 : i32 to vector<16xi32>
          %shift_right_arithmetic3A_683 = arith.shrsi %add3A_565, %shift_right_arithmetic3A_682 : vector<16xi32>
          %add3A_684 = arith.constant 0 : i32
          %add3A_685 = vector.broadcast %add3A_684 : i32 to vector<16xi32>
          %add3A_686 = arith.addi %add3A_451, %add3A_685 : vector<16xi32>
          tpu.vector_store_idx %arg7[%shift_right_arithmetic3A_683, %add3A_686], %gather3A_624 : memref<128x128xf32, #tpu.memory_space<vmem>>[vector<16xi32>, vector<16xi32>], vector<16xf32>,
          %gather3A_687 = tpu.vector_load_idx %arg5[%add3A_457, %add3A_569] : memref<64x256xf32, #tpu.memory_space<vmem>>[vector<16xi32>, vector<16xi32>], vector<16xf32>,
          %shift_right_arithmetic3A_688 = arith.constant 1 : i32
          %shift_right_arithmetic3A_689 = vector.broadcast %shift_right_arithmetic3A_688 : i32 to vector<16xi32>
          %shift_right_arithmetic3A_690 = arith.shrsi %add3A_565, %shift_right_arithmetic3A_689 : vector<16xi32>
          %add3A_691 = arith.constant 16 : i32
          %add3A_692 = vector.broadcast %add3A_691 : i32 to vector<16xi32>
          %add3A_693 = arith.addi %add3A_451, %add3A_692 : vector<16xi32>
          tpu.vector_store_idx %arg7[%shift_right_arithmetic3A_690, %add3A_693], %gather3A_631 : memref<128x128xf32, #tpu.memory_space<vmem>>[vector<16xi32>, vector<16xi32>], vector<16xf32>,
          %gather3A_694 = tpu.vector_load_idx %arg5[%add3A_460, %add3A_569] : memref<64x256xf32, #tpu.memory_space<vmem>>[vector<16xi32>, vector<16xi32>], vector<16xf32>,
          %shift_right_arithmetic3A_695 = arith.constant 1 : i32
          %shift_right_arithmetic3A_696 = vector.broadcast %shift_right_arithmetic3A_695 : i32 to vector<16xi32>
          %shift_right_arithmetic3A_697 = arith.shrsi %add3A_565, %shift_right_arithmetic3A_696 : vector<16xi32>
          %add3A_698 = arith.constant 32 : i32
          %add3A_699 = vector.broadcast %add3A_698 : i32 to vector<16xi32>
          %add3A_700 = arith.addi %add3A_451, %add3A_699 : vector<16xi32>
          tpu.vector_store_idx %arg7[%shift_right_arithmetic3A_697, %add3A_700], %gather3A_638 : memref<128x128xf32, #tpu.memory_space<vmem>>[vector<16xi32>, vector<16xi32>], vector<16xf32>,
          %gather3A_701 = tpu.vector_load_idx %arg5[%add3A_463, %add3A_569] : memref<64x256xf32, #tpu.memory_space<vmem>>[vector<16xi32>, vector<16xi32>], vector<16xf32>,
          %shift_right_arithmetic3A_702 = arith.constant 1 : i32
          %shift_right_arithmetic3A_703 = vector.broadcast %shift_right_arithmetic3A_702 : i32 to vector<16xi32>
          %shift_right_arithmetic3A_704 = arith.shrsi %add3A_565, %shift_right_arithmetic3A_703 : vector<16xi32>
          %add3A_705 = arith.constant 48 : i32
          %add3A_706 = vector.broadcast %add3A_705 : i32 to vector<16xi32>
          %add3A_707 = arith.addi %add3A_451, %add3A_706 : vector<16xi32>
          tpu.vector_store_idx %arg7[%shift_right_arithmetic3A_704, %add3A_707], %gather3A_645 : memref<128x128xf32, #tpu.memory_space<vmem>>[vector<16xi32>, vector<16xi32>], vector<16xf32>,
          %gather3A_708 = tpu.vector_load_idx %arg5[%add3A_454, %add3A_571] : memref<64x256xf32, #tpu.memory_space<vmem>>[vector<16xi32>, vector<16xi32>], vector<16xf32>,
          %shift_right_arithmetic3A_709 = arith.constant 1 : i32
          %shift_right_arithmetic3A_710 = vector.broadcast %shift_right_arithmetic3A_709 : i32 to vector<16xi32>
          %shift_right_arithmetic3A_711 = arith.shrsi %add3A_567, %shift_right_arithmetic3A_710 : vector<16xi32>
          %add3A_712 = arith.constant 0 : i32
          %add3A_713 = vector.broadcast %add3A_712 : i32 to vector<16xi32>
          %add3A_714 = arith.addi %add3A_422, %add3A_713 : vector<16xi32>
          tpu.vector_store_idx %arg7[%shift_right_arithmetic3A_711, %add3A_714], %gather3A_652 : memref<128x128xf32, #tpu.memory_space<vmem>>[vector<16xi32>, vector<16xi32>], vector<16xf32>,
          %gather3A_715 = tpu.vector_load_idx %arg5[%add3A_457, %add3A_571] : memref<64x256xf32, #tpu.memory_space<vmem>>[vector<16xi32>, vector<16xi32>], vector<16xf32>,
          %shift_right_arithmetic3A_716 = arith.constant 1 : i32
          %shift_right_arithmetic3A_717 = vector.broadcast %shift_right_arithmetic3A_716 : i32 to vector<16xi32>
          %shift_right_arithmetic3A_718 = arith.shrsi %add3A_567, %shift_right_arithmetic3A_717 : vector<16xi32>
          %add3A_719 = arith.constant 16 : i32
          %add3A_720 = vector.broadcast %add3A_719 : i32 to vector<16xi32>
          %add3A_721 = arith.addi %add3A_422, %add3A_720 : vector<16xi32>
          tpu.vector_store_idx %arg7[%shift_right_arithmetic3A_718, %add3A_721], %gather3A_659 : memref<128x128xf32, #tpu.memory_space<vmem>>[vector<16xi32>, vector<16xi32>], vector<16xf32>,
          %gather3A_722 = tpu.vector_load_idx %arg5[%add3A_460, %add3A_571] : memref<64x256xf32, #tpu.memory_space<vmem>>[vector<16xi32>, vector<16xi32>], vector<16xf32>,
          %shift_right_arithmetic3A_723 = arith.constant 1 : i32
          %shift_right_arithmetic3A_724 = vector.broadcast %shift_right_arithmetic3A_723 : i32 to vector<16xi32>
          %shift_right_arithmetic3A_725 = arith.shrsi %add3A_567, %shift_right_arithmetic3A_724 : vector<16xi32>
          %add3A_726 = arith.constant 32 : i32
          %add3A_727 = vector.broadcast %add3A_726 : i32 to vector<16xi32>
          %add3A_728 = arith.addi %add3A_422, %add3A_727 : vector<16xi32>
          tpu.vector_store_idx %arg7[%shift_right_arithmetic3A_725, %add3A_728], %gather3A_666 : memref<128x128xf32, #tpu.memory_space<vmem>>[vector<16xi32>, vector<16xi32>], vector<16xf32>,
          %gather3A_729 = tpu.vector_load_idx %arg5[%add3A_463, %add3A_571] : memref<64x256xf32, #tpu.memory_space<vmem>>[vector<16xi32>, vector<16xi32>], vector<16xf32>,
          %shift_right_arithmetic3A_730 = arith.constant 1 : i32
          %shift_right_arithmetic3A_731 = vector.broadcast %shift_right_arithmetic3A_730 : i32 to vector<16xi32>
          %shift_right_arithmetic3A_732 = arith.shrsi %add3A_567, %shift_right_arithmetic3A_731 : vector<16xi32>
          %add3A_733 = arith.constant 48 : i32
          %add3A_734 = vector.broadcast %add3A_733 : i32 to vector<16xi32>
          %add3A_735 = arith.addi %add3A_422, %add3A_734 : vector<16xi32>
          tpu.vector_store_idx %arg7[%shift_right_arithmetic3A_732, %add3A_735], %gather3A_673 : memref<128x128xf32, #tpu.memory_space<vmem>>[vector<16xi32>, vector<16xi32>], vector<16xf32>,
          %gather3A_736 = tpu.vector_load_idx %arg5[%add3A_454, %add3A_573] : memref<64x256xf32, #tpu.memory_space<vmem>>[vector<16xi32>, vector<16xi32>], vector<16xf32>,
          %shift_right_arithmetic3A_737 = arith.constant 1 : i32
          %shift_right_arithmetic3A_738 = vector.broadcast %shift_right_arithmetic3A_737 : i32 to vector<16xi32>
          %shift_right_arithmetic3A_739 = arith.shrsi %add3A_569, %shift_right_arithmetic3A_738 : vector<16xi32>
          %add3A_740 = arith.constant 0 : i32
          %add3A_741 = vector.broadcast %add3A_740 : i32 to vector<16xi32>
          %add3A_742 = arith.addi %add3A_451, %add3A_741 : vector<16xi32>
          tpu.vector_store_idx %arg7[%shift_right_arithmetic3A_739, %add3A_742], %gather3A_680 : memref<128x128xf32, #tpu.memory_space<vmem>>[vector<16xi32>, vector<16xi32>], vector<16xf32>,
          %gather3A_743 = tpu.vector_load_idx %arg5[%add3A_457, %add3A_573] : memref<64x256xf32, #tpu.memory_space<vmem>>[vector<16xi32>, vector<16xi32>], vector<16xf32>,
          %shift_right_arithmetic3A_744 = arith.constant 1 : i32
          %shift_right_arithmetic3A_745 = vector.broadcast %shift_right_arithmetic3A_744 : i32 to vector<16xi32>
          %shift_right_arithmetic3A_746 = arith.shrsi %add3A_569, %shift_right_arithmetic3A_745 : vector<16xi32>
          %add3A_747 = arith.constant 16 : i32
          %add3A_748 = vector.broadcast %add3A_747 : i32 to vector<16xi32>
          %add3A_749 = arith.addi %add3A_451, %add3A_748 : vector<16xi32>
          tpu.vector_store_idx %arg7[%shift_right_arithmetic3A_746, %add3A_749], %gather3A_687 : memref<128x128xf32, #tpu.memory_space<vmem>>[vector<16xi32>, vector<16xi32>], vector<16xf32>,
          %gather3A_750 = tpu.vector_load_idx %arg5[%add3A_460, %add3A_573] : memref<64x256xf32, #tpu.memory_space<vmem>>[vector<16xi32>, vector<16xi32>], vector<16xf32>,
          %shift_right_arithmetic3A_751 = arith.constant 1 : i32
          %shift_right_arithmetic3A_752 = vector.broadcast %shift_right_arithmetic3A_751 : i32 to vector<16xi32>
          %shift_right_arithmetic3A_753 = arith.shrsi %add3A_569, %shift_right_arithmetic3A_752 : vector<16xi32>
          %add3A_754 = arith.constant 32 : i32
          %add3A_755 = vector.broadcast %add3A_754 : i32 to vector<16xi32>
          %add3A_756 = arith.addi %add3A_451, %add3A_755 : vector<16xi32>
          tpu.vector_store_idx %arg7[%shift_right_arithmetic3A_753, %add3A_756], %gather3A_694 : memref<128x128xf32, #tpu.memory_space<vmem>>[vector<16xi32>, vector<16xi32>], vector<16xf32>,
          %gather3A_757 = tpu.vector_load_idx %arg5[%add3A_463, %add3A_573] : memref<64x256xf32, #tpu.memory_space<vmem>>[vector<16xi32>, vector<16xi32>], vector<16xf32>,
          %shift_right_arithmetic3A_758 = arith.constant 1 : i32
          %shift_right_arithmetic3A_759 = vector.broadcast %shift_right_arithmetic3A_758 : i32 to vector<16xi32>
          %shift_right_arithmetic3A_760 = arith.shrsi %add3A_569, %shift_right_arithmetic3A_759 : vector<16xi32>
          %add3A_761 = arith.constant 48 : i32
          %add3A_762 = vector.broadcast %add3A_761 : i32 to vector<16xi32>
          %add3A_763 = arith.addi %add3A_451, %add3A_762 : vector<16xi32>
          tpu.vector_store_idx %arg7[%shift_right_arithmetic3A_760, %add3A_763], %gather3A_701 : memref<128x128xf32, #tpu.memory_space<vmem>>[vector<16xi32>, vector<16xi32>], vector<16xf32>,
          %gather3A_764 = tpu.vector_load_idx %arg5[%add3A_454, %add3A_575] : memref<64x256xf32, #tpu.memory_space<vmem>>[vector<16xi32>, vector<16xi32>], vector<16xf32>,
          %shift_right_arithmetic3A_765 = arith.constant 1 : i32
          %shift_right_arithmetic3A_766 = vector.broadcast %shift_right_arithmetic3A_765 : i32 to vector<16xi32>
          %shift_right_arithmetic3A_767 = arith.shrsi %add3A_571, %shift_right_arithmetic3A_766 : vector<16xi32>
          %add3A_768 = arith.constant 0 : i32
          %add3A_769 = vector.broadcast %add3A_768 : i32 to vector<16xi32>
          %add3A_770 = arith.addi %add3A_422, %add3A_769 : vector<16xi32>
          tpu.vector_store_idx %arg7[%shift_right_arithmetic3A_767, %add3A_770], %gather3A_708 : memref<128x128xf32, #tpu.memory_space<vmem>>[vector<16xi32>, vector<16xi32>], vector<16xf32>,
          %gather3A_771 = tpu.vector_load_idx %arg5[%add3A_457, %add3A_575] : memref<64x256xf32, #tpu.memory_space<vmem>>[vector<16xi32>, vector<16xi32>], vector<16xf32>,
          %shift_right_arithmetic3A_772 = arith.constant 1 : i32
          %shift_right_arithmetic3A_773 = vector.broadcast %shift_right_arithmetic3A_772 : i32 to vector<16xi32>
          %shift_right_arithmetic3A_774 = arith.shrsi %add3A_571, %shift_right_arithmetic3A_773 : vector<16xi32>
          %add3A_775 = arith.constant 16 : i32
          %add3A_776 = vector.broadcast %add3A_775 : i32 to vector<16xi32>
          %add3A_777 = arith.addi %add3A_422, %add3A_776 : vector<16xi32>
          tpu.vector_store_idx %arg7[%shift_right_arithmetic3A_774, %add3A_777], %gather3A_715 : memref<128x128xf32, #tpu.memory_space<vmem>>[vector<16xi32>, vector<16xi32>], vector<16xf32>,
          %gather3A_778 = tpu.vector_load_idx %arg5[%add3A_460, %add3A_575] : memref<64x256xf32, #tpu.memory_space<vmem>>[vector<16xi32>, vector<16xi32>], vector<16xf32>,
          %shift_right_arithmetic3A_779 = arith.constant 1 : i32
          %shift_right_arithmetic3A_780 = vector.broadcast %shift_right_arithmetic3A_779 : i32 to vector<16xi32>
          %shift_right_arithmetic3A_781 = arith.shrsi %add3A_571, %shift_right_arithmetic3A_780 : vector<16xi32>
          %add3A_782 = arith.constant 32 : i32
          %add3A_783 = vector.broadcast %add3A_782 : i32 to vector<16xi32>
          %add3A_784 = arith.addi %add3A_422, %add3A_783 : vector<16xi32>
          tpu.vector_store_idx %arg7[%shift_right_arithmetic3A_781, %add3A_784], %gather3A_722 : memref<128x128xf32, #tpu.memory_space<vmem>>[vector<16xi32>, vector<16xi32>], vector<16xf32>,
          %gather3A_785 = tpu.vector_load_idx %arg5[%add3A_463, %add3A_575] : memref<64x256xf32, #tpu.memory_space<vmem>>[vector<16xi32>, vector<16xi32>], vector<16xf32>,
          %shift_right_arithmetic3A_786 = arith.constant 1 : i32
          %shift_right_arithmetic3A_787 = vector.broadcast %shift_right_arithmetic3A_786 : i32 to vector<16xi32>
          %shift_right_arithmetic3A_788 = arith.shrsi %add3A_571, %shift_right_arithmetic3A_787 : vector<16xi32>
          %add3A_789 = arith.constant 48 : i32
          %add3A_790 = vector.broadcast %add3A_789 : i32 to vector<16xi32>
          %add3A_791 = arith.addi %add3A_422, %add3A_790 : vector<16xi32>
          tpu.vector_store_idx %arg7[%shift_right_arithmetic3A_788, %add3A_791], %gather3A_729 : memref<128x128xf32, #tpu.memory_space<vmem>>[vector<16xi32>, vector<16xi32>], vector<16xf32>,
          %gather3A_792 = tpu.vector_load_idx %arg5[%add3A_454, %add3A_577] : memref<64x256xf32, #tpu.memory_space<vmem>>[vector<16xi32>, vector<16xi32>], vector<16xf32>,
          %shift_right_arithmetic3A_793 = arith.constant 1 : i32
          %shift_right_arithmetic3A_794 = vector.broadcast %shift_right_arithmetic3A_793 : i32 to vector<16xi32>
          %shift_right_arithmetic3A_795 = arith.shrsi %add3A_573, %shift_right_arithmetic3A_794 : vector<16xi32>
          %add3A_796 = arith.constant 0 : i32
          %add3A_797 = vector.broadcast %add3A_796 : i32 to vector<16xi32>
          %add3A_798 = arith.addi %add3A_451, %add3A_797 : vector<16xi32>
          tpu.vector_store_idx %arg7[%shift_right_arithmetic3A_795, %add3A_798], %gather3A_736 : memref<128x128xf32, #tpu.memory_space<vmem>>[vector<16xi32>, vector<16xi32>], vector<16xf32>,
          %gather3A_799 = tpu.vector_load_idx %arg5[%add3A_457, %add3A_577] : memref<64x256xf32, #tpu.memory_space<vmem>>[vector<16xi32>, vector<16xi32>], vector<16xf32>,
          %shift_right_arithmetic3A_800 = arith.constant 1 : i32
          %shift_right_arithmetic3A_801 = vector.broadcast %shift_right_arithmetic3A_800 : i32 to vector<16xi32>
          %shift_right_arithmetic3A_802 = arith.shrsi %add3A_573, %shift_right_arithmetic3A_801 : vector<16xi32>
          %add3A_803 = arith.constant 16 : i32
          %add3A_804 = vector.broadcast %add3A_803 : i32 to vector<16xi32>
          %add3A_805 = arith.addi %add3A_451, %add3A_804 : vector<16xi32>
          tpu.vector_store_idx %arg7[%shift_right_arithmetic3A_802, %add3A_805], %gather3A_743 : memref<128x128xf32, #tpu.memory_space<vmem>>[vector<16xi32>, vector<16xi32>], vector<16xf32>,
          %gather3A_806 = tpu.vector_load_idx %arg5[%add3A_460, %add3A_577] : memref<64x256xf32, #tpu.memory_space<vmem>>[vector<16xi32>, vector<16xi32>], vector<16xf32>,
          %shift_right_arithmetic3A_807 = arith.constant 1 : i32
          %shift_right_arithmetic3A_808 = vector.broadcast %shift_right_arithmetic3A_807 : i32 to vector<16xi32>
          %shift_right_arithmetic3A_809 = arith.shrsi %add3A_573, %shift_right_arithmetic3A_808 : vector<16xi32>
          %add3A_810 = arith.constant 32 : i32
          %add3A_811 = vector.broadcast %add3A_810 : i32 to vector<16xi32>
          %add3A_812 = arith.addi %add3A_451, %add3A_811 : vector<16xi32>
          tpu.vector_store_idx %arg7[%shift_right_arithmetic3A_809, %add3A_812], %gather3A_750 : memref<128x128xf32, #tpu.memory_space<vmem>>[vector<16xi32>, vector<16xi32>], vector<16xf32>,
          %gather3A_813 = tpu.vector_load_idx %arg5[%add3A_463, %add3A_577] : memref<64x256xf32, #tpu.memory_space<vmem>>[vector<16xi32>, vector<16xi32>], vector<16xf32>,
          %shift_right_arithmetic3A_814 = arith.constant 1 : i32
          %shift_right_arithmetic3A_815 = vector.broadcast %shift_right_arithmetic3A_814 : i32 to vector<16xi32>
          %shift_right_arithmetic3A_816 = arith.shrsi %add3A_573, %shift_right_arithmetic3A_815 : vector<16xi32>
          %add3A_817 = arith.constant 48 : i32
          %add3A_818 = vector.broadcast %add3A_817 : i32 to vector<16xi32>
          %add3A_819 = arith.addi %add3A_451, %add3A_818 : vector<16xi32>
          tpu.vector_store_idx %arg7[%shift_right_arithmetic3A_816, %add3A_819], %gather3A_757 : memref<128x128xf32, #tpu.memory_space<vmem>>[vector<16xi32>, vector<16xi32>], vector<16xf32>,
          %gather3A_820 = tpu.vector_load_idx %arg5[%add3A_454, %add3A_579] : memref<64x256xf32, #tpu.memory_space<vmem>>[vector<16xi32>, vector<16xi32>], vector<16xf32>,
          %shift_right_arithmetic3A_821 = arith.constant 1 : i32
          %shift_right_arithmetic3A_822 = vector.broadcast %shift_right_arithmetic3A_821 : i32 to vector<16xi32>
          %shift_right_arithmetic3A_823 = arith.shrsi %add3A_575, %shift_right_arithmetic3A_822 : vector<16xi32>
          %add3A_824 = arith.constant 0 : i32
          %add3A_825 = vector.broadcast %add3A_824 : i32 to vector<16xi32>
          %add3A_826 = arith.addi %add3A_422, %add3A_825 : vector<16xi32>
          tpu.vector_store_idx %arg7[%shift_right_arithmetic3A_823, %add3A_826], %gather3A_764 : memref<128x128xf32, #tpu.memory_space<vmem>>[vector<16xi32>, vector<16xi32>], vector<16xf32>,
          %gather3A_827 = tpu.vector_load_idx %arg5[%add3A_457, %add3A_579] : memref<64x256xf32, #tpu.memory_space<vmem>>[vector<16xi32>, vector<16xi32>], vector<16xf32>,
          %shift_right_arithmetic3A_828 = arith.constant 1 : i32
          %shift_right_arithmetic3A_829 = vector.broadcast %shift_right_arithmetic3A_828 : i32 to vector<16xi32>
          %shift_right_arithmetic3A_830 = arith.shrsi %add3A_575, %shift_right_arithmetic3A_829 : vector<16xi32>
          %add3A_831 = arith.constant 16 : i32
          %add3A_832 = vector.broadcast %add3A_831 : i32 to vector<16xi32>
          %add3A_833 = arith.addi %add3A_422, %add3A_832 : vector<16xi32>
          tpu.vector_store_idx %arg7[%shift_right_arithmetic3A_830, %add3A_833], %gather3A_771 : memref<128x128xf32, #tpu.memory_space<vmem>>[vector<16xi32>, vector<16xi32>], vector<16xf32>,
          %gather3A_834 = tpu.vector_load_idx %arg5[%add3A_460, %add3A_579] : memref<64x256xf32, #tpu.memory_space<vmem>>[vector<16xi32>, vector<16xi32>], vector<16xf32>,
          %shift_right_arithmetic3A_835 = arith.constant 1 : i32
          %shift_right_arithmetic3A_836 = vector.broadcast %shift_right_arithmetic3A_835 : i32 to vector<16xi32>
          %shift_right_arithmetic3A_837 = arith.shrsi %add3A_575, %shift_right_arithmetic3A_836 : vector<16xi32>
          %add3A_838 = arith.constant 32 : i32
          %add3A_839 = vector.broadcast %add3A_838 : i32 to vector<16xi32>
          %add3A_840 = arith.addi %add3A_422, %add3A_839 : vector<16xi32>
          tpu.vector_store_idx %arg7[%shift_right_arithmetic3A_837, %add3A_840], %gather3A_778 : memref<128x128xf32, #tpu.memory_space<vmem>>[vector<16xi32>, vector<16xi32>], vector<16xf32>,
          %gather3A_841 = tpu.vector_load_idx %arg5[%add3A_463, %add3A_579] : memref<64x256xf32, #tpu.memory_space<vmem>>[vector<16xi32>, vector<16xi32>], vector<16xf32>,
          %shift_right_arithmetic3A_842 = arith.constant 1 : i32
          %shift_right_arithmetic3A_843 = vector.broadcast %shift_right_arithmetic3A_842 : i32 to vector<16xi32>
          %shift_right_arithmetic3A_844 = arith.shrsi %add3A_575, %shift_right_arithmetic3A_843 : vector<16xi32>
          %add3A_845 = arith.constant 48 : i32
          %add3A_846 = vector.broadcast %add3A_845 : i32 to vector<16xi32>
          %add3A_847 = arith.addi %add3A_422, %add3A_846 : vector<16xi32>
          tpu.vector_store_idx %arg7[%shift_right_arithmetic3A_844, %add3A_847], %gather3A_785 : memref<128x128xf32, #tpu.memory_space<vmem>>[vector<16xi32>, vector<16xi32>], vector<16xf32>,
          %gather3A_848 = tpu.vector_load_idx %arg5[%add3A_454, %add3A_581] : memref<64x256xf32, #tpu.memory_space<vmem>>[vector<16xi32>, vector<16xi32>], vector<16xf32>,
          %shift_right_arithmetic3A_849 = arith.constant 1 : i32
          %shift_right_arithmetic3A_850 = vector.broadcast %shift_right_arithmetic3A_849 : i32 to vector<16xi32>
          %shift_right_arithmetic3A_851 = arith.shrsi %add3A_577, %shift_right_arithmetic3A_850 : vector<16xi32>
          %add3A_852 = arith.constant 0 : i32
          %add3A_853 = vector.broadcast %add3A_852 : i32 to vector<16xi32>
          %add3A_854 = arith.addi %add3A_451, %add3A_853 : vector<16xi32>
          tpu.vector_store_idx %arg7[%shift_right_arithmetic3A_851, %add3A_854], %gather3A_792 : memref<128x128xf32, #tpu.memory_space<vmem>>[vector<16xi32>, vector<16xi32>], vector<16xf32>,
          %gather3A_855 = tpu.vector_load_idx %arg5[%add3A_457, %add3A_581] : memref<64x256xf32, #tpu.memory_space<vmem>>[vector<16xi32>, vector<16xi32>], vector<16xf32>,
          %shift_right_arithmetic3A_856 = arith.constant 1 : i32
          %shift_right_arithmetic3A_857 = vector.broadcast %shift_right_arithmetic3A_856 : i32 to vector<16xi32>
          %shift_right_arithmetic3A_858 = arith.shrsi %add3A_577, %shift_right_arithmetic3A_857 : vector<16xi32>
          %add3A_859 = arith.constant 16 : i32
          %add3A_860 = vector.broadcast %add3A_859 : i32 to vector<16xi32>
          %add3A_861 = arith.addi %add3A_451, %add3A_860 : vector<16xi32>
          tpu.vector_store_idx %arg7[%shift_right_arithmetic3A_858, %add3A_861], %gather3A_799 : memref<128x128xf32, #tpu.memory_space<vmem>>[vector<16xi32>, vector<16xi32>], vector<16xf32>,
          %gather3A_862 = tpu.vector_load_idx %arg5[%add3A_460, %add3A_581] : memref<64x256xf32, #tpu.memory_space<vmem>>[vector<16xi32>, vector<16xi32>], vector<16xf32>,
          %shift_right_arithmetic3A_863 = arith.constant 1 : i32
          %shift_right_arithmetic3A_864 = vector.broadcast %shift_right_arithmetic3A_863 : i32 to vector<16xi32>
          %shift_right_arithmetic3A_865 = arith.shrsi %add3A_577, %shift_right_arithmetic3A_864 : vector<16xi32>
          %add3A_866 = arith.constant 32 : i32
          %add3A_867 = vector.broadcast %add3A_866 : i32 to vector<16xi32>
          %add3A_868 = arith.addi %add3A_451, %add3A_867 : vector<16xi32>
          tpu.vector_store_idx %arg7[%shift_right_arithmetic3A_865, %add3A_868], %gather3A_806 : memref<128x128xf32, #tpu.memory_space<vmem>>[vector<16xi32>, vector<16xi32>], vector<16xf32>,
          %gather3A_869 = tpu.vector_load_idx %arg5[%add3A_463, %add3A_581] : memref<64x256xf32, #tpu.memory_space<vmem>>[vector<16xi32>, vector<16xi32>], vector<16xf32>,
          %shift_right_arithmetic3A_870 = arith.constant 1 : i32
          %shift_right_arithmetic3A_871 = vector.broadcast %shift_right_arithmetic3A_870 : i32 to vector<16xi32>
          %shift_right_arithmetic3A_872 = arith.shrsi %add3A_577, %shift_right_arithmetic3A_871 : vector<16xi32>
          %add3A_873 = arith.constant 48 : i32
          %add3A_874 = vector.broadcast %add3A_873 : i32 to vector<16xi32>
          %add3A_875 = arith.addi %add3A_451, %add3A_874 : vector<16xi32>
          tpu.vector_store_idx %arg7[%shift_right_arithmetic3A_872, %add3A_875], %gather3A_813 : memref<128x128xf32, #tpu.memory_space<vmem>>[vector<16xi32>, vector<16xi32>], vector<16xf32>,
          %gather3A_876 = tpu.vector_load_idx %arg5[%add3A_454, %add3A_583] : memref<64x256xf32, #tpu.memory_space<vmem>>[vector<16xi32>, vector<16xi32>], vector<16xf32>,
          %shift_right_arithmetic3A_877 = arith.constant 1 : i32
          %shift_right_arithmetic3A_878 = vector.broadcast %shift_right_arithmetic3A_877 : i32 to vector<16xi32>
          %shift_right_arithmetic3A_879 = arith.shrsi %add3A_579, %shift_right_arithmetic3A_878 : vector<16xi32>
          %add3A_880 = arith.constant 0 : i32
          %add3A_881 = vector.broadcast %add3A_880 : i32 to vector<16xi32>
          %add3A_882 = arith.addi %add3A_422, %add3A_881 : vector<16xi32>
          tpu.vector_store_idx %arg7[%shift_right_arithmetic3A_879, %add3A_882], %gather3A_820 : memref<128x128xf32, #tpu.memory_space<vmem>>[vector<16xi32>, vector<16xi32>], vector<16xf32>,
          %gather3A_883 = tpu.vector_load_idx %arg5[%add3A_457, %add3A_583] : memref<64x256xf32, #tpu.memory_space<vmem>>[vector<16xi32>, vector<16xi32>], vector<16xf32>,
          %shift_right_arithmetic3A_884 = arith.constant 1 : i32
          %shift_right_arithmetic3A_885 = vector.broadcast %shift_right_arithmetic3A_884 : i32 to vector<16xi32>
          %shift_right_arithmetic3A_886 = arith.shrsi %add3A_579, %shift_right_arithmetic3A_885 : vector<16xi32>
          %add3A_887 = arith.constant 16 : i32
          %add3A_888 = vector.broadcast %add3A_887 : i32 to vector<16xi32>
          %add3A_889 = arith.addi %add3A_422, %add3A_888 : vector<16xi32>
          tpu.vector_store_idx %arg7[%shift_right_arithmetic3A_886, %add3A_889], %gather3A_827 : memref<128x128xf32, #tpu.memory_space<vmem>>[vector<16xi32>, vector<16xi32>], vector<16xf32>,
          %gather3A_890 = tpu.vector_load_idx %arg5[%add3A_460, %add3A_583] : memref<64x256xf32, #tpu.memory_space<vmem>>[vector<16xi32>, vector<16xi32>], vector<16xf32>,
          %shift_right_arithmetic3A_891 = arith.constant 1 : i32
          %shift_right_arithmetic3A_892 = vector.broadcast %shift_right_arithmetic3A_891 : i32 to vector<16xi32>
          %shift_right_arithmetic3A_893 = arith.shrsi %add3A_579, %shift_right_arithmetic3A_892 : vector<16xi32>
          %add3A_894 = arith.constant 32 : i32
          %add3A_895 = vector.broadcast %add3A_894 : i32 to vector<16xi32>
          %add3A_896 = arith.addi %add3A_422, %add3A_895 : vector<16xi32>
          tpu.vector_store_idx %arg7[%shift_right_arithmetic3A_893, %add3A_896], %gather3A_834 : memref<128x128xf32, #tpu.memory_space<vmem>>[vector<16xi32>, vector<16xi32>], vector<16xf32>,
          %gather3A_897 = tpu.vector_load_idx %arg5[%add3A_463, %add3A_583] : memref<64x256xf32, #tpu.memory_space<vmem>>[vector<16xi32>, vector<16xi32>], vector<16xf32>,
          %shift_right_arithmetic3A_898 = arith.constant 1 : i32
          %shift_right_arithmetic3A_899 = vector.broadcast %shift_right_arithmetic3A_898 : i32 to vector<16xi32>
          %shift_right_arithmetic3A_900 = arith.shrsi %add3A_579, %shift_right_arithmetic3A_899 : vector<16xi32>
          %add3A_901 = arith.constant 48 : i32
          %add3A_902 = vector.broadcast %add3A_901 : i32 to vector<16xi32>
          %add3A_903 = arith.addi %add3A_422, %add3A_902 : vector<16xi32>
          tpu.vector_store_idx %arg7[%shift_right_arithmetic3A_900, %add3A_903], %gather3A_841 : memref<128x128xf32, #tpu.memory_space<vmem>>[vector<16xi32>, vector<16xi32>], vector<16xf32>,
          %gather3A_904 = tpu.vector_load_idx %arg5[%add3A_454, %add3A_585] : memref<64x256xf32, #tpu.memory_space<vmem>>[vector<16xi32>, vector<16xi32>], vector<16xf32>,
          %shift_right_arithmetic3A_905 = arith.constant 1 : i32
          %shift_right_arithmetic3A_906 = vector.broadcast %shift_right_arithmetic3A_905 : i32 to vector<16xi32>
          %shift_right_arithmetic3A_907 = arith.shrsi %add3A_581, %shift_right_arithmetic3A_906 : vector<16xi32>
          %add3A_908 = arith.constant 0 : i32
          %add3A_909 = vector.broadcast %add3A_908 : i32 to vector<16xi32>
          %add3A_910 = arith.addi %add3A_451, %add3A_909 : vector<16xi32>
          tpu.vector_store_idx %arg7[%shift_right_arithmetic3A_907, %add3A_910], %gather3A_848 : memref<128x128xf32, #tpu.memory_space<vmem>>[vector<16xi32>, vector<16xi32>], vector<16xf32>,
          %gather3A_911 = tpu.vector_load_idx %arg5[%add3A_457, %add3A_585] : memref<64x256xf32, #tpu.memory_space<vmem>>[vector<16xi32>, vector<16xi32>], vector<16xf32>,
          %shift_right_arithmetic3A_912 = arith.constant 1 : i32
          %shift_right_arithmetic3A_913 = vector.broadcast %shift_right_arithmetic3A_912 : i32 to vector<16xi32>
          %shift_right_arithmetic3A_914 = arith.shrsi %add3A_581, %shift_right_arithmetic3A_913 : vector<16xi32>
          %add3A_915 = arith.constant 16 : i32
          %add3A_916 = vector.broadcast %add3A_915 : i32 to vector<16xi32>
          %add3A_917 = arith.addi %add3A_451, %add3A_916 : vector<16xi32>
          tpu.vector_store_idx %arg7[%shift_right_arithmetic3A_914, %add3A_917], %gather3A_855 : memref<128x128xf32, #tpu.memory_space<vmem>>[vector<16xi32>, vector<16xi32>], vector<16xf32>,
          %gather3A_918 = tpu.vector_load_idx %arg5[%add3A_460, %add3A_585] : memref<64x256xf32, #tpu.memory_space<vmem>>[vector<16xi32>, vector<16xi32>], vector<16xf32>,
          %shift_right_arithmetic3A_919 = arith.constant 1 : i32
          %shift_right_arithmetic3A_920 = vector.broadcast %shift_right_arithmetic3A_919 : i32 to vector<16xi32>
          %shift_right_arithmetic3A_921 = arith.shrsi %add3A_581, %shift_right_arithmetic3A_920 : vector<16xi32>
          %add3A_922 = arith.constant 32 : i32
          %add3A_923 = vector.broadcast %add3A_922 : i32 to vector<16xi32>
          %add3A_924 = arith.addi %add3A_451, %add3A_923 : vector<16xi32>
          tpu.vector_store_idx %arg7[%shift_right_arithmetic3A_921, %add3A_924], %gather3A_862 : memref<128x128xf32, #tpu.memory_space<vmem>>[vector<16xi32>, vector<16xi32>], vector<16xf32>,
          %gather3A_925 = tpu.vector_load_idx %arg5[%add3A_463, %add3A_585] : memref<64x256xf32, #tpu.memory_space<vmem>>[vector<16xi32>, vector<16xi32>], vector<16xf32>,
          %shift_right_arithmetic3A_926 = arith.constant 1 : i32
          %shift_right_arithmetic3A_927 = vector.broadcast %shift_right_arithmetic3A_926 : i32 to vector<16xi32>
          %shift_right_arithmetic3A_928 = arith.shrsi %add3A_581, %shift_right_arithmetic3A_927 : vector<16xi32>
          %add3A_929 = arith.constant 48 : i32
          %add3A_930 = vector.broadcast %add3A_929 : i32 to vector<16xi32>
          %add3A_931 = arith.addi %add3A_451, %add3A_930 : vector<16xi32>
          tpu.vector_store_idx %arg7[%shift_right_arithmetic3A_928, %add3A_931], %gather3A_869 : memref<128x128xf32, #tpu.memory_space<vmem>>[vector<16xi32>, vector<16xi32>], vector<16xf32>,
          %gather3A_932 = tpu.vector_load_idx %arg5[%add3A_454, %add3A_587] : memref<64x256xf32, #tpu.memory_space<vmem>>[vector<16xi32>, vector<16xi32>], vector<16xf32>,
          %shift_right_arithmetic3A_933 = arith.constant 1 : i32
          %shift_right_arithmetic3A_934 = vector.broadcast %shift_right_arithmetic3A_933 : i32 to vector<16xi32>
          %shift_right_arithmetic3A_935 = arith.shrsi %add3A_583, %shift_right_arithmetic3A_934 : vector<16xi32>
          %add3A_936 = arith.constant 0 : i32
          %add3A_937 = vector.broadcast %add3A_936 : i32 to vector<16xi32>
          %add3A_938 = arith.addi %add3A_422, %add3A_937 : vector<16xi32>
          tpu.vector_store_idx %arg7[%shift_right_arithmetic3A_935, %add3A_938], %gather3A_876 : memref<128x128xf32, #tpu.memory_space<vmem>>[vector<16xi32>, vector<16xi32>], vector<16xf32>,
          %gather3A_939 = tpu.vector_load_idx %arg5[%add3A_457, %add3A_587] : memref<64x256xf32, #tpu.memory_space<vmem>>[vector<16xi32>, vector<16xi32>], vector<16xf32>,
          %shift_right_arithmetic3A_940 = arith.constant 1 : i32
          %shift_right_arithmetic3A_941 = vector.broadcast %shift_right_arithmetic3A_940 : i32 to vector<16xi32>
          %shift_right_arithmetic3A_942 = arith.shrsi %add3A_583, %shift_right_arithmetic3A_941 : vector<16xi32>
          %add3A_943 = arith.constant 16 : i32
          %add3A_944 = vector.broadcast %add3A_943 : i32 to vector<16xi32>
          %add3A_945 = arith.addi %add3A_422, %add3A_944 : vector<16xi32>
          tpu.vector_store_idx %arg7[%shift_right_arithmetic3A_942, %add3A_945], %gather3A_883 : memref<128x128xf32, #tpu.memory_space<vmem>>[vector<16xi32>, vector<16xi32>], vector<16xf32>,
          %gather3A_946 = tpu.vector_load_idx %arg5[%add3A_460, %add3A_587] : memref<64x256xf32, #tpu.memory_space<vmem>>[vector<16xi32>, vector<16xi32>], vector<16xf32>,
          %shift_right_arithmetic3A_947 = arith.constant 1 : i32
          %shift_right_arithmetic3A_948 = vector.broadcast %shift_right_arithmetic3A_947 : i32 to vector<16xi32>
          %shift_right_arithmetic3A_949 = arith.shrsi %add3A_583, %shift_right_arithmetic3A_948 : vector<16xi32>
          %add3A_950 = arith.constant 32 : i32
          %add3A_951 = vector.broadcast %add3A_950 : i32 to vector<16xi32>
          %add3A_952 = arith.addi %add3A_422, %add3A_951 : vector<16xi32>
          tpu.vector_store_idx %arg7[%shift_right_arithmetic3A_949, %add3A_952], %gather3A_890 : memref<128x128xf32, #tpu.memory_space<vmem>>[vector<16xi32>, vector<16xi32>], vector<16xf32>,
          %gather3A_953 = tpu.vector_load_idx %arg5[%add3A_463, %add3A_587] : memref<64x256xf32, #tpu.memory_space<vmem>>[vector<16xi32>, vector<16xi32>], vector<16xf32>,
          %shift_right_arithmetic3A_954 = arith.constant 1 : i32
          %shift_right_arithmetic3A_955 = vector.broadcast %shift_right_arithmetic3A_954 : i32 to vector<16xi32>
          %shift_right_arithmetic3A_956 = arith.shrsi %add3A_583, %shift_right_arithmetic3A_955 : vector<16xi32>
          %add3A_957 = arith.constant 48 : i32
          %add3A_958 = vector.broadcast %add3A_957 : i32 to vector<16xi32>
          %add3A_959 = arith.addi %add3A_422, %add3A_958 : vector<16xi32>
          tpu.vector_store_idx %arg7[%shift_right_arithmetic3A_956, %add3A_959], %gather3A_897 : memref<128x128xf32, #tpu.memory_space<vmem>>[vector<16xi32>, vector<16xi32>], vector<16xf32>,
          %gather3A_960 = tpu.vector_load_idx %arg5[%add3A_454, %add3A_589] : memref<64x256xf32, #tpu.memory_space<vmem>>[vector<16xi32>, vector<16xi32>], vector<16xf32>,
          %shift_right_arithmetic3A_961 = arith.constant 1 : i32
          %shift_right_arithmetic3A_962 = vector.broadcast %shift_right_arithmetic3A_961 : i32 to vector<16xi32>
          %shift_right_arithmetic3A_963 = arith.shrsi %add3A_585, %shift_right_arithmetic3A_962 : vector<16xi32>
          %add3A_964 = arith.constant 0 : i32
          %add3A_965 = vector.broadcast %add3A_964 : i32 to vector<16xi32>
          %add3A_966 = arith.addi %add3A_451, %add3A_965 : vector<16xi32>
          tpu.vector_store_idx %arg7[%shift_right_arithmetic3A_963, %add3A_966], %gather3A_904 : memref<128x128xf32, #tpu.memory_space<vmem>>[vector<16xi32>, vector<16xi32>], vector<16xf32>,
          %gather3A_967 = tpu.vector_load_idx %arg5[%add3A_457, %add3A_589] : memref<64x256xf32, #tpu.memory_space<vmem>>[vector<16xi32>, vector<16xi32>], vector<16xf32>,
          %shift_right_arithmetic3A_968 = arith.constant 1 : i32
          %shift_right_arithmetic3A_969 = vector.broadcast %shift_right_arithmetic3A_968 : i32 to vector<16xi32>
          %shift_right_arithmetic3A_970 = arith.shrsi %add3A_585, %shift_right_arithmetic3A_969 : vector<16xi32>
          %add3A_971 = arith.constant 16 : i32
          %add3A_972 = vector.broadcast %add3A_971 : i32 to vector<16xi32>
          %add3A_973 = arith.addi %add3A_451, %add3A_972 : vector<16xi32>
          tpu.vector_store_idx %arg7[%shift_right_arithmetic3A_970, %add3A_973], %gather3A_911 : memref<128x128xf32, #tpu.memory_space<vmem>>[vector<16xi32>, vector<16xi32>], vector<16xf32>,
          %gather3A_974 = tpu.vector_load_idx %arg5[%add3A_460, %add3A_589] : memref<64x256xf32, #tpu.memory_space<vmem>>[vector<16xi32>, vector<16xi32>], vector<16xf32>,
          %shift_right_arithmetic3A_975 = arith.constant 1 : i32
          %shift_right_arithmetic3A_976 = vector.broadcast %shift_right_arithmetic3A_975 : i32 to vector<16xi32>
          %shift_right_arithmetic3A_977 = arith.shrsi %add3A_585, %shift_right_arithmetic3A_976 : vector<16xi32>
          %add3A_978 = arith.constant 32 : i32
          %add3A_979 = vector.broadcast %add3A_978 : i32 to vector<16xi32>
          %add3A_980 = arith.addi %add3A_451, %add3A_979 : vector<16xi32>
          tpu.vector_store_idx %arg7[%shift_right_arithmetic3A_977, %add3A_980], %gather3A_918 : memref<128x128xf32, #tpu.memory_space<vmem>>[vector<16xi32>, vector<16xi32>], vector<16xf32>,
          %gather3A_981 = tpu.vector_load_idx %arg5[%add3A_463, %add3A_589] : memref<64x256xf32, #tpu.memory_space<vmem>>[vector<16xi32>, vector<16xi32>], vector<16xf32>,
          %shift_right_arithmetic3A_982 = arith.constant 1 : i32
          %shift_right_arithmetic3A_983 = vector.broadcast %shift_right_arithmetic3A_982 : i32 to vector<16xi32>
          %shift_right_arithmetic3A_984 = arith.shrsi %add3A_585, %shift_right_arithmetic3A_983 : vector<16xi32>
          %add3A_985 = arith.constant 48 : i32
          %add3A_986 = vector.broadcast %add3A_985 : i32 to vector<16xi32>
          %add3A_987 = arith.addi %add3A_451, %add3A_986 : vector<16xi32>
          tpu.vector_store_idx %arg7[%shift_right_arithmetic3A_984, %add3A_987], %gather3A_925 : memref<128x128xf32, #tpu.memory_space<vmem>>[vector<16xi32>, vector<16xi32>], vector<16xf32>,
          %shift_right_arithmetic3A_988 = arith.constant 1 : i32
          %shift_right_arithmetic3A_989 = vector.broadcast %shift_right_arithmetic3A_988 : i32 to vector<16xi32>
          %shift_right_arithmetic3A_990 = arith.shrsi %add3A_587, %shift_right_arithmetic3A_989 : vector<16xi32>
          %add3A_991 = arith.constant 0 : i32
          %add3A_992 = vector.broadcast %add3A_991 : i32 to vector<16xi32>
          %add3A_993 = arith.addi %add3A_422, %add3A_992 : vector<16xi32>
          tpu.vector_store_idx %arg7[%shift_right_arithmetic3A_990, %add3A_993], %gather3A_932 : memref<128x128xf32, #tpu.memory_space<vmem>>[vector<16xi32>, vector<16xi32>], vector<16xf32>,
          %shift_right_arithmetic3A_994 = arith.constant 1 : i32
          %shift_right_arithmetic3A_995 = vector.broadcast %shift_right_arithmetic3A_994 : i32 to vector<16xi32>
          %shift_right_arithmetic3A_996 = arith.shrsi %add3A_587, %shift_right_arithmetic3A_995 : vector<16xi32>
          %add3A_997 = arith.constant 16 : i32
          %add3A_998 = vector.broadcast %add3A_997 : i32 to vector<16xi32>
          %add3A_999 = arith.addi %add3A_422, %add3A_998 : vector<16xi32>
          tpu.vector_store_idx %arg7[%shift_right_arithmetic3A_996, %add3A_999], %gather3A_939 : memref<128x128xf32, #tpu.memory_space<vmem>>[vector<16xi32>, vector<16xi32>], vector<16xf32>,
          %shift_right_arithmetic3A_1000 = arith.constant 1 : i32
          %shift_right_arithmetic3A_1001 = vector.broadcast %shift_right_arithmetic3A_1000 : i32 to vector<16xi32>
          %shift_right_arithmetic3A_1002 = arith.shrsi %add3A_587, %shift_right_arithmetic3A_1001 : vector<16xi32>
          %add3A_1003 = arith.constant 32 : i32
          %add3A_1004 = vector.broadcast %add3A_1003 : i32 to vector<16xi32>
          %add3A_1005 = arith.addi %add3A_422, %add3A_1004 : vector<16xi32>
          tpu.vector_store_idx %arg7[%shift_right_arithmetic3A_1002, %add3A_1005], %gather3A_946 : memref<128x128xf32, #tpu.memory_space<vmem>>[vector<16xi32>, vector<16xi32>], vector<16xf32>,
          %shift_right_arithmetic3A_1006 = arith.constant 1 : i32
          %shift_right_arithmetic3A_1007 = vector.broadcast %shift_right_arithmetic3A_1006 : i32 to vector<16xi32>
          %shift_right_arithmetic3A_1008 = arith.shrsi %add3A_587, %shift_right_arithmetic3A_1007 : vector<16xi32>
          %add3A_1009 = arith.constant 48 : i32
          %add3A_1010 = vector.broadcast %add3A_1009 : i32 to vector<16xi32>
          %add3A_1011 = arith.addi %add3A_422, %add3A_1010 : vector<16xi32>
          tpu.vector_store_idx %arg7[%shift_right_arithmetic3A_1008, %add3A_1011], %gather3A_953 : memref<128x128xf32, #tpu.memory_space<vmem>>[vector<16xi32>, vector<16xi32>], vector<16xf32>,
          %shift_right_arithmetic3A_1012 = arith.constant 1 : i32
          %shift_right_arithmetic3A_1013 = vector.broadcast %shift_right_arithmetic3A_1012 : i32 to vector<16xi32>
          %shift_right_arithmetic3A_1014 = arith.shrsi %add3A_589, %shift_right_arithmetic3A_1013 : vector<16xi32>
          %add3A_1015 = arith.constant 0 : i32
          %add3A_1016 = vector.broadcast %add3A_1015 : i32 to vector<16xi32>
          %add3A_1017 = arith.addi %add3A_451, %add3A_1016 : vector<16xi32>
          tpu.vector_store_idx %arg7[%shift_right_arithmetic3A_1014, %add3A_1017], %gather3A_960 : memref<128x128xf32, #tpu.memory_space<vmem>>[vector<16xi32>, vector<16xi32>], vector<16xf32>,
          %shift_right_arithmetic3A_1018 = arith.constant 1 : i32
          %shift_right_arithmetic3A_1019 = vector.broadcast %shift_right_arithmetic3A_1018 : i32 to vector<16xi32>
          %shift_right_arithmetic3A_1020 = arith.shrsi %add3A_589, %shift_right_arithmetic3A_1019 : vector<16xi32>
          %add3A_1021 = arith.constant 16 : i32
          %add3A_1022 = vector.broadcast %add3A_1021 : i32 to vector<16xi32>
          %add3A_1023 = arith.addi %add3A_451, %add3A_1022 : vector<16xi32>
          tpu.vector_store_idx %arg7[%shift_right_arithmetic3A_1020, %add3A_1023], %gather3A_967 : memref<128x128xf32, #tpu.memory_space<vmem>>[vector<16xi32>, vector<16xi32>], vector<16xf32>,
          %shift_right_arithmetic3A_1024 = arith.constant 1 : i32
          %shift_right_arithmetic3A_1025 = vector.broadcast %shift_right_arithmetic3A_1024 : i32 to vector<16xi32>
          %shift_right_arithmetic3A_1026 = arith.shrsi %add3A_589, %shift_right_arithmetic3A_1025 : vector<16xi32>
          %add3A_1027 = arith.constant 32 : i32
          %add3A_1028 = vector.broadcast %add3A_1027 : i32 to vector<16xi32>
          %add3A_1029 = arith.addi %add3A_451, %add3A_1028 : vector<16xi32>
          tpu.vector_store_idx %arg7[%shift_right_arithmetic3A_1026, %add3A_1029], %gather3A_974 : memref<128x128xf32, #tpu.memory_space<vmem>>[vector<16xi32>, vector<16xi32>], vector<16xf32>,
          %shift_right_arithmetic3A_1030 = arith.constant 1 : i32
          %shift_right_arithmetic3A_1031 = vector.broadcast %shift_right_arithmetic3A_1030 : i32 to vector<16xi32>
          %shift_right_arithmetic3A_1032 = arith.shrsi %add3A_589, %shift_right_arithmetic3A_1031 : vector<16xi32>
          %add3A_1033 = arith.constant 48 : i32
          %add3A_1034 = vector.broadcast %add3A_1033 : i32 to vector<16xi32>
          %add3A_1035 = arith.addi %add3A_451, %add3A_1034 : vector<16xi32>
          tpu.vector_store_idx %arg7[%shift_right_arithmetic3A_1032, %add3A_1035], %gather3A_981 : memref<128x128xf32, #tpu.memory_space<vmem>>[vector<16xi32>, vector<16xi32>], vector<16xf32>,
        }
        %scan3A_549 = arith.constant 16 : i32
        %mul3A_550 = arith.constant 128 : i32
        %mul3A_551 = arith.muli %add3A_521, %mul3A_550 : i32
        %multiple_of3A = tpu.assume_multiple %mul3A_551, 128 : i32
        %dma_start3A = arith.constant 0 : i32
        %dma_start3A_552 = tpu.memref_slice %arg3[%multiple_of3A, %dma_start3A] : memref<500000x128xf32, #tpu.memory_space<hbm>> -> memref<128x128xf32, #tpu.memory_space<hbm>>
        %dma_start3A_553 = arith.constant 0 : i32
        %dma_start3A_554 = tpu.memref_slice %arg3[%multiple_of3A, %dma_start3A_553] : memref<500000x128xf32, #tpu.memory_space<hbm>> -> memref<128x128xf32, #tpu.memory_space<hbm>>
        tpu.enqueue_dma source(%arg7 : memref<128x128xf32, #tpu.memory_space<vmem>>) target(%dma_start3A_554 : memref<128x128xf32, #tpu.memory_space<hbm>>) target_semaphore(%arg11 : memref<!tpu.dma_semaphore, #tpu.memory_space<semaphore_mem>>)
      } else {
      }
    }
    %scan3A_471 = arith.constant 61 : i32
    %add3A_472 = arith.constant 3904 : i32
    %add3A_473 = arith.addi %add3A, %add3A_472 : i32
    %add3A_474 = arith.constant 32 : i32
    %add3A_475 = arith.addi %add3A_473, %add3A_474 : i32
    %lt3A_476 = arith.constant 3906 : i32
    %lt3A_477 = arith.cmpi slt, %add3A_475, %lt3A_476 : i32
    %convert_element_type3A_478 = arith.extui %lt3A_477 : i1 to i32
    %cond3A_479 = arith.constant 0 : i32
    %cond3A_480 = arith.cmpi ne, %convert_element_type3A_478, %cond3A_479 : i32
    scf.if %cond3A_480 {
      %mul3A_497 = arith.constant 256 : i32
      %mul3A_498 = arith.muli %add3A_475, %mul3A_497 : i32
      %multiple_of3A = tpu.assume_multiple %mul3A_498, 256 : i32
      %dma_start3A = arith.constant 0 : i32
      %dma_start3A_499 = tpu.memref_slice %arg2[%dma_start3A, %multiple_of3A] : memref<64x1000000xf32, #tpu.memory_space<hbm>> -> memref<64x256xf32, #tpu.memory_space<hbm>>
      %dma_start3A_500 = arith.constant 0 : i32
      %dma_start3A_501 = tpu.memref_slice %arg2[%dma_start3A_500, %multiple_of3A] : memref<64x1000000xf32, #tpu.memory_space<hbm>> -> memref<64x256xf32, #tpu.memory_space<hbm>>
      tpu.enqueue_dma source(%dma_start3A_501 : memref<64x256xf32, #tpu.memory_space<hbm>>) target(%arg5 : memref<64x256xf32, #tpu.memory_space<vmem>>) target_semaphore(%arg9 : memref<!tpu.dma_semaphore, #tpu.memory_space<semaphore_mem>>)
    } else {
    }
    %lt3A_481 = arith.constant 3906 : i32
    %lt3A_482 = arith.cmpi slt, %add3A_473, %lt3A_481 : i32
    %convert_element_type3A_483 = arith.extui %lt3A_482 : i1 to i32
    %cond3A_484 = arith.constant 0 : i32
    %cond3A_485 = arith.cmpi ne, %convert_element_type3A_483, %cond3A_484 : i32
    scf.if %cond3A_485 {
      %dma_wait3A_497 = arith.constant 0 : i32
      %dma_wait3A_498 = arith.constant 0 : i32
      %dma_wait3A_499 = tpu.memref_slice %arg2[%dma_wait3A_497, %dma_wait3A_498] : memref<64x1000000xf32, #tpu.memory_space<hbm>> -> memref<64x256xf32, #tpu.memory_space<hbm>>
      %dma_wait3A_500 = arith.constant 0 : i32
      %dma_wait3A_501 = arith.constant 0 : i32
      %dma_wait3A_502 = tpu.memref_slice %arg2[%dma_wait3A_500, %dma_wait3A_501] : memref<64x1000000xf32, #tpu.memory_space<hbm>> -> memref<64x256xf32, #tpu.memory_space<hbm>>
      tpu.wait_dma2 semaphore(%arg8 : memref<!tpu.dma_semaphore, #tpu.memory_space<semaphore_mem>>) src(%dma_wait3A_502 : memref<64x256xf32, #tpu.memory_space<hbm>>) dst(%arg4 : memref<64x256xf32, #tpu.memory_space<vmem>>)
      %dma_wait3A_503 = arith.constant 0 : i32
      %dma_wait3A_504 = arith.constant 0 : i32
      %dma_wait3A_505 = tpu.memref_slice %arg3[%dma_wait3A_503, %dma_wait3A_504] : memref<500000x128xf32, #tpu.memory_space<hbm>> -> memref<128x128xf32, #tpu.memory_space<hbm>>
      %dma_wait3A_506 = arith.constant 0 : i32
      %dma_wait3A_507 = arith.constant 0 : i32
      %dma_wait3A_508 = tpu.memref_slice %arg3[%dma_wait3A_506, %dma_wait3A_507] : memref<500000x128xf32, #tpu.memory_space<hbm>> -> memref<128x128xf32, #tpu.memory_space<hbm>>
      tpu.wait_dma2 semaphore(%arg10 : memref<!tpu.dma_semaphore, #tpu.memory_space<semaphore_mem>>) src(%arg6 : memref<128x128xf32, #tpu.memory_space<vmem>>) dst(%dma_wait3A_508 : memref<128x128xf32, #tpu.memory_space<hbm>>)
      %scan3A_509 = arith.constant 0 : i32
      %scan3A_510 = arith.constant 0 : i32
      %scan3A_511 = arith.constant 16 : i32
      %scan3A_512 = arith.addi %scan3A_510, %scan3A_511 : i32
      %scan3A_513 = arith.constant 1 : i32
      scf.for %scan3A_520 = %scan3A_510 to %scan3A_512 step %scan3A_513  : i32 {
        %mul3A_521 = arith.constant 16 : i32
        %mul3A_522 = arith.muli %scan3A_520, %mul3A_521 : i32
        %add3A_523 = vector.broadcast %mul3A_522 : i32 to vector<16xi32>
        %add3A_524 = arith.addi %add3A_523, %select_n3A_18 : vector<16xi32>
        %add3A_525 = vector.broadcast %mul3A_522 : i32 to vector<16xi32>
        %add3A_526 = arith.addi %add3A_525, %select_n3A_43 : vector<16xi32>
        %add3A_527 = vector.broadcast %mul3A_522 : i32 to vector<16xi32>
        %add3A_528 = arith.addi %add3A_527, %select_n3A_68 : vector<16xi32>
        %add3A_529 = vector.broadcast %mul3A_522 : i32 to vector<16xi32>
        %add3A_530 = arith.addi %add3A_529, %select_n3A_93 : vector<16xi32>
        %add3A_531 = vector.broadcast %mul3A_522 : i32 to vector<16xi32>
        %add3A_532 = arith.addi %add3A_531, %select_n3A_118 : vector<16xi32>
        %add3A_533 = vector.broadcast %mul3A_522 : i32 to vector<16xi32>
        %add3A_534 = arith.addi %add3A_533, %select_n3A_143 : vector<16xi32>
        %add3A_535 = vector.broadcast %mul3A_522 : i32 to vector<16xi32>
        %add3A_536 = arith.addi %add3A_535, %select_n3A_168 : vector<16xi32>
        %add3A_537 = vector.broadcast %mul3A_522 : i32 to vector<16xi32>
        %add3A_538 = arith.addi %add3A_537, %select_n3A_193 : vector<16xi32>
        %add3A_539 = vector.broadcast %mul3A_522 : i32 to vector<16xi32>
        %add3A_540 = arith.addi %add3A_539, %select_n3A_218 : vector<16xi32>
        %add3A_541 = vector.broadcast %mul3A_522 : i32 to vector<16xi32>
        %add3A_542 = arith.addi %add3A_541, %select_n3A_243 : vector<16xi32>
        %add3A_543 = vector.broadcast %mul3A_522 : i32 to vector<16xi32>
        %add3A_544 = arith.addi %add3A_543, %select_n3A_268 : vector<16xi32>
        %add3A_545 = vector.broadcast %mul3A_522 : i32 to vector<16xi32>
        %add3A_546 = arith.addi %add3A_545, %select_n3A_293 : vector<16xi32>
        %add3A_547 = vector.broadcast %mul3A_522 : i32 to vector<16xi32>
        %add3A_548 = arith.addi %add3A_547, %select_n3A_318 : vector<16xi32>
        %add3A_549 = vector.broadcast %mul3A_522 : i32 to vector<16xi32>
        %add3A_550 = arith.addi %add3A_549, %select_n3A_343 : vector<16xi32>
        %add3A_551 = vector.broadcast %mul3A_522 : i32 to vector<16xi32>
        %add3A_552 = arith.addi %add3A_551, %select_n3A_368 : vector<16xi32>
        %add3A_553 = vector.broadcast %mul3A_522 : i32 to vector<16xi32>
        %add3A_554 = arith.addi %add3A_553, %select_n3A_393 : vector<16xi32>
        %gather3A = tpu.vector_load_idx %arg4[%add3A_454, %add3A_524] : memref<64x256xf32, #tpu.memory_space<vmem>>[vector<16xi32>, vector<16xi32>], vector<16xf32>,
        %gather3A_555 = tpu.vector_load_idx %arg4[%add3A_457, %add3A_524] : memref<64x256xf32, #tpu.memory_space<vmem>>[vector<16xi32>, vector<16xi32>], vector<16xf32>,
        %gather3A_556 = tpu.vector_load_idx %arg4[%add3A_460, %add3A_524] : memref<64x256xf32, #tpu.memory_space<vmem>>[vector<16xi32>, vector<16xi32>], vector<16xf32>,
        %gather3A_557 = tpu.vector_load_idx %arg4[%add3A_463, %add3A_524] : memref<64x256xf32, #tpu.memory_space<vmem>>[vector<16xi32>, vector<16xi32>], vector<16xf32>,
        %gather3A_558 = tpu.vector_load_idx %arg4[%add3A_454, %add3A_526] : memref<64x256xf32, #tpu.memory_space<vmem>>[vector<16xi32>, vector<16xi32>], vector<16xf32>,
        %gather3A_559 = tpu.vector_load_idx %arg4[%add3A_457, %add3A_526] : memref<64x256xf32, #tpu.memory_space<vmem>>[vector<16xi32>, vector<16xi32>], vector<16xf32>,
        %gather3A_560 = tpu.vector_load_idx %arg4[%add3A_460, %add3A_526] : memref<64x256xf32, #tpu.memory_space<vmem>>[vector<16xi32>, vector<16xi32>], vector<16xf32>,
        %gather3A_561 = tpu.vector_load_idx %arg4[%add3A_463, %add3A_526] : memref<64x256xf32, #tpu.memory_space<vmem>>[vector<16xi32>, vector<16xi32>], vector<16xf32>,
        %gather3A_562 = tpu.vector_load_idx %arg4[%add3A_454, %add3A_528] : memref<64x256xf32, #tpu.memory_space<vmem>>[vector<16xi32>, vector<16xi32>], vector<16xf32>,
        %shift_right_arithmetic3A = arith.constant 1 : i32
        %shift_right_arithmetic3A_563 = vector.broadcast %shift_right_arithmetic3A : i32 to vector<16xi32>
        %shift_right_arithmetic3A_564 = arith.shrsi %add3A_524, %shift_right_arithmetic3A_563 : vector<16xi32>
        %add3A_565 = arith.constant 0 : i32
        %add3A_566 = vector.broadcast %add3A_565 : i32 to vector<16xi32>
        %add3A_567 = arith.addi %add3A_422, %add3A_566 : vector<16xi32>
        tpu.vector_store_idx %arg6[%shift_right_arithmetic3A_564, %add3A_567], %gather3A : memref<128x128xf32, #tpu.memory_space<vmem>>[vector<16xi32>, vector<16xi32>], vector<16xf32>,
        %gather3A_568 = tpu.vector_load_idx %arg4[%add3A_457, %add3A_528] : memref<64x256xf32, #tpu.memory_space<vmem>>[vector<16xi32>, vector<16xi32>], vector<16xf32>,
        %shift_right_arithmetic3A_569 = arith.constant 1 : i32
        %shift_right_arithmetic3A_570 = vector.broadcast %shift_right_arithmetic3A_569 : i32 to vector<16xi32>
        %shift_right_arithmetic3A_571 = arith.shrsi %add3A_524, %shift_right_arithmetic3A_570 : vector<16xi32>
        %add3A_572 = arith.constant 16 : i32
        %add3A_573 = vector.broadcast %add3A_572 : i32 to vector<16xi32>
        %add3A_574 = arith.addi %add3A_422, %add3A_573 : vector<16xi32>
        tpu.vector_store_idx %arg6[%shift_right_arithmetic3A_571, %add3A_574], %gather3A_555 : memref<128x128xf32, #tpu.memory_space<vmem>>[vector<16xi32>, vector<16xi32>], vector<16xf32>,
        %gather3A_575 = tpu.vector_load_idx %arg4[%add3A_460, %add3A_528] : memref<64x256xf32, #tpu.memory_space<vmem>>[vector<16xi32>, vector<16xi32>], vector<16xf32>,
        %shift_right_arithmetic3A_576 = arith.constant 1 : i32
        %shift_right_arithmetic3A_577 = vector.broadcast %shift_right_arithmetic3A_576 : i32 to vector<16xi32>
        %shift_right_arithmetic3A_578 = arith.shrsi %add3A_524, %shift_right_arithmetic3A_577 : vector<16xi32>
        %add3A_579 = arith.constant 32 : i32
        %add3A_580 = vector.broadcast %add3A_579 : i32 to vector<16xi32>
        %add3A_581 = arith.addi %add3A_422, %add3A_580 : vector<16xi32>
        tpu.vector_store_idx %arg6[%shift_right_arithmetic3A_578, %add3A_581], %gather3A_556 : memref<128x128xf32, #tpu.memory_space<vmem>>[vector<16xi32>, vector<16xi32>], vector<16xf32>,
        %gather3A_582 = tpu.vector_load_idx %arg4[%add3A_463, %add3A_528] : memref<64x256xf32, #tpu.memory_space<vmem>>[vector<16xi32>, vector<16xi32>], vector<16xf32>,
        %shift_right_arithmetic3A_583 = arith.constant 1 : i32
        %shift_right_arithmetic3A_584 = vector.broadcast %shift_right_arithmetic3A_583 : i32 to vector<16xi32>
        %shift_right_arithmetic3A_585 = arith.shrsi %add3A_524, %shift_right_arithmetic3A_584 : vector<16xi32>
        %add3A_586 = arith.constant 48 : i32
        %add3A_587 = vector.broadcast %add3A_586 : i32 to vector<16xi32>
        %add3A_588 = arith.addi %add3A_422, %add3A_587 : vector<16xi32>
        tpu.vector_store_idx %arg6[%shift_right_arithmetic3A_585, %add3A_588], %gather3A_557 : memref<128x128xf32, #tpu.memory_space<vmem>>[vector<16xi32>, vector<16xi32>], vector<16xf32>,
        %gather3A_589 = tpu.vector_load_idx %arg4[%add3A_454, %add3A_530] : memref<64x256xf32, #tpu.memory_space<vmem>>[vector<16xi32>, vector<16xi32>], vector<16xf32>,
        %shift_right_arithmetic3A_590 = arith.constant 1 : i32
        %shift_right_arithmetic3A_591 = vector.broadcast %shift_right_arithmetic3A_590 : i32 to vector<16xi32>
        %shift_right_arithmetic3A_592 = arith.shrsi %add3A_526, %shift_right_arithmetic3A_591 : vector<16xi32>
        %add3A_593 = arith.constant 0 : i32
        %add3A_594 = vector.broadcast %add3A_593 : i32 to vector<16xi32>
        %add3A_595 = arith.addi %add3A_451, %add3A_594 : vector<16xi32>
        tpu.vector_store_idx %arg6[%shift_right_arithmetic3A_592, %add3A_595], %gather3A_558 : memref<128x128xf32, #tpu.memory_space<vmem>>[vector<16xi32>, vector<16xi32>], vector<16xf32>,
        %gather3A_596 = tpu.vector_load_idx %arg4[%add3A_457, %add3A_530] : memref<64x256xf32, #tpu.memory_space<vmem>>[vector<16xi32>, vector<16xi32>], vector<16xf32>,
        %shift_right_arithmetic3A_597 = arith.constant 1 : i32
        %shift_right_arithmetic3A_598 = vector.broadcast %shift_right_arithmetic3A_597 : i32 to vector<16xi32>
        %shift_right_arithmetic3A_599 = arith.shrsi %add3A_526, %shift_right_arithmetic3A_598 : vector<16xi32>
        %add3A_600 = arith.constant 16 : i32
        %add3A_601 = vector.broadcast %add3A_600 : i32 to vector<16xi32>
        %add3A_602 = arith.addi %add3A_451, %add3A_601 : vector<16xi32>
        tpu.vector_store_idx %arg6[%shift_right_arithmetic3A_599, %add3A_602], %gather3A_559 : memref<128x128xf32, #tpu.memory_space<vmem>>[vector<16xi32>, vector<16xi32>], vector<16xf32>,
        %gather3A_603 = tpu.vector_load_idx %arg4[%add3A_460, %add3A_530] : memref<64x256xf32, #tpu.memory_space<vmem>>[vector<16xi32>, vector<16xi32>], vector<16xf32>,
        %shift_right_arithmetic3A_604 = arith.constant 1 : i32
        %shift_right_arithmetic3A_605 = vector.broadcast %shift_right_arithmetic3A_604 : i32 to vector<16xi32>
        %shift_right_arithmetic3A_606 = arith.shrsi %add3A_526, %shift_right_arithmetic3A_605 : vector<16xi32>
        %add3A_607 = arith.constant 32 : i32
        %add3A_608 = vector.broadcast %add3A_607 : i32 to vector<16xi32>
        %add3A_609 = arith.addi %add3A_451, %add3A_608 : vector<16xi32>
        tpu.vector_store_idx %arg6[%shift_right_arithmetic3A_606, %add3A_609], %gather3A_560 : memref<128x128xf32, #tpu.memory_space<vmem>>[vector<16xi32>, vector<16xi32>], vector<16xf32>,
        %gather3A_610 = tpu.vector_load_idx %arg4[%add3A_463, %add3A_530] : memref<64x256xf32, #tpu.memory_space<vmem>>[vector<16xi32>, vector<16xi32>], vector<16xf32>,
        %shift_right_arithmetic3A_611 = arith.constant 1 : i32
        %shift_right_arithmetic3A_612 = vector.broadcast %shift_right_arithmetic3A_611 : i32 to vector<16xi32>
        %shift_right_arithmetic3A_613 = arith.shrsi %add3A_526, %shift_right_arithmetic3A_612 : vector<16xi32>
        %add3A_614 = arith.constant 48 : i32
        %add3A_615 = vector.broadcast %add3A_614 : i32 to vector<16xi32>
        %add3A_616 = arith.addi %add3A_451, %add3A_615 : vector<16xi32>
        tpu.vector_store_idx %arg6[%shift_right_arithmetic3A_613, %add3A_616], %gather3A_561 : memref<128x128xf32, #tpu.memory_space<vmem>>[vector<16xi32>, vector<16xi32>], vector<16xf32>,
        %gather3A_617 = tpu.vector_load_idx %arg4[%add3A_454, %add3A_532] : memref<64x256xf32, #tpu.memory_space<vmem>>[vector<16xi32>, vector<16xi32>], vector<16xf32>,
        %shift_right_arithmetic3A_618 = arith.constant 1 : i32
        %shift_right_arithmetic3A_619 = vector.broadcast %shift_right_arithmetic3A_618 : i32 to vector<16xi32>
        %shift_right_arithmetic3A_620 = arith.shrsi %add3A_528, %shift_right_arithmetic3A_619 : vector<16xi32>
        %add3A_621 = arith.constant 0 : i32
        %add3A_622 = vector.broadcast %add3A_621 : i32 to vector<16xi32>
        %add3A_623 = arith.addi %add3A_422, %add3A_622 : vector<16xi32>
        tpu.vector_store_idx %arg6[%shift_right_arithmetic3A_620, %add3A_623], %gather3A_562 : memref<128x128xf32, #tpu.memory_space<vmem>>[vector<16xi32>, vector<16xi32>], vector<16xf32>,
        %gather3A_624 = tpu.vector_load_idx %arg4[%add3A_457, %add3A_532] : memref<64x256xf32, #tpu.memory_space<vmem>>[vector<16xi32>, vector<16xi32>], vector<16xf32>,
        %shift_right_arithmetic3A_625 = arith.constant 1 : i32
        %shift_right_arithmetic3A_626 = vector.broadcast %shift_right_arithmetic3A_625 : i32 to vector<16xi32>
        %shift_right_arithmetic3A_627 = arith.shrsi %add3A_528, %shift_right_arithmetic3A_626 : vector<16xi32>
        %add3A_628 = arith.constant 16 : i32
        %add3A_629 = vector.broadcast %add3A_628 : i32 to vector<16xi32>
        %add3A_630 = arith.addi %add3A_422, %add3A_629 : vector<16xi32>
        tpu.vector_store_idx %arg6[%shift_right_arithmetic3A_627, %add3A_630], %gather3A_568 : memref<128x128xf32, #tpu.memory_space<vmem>>[vector<16xi32>, vector<16xi32>], vector<16xf32>,
        %gather3A_631 = tpu.vector_load_idx %arg4[%add3A_460, %add3A_532] : memref<64x256xf32, #tpu.memory_space<vmem>>[vector<16xi32>, vector<16xi32>], vector<16xf32>,
        %shift_right_arithmetic3A_632 = arith.constant 1 : i32
        %shift_right_arithmetic3A_633 = vector.broadcast %shift_right_arithmetic3A_632 : i32 to vector<16xi32>
        %shift_right_arithmetic3A_634 = arith.shrsi %add3A_528, %shift_right_arithmetic3A_633 : vector<16xi32>
        %add3A_635 = arith.constant 32 : i32
        %add3A_636 = vector.broadcast %add3A_635 : i32 to vector<16xi32>
        %add3A_637 = arith.addi %add3A_422, %add3A_636 : vector<16xi32>
        tpu.vector_store_idx %arg6[%shift_right_arithmetic3A_634, %add3A_637], %gather3A_575 : memref<128x128xf32, #tpu.memory_space<vmem>>[vector<16xi32>, vector<16xi32>], vector<16xf32>,
        %gather3A_638 = tpu.vector_load_idx %arg4[%add3A_463, %add3A_532] : memref<64x256xf32, #tpu.memory_space<vmem>>[vector<16xi32>, vector<16xi32>], vector<16xf32>,
        %shift_right_arithmetic3A_639 = arith.constant 1 : i32
        %shift_right_arithmetic3A_640 = vector.broadcast %shift_right_arithmetic3A_639 : i32 to vector<16xi32>
        %shift_right_arithmetic3A_641 = arith.shrsi %add3A_528, %shift_right_arithmetic3A_640 : vector<16xi32>
        %add3A_642 = arith.constant 48 : i32
        %add3A_643 = vector.broadcast %add3A_642 : i32 to vector<16xi32>
        %add3A_644 = arith.addi %add3A_422, %add3A_643 : vector<16xi32>
        tpu.vector_store_idx %arg6[%shift_right_arithmetic3A_641, %add3A_644], %gather3A_582 : memref<128x128xf32, #tpu.memory_space<vmem>>[vector<16xi32>, vector<16xi32>], vector<16xf32>,
        %gather3A_645 = tpu.vector_load_idx %arg4[%add3A_454, %add3A_534] : memref<64x256xf32, #tpu.memory_space<vmem>>[vector<16xi32>, vector<16xi32>], vector<16xf32>,
        %shift_right_arithmetic3A_646 = arith.constant 1 : i32
        %shift_right_arithmetic3A_647 = vector.broadcast %shift_right_arithmetic3A_646 : i32 to vector<16xi32>
        %shift_right_arithmetic3A_648 = arith.shrsi %add3A_530, %shift_right_arithmetic3A_647 : vector<16xi32>
        %add3A_649 = arith.constant 0 : i32
        %add3A_650 = vector.broadcast %add3A_649 : i32 to vector<16xi32>
        %add3A_651 = arith.addi %add3A_451, %add3A_650 : vector<16xi32>
        tpu.vector_store_idx %arg6[%shift_right_arithmetic3A_648, %add3A_651], %gather3A_589 : memref<128x128xf32, #tpu.memory_space<vmem>>[vector<16xi32>, vector<16xi32>], vector<16xf32>,
        %gather3A_652 = tpu.vector_load_idx %arg4[%add3A_457, %add3A_534] : memref<64x256xf32, #tpu.memory_space<vmem>>[vector<16xi32>, vector<16xi32>], vector<16xf32>,
        %shift_right_arithmetic3A_653 = arith.constant 1 : i32
        %shift_right_arithmetic3A_654 = vector.broadcast %shift_right_arithmetic3A_653 : i32 to vector<16xi32>
        %shift_right_arithmetic3A_655 = arith.shrsi %add3A_530, %shift_right_arithmetic3A_654 : vector<16xi32>
        %add3A_656 = arith.constant 16 : i32
        %add3A_657 = vector.broadcast %add3A_656 : i32 to vector<16xi32>
        %add3A_658 = arith.addi %add3A_451, %add3A_657 : vector<16xi32>
        tpu.vector_store_idx %arg6[%shift_right_arithmetic3A_655, %add3A_658], %gather3A_596 : memref<128x128xf32, #tpu.memory_space<vmem>>[vector<16xi32>, vector<16xi32>], vector<16xf32>,
        %gather3A_659 = tpu.vector_load_idx %arg4[%add3A_460, %add3A_534] : memref<64x256xf32, #tpu.memory_space<vmem>>[vector<16xi32>, vector<16xi32>], vector<16xf32>,
        %shift_right_arithmetic3A_660 = arith.constant 1 : i32
        %shift_right_arithmetic3A_661 = vector.broadcast %shift_right_arithmetic3A_660 : i32 to vector<16xi32>
        %shift_right_arithmetic3A_662 = arith.shrsi %add3A_530, %shift_right_arithmetic3A_661 : vector<16xi32>
        %add3A_663 = arith.constant 32 : i32
        %add3A_664 = vector.broadcast %add3A_663 : i32 to vector<16xi32>
        %add3A_665 = arith.addi %add3A_451, %add3A_664 : vector<16xi32>
        tpu.vector_store_idx %arg6[%shift_right_arithmetic3A_662, %add3A_665], %gather3A_603 : memref<128x128xf32, #tpu.memory_space<vmem>>[vector<16xi32>, vector<16xi32>], vector<16xf32>,
        %gather3A_666 = tpu.vector_load_idx %arg4[%add3A_463, %add3A_534] : memref<64x256xf32, #tpu.memory_space<vmem>>[vector<16xi32>, vector<16xi32>], vector<16xf32>,
        %shift_right_arithmetic3A_667 = arith.constant 1 : i32
        %shift_right_arithmetic3A_668 = vector.broadcast %shift_right_arithmetic3A_667 : i32 to vector<16xi32>
        %shift_right_arithmetic3A_669 = arith.shrsi %add3A_530, %shift_right_arithmetic3A_668 : vector<16xi32>
        %add3A_670 = arith.constant 48 : i32
        %add3A_671 = vector.broadcast %add3A_670 : i32 to vector<16xi32>
        %add3A_672 = arith.addi %add3A_451, %add3A_671 : vector<16xi32>
        tpu.vector_store_idx %arg6[%shift_right_arithmetic3A_669, %add3A_672], %gather3A_610 : memref<128x128xf32, #tpu.memory_space<vmem>>[vector<16xi32>, vector<16xi32>], vector<16xf32>,
        %gather3A_673 = tpu.vector_load_idx %arg4[%add3A_454, %add3A_536] : memref<64x256xf32, #tpu.memory_space<vmem>>[vector<16xi32>, vector<16xi32>], vector<16xf32>,
        %shift_right_arithmetic3A_674 = arith.constant 1 : i32
        %shift_right_arithmetic3A_675 = vector.broadcast %shift_right_arithmetic3A_674 : i32 to vector<16xi32>
        %shift_right_arithmetic3A_676 = arith.shrsi %add3A_532, %shift_right_arithmetic3A_675 : vector<16xi32>
        %add3A_677 = arith.constant 0 : i32
        %add3A_678 = vector.broadcast %add3A_677 : i32 to vector<16xi32>
        %add3A_679 = arith.addi %add3A_422, %add3A_678 : vector<16xi32>
        tpu.vector_store_idx %arg6[%shift_right_arithmetic3A_676, %add3A_679], %gather3A_617 : memref<128x128xf32, #tpu.memory_space<vmem>>[vector<16xi32>, vector<16xi32>], vector<16xf32>,
        %gather3A_680 = tpu.vector_load_idx %arg4[%add3A_457, %add3A_536] : memref<64x256xf32, #tpu.memory_space<vmem>>[vector<16xi32>, vector<16xi32>], vector<16xf32>,
        %shift_right_arithmetic3A_681 = arith.constant 1 : i32
        %shift_right_arithmetic3A_682 = vector.broadcast %shift_right_arithmetic3A_681 : i32 to vector<16xi32>
        %shift_right_arithmetic3A_683 = arith.shrsi %add3A_532, %shift_right_arithmetic3A_682 : vector<16xi32>
        %add3A_684 = arith.constant 16 : i32
        %add3A_685 = vector.broadcast %add3A_684 : i32 to vector<16xi32>
        %add3A_686 = arith.addi %add3A_422, %add3A_685 : vector<16xi32>
        tpu.vector_store_idx %arg6[%shift_right_arithmetic3A_683, %add3A_686], %gather3A_624 : memref<128x128xf32, #tpu.memory_space<vmem>>[vector<16xi32>, vector<16xi32>], vector<16xf32>,
        %gather3A_687 = tpu.vector_load_idx %arg4[%add3A_460, %add3A_536] : memref<64x256xf32, #tpu.memory_space<vmem>>[vector<16xi32>, vector<16xi32>], vector<16xf32>,
        %shift_right_arithmetic3A_688 = arith.constant 1 : i32
        %shift_right_arithmetic3A_689 = vector.broadcast %shift_right_arithmetic3A_688 : i32 to vector<16xi32>
        %shift_right_arithmetic3A_690 = arith.shrsi %add3A_532, %shift_right_arithmetic3A_689 : vector<16xi32>
        %add3A_691 = arith.constant 32 : i32
        %add3A_692 = vector.broadcast %add3A_691 : i32 to vector<16xi32>
        %add3A_693 = arith.addi %add3A_422, %add3A_692 : vector<16xi32>
        tpu.vector_store_idx %arg6[%shift_right_arithmetic3A_690, %add3A_693], %gather3A_631 : memref<128x128xf32, #tpu.memory_space<vmem>>[vector<16xi32>, vector<16xi32>], vector<16xf32>,
        %gather3A_694 = tpu.vector_load_idx %arg4[%add3A_463, %add3A_536] : memref<64x256xf32, #tpu.memory_space<vmem>>[vector<16xi32>, vector<16xi32>], vector<16xf32>,
        %shift_right_arithmetic3A_695 = arith.constant 1 : i32
        %shift_right_arithmetic3A_696 = vector.broadcast %shift_right_arithmetic3A_695 : i32 to vector<16xi32>
        %shift_right_arithmetic3A_697 = arith.shrsi %add3A_532, %shift_right_arithmetic3A_696 : vector<16xi32>
        %add3A_698 = arith.constant 48 : i32
        %add3A_699 = vector.broadcast %add3A_698 : i32 to vector<16xi32>
        %add3A_700 = arith.addi %add3A_422, %add3A_699 : vector<16xi32>
        tpu.vector_store_idx %arg6[%shift_right_arithmetic3A_697, %add3A_700], %gather3A_638 : memref<128x128xf32, #tpu.memory_space<vmem>>[vector<16xi32>, vector<16xi32>], vector<16xf32>,
        %gather3A_701 = tpu.vector_load_idx %arg4[%add3A_454, %add3A_538] : memref<64x256xf32, #tpu.memory_space<vmem>>[vector<16xi32>, vector<16xi32>], vector<16xf32>,
        %shift_right_arithmetic3A_702 = arith.constant 1 : i32
        %shift_right_arithmetic3A_703 = vector.broadcast %shift_right_arithmetic3A_702 : i32 to vector<16xi32>
        %shift_right_arithmetic3A_704 = arith.shrsi %add3A_534, %shift_right_arithmetic3A_703 : vector<16xi32>
        %add3A_705 = arith.constant 0 : i32
        %add3A_706 = vector.broadcast %add3A_705 : i32 to vector<16xi32>
        %add3A_707 = arith.addi %add3A_451, %add3A_706 : vector<16xi32>
        tpu.vector_store_idx %arg6[%shift_right_arithmetic3A_704, %add3A_707], %gather3A_645 : memref<128x128xf32, #tpu.memory_space<vmem>>[vector<16xi32>, vector<16xi32>], vector<16xf32>,
        %gather3A_708 = tpu.vector_load_idx %arg4[%add3A_457, %add3A_538] : memref<64x256xf32, #tpu.memory_space<vmem>>[vector<16xi32>, vector<16xi32>], vector<16xf32>,
        %shift_right_arithmetic3A_709 = arith.constant 1 : i32
        %shift_right_arithmetic3A_710 = vector.broadcast %shift_right_arithmetic3A_709 : i32 to vector<16xi32>
        %shift_right_arithmetic3A_711 = arith.shrsi %add3A_534, %shift_right_arithmetic3A_710 : vector<16xi32>
        %add3A_712 = arith.constant 16 : i32
        %add3A_713 = vector.broadcast %add3A_712 : i32 to vector<16xi32>
        %add3A_714 = arith.addi %add3A_451, %add3A_713 : vector<16xi32>
        tpu.vector_store_idx %arg6[%shift_right_arithmetic3A_711, %add3A_714], %gather3A_652 : memref<128x128xf32, #tpu.memory_space<vmem>>[vector<16xi32>, vector<16xi32>], vector<16xf32>,
        %gather3A_715 = tpu.vector_load_idx %arg4[%add3A_460, %add3A_538] : memref<64x256xf32, #tpu.memory_space<vmem>>[vector<16xi32>, vector<16xi32>], vector<16xf32>,
        %shift_right_arithmetic3A_716 = arith.constant 1 : i32
        %shift_right_arithmetic3A_717 = vector.broadcast %shift_right_arithmetic3A_716 : i32 to vector<16xi32>
        %shift_right_arithmetic3A_718 = arith.shrsi %add3A_534, %shift_right_arithmetic3A_717 : vector<16xi32>
        %add3A_719 = arith.constant 32 : i32
        %add3A_720 = vector.broadcast %add3A_719 : i32 to vector<16xi32>
        %add3A_721 = arith.addi %add3A_451, %add3A_720 : vector<16xi32>
        tpu.vector_store_idx %arg6[%shift_right_arithmetic3A_718, %add3A_721], %gather3A_659 : memref<128x128xf32, #tpu.memory_space<vmem>>[vector<16xi32>, vector<16xi32>], vector<16xf32>,
        %gather3A_722 = tpu.vector_load_idx %arg4[%add3A_463, %add3A_538] : memref<64x256xf32, #tpu.memory_space<vmem>>[vector<16xi32>, vector<16xi32>], vector<16xf32>,
        %shift_right_arithmetic3A_723 = arith.constant 1 : i32
        %shift_right_arithmetic3A_724 = vector.broadcast %shift_right_arithmetic3A_723 : i32 to vector<16xi32>
        %shift_right_arithmetic3A_725 = arith.shrsi %add3A_534, %shift_right_arithmetic3A_724 : vector<16xi32>
        %add3A_726 = arith.constant 48 : i32
        %add3A_727 = vector.broadcast %add3A_726 : i32 to vector<16xi32>
        %add3A_728 = arith.addi %add3A_451, %add3A_727 : vector<16xi32>
        tpu.vector_store_idx %arg6[%shift_right_arithmetic3A_725, %add3A_728], %gather3A_666 : memref<128x128xf32, #tpu.memory_space<vmem>>[vector<16xi32>, vector<16xi32>], vector<16xf32>,
        %gather3A_729 = tpu.vector_load_idx %arg4[%add3A_454, %add3A_540] : memref<64x256xf32, #tpu.memory_space<vmem>>[vector<16xi32>, vector<16xi32>], vector<16xf32>,
        %shift_right_arithmetic3A_730 = arith.constant 1 : i32
        %shift_right_arithmetic3A_731 = vector.broadcast %shift_right_arithmetic3A_730 : i32 to vector<16xi32>
        %shift_right_arithmetic3A_732 = arith.shrsi %add3A_536, %shift_right_arithmetic3A_731 : vector<16xi32>
        %add3A_733 = arith.constant 0 : i32
        %add3A_734 = vector.broadcast %add3A_733 : i32 to vector<16xi32>
        %add3A_735 = arith.addi %add3A_422, %add3A_734 : vector<16xi32>
        tpu.vector_store_idx %arg6[%shift_right_arithmetic3A_732, %add3A_735], %gather3A_673 : memref<128x128xf32, #tpu.memory_space<vmem>>[vector<16xi32>, vector<16xi32>], vector<16xf32>,
        %gather3A_736 = tpu.vector_load_idx %arg4[%add3A_457, %add3A_540] : memref<64x256xf32, #tpu.memory_space<vmem>>[vector<16xi32>, vector<16xi32>], vector<16xf32>,
        %shift_right_arithmetic3A_737 = arith.constant 1 : i32
        %shift_right_arithmetic3A_738 = vector.broadcast %shift_right_arithmetic3A_737 : i32 to vector<16xi32>
        %shift_right_arithmetic3A_739 = arith.shrsi %add3A_536, %shift_right_arithmetic3A_738 : vector<16xi32>
        %add3A_740 = arith.constant 16 : i32
        %add3A_741 = vector.broadcast %add3A_740 : i32 to vector<16xi32>
        %add3A_742 = arith.addi %add3A_422, %add3A_741 : vector<16xi32>
        tpu.vector_store_idx %arg6[%shift_right_arithmetic3A_739, %add3A_742], %gather3A_680 : memref<128x128xf32, #tpu.memory_space<vmem>>[vector<16xi32>, vector<16xi32>], vector<16xf32>,
        %gather3A_743 = tpu.vector_load_idx %arg4[%add3A_460, %add3A_540] : memref<64x256xf32, #tpu.memory_space<vmem>>[vector<16xi32>, vector<16xi32>], vector<16xf32>,
        %shift_right_arithmetic3A_744 = arith.constant 1 : i32
        %shift_right_arithmetic3A_745 = vector.broadcast %shift_right_arithmetic3A_744 : i32 to vector<16xi32>
        %shift_right_arithmetic3A_746 = arith.shrsi %add3A_536, %shift_right_arithmetic3A_745 : vector<16xi32>
        %add3A_747 = arith.constant 32 : i32
        %add3A_748 = vector.broadcast %add3A_747 : i32 to vector<16xi32>
        %add3A_749 = arith.addi %add3A_422, %add3A_748 : vector<16xi32>
        tpu.vector_store_idx %arg6[%shift_right_arithmetic3A_746, %add3A_749], %gather3A_687 : memref<128x128xf32, #tpu.memory_space<vmem>>[vector<16xi32>, vector<16xi32>], vector<16xf32>,
        %gather3A_750 = tpu.vector_load_idx %arg4[%add3A_463, %add3A_540] : memref<64x256xf32, #tpu.memory_space<vmem>>[vector<16xi32>, vector<16xi32>], vector<16xf32>,
        %shift_right_arithmetic3A_751 = arith.constant 1 : i32
        %shift_right_arithmetic3A_752 = vector.broadcast %shift_right_arithmetic3A_751 : i32 to vector<16xi32>
        %shift_right_arithmetic3A_753 = arith.shrsi %add3A_536, %shift_right_arithmetic3A_752 : vector<16xi32>
        %add3A_754 = arith.constant 48 : i32
        %add3A_755 = vector.broadcast %add3A_754 : i32 to vector<16xi32>
        %add3A_756 = arith.addi %add3A_422, %add3A_755 : vector<16xi32>
        tpu.vector_store_idx %arg6[%shift_right_arithmetic3A_753, %add3A_756], %gather3A_694 : memref<128x128xf32, #tpu.memory_space<vmem>>[vector<16xi32>, vector<16xi32>], vector<16xf32>,
        %gather3A_757 = tpu.vector_load_idx %arg4[%add3A_454, %add3A_542] : memref<64x256xf32, #tpu.memory_space<vmem>>[vector<16xi32>, vector<16xi32>], vector<16xf32>,
        %shift_right_arithmetic3A_758 = arith.constant 1 : i32
        %shift_right_arithmetic3A_759 = vector.broadcast %shift_right_arithmetic3A_758 : i32 to vector<16xi32>
        %shift_right_arithmetic3A_760 = arith.shrsi %add3A_538, %shift_right_arithmetic3A_759 : vector<16xi32>
        %add3A_761 = arith.constant 0 : i32
        %add3A_762 = vector.broadcast %add3A_761 : i32 to vector<16xi32>
        %add3A_763 = arith.addi %add3A_451, %add3A_762 : vector<16xi32>
        tpu.vector_store_idx %arg6[%shift_right_arithmetic3A_760, %add3A_763], %gather3A_701 : memref<128x128xf32, #tpu.memory_space<vmem>>[vector<16xi32>, vector<16xi32>], vector<16xf32>,
        %gather3A_764 = tpu.vector_load_idx %arg4[%add3A_457, %add3A_542] : memref<64x256xf32, #tpu.memory_space<vmem>>[vector<16xi32>, vector<16xi32>], vector<16xf32>,
        %shift_right_arithmetic3A_765 = arith.constant 1 : i32
        %shift_right_arithmetic3A_766 = vector.broadcast %shift_right_arithmetic3A_765 : i32 to vector<16xi32>
        %shift_right_arithmetic3A_767 = arith.shrsi %add3A_538, %shift_right_arithmetic3A_766 : vector<16xi32>
        %add3A_768 = arith.constant 16 : i32
        %add3A_769 = vector.broadcast %add3A_768 : i32 to vector<16xi32>
        %add3A_770 = arith.addi %add3A_451, %add3A_769 : vector<16xi32>
        tpu.vector_store_idx %arg6[%shift_right_arithmetic3A_767, %add3A_770], %gather3A_708 : memref<128x128xf32, #tpu.memory_space<vmem>>[vector<16xi32>, vector<16xi32>], vector<16xf32>,
        %gather3A_771 = tpu.vector_load_idx %arg4[%add3A_460, %add3A_542] : memref<64x256xf32, #tpu.memory_space<vmem>>[vector<16xi32>, vector<16xi32>], vector<16xf32>,
        %shift_right_arithmetic3A_772 = arith.constant 1 : i32
        %shift_right_arithmetic3A_773 = vector.broadcast %shift_right_arithmetic3A_772 : i32 to vector<16xi32>
        %shift_right_arithmetic3A_774 = arith.shrsi %add3A_538, %shift_right_arithmetic3A_773 : vector<16xi32>
        %add3A_775 = arith.constant 32 : i32
        %add3A_776 = vector.broadcast %add3A_775 : i32 to vector<16xi32>
        %add3A_777 = arith.addi %add3A_451, %add3A_776 : vector<16xi32>
        tpu.vector_store_idx %arg6[%shift_right_arithmetic3A_774, %add3A_777], %gather3A_715 : memref<128x128xf32, #tpu.memory_space<vmem>>[vector<16xi32>, vector<16xi32>], vector<16xf32>,
        %gather3A_778 = tpu.vector_load_idx %arg4[%add3A_463, %add3A_542] : memref<64x256xf32, #tpu.memory_space<vmem>>[vector<16xi32>, vector<16xi32>], vector<16xf32>,
        %shift_right_arithmetic3A_779 = arith.constant 1 : i32
        %shift_right_arithmetic3A_780 = vector.broadcast %shift_right_arithmetic3A_779 : i32 to vector<16xi32>
        %shift_right_arithmetic3A_781 = arith.shrsi %add3A_538, %shift_right_arithmetic3A_780 : vector<16xi32>
        %add3A_782 = arith.constant 48 : i32
        %add3A_783 = vector.broadcast %add3A_782 : i32 to vector<16xi32>
        %add3A_784 = arith.addi %add3A_451, %add3A_783 : vector<16xi32>
        tpu.vector_store_idx %arg6[%shift_right_arithmetic3A_781, %add3A_784], %gather3A_722 : memref<128x128xf32, #tpu.memory_space<vmem>>[vector<16xi32>, vector<16xi32>], vector<16xf32>,
        %gather3A_785 = tpu.vector_load_idx %arg4[%add3A_454, %add3A_544] : memref<64x256xf32, #tpu.memory_space<vmem>>[vector<16xi32>, vector<16xi32>], vector<16xf32>,
        %shift_right_arithmetic3A_786 = arith.constant 1 : i32
        %shift_right_arithmetic3A_787 = vector.broadcast %shift_right_arithmetic3A_786 : i32 to vector<16xi32>
        %shift_right_arithmetic3A_788 = arith.shrsi %add3A_540, %shift_right_arithmetic3A_787 : vector<16xi32>
        %add3A_789 = arith.constant 0 : i32
        %add3A_790 = vector.broadcast %add3A_789 : i32 to vector<16xi32>
        %add3A_791 = arith.addi %add3A_422, %add3A_790 : vector<16xi32>
        tpu.vector_store_idx %arg6[%shift_right_arithmetic3A_788, %add3A_791], %gather3A_729 : memref<128x128xf32, #tpu.memory_space<vmem>>[vector<16xi32>, vector<16xi32>], vector<16xf32>,
        %gather3A_792 = tpu.vector_load_idx %arg4[%add3A_457, %add3A_544] : memref<64x256xf32, #tpu.memory_space<vmem>>[vector<16xi32>, vector<16xi32>], vector<16xf32>,
        %shift_right_arithmetic3A_793 = arith.constant 1 : i32
        %shift_right_arithmetic3A_794 = vector.broadcast %shift_right_arithmetic3A_793 : i32 to vector<16xi32>
        %shift_right_arithmetic3A_795 = arith.shrsi %add3A_540, %shift_right_arithmetic3A_794 : vector<16xi32>
        %add3A_796 = arith.constant 16 : i32
        %add3A_797 = vector.broadcast %add3A_796 : i32 to vector<16xi32>
        %add3A_798 = arith.addi %add3A_422, %add3A_797 : vector<16xi32>
        tpu.vector_store_idx %arg6[%shift_right_arithmetic3A_795, %add3A_798], %gather3A_736 : memref<128x128xf32, #tpu.memory_space<vmem>>[vector<16xi32>, vector<16xi32>], vector<16xf32>,
        %gather3A_799 = tpu.vector_load_idx %arg4[%add3A_460, %add3A_544] : memref<64x256xf32, #tpu.memory_space<vmem>>[vector<16xi32>, vector<16xi32>], vector<16xf32>,
        %shift_right_arithmetic3A_800 = arith.constant 1 : i32
        %shift_right_arithmetic3A_801 = vector.broadcast %shift_right_arithmetic3A_800 : i32 to vector<16xi32>
        %shift_right_arithmetic3A_802 = arith.shrsi %add3A_540, %shift_right_arithmetic3A_801 : vector<16xi32>
        %add3A_803 = arith.constant 32 : i32
        %add3A_804 = vector.broadcast %add3A_803 : i32 to vector<16xi32>
        %add3A_805 = arith.addi %add3A_422, %add3A_804 : vector<16xi32>
        tpu.vector_store_idx %arg6[%shift_right_arithmetic3A_802, %add3A_805], %gather3A_743 : memref<128x128xf32, #tpu.memory_space<vmem>>[vector<16xi32>, vector<16xi32>], vector<16xf32>,
        %gather3A_806 = tpu.vector_load_idx %arg4[%add3A_463, %add3A_544] : memref<64x256xf32, #tpu.memory_space<vmem>>[vector<16xi32>, vector<16xi32>], vector<16xf32>,
        %shift_right_arithmetic3A_807 = arith.constant 1 : i32
        %shift_right_arithmetic3A_808 = vector.broadcast %shift_right_arithmetic3A_807 : i32 to vector<16xi32>
        %shift_right_arithmetic3A_809 = arith.shrsi %add3A_540, %shift_right_arithmetic3A_808 : vector<16xi32>
        %add3A_810 = arith.constant 48 : i32
        %add3A_811 = vector.broadcast %add3A_810 : i32 to vector<16xi32>
        %add3A_812 = arith.addi %add3A_422, %add3A_811 : vector<16xi32>
        tpu.vector_store_idx %arg6[%shift_right_arithmetic3A_809, %add3A_812], %gather3A_750 : memref<128x128xf32, #tpu.memory_space<vmem>>[vector<16xi32>, vector<16xi32>], vector<16xf32>,
        %gather3A_813 = tpu.vector_load_idx %arg4[%add3A_454, %add3A_546] : memref<64x256xf32, #tpu.memory_space<vmem>>[vector<16xi32>, vector<16xi32>], vector<16xf32>,
        %shift_right_arithmetic3A_814 = arith.constant 1 : i32
        %shift_right_arithmetic3A_815 = vector.broadcast %shift_right_arithmetic3A_814 : i32 to vector<16xi32>
        %shift_right_arithmetic3A_816 = arith.shrsi %add3A_542, %shift_right_arithmetic3A_815 : vector<16xi32>
        %add3A_817 = arith.constant 0 : i32
        %add3A_818 = vector.broadcast %add3A_817 : i32 to vector<16xi32>
        %add3A_819 = arith.addi %add3A_451, %add3A_818 : vector<16xi32>
        tpu.vector_store_idx %arg6[%shift_right_arithmetic3A_816, %add3A_819], %gather3A_757 : memref<128x128xf32, #tpu.memory_space<vmem>>[vector<16xi32>, vector<16xi32>], vector<16xf32>,
        %gather3A_820 = tpu.vector_load_idx %arg4[%add3A_457, %add3A_546] : memref<64x256xf32, #tpu.memory_space<vmem>>[vector<16xi32>, vector<16xi32>], vector<16xf32>,
        %shift_right_arithmetic3A_821 = arith.constant 1 : i32
        %shift_right_arithmetic3A_822 = vector.broadcast %shift_right_arithmetic3A_821 : i32 to vector<16xi32>
        %shift_right_arithmetic3A_823 = arith.shrsi %add3A_542, %shift_right_arithmetic3A_822 : vector<16xi32>
        %add3A_824 = arith.constant 16 : i32
        %add3A_825 = vector.broadcast %add3A_824 : i32 to vector<16xi32>
        %add3A_826 = arith.addi %add3A_451, %add3A_825 : vector<16xi32>
        tpu.vector_store_idx %arg6[%shift_right_arithmetic3A_823, %add3A_826], %gather3A_764 : memref<128x128xf32, #tpu.memory_space<vmem>>[vector<16xi32>, vector<16xi32>], vector<16xf32>,
        %gather3A_827 = tpu.vector_load_idx %arg4[%add3A_460, %add3A_546] : memref<64x256xf32, #tpu.memory_space<vmem>>[vector<16xi32>, vector<16xi32>], vector<16xf32>,
        %shift_right_arithmetic3A_828 = arith.constant 1 : i32
        %shift_right_arithmetic3A_829 = vector.broadcast %shift_right_arithmetic3A_828 : i32 to vector<16xi32>
        %shift_right_arithmetic3A_830 = arith.shrsi %add3A_542, %shift_right_arithmetic3A_829 : vector<16xi32>
        %add3A_831 = arith.constant 32 : i32
        %add3A_832 = vector.broadcast %add3A_831 : i32 to vector<16xi32>
        %add3A_833 = arith.addi %add3A_451, %add3A_832 : vector<16xi32>
        tpu.vector_store_idx %arg6[%shift_right_arithmetic3A_830, %add3A_833], %gather3A_771 : memref<128x128xf32, #tpu.memory_space<vmem>>[vector<16xi32>, vector<16xi32>], vector<16xf32>,
        %gather3A_834 = tpu.vector_load_idx %arg4[%add3A_463, %add3A_546] : memref<64x256xf32, #tpu.memory_space<vmem>>[vector<16xi32>, vector<16xi32>], vector<16xf32>,
        %shift_right_arithmetic3A_835 = arith.constant 1 : i32
        %shift_right_arithmetic3A_836 = vector.broadcast %shift_right_arithmetic3A_835 : i32 to vector<16xi32>
        %shift_right_arithmetic3A_837 = arith.shrsi %add3A_542, %shift_right_arithmetic3A_836 : vector<16xi32>
        %add3A_838 = arith.constant 48 : i32
        %add3A_839 = vector.broadcast %add3A_838 : i32 to vector<16xi32>
        %add3A_840 = arith.addi %add3A_451, %add3A_839 : vector<16xi32>
        tpu.vector_store_idx %arg6[%shift_right_arithmetic3A_837, %add3A_840], %gather3A_778 : memref<128x128xf32, #tpu.memory_space<vmem>>[vector<16xi32>, vector<16xi32>], vector<16xf32>,
        %gather3A_841 = tpu.vector_load_idx %arg4[%add3A_454, %add3A_548] : memref<64x256xf32, #tpu.memory_space<vmem>>[vector<16xi32>, vector<16xi32>], vector<16xf32>,
        %shift_right_arithmetic3A_842 = arith.constant 1 : i32
        %shift_right_arithmetic3A_843 = vector.broadcast %shift_right_arithmetic3A_842 : i32 to vector<16xi32>
        %shift_right_arithmetic3A_844 = arith.shrsi %add3A_544, %shift_right_arithmetic3A_843 : vector<16xi32>
        %add3A_845 = arith.constant 0 : i32
        %add3A_846 = vector.broadcast %add3A_845 : i32 to vector<16xi32>
        %add3A_847 = arith.addi %add3A_422, %add3A_846 : vector<16xi32>
        tpu.vector_store_idx %arg6[%shift_right_arithmetic3A_844, %add3A_847], %gather3A_785 : memref<128x128xf32, #tpu.memory_space<vmem>>[vector<16xi32>, vector<16xi32>], vector<16xf32>,
        %gather3A_848 = tpu.vector_load_idx %arg4[%add3A_457, %add3A_548] : memref<64x256xf32, #tpu.memory_space<vmem>>[vector<16xi32>, vector<16xi32>], vector<16xf32>,
        %shift_right_arithmetic3A_849 = arith.constant 1 : i32
        %shift_right_arithmetic3A_850 = vector.broadcast %shift_right_arithmetic3A_849 : i32 to vector<16xi32>
        %shift_right_arithmetic3A_851 = arith.shrsi %add3A_544, %shift_right_arithmetic3A_850 : vector<16xi32>
        %add3A_852 = arith.constant 16 : i32
        %add3A_853 = vector.broadcast %add3A_852 : i32 to vector<16xi32>
        %add3A_854 = arith.addi %add3A_422, %add3A_853 : vector<16xi32>
        tpu.vector_store_idx %arg6[%shift_right_arithmetic3A_851, %add3A_854], %gather3A_792 : memref<128x128xf32, #tpu.memory_space<vmem>>[vector<16xi32>, vector<16xi32>], vector<16xf32>,
        %gather3A_855 = tpu.vector_load_idx %arg4[%add3A_460, %add3A_548] : memref<64x256xf32, #tpu.memory_space<vmem>>[vector<16xi32>, vector<16xi32>], vector<16xf32>,
        %shift_right_arithmetic3A_856 = arith.constant 1 : i32
        %shift_right_arithmetic3A_857 = vector.broadcast %shift_right_arithmetic3A_856 : i32 to vector<16xi32>
        %shift_right_arithmetic3A_858 = arith.shrsi %add3A_544, %shift_right_arithmetic3A_857 : vector<16xi32>
        %add3A_859 = arith.constant 32 : i32
        %add3A_860 = vector.broadcast %add3A_859 : i32 to vector<16xi32>
        %add3A_861 = arith.addi %add3A_422, %add3A_860 : vector<16xi32>
        tpu.vector_store_idx %arg6[%shift_right_arithmetic3A_858, %add3A_861], %gather3A_799 : memref<128x128xf32, #tpu.memory_space<vmem>>[vector<16xi32>, vector<16xi32>], vector<16xf32>,
        %gather3A_862 = tpu.vector_load_idx %arg4[%add3A_463, %add3A_548] : memref<64x256xf32, #tpu.memory_space<vmem>>[vector<16xi32>, vector<16xi32>], vector<16xf32>,
        %shift_right_arithmetic3A_863 = arith.constant 1 : i32
        %shift_right_arithmetic3A_864 = vector.broadcast %shift_right_arithmetic3A_863 : i32 to vector<16xi32>
        %shift_right_arithmetic3A_865 = arith.shrsi %add3A_544, %shift_right_arithmetic3A_864 : vector<16xi32>
        %add3A_866 = arith.constant 48 : i32
        %add3A_867 = vector.broadcast %add3A_866 : i32 to vector<16xi32>
        %add3A_868 = arith.addi %add3A_422, %add3A_867 : vector<16xi32>
        tpu.vector_store_idx %arg6[%shift_right_arithmetic3A_865, %add3A_868], %gather3A_806 : memref<128x128xf32, #tpu.memory_space<vmem>>[vector<16xi32>, vector<16xi32>], vector<16xf32>,
        %gather3A_869 = tpu.vector_load_idx %arg4[%add3A_454, %add3A_550] : memref<64x256xf32, #tpu.memory_space<vmem>>[vector<16xi32>, vector<16xi32>], vector<16xf32>,
        %shift_right_arithmetic3A_870 = arith.constant 1 : i32
        %shift_right_arithmetic3A_871 = vector.broadcast %shift_right_arithmetic3A_870 : i32 to vector<16xi32>
        %shift_right_arithmetic3A_872 = arith.shrsi %add3A_546, %shift_right_arithmetic3A_871 : vector<16xi32>
        %add3A_873 = arith.constant 0 : i32
        %add3A_874 = vector.broadcast %add3A_873 : i32 to vector<16xi32>
        %add3A_875 = arith.addi %add3A_451, %add3A_874 : vector<16xi32>
        tpu.vector_store_idx %arg6[%shift_right_arithmetic3A_872, %add3A_875], %gather3A_813 : memref<128x128xf32, #tpu.memory_space<vmem>>[vector<16xi32>, vector<16xi32>], vector<16xf32>,
        %gather3A_876 = tpu.vector_load_idx %arg4[%add3A_457, %add3A_550] : memref<64x256xf32, #tpu.memory_space<vmem>>[vector<16xi32>, vector<16xi32>], vector<16xf32>,
        %shift_right_arithmetic3A_877 = arith.constant 1 : i32
        %shift_right_arithmetic3A_878 = vector.broadcast %shift_right_arithmetic3A_877 : i32 to vector<16xi32>
        %shift_right_arithmetic3A_879 = arith.shrsi %add3A_546, %shift_right_arithmetic3A_878 : vector<16xi32>
        %add3A_880 = arith.constant 16 : i32
        %add3A_881 = vector.broadcast %add3A_880 : i32 to vector<16xi32>
        %add3A_882 = arith.addi %add3A_451, %add3A_881 : vector<16xi32>
        tpu.vector_store_idx %arg6[%shift_right_arithmetic3A_879, %add3A_882], %gather3A_820 : memref<128x128xf32, #tpu.memory_space<vmem>>[vector<16xi32>, vector<16xi32>], vector<16xf32>,
        %gather3A_883 = tpu.vector_load_idx %arg4[%add3A_460, %add3A_550] : memref<64x256xf32, #tpu.memory_space<vmem>>[vector<16xi32>, vector<16xi32>], vector<16xf32>,
        %shift_right_arithmetic3A_884 = arith.constant 1 : i32
        %shift_right_arithmetic3A_885 = vector.broadcast %shift_right_arithmetic3A_884 : i32 to vector<16xi32>
        %shift_right_arithmetic3A_886 = arith.shrsi %add3A_546, %shift_right_arithmetic3A_885 : vector<16xi32>
        %add3A_887 = arith.constant 32 : i32
        %add3A_888 = vector.broadcast %add3A_887 : i32 to vector<16xi32>
        %add3A_889 = arith.addi %add3A_451, %add3A_888 : vector<16xi32>
        tpu.vector_store_idx %arg6[%shift_right_arithmetic3A_886, %add3A_889], %gather3A_827 : memref<128x128xf32, #tpu.memory_space<vmem>>[vector<16xi32>, vector<16xi32>], vector<16xf32>,
        %gather3A_890 = tpu.vector_load_idx %arg4[%add3A_463, %add3A_550] : memref<64x256xf32, #tpu.memory_space<vmem>>[vector<16xi32>, vector<16xi32>], vector<16xf32>,
        %shift_right_arithmetic3A_891 = arith.constant 1 : i32
        %shift_right_arithmetic3A_892 = vector.broadcast %shift_right_arithmetic3A_891 : i32 to vector<16xi32>
        %shift_right_arithmetic3A_893 = arith.shrsi %add3A_546, %shift_right_arithmetic3A_892 : vector<16xi32>
        %add3A_894 = arith.constant 48 : i32
        %add3A_895 = vector.broadcast %add3A_894 : i32 to vector<16xi32>
        %add3A_896 = arith.addi %add3A_451, %add3A_895 : vector<16xi32>
        tpu.vector_store_idx %arg6[%shift_right_arithmetic3A_893, %add3A_896], %gather3A_834 : memref<128x128xf32, #tpu.memory_space<vmem>>[vector<16xi32>, vector<16xi32>], vector<16xf32>,
        %gather3A_897 = tpu.vector_load_idx %arg4[%add3A_454, %add3A_552] : memref<64x256xf32, #tpu.memory_space<vmem>>[vector<16xi32>, vector<16xi32>], vector<16xf32>,
        %shift_right_arithmetic3A_898 = arith.constant 1 : i32
        %shift_right_arithmetic3A_899 = vector.broadcast %shift_right_arithmetic3A_898 : i32 to vector<16xi32>
        %shift_right_arithmetic3A_900 = arith.shrsi %add3A_548, %shift_right_arithmetic3A_899 : vector<16xi32>
        %add3A_901 = arith.constant 0 : i32
        %add3A_902 = vector.broadcast %add3A_901 : i32 to vector<16xi32>
        %add3A_903 = arith.addi %add3A_422, %add3A_902 : vector<16xi32>
        tpu.vector_store_idx %arg6[%shift_right_arithmetic3A_900, %add3A_903], %gather3A_841 : memref<128x128xf32, #tpu.memory_space<vmem>>[vector<16xi32>, vector<16xi32>], vector<16xf32>,
        %gather3A_904 = tpu.vector_load_idx %arg4[%add3A_457, %add3A_552] : memref<64x256xf32, #tpu.memory_space<vmem>>[vector<16xi32>, vector<16xi32>], vector<16xf32>,
        %shift_right_arithmetic3A_905 = arith.constant 1 : i32
        %shift_right_arithmetic3A_906 = vector.broadcast %shift_right_arithmetic3A_905 : i32 to vector<16xi32>
        %shift_right_arithmetic3A_907 = arith.shrsi %add3A_548, %shift_right_arithmetic3A_906 : vector<16xi32>
        %add3A_908 = arith.constant 16 : i32
        %add3A_909 = vector.broadcast %add3A_908 : i32 to vector<16xi32>
        %add3A_910 = arith.addi %add3A_422, %add3A_909 : vector<16xi32>
        tpu.vector_store_idx %arg6[%shift_right_arithmetic3A_907, %add3A_910], %gather3A_848 : memref<128x128xf32, #tpu.memory_space<vmem>>[vector<16xi32>, vector<16xi32>], vector<16xf32>,
        %gather3A_911 = tpu.vector_load_idx %arg4[%add3A_460, %add3A_552] : memref<64x256xf32, #tpu.memory_space<vmem>>[vector<16xi32>, vector<16xi32>], vector<16xf32>,
        %shift_right_arithmetic3A_912 = arith.constant 1 : i32
        %shift_right_arithmetic3A_913 = vector.broadcast %shift_right_arithmetic3A_912 : i32 to vector<16xi32>
        %shift_right_arithmetic3A_914 = arith.shrsi %add3A_548, %shift_right_arithmetic3A_913 : vector<16xi32>
        %add3A_915 = arith.constant 32 : i32
        %add3A_916 = vector.broadcast %add3A_915 : i32 to vector<16xi32>
        %add3A_917 = arith.addi %add3A_422, %add3A_916 : vector<16xi32>
        tpu.vector_store_idx %arg6[%shift_right_arithmetic3A_914, %add3A_917], %gather3A_855 : memref<128x128xf32, #tpu.memory_space<vmem>>[vector<16xi32>, vector<16xi32>], vector<16xf32>,
        %gather3A_918 = tpu.vector_load_idx %arg4[%add3A_463, %add3A_552] : memref<64x256xf32, #tpu.memory_space<vmem>>[vector<16xi32>, vector<16xi32>], vector<16xf32>,
        %shift_right_arithmetic3A_919 = arith.constant 1 : i32
        %shift_right_arithmetic3A_920 = vector.broadcast %shift_right_arithmetic3A_919 : i32 to vector<16xi32>
        %shift_right_arithmetic3A_921 = arith.shrsi %add3A_548, %shift_right_arithmetic3A_920 : vector<16xi32>
        %add3A_922 = arith.constant 48 : i32
        %add3A_923 = vector.broadcast %add3A_922 : i32 to vector<16xi32>
        %add3A_924 = arith.addi %add3A_422, %add3A_923 : vector<16xi32>
        tpu.vector_store_idx %arg6[%shift_right_arithmetic3A_921, %add3A_924], %gather3A_862 : memref<128x128xf32, #tpu.memory_space<vmem>>[vector<16xi32>, vector<16xi32>], vector<16xf32>,
        %gather3A_925 = tpu.vector_load_idx %arg4[%add3A_454, %add3A_554] : memref<64x256xf32, #tpu.memory_space<vmem>>[vector<16xi32>, vector<16xi32>], vector<16xf32>,
        %shift_right_arithmetic3A_926 = arith.constant 1 : i32
        %shift_right_arithmetic3A_927 = vector.broadcast %shift_right_arithmetic3A_926 : i32 to vector<16xi32>
        %shift_right_arithmetic3A_928 = arith.shrsi %add3A_550, %shift_right_arithmetic3A_927 : vector<16xi32>
        %add3A_929 = arith.constant 0 : i32
        %add3A_930 = vector.broadcast %add3A_929 : i32 to vector<16xi32>
        %add3A_931 = arith.addi %add3A_451, %add3A_930 : vector<16xi32>
        tpu.vector_store_idx %arg6[%shift_right_arithmetic3A_928, %add3A_931], %gather3A_869 : memref<128x128xf32, #tpu.memory_space<vmem>>[vector<16xi32>, vector<16xi32>], vector<16xf32>,
        %gather3A_932 = tpu.vector_load_idx %arg4[%add3A_457, %add3A_554] : memref<64x256xf32, #tpu.memory_space<vmem>>[vector<16xi32>, vector<16xi32>], vector<16xf32>,
        %shift_right_arithmetic3A_933 = arith.constant 1 : i32
        %shift_right_arithmetic3A_934 = vector.broadcast %shift_right_arithmetic3A_933 : i32 to vector<16xi32>
        %shift_right_arithmetic3A_935 = arith.shrsi %add3A_550, %shift_right_arithmetic3A_934 : vector<16xi32>
        %add3A_936 = arith.constant 16 : i32
        %add3A_937 = vector.broadcast %add3A_936 : i32 to vector<16xi32>
        %add3A_938 = arith.addi %add3A_451, %add3A_937 : vector<16xi32>
        tpu.vector_store_idx %arg6[%shift_right_arithmetic3A_935, %add3A_938], %gather3A_876 : memref<128x128xf32, #tpu.memory_space<vmem>>[vector<16xi32>, vector<16xi32>], vector<16xf32>,
        %gather3A_939 = tpu.vector_load_idx %arg4[%add3A_460, %add3A_554] : memref<64x256xf32, #tpu.memory_space<vmem>>[vector<16xi32>, vector<16xi32>], vector<16xf32>,
        %shift_right_arithmetic3A_940 = arith.constant 1 : i32
        %shift_right_arithmetic3A_941 = vector.broadcast %shift_right_arithmetic3A_940 : i32 to vector<16xi32>
        %shift_right_arithmetic3A_942 = arith.shrsi %add3A_550, %shift_right_arithmetic3A_941 : vector<16xi32>
        %add3A_943 = arith.constant 32 : i32
        %add3A_944 = vector.broadcast %add3A_943 : i32 to vector<16xi32>
        %add3A_945 = arith.addi %add3A_451, %add3A_944 : vector<16xi32>
        tpu.vector_store_idx %arg6[%shift_right_arithmetic3A_942, %add3A_945], %gather3A_883 : memref<128x128xf32, #tpu.memory_space<vmem>>[vector<16xi32>, vector<16xi32>], vector<16xf32>,
        %gather3A_946 = tpu.vector_load_idx %arg4[%add3A_463, %add3A_554] : memref<64x256xf32, #tpu.memory_space<vmem>>[vector<16xi32>, vector<16xi32>], vector<16xf32>,
        %shift_right_arithmetic3A_947 = arith.constant 1 : i32
        %shift_right_arithmetic3A_948 = vector.broadcast %shift_right_arithmetic3A_947 : i32 to vector<16xi32>
        %shift_right_arithmetic3A_949 = arith.shrsi %add3A_550, %shift_right_arithmetic3A_948 : vector<16xi32>
        %add3A_950 = arith.constant 48 : i32
        %add3A_951 = vector.broadcast %add3A_950 : i32 to vector<16xi32>
        %add3A_952 = arith.addi %add3A_451, %add3A_951 : vector<16xi32>
        tpu.vector_store_idx %arg6[%shift_right_arithmetic3A_949, %add3A_952], %gather3A_890 : memref<128x128xf32, #tpu.memory_space<vmem>>[vector<16xi32>, vector<16xi32>], vector<16xf32>,
        %shift_right_arithmetic3A_953 = arith.constant 1 : i32
        %shift_right_arithmetic3A_954 = vector.broadcast %shift_right_arithmetic3A_953 : i32 to vector<16xi32>
        %shift_right_arithmetic3A_955 = arith.shrsi %add3A_552, %shift_right_arithmetic3A_954 : vector<16xi32>
        %add3A_956 = arith.constant 0 : i32
        %add3A_957 = vector.broadcast %add3A_956 : i32 to vector<16xi32>
        %add3A_958 = arith.addi %add3A_422, %add3A_957 : vector<16xi32>
        tpu.vector_store_idx %arg6[%shift_right_arithmetic3A_955, %add3A_958], %gather3A_897 : memref<128x128xf32, #tpu.memory_space<vmem>>[vector<16xi32>, vector<16xi32>], vector<16xf32>,
        %shift_right_arithmetic3A_959 = arith.constant 1 : i32
        %shift_right_arithmetic3A_960 = vector.broadcast %shift_right_arithmetic3A_959 : i32 to vector<16xi32>
        %shift_right_arithmetic3A_961 = arith.shrsi %add3A_552, %shift_right_arithmetic3A_960 : vector<16xi32>
        %add3A_962 = arith.constant 16 : i32
        %add3A_963 = vector.broadcast %add3A_962 : i32 to vector<16xi32>
        %add3A_964 = arith.addi %add3A_422, %add3A_963 : vector<16xi32>
        tpu.vector_store_idx %arg6[%shift_right_arithmetic3A_961, %add3A_964], %gather3A_904 : memref<128x128xf32, #tpu.memory_space<vmem>>[vector<16xi32>, vector<16xi32>], vector<16xf32>,
        %shift_right_arithmetic3A_965 = arith.constant 1 : i32
        %shift_right_arithmetic3A_966 = vector.broadcast %shift_right_arithmetic3A_965 : i32 to vector<16xi32>
        %shift_right_arithmetic3A_967 = arith.shrsi %add3A_552, %shift_right_arithmetic3A_966 : vector<16xi32>
        %add3A_968 = arith.constant 32 : i32
        %add3A_969 = vector.broadcast %add3A_968 : i32 to vector<16xi32>
        %add3A_970 = arith.addi %add3A_422, %add3A_969 : vector<16xi32>
        tpu.vector_store_idx %arg6[%shift_right_arithmetic3A_967, %add3A_970], %gather3A_911 : memref<128x128xf32, #tpu.memory_space<vmem>>[vector<16xi32>, vector<16xi32>], vector<16xf32>,
        %shift_right_arithmetic3A_971 = arith.constant 1 : i32
        %shift_right_arithmetic3A_972 = vector.broadcast %shift_right_arithmetic3A_971 : i32 to vector<16xi32>
        %shift_right_arithmetic3A_973 = arith.shrsi %add3A_552, %shift_right_arithmetic3A_972 : vector<16xi32>
        %add3A_974 = arith.constant 48 : i32
        %add3A_975 = vector.broadcast %add3A_974 : i32 to vector<16xi32>
        %add3A_976 = arith.addi %add3A_422, %add3A_975 : vector<16xi32>
        tpu.vector_store_idx %arg6[%shift_right_arithmetic3A_973, %add3A_976], %gather3A_918 : memref<128x128xf32, #tpu.memory_space<vmem>>[vector<16xi32>, vector<16xi32>], vector<16xf32>,
        %shift_right_arithmetic3A_977 = arith.constant 1 : i32
        %shift_right_arithmetic3A_978 = vector.broadcast %shift_right_arithmetic3A_977 : i32 to vector<16xi32>
        %shift_right_arithmetic3A_979 = arith.shrsi %add3A_554, %shift_right_arithmetic3A_978 : vector<16xi32>
        %add3A_980 = arith.constant 0 : i32
        %add3A_981 = vector.broadcast %add3A_980 : i32 to vector<16xi32>
        %add3A_982 = arith.addi %add3A_451, %add3A_981 : vector<16xi32>
        tpu.vector_store_idx %arg6[%shift_right_arithmetic3A_979, %add3A_982], %gather3A_925 : memref<128x128xf32, #tpu.memory_space<vmem>>[vector<16xi32>, vector<16xi32>], vector<16xf32>,
        %shift_right_arithmetic3A_983 = arith.constant 1 : i32
        %shift_right_arithmetic3A_984 = vector.broadcast %shift_right_arithmetic3A_983 : i32 to vector<16xi32>
        %shift_right_arithmetic3A_985 = arith.shrsi %add3A_554, %shift_right_arithmetic3A_984 : vector<16xi32>
        %add3A_986 = arith.constant 16 : i32
        %add3A_987 = vector.broadcast %add3A_986 : i32 to vector<16xi32>
        %add3A_988 = arith.addi %add3A_451, %add3A_987 : vector<16xi32>
        tpu.vector_store_idx %arg6[%shift_right_arithmetic3A_985, %add3A_988], %gather3A_932 : memref<128x128xf32, #tpu.memory_space<vmem>>[vector<16xi32>, vector<16xi32>], vector<16xf32>,
        %shift_right_arithmetic3A_989 = arith.constant 1 : i32
        %shift_right_arithmetic3A_990 = vector.broadcast %shift_right_arithmetic3A_989 : i32 to vector<16xi32>
        %shift_right_arithmetic3A_991 = arith.shrsi %add3A_554, %shift_right_arithmetic3A_990 : vector<16xi32>
        %add3A_992 = arith.constant 32 : i32
        %add3A_993 = vector.broadcast %add3A_992 : i32 to vector<16xi32>
        %add3A_994 = arith.addi %add3A_451, %add3A_993 : vector<16xi32>
        tpu.vector_store_idx %arg6[%shift_right_arithmetic3A_991, %add3A_994], %gather3A_939 : memref<128x128xf32, #tpu.memory_space<vmem>>[vector<16xi32>, vector<16xi32>], vector<16xf32>,
        %shift_right_arithmetic3A_995 = arith.constant 1 : i32
        %shift_right_arithmetic3A_996 = vector.broadcast %shift_right_arithmetic3A_995 : i32 to vector<16xi32>
        %shift_right_arithmetic3A_997 = arith.shrsi %add3A_554, %shift_right_arithmetic3A_996 : vector<16xi32>
        %add3A_998 = arith.constant 48 : i32
        %add3A_999 = vector.broadcast %add3A_998 : i32 to vector<16xi32>
        %add3A_1000 = arith.addi %add3A_451, %add3A_999 : vector<16xi32>
        tpu.vector_store_idx %arg6[%shift_right_arithmetic3A_997, %add3A_1000], %gather3A_946 : memref<128x128xf32, #tpu.memory_space<vmem>>[vector<16xi32>, vector<16xi32>], vector<16xf32>,
      }
      %scan3A_514 = arith.constant 16 : i32
      %mul3A_515 = arith.constant 128 : i32
      %mul3A_516 = arith.muli %add3A_473, %mul3A_515 : i32
      %multiple_of3A = tpu.assume_multiple %mul3A_516, 128 : i32
      %dma_start3A = arith.constant 0 : i32
      %dma_start3A_517 = tpu.memref_slice %arg3[%multiple_of3A, %dma_start3A] : memref<500000x128xf32, #tpu.memory_space<hbm>> -> memref<128x128xf32, #tpu.memory_space<hbm>>
      %dma_start3A_518 = arith.constant 0 : i32
      %dma_start3A_519 = tpu.memref_slice %arg3[%multiple_of3A, %dma_start3A_518] : memref<500000x128xf32, #tpu.memory_space<hbm>> -> memref<128x128xf32, #tpu.memory_space<hbm>>
      tpu.enqueue_dma source(%arg6 : memref<128x128xf32, #tpu.memory_space<vmem>>) target(%dma_start3A_519 : memref<128x128xf32, #tpu.memory_space<hbm>>) target_semaphore(%arg10 : memref<!tpu.dma_semaphore, #tpu.memory_space<semaphore_mem>>)
    } else {
    }
    %dma_wait3A = arith.constant 0 : i32
    %dma_wait3A_486 = arith.constant 0 : i32
    %dma_wait3A_487 = tpu.memref_slice %arg3[%dma_wait3A, %dma_wait3A_486] : memref<500000x128xf32, #tpu.memory_space<hbm>> -> memref<128x128xf32, #tpu.memory_space<hbm>>
    %dma_wait3A_488 = arith.constant 0 : i32
    %dma_wait3A_489 = arith.constant 0 : i32
    %dma_wait3A_490 = tpu.memref_slice %arg3[%dma_wait3A_488, %dma_wait3A_489] : memref<500000x128xf32, #tpu.memory_space<hbm>> -> memref<128x128xf32, #tpu.memory_space<hbm>>
    tpu.wait_dma2 semaphore(%arg11 : memref<!tpu.dma_semaphore, #tpu.memory_space<semaphore_mem>>) src(%arg7 : memref<128x128xf32, #tpu.memory_space<vmem>>) dst(%dma_wait3A_490 : memref<128x128xf32, #tpu.memory_space<hbm>>)
    %dma_wait3A_491 = arith.constant 0 : i32
    %dma_wait3A_492 = arith.constant 0 : i32
    %dma_wait3A_493 = tpu.memref_slice %arg3[%dma_wait3A_491, %dma_wait3A_492] : memref<500000x128xf32, #tpu.memory_space<hbm>> -> memref<128x128xf32, #tpu.memory_space<hbm>>
    %dma_wait3A_494 = arith.constant 0 : i32
    %dma_wait3A_495 = arith.constant 0 : i32
    %dma_wait3A_496 = tpu.memref_slice %arg3[%dma_wait3A_494, %dma_wait3A_495] : memref<500000x128xf32, #tpu.memory_space<hbm>> -> memref<128x128xf32, #tpu.memory_space<hbm>>
    tpu.wait_dma2 semaphore(%arg10 : memref<!tpu.dma_semaphore, #tpu.memory_space<semaphore_mem>>) src(%arg6 : memref<128x128xf32, #tpu.memory_space<vmem>>) dst(%dma_wait3A_496 : memref<128x128xf32, #tpu.memory_space<hbm>>)
    return
  }
}

#map = affine_map<(d0, d1) -> (0)>
#map1 = affine_map<(d0, d1) -> (0, 0)>
module attributes {stable_mosaic.version = 14 : i64} {
  func.func @_pool_body(%arg0: i32, %arg1: i32, %arg2: memref<819200xi32, #tpu.memory_space<hbm>>, %arg3: memref<819200xi32, #tpu.memory_space<hbm>>, %arg4: memref<500000x128xf32, #tpu.memory_space<hbm>>, %arg5: memref<4096x64xf32, #tpu.memory_space<hbm>>, %arg6: memref<25600xi32, #tpu.memory_space<vmem>>, %arg7: memref<25616xi32, #tpu.memory_space<vmem>>, %arg8: memref<2x200x128xf32, #tpu.memory_space<vmem>>, %arg9: memref<128x64xf32, #tpu.memory_space<vmem>>, %arg10: memref<!tpu.dma_semaphore, #tpu.memory_space<semaphore_mem>>, %arg11: memref<!tpu.dma_semaphore, #tpu.memory_space<semaphore_mem>>) attributes {dimension_semantics = [#tpu.dimension_semantics<core_parallel>, #tpu.dimension_semantics<subcore_parallel>], iteration_bounds = array<i64: 2, 16>, scalar_prefetch = 0 : i64, scratch_operands = 6 : i64, tpu.core_type = #tpu.core_type<sc_vector_subcore>, window_params = [{transform_indices = #map}, {transform_indices = #map}, {transform_indices = #map1}, {transform_indices = #map1}]} {
    %mul3A = arith.constant 2 : i32
    %mul3A_0 = arith.muli %arg1, %mul3A : i32
    %add3A = arith.addi %mul3A_0, %arg0 : i32
    %mul3A_1 = arith.constant 128 : i32
    %mul3A_2 = arith.muli %add3A, %mul3A_1 : i32
    %multiple_of3A = tpu.assume_multiple %mul3A_2, 128 : i32
    %mul3A_3 = arith.constant 200 : i32
    %mul3A_4 = arith.muli %multiple_of3A, %mul3A_3 : i32
    "tpu.region"() ({
      %run_scoped3A = tpu.sem_alloc : memref<!tpu.dma_semaphore, #tpu.memory_space<semaphore_mem>>
      %dma_start3A_34 = tpu.memref_slice %arg2[%mul3A_4] : memref<819200xi32, #tpu.memory_space<hbm>> -> memref<25600xi32, #tpu.memory_space<hbm>>
      %dma_start3A_35 = tpu.memref_slice %arg2[%mul3A_4] : memref<819200xi32, #tpu.memory_space<hbm>> -> memref<25600xi32, #tpu.memory_space<hbm>>
      tpu.enqueue_dma source(%dma_start3A_35 : memref<25600xi32, #tpu.memory_space<hbm>>) target(%arg6 : memref<25600xi32, #tpu.memory_space<vmem>>) target_semaphore(%run_scoped3A : memref<!tpu.dma_semaphore, #tpu.memory_space<semaphore_mem>>)
      %dma_wait3A = tpu.memref_slice %arg2[%mul3A_4] : memref<819200xi32, #tpu.memory_space<hbm>> -> memref<25600xi32, #tpu.memory_space<hbm>>
      %dma_wait3A_36 = tpu.memref_slice %arg2[%mul3A_4] : memref<819200xi32, #tpu.memory_space<hbm>> -> memref<25600xi32, #tpu.memory_space<hbm>>
      tpu.wait_dma2 semaphore(%run_scoped3A : memref<!tpu.dma_semaphore, #tpu.memory_space<semaphore_mem>>) src(%dma_wait3A_36 : memref<25600xi32, #tpu.memory_space<hbm>>) dst(%arg6 : memref<25600xi32, #tpu.memory_space<vmem>>)
      tpu.yield
    }) : () -> ()
    %mul3A_5 = arith.constant 200 : i32
    %mul3A_6 = arith.muli %multiple_of3A, %mul3A_5 : i32
    "tpu.region"() ({
      %run_scoped3A = tpu.sem_alloc : memref<!tpu.dma_semaphore, #tpu.memory_space<semaphore_mem>>
      %dma_start3A_34 = arith.constant 0 : i32
      %dma_start3A_35 = tpu.memref_slice %arg7[%dma_start3A_34] : memref<25616xi32, #tpu.memory_space<vmem>> -> memref<25600xi32, #tpu.memory_space<vmem>>
      %dma_start3A_36 = tpu.memref_slice %arg3[%mul3A_6] : memref<819200xi32, #tpu.memory_space<hbm>> -> memref<25600xi32, #tpu.memory_space<hbm>>
      %dma_start3A_37 = arith.constant 0 : i32
      %dma_start3A_38 = tpu.memref_slice %arg7[%dma_start3A_37] : memref<25616xi32, #tpu.memory_space<vmem>> -> memref<25600xi32, #tpu.memory_space<vmem>>
      %dma_start3A_39 = tpu.memref_slice %arg3[%mul3A_6] : memref<819200xi32, #tpu.memory_space<hbm>> -> memref<25600xi32, #tpu.memory_space<hbm>>
      tpu.enqueue_dma source(%dma_start3A_39 : memref<25600xi32, #tpu.memory_space<hbm>>) target(%dma_start3A_38 : memref<25600xi32, #tpu.memory_space<vmem>>) target_semaphore(%run_scoped3A : memref<!tpu.dma_semaphore, #tpu.memory_space<semaphore_mem>>)
      %dma_wait3A = arith.constant 0 : i32
      %dma_wait3A_40 = tpu.memref_slice %arg7[%dma_wait3A] : memref<25616xi32, #tpu.memory_space<vmem>> -> memref<25600xi32, #tpu.memory_space<vmem>>
      %dma_wait3A_41 = tpu.memref_slice %arg3[%mul3A_6] : memref<819200xi32, #tpu.memory_space<hbm>> -> memref<25600xi32, #tpu.memory_space<hbm>>
      %dma_wait3A_42 = arith.constant 0 : i32
      %dma_wait3A_43 = tpu.memref_slice %arg7[%dma_wait3A_42] : memref<25616xi32, #tpu.memory_space<vmem>> -> memref<25600xi32, #tpu.memory_space<vmem>>
      %dma_wait3A_44 = tpu.memref_slice %arg3[%mul3A_6] : memref<819200xi32, #tpu.memory_space<hbm>> -> memref<25600xi32, #tpu.memory_space<hbm>>
      tpu.wait_dma2 semaphore(%run_scoped3A : memref<!tpu.dma_semaphore, #tpu.memory_space<semaphore_mem>>) src(%dma_wait3A_44 : memref<25600xi32, #tpu.memory_space<hbm>>) dst(%dma_wait3A_43 : memref<25600xi32, #tpu.memory_space<vmem>>)
      tpu.yield
    }) : () -> ()
    %multiple_of3A_7 = arith.constant 0 : i32
    %multiple_of3A_8 = tpu.assume_multiple %multiple_of3A_7, 8 : i32
    %dma_start3A = arith.constant 0 : i32
    %dma_start3A_9 = arith.constant 0 : i32
    %dma_start3A_10 = arith.constant 0 : i32
    %dma_start3A_11 = tpu.memref_slice %arg8[%dma_start3A, %dma_start3A_9, %dma_start3A_10] : memref<2x200x128xf32, #tpu.memory_space<vmem>> -> memref<1x128x128xf32, #tpu.memory_space<vmem>>
    %dma_start3A_12 = tpu.memref_squeeze %dma_start3A_11 : memref<1x128x128xf32, #tpu.memory_space<vmem>> -> memref<128x128xf32, #tpu.memory_space<vmem>>
    %dma_start3A_13 = tpu.memref_slice %arg6[%multiple_of3A_8] : memref<25600xi32, #tpu.memory_space<vmem>> -> memref<128xi32, #tpu.memory_space<vmem>>
    %dma_start3A_14 = arith.constant 0 : i32
    %dma_start3A_15 = arith.constant 0 : i32
    %dma_start3A_16 = tpu.memref_slice %arg4[%dma_start3A_14, %dma_start3A_15] : memref<500000x128xf32, #tpu.memory_space<hbm>> -> memref<500000x128xf32, #tpu.memory_space<hbm>>
    tpu.enqueue_indirect_dma source(%dma_start3A_16 : memref<500000x128xf32, #tpu.memory_space<hbm>>) target(%dma_start3A_12 : memref<128x128xf32, #tpu.memory_space<vmem>>) offsets(%dma_start3A_13 : memref<128xi32, #tpu.memory_space<vmem>>) semaphore(%arg10 : memref<!tpu.dma_semaphore, #tpu.memory_space<semaphore_mem>>)
    %add3A_17 = arith.constant 128 : i32
    %add3A_18 = arith.addi %multiple_of3A_8, %add3A_17 : i32
    %dma_start3A_19 = arith.constant 0 : i32
    %dma_start3A_20 = arith.constant 128 : i32
    %dma_start3A_21 = arith.constant 0 : i32
    %dma_start3A_22 = tpu.memref_slice %arg8[%dma_start3A_19, %dma_start3A_20, %dma_start3A_21] : memref<2x200x128xf32, #tpu.memory_space<vmem>> -> memref<1x72x128xf32, #tpu.memory_space<vmem>>
    %dma_start3A_23 = tpu.memref_squeeze %dma_start3A_22 : memref<1x72x128xf32, #tpu.memory_space<vmem>> -> memref<72x128xf32, #tpu.memory_space<vmem>>
    %dma_start3A_24 = tpu.memref_slice %arg6[%add3A_18] : memref<25600xi32, #tpu.memory_space<vmem>> -> memref<72xi32, #tpu.memory_space<vmem>>
    %dma_start3A_25 = arith.constant 0 : i32
    %dma_start3A_26 = arith.constant 0 : i32
    %dma_start3A_27 = tpu.memref_slice %arg4[%dma_start3A_25, %dma_start3A_26] : memref<500000x128xf32, #tpu.memory_space<hbm>> -> memref<500000x128xf32, #tpu.memory_space<hbm>>
    tpu.enqueue_indirect_dma source(%dma_start3A_27 : memref<500000x128xf32, #tpu.memory_space<hbm>>) target(%dma_start3A_23 : memref<72x128xf32, #tpu.memory_space<vmem>>) offsets(%dma_start3A_24 : memref<72xi32, #tpu.memory_space<vmem>>) semaphore(%arg10 : memref<!tpu.dma_semaphore, #tpu.memory_space<semaphore_mem>>)
    %scan3A = arith.constant 0 : i32
    %scan3A_28 = arith.constant 5.000000e-03 : f32
    %scan3A_29 = arith.constant 0 : i32
    %scan3A_30 = arith.constant 64 : i32
    %scan3A_31 = arith.addi %scan3A_29, %scan3A_30 : i32
    %scan3A_32 = arith.constant 1 : i32
    scf.for %scan3A_34 = %scan3A_29 to %scan3A_31 step %scan3A_32  : i32 {
      %mul3A_35 = arith.constant 2 : i32
      %mul3A_36 = arith.muli %mul3A_35, %scan3A_34 : i32
      %add3A_37 = arith.constant 1 : i32
      %add3A_38 = arith.addi %mul3A_36, %add3A_37 : i32
      %lt3A = arith.constant 128 : i32
      %lt3A_39 = arith.cmpi slt, %add3A_38, %lt3A : i32
      %convert_element_type3A = arith.extui %lt3A_39 : i1 to i32
      %cond3A = arith.constant 0 : i32
      %cond3A_40 = arith.cmpi ne, %convert_element_type3A, %cond3A : i32
      scf.if %cond3A_40 {
        %add3A_161 = arith.constant 1 : i32
        %add3A_162 = arith.addi %mul3A_36, %add3A_161 : i32
        %mul3A_163 = arith.constant 200 : i32
        %mul3A_164 = arith.muli %add3A_162, %mul3A_163 : i32
        %multiple_of3A_165 = tpu.assume_multiple %mul3A_164, 8 : i32
        %dma_start3A_166 = arith.constant 1 : i32
        %dma_start3A_167 = arith.constant 0 : i32
        %dma_start3A_168 = arith.constant 0 : i32
        %dma_start3A_169 = tpu.memref_slice %arg8[%dma_start3A_166, %dma_start3A_167, %dma_start3A_168] : memref<2x200x128xf32, #tpu.memory_space<vmem>> -> memref<1x128x128xf32, #tpu.memory_space<vmem>>
        %dma_start3A_170 = tpu.memref_squeeze %dma_start3A_169 : memref<1x128x128xf32, #tpu.memory_space<vmem>> -> memref<128x128xf32, #tpu.memory_space<vmem>>
        %dma_start3A_171 = tpu.memref_slice %arg6[%multiple_of3A_165] : memref<25600xi32, #tpu.memory_space<vmem>> -> memref<128xi32, #tpu.memory_space<vmem>>
        %dma_start3A_172 = arith.constant 0 : i32
        %dma_start3A_173 = arith.constant 0 : i32
        %dma_start3A_174 = tpu.memref_slice %arg4[%dma_start3A_172, %dma_start3A_173] : memref<500000x128xf32, #tpu.memory_space<hbm>> -> memref<500000x128xf32, #tpu.memory_space<hbm>>
        tpu.enqueue_indirect_dma source(%dma_start3A_174 : memref<500000x128xf32, #tpu.memory_space<hbm>>) target(%dma_start3A_170 : memref<128x128xf32, #tpu.memory_space<vmem>>) offsets(%dma_start3A_171 : memref<128xi32, #tpu.memory_space<vmem>>) semaphore(%arg11 : memref<!tpu.dma_semaphore, #tpu.memory_space<semaphore_mem>>)
        %add3A_175 = arith.constant 128 : i32
        %add3A_176 = arith.addi %multiple_of3A_165, %add3A_175 : i32
        %dma_start3A_177 = arith.constant 1 : i32
        %dma_start3A_178 = arith.constant 128 : i32
        %dma_start3A_179 = arith.constant 0 : i32
        %dma_start3A_180 = tpu.memref_slice %arg8[%dma_start3A_177, %dma_start3A_178, %dma_start3A_179] : memref<2x200x128xf32, #tpu.memory_space<vmem>> -> memref<1x72x128xf32, #tpu.memory_space<vmem>>
        %dma_start3A_181 = tpu.memref_squeeze %dma_start3A_180 : memref<1x72x128xf32, #tpu.memory_space<vmem>> -> memref<72x128xf32, #tpu.memory_space<vmem>>
        %dma_start3A_182 = tpu.memref_slice %arg6[%add3A_176] : memref<25600xi32, #tpu.memory_space<vmem>> -> memref<72xi32, #tpu.memory_space<vmem>>
        %dma_start3A_183 = arith.constant 0 : i32
        %dma_start3A_184 = arith.constant 0 : i32
        %dma_start3A_185 = tpu.memref_slice %arg4[%dma_start3A_183, %dma_start3A_184] : memref<500000x128xf32, #tpu.memory_space<hbm>> -> memref<500000x128xf32, #tpu.memory_space<hbm>>
        tpu.enqueue_indirect_dma source(%dma_start3A_185 : memref<500000x128xf32, #tpu.memory_space<hbm>>) target(%dma_start3A_181 : memref<72x128xf32, #tpu.memory_space<vmem>>) offsets(%dma_start3A_182 : memref<72xi32, #tpu.memory_space<vmem>>) semaphore(%arg11 : memref<!tpu.dma_semaphore, #tpu.memory_space<semaphore_mem>>)
      } else {
      }
      %dma_wait3A = arith.constant 0 : i32
      %dma_wait3A_41 = arith.constant 0 : i32
      %dma_wait3A_42 = arith.constant 0 : i32
      %dma_wait3A_43 = tpu.memref_slice %arg8[%dma_wait3A, %dma_wait3A_41, %dma_wait3A_42] : memref<2x200x128xf32, #tpu.memory_space<vmem>> -> memref<1x128x128xf32, #tpu.memory_space<vmem>>
      %dma_wait3A_44 = tpu.memref_squeeze %dma_wait3A_43 : memref<1x128x128xf32, #tpu.memory_space<vmem>> -> memref<128x128xf32, #tpu.memory_space<vmem>>
      %dma_wait3A_45 = arith.constant 0 : i32
      %dma_wait3A_46 = tpu.memref_slice %arg6[%dma_wait3A_45] : memref<25600xi32, #tpu.memory_space<vmem>> -> memref<128xi32, #tpu.memory_space<vmem>>
      %dma_wait3A_47 = arith.constant 0 : i32
      %dma_wait3A_48 = arith.constant 0 : i32
      %dma_wait3A_49 = tpu.memref_slice %arg4[%dma_wait3A_47, %dma_wait3A_48] : memref<500000x128xf32, #tpu.memory_space<hbm>> -> memref<500000x128xf32, #tpu.memory_space<hbm>>
      tpu.wait_indirect_dma semaphore(%arg10 : memref<!tpu.dma_semaphore, #tpu.memory_space<semaphore_mem>>) src(%dma_wait3A_49 : memref<500000x128xf32, #tpu.memory_space<hbm>>) dst(%dma_wait3A_44 : memref<128x128xf32, #tpu.memory_space<vmem>>)
      %dma_wait3A_50 = arith.constant 0 : i32
      %dma_wait3A_51 = arith.constant 128 : i32
      %dma_wait3A_52 = arith.constant 0 : i32
      %dma_wait3A_53 = tpu.memref_slice %arg8[%dma_wait3A_50, %dma_wait3A_51, %dma_wait3A_52] : memref<2x200x128xf32, #tpu.memory_space<vmem>> -> memref<1x72x128xf32, #tpu.memory_space<vmem>>
      %dma_wait3A_54 = tpu.memref_squeeze %dma_wait3A_53 : memref<1x72x128xf32, #tpu.memory_space<vmem>> -> memref<72x128xf32, #tpu.memory_space<vmem>>
      %dma_wait3A_55 = arith.constant 0 : i32
      %dma_wait3A_56 = tpu.memref_slice %arg6[%dma_wait3A_55] : memref<25600xi32, #tpu.memory_space<vmem>> -> memref<72xi32, #tpu.memory_space<vmem>>
      %dma_wait3A_57 = arith.constant 0 : i32
      %dma_wait3A_58 = arith.constant 0 : i32
      %dma_wait3A_59 = tpu.memref_slice %arg4[%dma_wait3A_57, %dma_wait3A_58] : memref<500000x128xf32, #tpu.memory_space<hbm>> -> memref<500000x128xf32, #tpu.memory_space<hbm>>
      tpu.wait_indirect_dma semaphore(%arg10 : memref<!tpu.dma_semaphore, #tpu.memory_space<semaphore_mem>>) src(%dma_wait3A_59 : memref<500000x128xf32, #tpu.memory_space<hbm>>) dst(%dma_wait3A_54 : memref<72x128xf32, #tpu.memory_space<vmem>>)
      %broadcast_in_dim3A = arith.constant 0.000000e+00 : f32
      %broadcast_in_dim3A_60 = vector.broadcast %broadcast_in_dim3A : f32 to vector<16xf32>
      %scan3A_61 = arith.constant 0 : i32
      %scan3A_62 = arith.constant 200 : i32
      %scan3A_63 = arith.addi %scan3A_61, %scan3A_62 : i32
      %scan3A_64 = arith.constant 1 : i32
      %scan3A_65:4 = scf.for %scan3A_161 = %scan3A_61 to %scan3A_63 step %scan3A_64 iter_args(%scan3A_162 = %broadcast_in_dim3A_60, %scan3A_163 = %broadcast_in_dim3A_60, %scan3A_164 = %broadcast_in_dim3A_60, %scan3A_165 = %broadcast_in_dim3A_60) -> (vector<16xf32>, vector<16xf32>, vector<16xf32>, vector<16xf32>)  : i32 {
        %mul3A_166 = arith.constant 200 : i32
        %mul3A_167 = arith.muli %mul3A_36, %mul3A_166 : i32
        %add3A_168 = arith.addi %mul3A_167, %scan3A_161 : i32
        %get3A = arith.index_cast %add3A_168 : i32 to index
        %get3A_169 = tpu.vector_load %arg7[%get3A] {strides = array<i32>} : memref<25616xi32, #tpu.memory_space<vmem>>, vector<16xi32>,
        %get3A_170 = vector.shape_cast %get3A_169 : vector<16xi32> to vector<16xi32>
        %slice3A = vector.extract_strided_slice %get3A_170 {offsets = [0], sizes = [1], strides = [1]} : vector<16xi32> to vector<1xi32>
        %squeeze3A = vector.extract %slice3A[0] : i32 from vector<1xi32>
        %mul3A_171 = arith.constant 64 : i32
        %mul3A_172 = arith.muli %squeeze3A, %mul3A_171 : i32
        %add3A_173 = arith.constant 0 : i32
        %add3A_174 = arith.addi %mul3A_172, %add3A_173 : i32
        %get3A_175 = arith.constant 0 : i32
        %get3A_176 = arith.index_cast %get3A_175 : i32 to index
        %get3A_177 = arith.index_cast %scan3A_161 : i32 to index
        %get3A_178 = arith.index_cast %add3A_174 : i32 to index
        %get3A_179 = tpu.vector_load %arg8[%get3A_176, %get3A_177, %get3A_178] {strides = array<i32>} : memref<2x200x128xf32, #tpu.memory_space<vmem>>, vector<1x1x16xf32>,
        %get3A_180 = vector.shape_cast %get3A_179 : vector<1x1x16xf32> to vector<16xf32>
        %add3A_181 = arith.addf %scan3A_162, %get3A_180 : vector<16xf32>
        %add3A_182 = arith.constant 16 : i32
        %add3A_183 = arith.addi %mul3A_172, %add3A_182 : i32
        %get3A_184 = arith.constant 0 : i32
        %get3A_185 = arith.index_cast %get3A_184 : i32 to index
        %get3A_186 = arith.index_cast %scan3A_161 : i32 to index
        %get3A_187 = arith.index_cast %add3A_183 : i32 to index
        %get3A_188 = tpu.vector_load %arg8[%get3A_185, %get3A_186, %get3A_187] {strides = array<i32>} : memref<2x200x128xf32, #tpu.memory_space<vmem>>, vector<1x1x16xf32>,
        %get3A_189 = vector.shape_cast %get3A_188 : vector<1x1x16xf32> to vector<16xf32>
        %add3A_190 = arith.addf %scan3A_163, %get3A_189 : vector<16xf32>
        %add3A_191 = arith.constant 32 : i32
        %add3A_192 = arith.addi %mul3A_172, %add3A_191 : i32
        %get3A_193 = arith.constant 0 : i32
        %get3A_194 = arith.index_cast %get3A_193 : i32 to index
        %get3A_195 = arith.index_cast %scan3A_161 : i32 to index
        %get3A_196 = arith.index_cast %add3A_192 : i32 to index
        %get3A_197 = tpu.vector_load %arg8[%get3A_194, %get3A_195, %get3A_196] {strides = array<i32>} : memref<2x200x128xf32, #tpu.memory_space<vmem>>, vector<1x1x16xf32>,
        %get3A_198 = vector.shape_cast %get3A_197 : vector<1x1x16xf32> to vector<16xf32>
        %add3A_199 = arith.addf %scan3A_164, %get3A_198 : vector<16xf32>
        %add3A_200 = arith.constant 48 : i32
        %add3A_201 = arith.addi %mul3A_172, %add3A_200 : i32
        %get3A_202 = arith.constant 0 : i32
        %get3A_203 = arith.index_cast %get3A_202 : i32 to index
        %get3A_204 = arith.index_cast %scan3A_161 : i32 to index
        %get3A_205 = arith.index_cast %add3A_201 : i32 to index
        %get3A_206 = tpu.vector_load %arg8[%get3A_203, %get3A_204, %get3A_205] {strides = array<i32>} : memref<2x200x128xf32, #tpu.memory_space<vmem>>, vector<1x1x16xf32>,
        %get3A_207 = vector.shape_cast %get3A_206 : vector<1x1x16xf32> to vector<16xf32>
        %add3A_208 = arith.addf %scan3A_165, %get3A_207 : vector<16xf32>
        scf.yield %add3A_181, %add3A_190, %add3A_199, %add3A_208 : vector<16xf32>, vector<16xf32>, vector<16xf32>, vector<16xf32>
      }
      %scan3A_66 = arith.constant 200 : i32
      %mul3A_67 = vector.broadcast %scan3A_28 : f32 to vector<16xf32>
      %mul3A_68 = arith.mulf %scan3A_65#0, %mul3A_67 : vector<16xf32>
      %swap3A = arith.index_cast %mul3A_36 : i32 to index
      %swap3A_69 = arith.constant 0 : index
      %swap3A_70 = tpu.vector_load %arg9[%swap3A, %swap3A_69] {strides = array<i32>} : memref<128x64xf32, #tpu.memory_space<vmem>>, vector<1x16xf32>,
      %swap3A_71 = vector.shape_cast %swap3A_70 : vector<1x16xf32> to vector<16xf32>
      %swap3A_72 = vector.shape_cast %mul3A_68 : vector<16xf32> to vector<1x16xf32>
      tpu.vector_store %arg9[%swap3A, %swap3A_69], %swap3A_72 {strides = array<i32>} : memref<128x64xf32, #tpu.memory_space<vmem>>, vector<1x16xf32>,
      %mul3A_73 = vector.broadcast %scan3A_28 : f32 to vector<16xf32>
      %mul3A_74 = arith.mulf %scan3A_65#1, %mul3A_73 : vector<16xf32>
      %swap3A_75 = arith.index_cast %mul3A_36 : i32 to index
      %swap3A_76 = arith.constant 16 : index
      %swap3A_77 = tpu.vector_load %arg9[%swap3A_75, %swap3A_76] {strides = array<i32>} : memref<128x64xf32, #tpu.memory_space<vmem>>, vector<1x16xf32>,
      %swap3A_78 = vector.shape_cast %swap3A_77 : vector<1x16xf32> to vector<16xf32>
      %swap3A_79 = vector.shape_cast %mul3A_74 : vector<16xf32> to vector<1x16xf32>
      tpu.vector_store %arg9[%swap3A_75, %swap3A_76], %swap3A_79 {strides = array<i32>} : memref<128x64xf32, #tpu.memory_space<vmem>>, vector<1x16xf32>,
      %mul3A_80 = vector.broadcast %scan3A_28 : f32 to vector<16xf32>
      %mul3A_81 = arith.mulf %scan3A_65#2, %mul3A_80 : vector<16xf32>
      %swap3A_82 = arith.index_cast %mul3A_36 : i32 to index
      %swap3A_83 = arith.constant 32 : index
      %swap3A_84 = tpu.vector_load %arg9[%swap3A_82, %swap3A_83] {strides = array<i32>} : memref<128x64xf32, #tpu.memory_space<vmem>>, vector<1x16xf32>,
      %swap3A_85 = vector.shape_cast %swap3A_84 : vector<1x16xf32> to vector<16xf32>
      %swap3A_86 = vector.shape_cast %mul3A_81 : vector<16xf32> to vector<1x16xf32>
      tpu.vector_store %arg9[%swap3A_82, %swap3A_83], %swap3A_86 {strides = array<i32>} : memref<128x64xf32, #tpu.memory_space<vmem>>, vector<1x16xf32>,
      %mul3A_87 = vector.broadcast %scan3A_28 : f32 to vector<16xf32>
      %mul3A_88 = arith.mulf %scan3A_65#3, %mul3A_87 : vector<16xf32>
      %swap3A_89 = arith.index_cast %mul3A_36 : i32 to index
      %swap3A_90 = arith.constant 48 : index
      %swap3A_91 = tpu.vector_load %arg9[%swap3A_89, %swap3A_90] {strides = array<i32>} : memref<128x64xf32, #tpu.memory_space<vmem>>, vector<1x16xf32>,
      %swap3A_92 = vector.shape_cast %swap3A_91 : vector<1x16xf32> to vector<16xf32>
      %swap3A_93 = vector.shape_cast %mul3A_88 : vector<16xf32> to vector<1x16xf32>
      tpu.vector_store %arg9[%swap3A_89, %swap3A_90], %swap3A_93 {strides = array<i32>} : memref<128x64xf32, #tpu.memory_space<vmem>>, vector<1x16xf32>,
      %mul3A_94 = arith.constant 2 : i32
      %mul3A_95 = arith.muli %mul3A_94, %scan3A_34 : i32
      %add3A_96 = arith.constant 1 : i32
      %add3A_97 = arith.addi %mul3A_95, %add3A_96 : i32
      %add3A_98 = arith.constant 1 : i32
      %add3A_99 = arith.addi %add3A_97, %add3A_98 : i32
      %lt3A_100 = arith.constant 128 : i32
      %lt3A_101 = arith.cmpi slt, %add3A_99, %lt3A_100 : i32
      %convert_element_type3A_102 = arith.extui %lt3A_101 : i1 to i32
      %cond3A_103 = arith.constant 0 : i32
      %cond3A_104 = arith.cmpi ne, %convert_element_type3A_102, %cond3A_103 : i32
      scf.if %cond3A_104 {
        %add3A_161 = arith.constant 1 : i32
        %add3A_162 = arith.addi %add3A_97, %add3A_161 : i32
        %mul3A_163 = arith.constant 200 : i32
        %mul3A_164 = arith.muli %add3A_162, %mul3A_163 : i32
        %multiple_of3A_165 = tpu.assume_multiple %mul3A_164, 8 : i32
        %dma_start3A_166 = arith.constant 0 : i32
        %dma_start3A_167 = arith.constant 0 : i32
        %dma_start3A_168 = arith.constant 0 : i32
        %dma_start3A_169 = tpu.memref_slice %arg8[%dma_start3A_166, %dma_start3A_167, %dma_start3A_168] : memref<2x200x128xf32, #tpu.memory_space<vmem>> -> memref<1x128x128xf32, #tpu.memory_space<vmem>>
        %dma_start3A_170 = tpu.memref_squeeze %dma_start3A_169 : memref<1x128x128xf32, #tpu.memory_space<vmem>> -> memref<128x128xf32, #tpu.memory_space<vmem>>
        %dma_start3A_171 = tpu.memref_slice %arg6[%multiple_of3A_165] : memref<25600xi32, #tpu.memory_space<vmem>> -> memref<128xi32, #tpu.memory_space<vmem>>
        %dma_start3A_172 = arith.constant 0 : i32
        %dma_start3A_173 = arith.constant 0 : i32
        %dma_start3A_174 = tpu.memref_slice %arg4[%dma_start3A_172, %dma_start3A_173] : memref<500000x128xf32, #tpu.memory_space<hbm>> -> memref<500000x128xf32, #tpu.memory_space<hbm>>
        tpu.enqueue_indirect_dma source(%dma_start3A_174 : memref<500000x128xf32, #tpu.memory_space<hbm>>) target(%dma_start3A_170 : memref<128x128xf32, #tpu.memory_space<vmem>>) offsets(%dma_start3A_171 : memref<128xi32, #tpu.memory_space<vmem>>) semaphore(%arg10 : memref<!tpu.dma_semaphore, #tpu.memory_space<semaphore_mem>>)
        %add3A_175 = arith.constant 128 : i32
        %add3A_176 = arith.addi %multiple_of3A_165, %add3A_175 : i32
        %dma_start3A_177 = arith.constant 0 : i32
        %dma_start3A_178 = arith.constant 128 : i32
        %dma_start3A_179 = arith.constant 0 : i32
        %dma_start3A_180 = tpu.memref_slice %arg8[%dma_start3A_177, %dma_start3A_178, %dma_start3A_179] : memref<2x200x128xf32, #tpu.memory_space<vmem>> -> memref<1x72x128xf32, #tpu.memory_space<vmem>>
        %dma_start3A_181 = tpu.memref_squeeze %dma_start3A_180 : memref<1x72x128xf32, #tpu.memory_space<vmem>> -> memref<72x128xf32, #tpu.memory_space<vmem>>
        %dma_start3A_182 = tpu.memref_slice %arg6[%add3A_176] : memref<25600xi32, #tpu.memory_space<vmem>> -> memref<72xi32, #tpu.memory_space<vmem>>
        %dma_start3A_183 = arith.constant 0 : i32
        %dma_start3A_184 = arith.constant 0 : i32
        %dma_start3A_185 = tpu.memref_slice %arg4[%dma_start3A_183, %dma_start3A_184] : memref<500000x128xf32, #tpu.memory_space<hbm>> -> memref<500000x128xf32, #tpu.memory_space<hbm>>
        tpu.enqueue_indirect_dma source(%dma_start3A_185 : memref<500000x128xf32, #tpu.memory_space<hbm>>) target(%dma_start3A_181 : memref<72x128xf32, #tpu.memory_space<vmem>>) offsets(%dma_start3A_182 : memref<72xi32, #tpu.memory_space<vmem>>) semaphore(%arg10 : memref<!tpu.dma_semaphore, #tpu.memory_space<semaphore_mem>>)
      } else {
      }
      %dma_wait3A_105 = arith.constant 1 : i32
      %dma_wait3A_106 = arith.constant 0 : i32
      %dma_wait3A_107 = arith.constant 0 : i32
      %dma_wait3A_108 = tpu.memref_slice %arg8[%dma_wait3A_105, %dma_wait3A_106, %dma_wait3A_107] : memref<2x200x128xf32, #tpu.memory_space<vmem>> -> memref<1x128x128xf32, #tpu.memory_space<vmem>>
      %dma_wait3A_109 = tpu.memref_squeeze %dma_wait3A_108 : memref<1x128x128xf32, #tpu.memory_space<vmem>> -> memref<128x128xf32, #tpu.memory_space<vmem>>
      %dma_wait3A_110 = arith.constant 0 : i32
      %dma_wait3A_111 = tpu.memref_slice %arg6[%dma_wait3A_110] : memref<25600xi32, #tpu.memory_space<vmem>> -> memref<128xi32, #tpu.memory_space<vmem>>
      %dma_wait3A_112 = arith.constant 0 : i32
      %dma_wait3A_113 = arith.constant 0 : i32
      %dma_wait3A_114 = tpu.memref_slice %arg4[%dma_wait3A_112, %dma_wait3A_113] : memref<500000x128xf32, #tpu.memory_space<hbm>> -> memref<500000x128xf32, #tpu.memory_space<hbm>>
      tpu.wait_indirect_dma semaphore(%arg11 : memref<!tpu.dma_semaphore, #tpu.memory_space<semaphore_mem>>) src(%dma_wait3A_114 : memref<500000x128xf32, #tpu.memory_space<hbm>>) dst(%dma_wait3A_109 : memref<128x128xf32, #tpu.memory_space<vmem>>)
      %dma_wait3A_115 = arith.constant 1 : i32
      %dma_wait3A_116 = arith.constant 128 : i32
      %dma_wait3A_117 = arith.constant 0 : i32
      %dma_wait3A_118 = tpu.memref_slice %arg8[%dma_wait3A_115, %dma_wait3A_116, %dma_wait3A_117] : memref<2x200x128xf32, #tpu.memory_space<vmem>> -> memref<1x72x128xf32, #tpu.memory_space<vmem>>
      %dma_wait3A_119 = tpu.memref_squeeze %dma_wait3A_118 : memref<1x72x128xf32, #tpu.memory_space<vmem>> -> memref<72x128xf32, #tpu.memory_space<vmem>>
      %dma_wait3A_120 = arith.constant 0 : i32
      %dma_wait3A_121 = tpu.memref_slice %arg6[%dma_wait3A_120] : memref<25600xi32, #tpu.memory_space<vmem>> -> memref<72xi32, #tpu.memory_space<vmem>>
      %dma_wait3A_122 = arith.constant 0 : i32
      %dma_wait3A_123 = arith.constant 0 : i32
      %dma_wait3A_124 = tpu.memref_slice %arg4[%dma_wait3A_122, %dma_wait3A_123] : memref<500000x128xf32, #tpu.memory_space<hbm>> -> memref<500000x128xf32, #tpu.memory_space<hbm>>
      tpu.wait_indirect_dma semaphore(%arg11 : memref<!tpu.dma_semaphore, #tpu.memory_space<semaphore_mem>>) src(%dma_wait3A_124 : memref<500000x128xf32, #tpu.memory_space<hbm>>) dst(%dma_wait3A_119 : memref<72x128xf32, #tpu.memory_space<vmem>>)
      %broadcast_in_dim3A_125 = arith.constant 0.000000e+00 : f32
      %broadcast_in_dim3A_126 = vector.broadcast %broadcast_in_dim3A_125 : f32 to vector<16xf32>
      %scan3A_127 = arith.constant 0 : i32
      %scan3A_128 = arith.constant 200 : i32
      %scan3A_129 = arith.addi %scan3A_127, %scan3A_128 : i32
      %scan3A_130 = arith.constant 1 : i32
      %scan3A_131:4 = scf.for %scan3A_161 = %scan3A_127 to %scan3A_129 step %scan3A_130 iter_args(%scan3A_162 = %broadcast_in_dim3A_126, %scan3A_163 = %broadcast_in_dim3A_126, %scan3A_164 = %broadcast_in_dim3A_126, %scan3A_165 = %broadcast_in_dim3A_126) -> (vector<16xf32>, vector<16xf32>, vector<16xf32>, vector<16xf32>)  : i32 {
        %mul3A_166 = arith.constant 200 : i32
        %mul3A_167 = arith.muli %add3A_97, %mul3A_166 : i32
        %add3A_168 = arith.addi %mul3A_167, %scan3A_161 : i32
        %get3A = arith.index_cast %add3A_168 : i32 to index
        %get3A_169 = tpu.vector_load %arg7[%get3A] {strides = array<i32>} : memref<25616xi32, #tpu.memory_space<vmem>>, vector<16xi32>,
        %get3A_170 = vector.shape_cast %get3A_169 : vector<16xi32> to vector<16xi32>
        %slice3A = vector.extract_strided_slice %get3A_170 {offsets = [0], sizes = [1], strides = [1]} : vector<16xi32> to vector<1xi32>
        %squeeze3A = vector.extract %slice3A[0] : i32 from vector<1xi32>
        %mul3A_171 = arith.constant 64 : i32
        %mul3A_172 = arith.muli %squeeze3A, %mul3A_171 : i32
        %add3A_173 = arith.constant 0 : i32
        %add3A_174 = arith.addi %mul3A_172, %add3A_173 : i32
        %get3A_175 = arith.constant 1 : i32
        %get3A_176 = arith.index_cast %get3A_175 : i32 to index
        %get3A_177 = arith.index_cast %scan3A_161 : i32 to index
        %get3A_178 = arith.index_cast %add3A_174 : i32 to index
        %get3A_179 = tpu.vector_load %arg8[%get3A_176, %get3A_177, %get3A_178] {strides = array<i32>} : memref<2x200x128xf32, #tpu.memory_space<vmem>>, vector<1x1x16xf32>,
        %get3A_180 = vector.shape_cast %get3A_179 : vector<1x1x16xf32> to vector<16xf32>
        %add3A_181 = arith.addf %scan3A_162, %get3A_180 : vector<16xf32>
        %add3A_182 = arith.constant 16 : i32
        %add3A_183 = arith.addi %mul3A_172, %add3A_182 : i32
        %get3A_184 = arith.constant 1 : i32
        %get3A_185 = arith.index_cast %get3A_184 : i32 to index
        %get3A_186 = arith.index_cast %scan3A_161 : i32 to index
        %get3A_187 = arith.index_cast %add3A_183 : i32 to index
        %get3A_188 = tpu.vector_load %arg8[%get3A_185, %get3A_186, %get3A_187] {strides = array<i32>} : memref<2x200x128xf32, #tpu.memory_space<vmem>>, vector<1x1x16xf32>,
        %get3A_189 = vector.shape_cast %get3A_188 : vector<1x1x16xf32> to vector<16xf32>
        %add3A_190 = arith.addf %scan3A_163, %get3A_189 : vector<16xf32>
        %add3A_191 = arith.constant 32 : i32
        %add3A_192 = arith.addi %mul3A_172, %add3A_191 : i32
        %get3A_193 = arith.constant 1 : i32
        %get3A_194 = arith.index_cast %get3A_193 : i32 to index
        %get3A_195 = arith.index_cast %scan3A_161 : i32 to index
        %get3A_196 = arith.index_cast %add3A_192 : i32 to index
        %get3A_197 = tpu.vector_load %arg8[%get3A_194, %get3A_195, %get3A_196] {strides = array<i32>} : memref<2x200x128xf32, #tpu.memory_space<vmem>>, vector<1x1x16xf32>,
        %get3A_198 = vector.shape_cast %get3A_197 : vector<1x1x16xf32> to vector<16xf32>
        %add3A_199 = arith.addf %scan3A_164, %get3A_198 : vector<16xf32>
        %add3A_200 = arith.constant 48 : i32
        %add3A_201 = arith.addi %mul3A_172, %add3A_200 : i32
        %get3A_202 = arith.constant 1 : i32
        %get3A_203 = arith.index_cast %get3A_202 : i32 to index
        %get3A_204 = arith.index_cast %scan3A_161 : i32 to index
        %get3A_205 = arith.index_cast %add3A_201 : i32 to index
        %get3A_206 = tpu.vector_load %arg8[%get3A_203, %get3A_204, %get3A_205] {strides = array<i32>} : memref<2x200x128xf32, #tpu.memory_space<vmem>>, vector<1x1x16xf32>,
        %get3A_207 = vector.shape_cast %get3A_206 : vector<1x1x16xf32> to vector<16xf32>
        %add3A_208 = arith.addf %scan3A_165, %get3A_207 : vector<16xf32>
        scf.yield %add3A_181, %add3A_190, %add3A_199, %add3A_208 : vector<16xf32>, vector<16xf32>, vector<16xf32>, vector<16xf32>
      }
      %scan3A_132 = arith.constant 200 : i32
      %mul3A_133 = vector.broadcast %scan3A_28 : f32 to vector<16xf32>
      %mul3A_134 = arith.mulf %scan3A_131#0, %mul3A_133 : vector<16xf32>
      %swap3A_135 = arith.index_cast %add3A_97 : i32 to index
      %swap3A_136 = arith.constant 0 : index
      %swap3A_137 = tpu.vector_load %arg9[%swap3A_135, %swap3A_136] {strides = array<i32>} : memref<128x64xf32, #tpu.memory_space<vmem>>, vector<1x16xf32>,
      %swap3A_138 = vector.shape_cast %swap3A_137 : vector<1x16xf32> to vector<16xf32>
      %swap3A_139 = vector.shape_cast %mul3A_134 : vector<16xf32> to vector<1x16xf32>
      tpu.vector_store %arg9[%swap3A_135, %swap3A_136], %swap3A_139 {strides = array<i32>} : memref<128x64xf32, #tpu.memory_space<vmem>>, vector<1x16xf32>,
      %mul3A_140 = vector.broadcast %scan3A_28 : f32 to vector<16xf32>
      %mul3A_141 = arith.mulf %scan3A_131#1, %mul3A_140 : vector<16xf32>
      %swap3A_142 = arith.index_cast %add3A_97 : i32 to index
      %swap3A_143 = arith.constant 16 : index
      %swap3A_144 = tpu.vector_load %arg9[%swap3A_142, %swap3A_143] {strides = array<i32>} : memref<128x64xf32, #tpu.memory_space<vmem>>, vector<1x16xf32>,
      %swap3A_145 = vector.shape_cast %swap3A_144 : vector<1x16xf32> to vector<16xf32>
      %swap3A_146 = vector.shape_cast %mul3A_141 : vector<16xf32> to vector<1x16xf32>
      tpu.vector_store %arg9[%swap3A_142, %swap3A_143], %swap3A_146 {strides = array<i32>} : memref<128x64xf32, #tpu.memory_space<vmem>>, vector<1x16xf32>,
      %mul3A_147 = vector.broadcast %scan3A_28 : f32 to vector<16xf32>
      %mul3A_148 = arith.mulf %scan3A_131#2, %mul3A_147 : vector<16xf32>
      %swap3A_149 = arith.index_cast %add3A_97 : i32 to index
      %swap3A_150 = arith.constant 32 : index
      %swap3A_151 = tpu.vector_load %arg9[%swap3A_149, %swap3A_150] {strides = array<i32>} : memref<128x64xf32, #tpu.memory_space<vmem>>, vector<1x16xf32>,
      %swap3A_152 = vector.shape_cast %swap3A_151 : vector<1x16xf32> to vector<16xf32>
      %swap3A_153 = vector.shape_cast %mul3A_148 : vector<16xf32> to vector<1x16xf32>
      tpu.vector_store %arg9[%swap3A_149, %swap3A_150], %swap3A_153 {strides = array<i32>} : memref<128x64xf32, #tpu.memory_space<vmem>>, vector<1x16xf32>,
      %mul3A_154 = vector.broadcast %scan3A_28 : f32 to vector<16xf32>
      %mul3A_155 = arith.mulf %scan3A_131#3, %mul3A_154 : vector<16xf32>
      %swap3A_156 = arith.index_cast %add3A_97 : i32 to index
      %swap3A_157 = arith.constant 48 : index
      %swap3A_158 = tpu.vector_load %arg9[%swap3A_156, %swap3A_157] {strides = array<i32>} : memref<128x64xf32, #tpu.memory_space<vmem>>, vector<1x16xf32>,
      %swap3A_159 = vector.shape_cast %swap3A_158 : vector<1x16xf32> to vector<16xf32>
      %swap3A_160 = vector.shape_cast %mul3A_155 : vector<16xf32> to vector<1x16xf32>
      tpu.vector_store %arg9[%swap3A_156, %swap3A_157], %swap3A_160 {strides = array<i32>} : memref<128x64xf32, #tpu.memory_space<vmem>>, vector<1x16xf32>,
    }
    %scan3A_33 = arith.constant 64 : i32
    "tpu.region"() ({
      %run_scoped3A = tpu.sem_alloc : memref<!tpu.dma_semaphore, #tpu.memory_space<semaphore_mem>>
      %dma_start3A_34 = arith.constant 0 : i32
      %dma_start3A_35 = tpu.memref_slice %arg5[%multiple_of3A, %dma_start3A_34] : memref<4096x64xf32, #tpu.memory_space<hbm>> -> memref<128x64xf32, #tpu.memory_space<hbm>>
      %dma_start3A_36 = arith.constant 0 : i32
      %dma_start3A_37 = tpu.memref_slice %arg5[%multiple_of3A, %dma_start3A_36] : memref<4096x64xf32, #tpu.memory_space<hbm>> -> memref<128x64xf32, #tpu.memory_space<hbm>>
      tpu.enqueue_dma source(%arg9 : memref<128x64xf32, #tpu.memory_space<vmem>>) target(%dma_start3A_37 : memref<128x64xf32, #tpu.memory_space<hbm>>) target_semaphore(%run_scoped3A : memref<!tpu.dma_semaphore, #tpu.memory_space<semaphore_mem>>)
      %dma_wait3A = arith.constant 0 : i32
      %dma_wait3A_38 = tpu.memref_slice %arg5[%multiple_of3A, %dma_wait3A] : memref<4096x64xf32, #tpu.memory_space<hbm>> -> memref<128x64xf32, #tpu.memory_space<hbm>>
      %dma_wait3A_39 = arith.constant 0 : i32
      %dma_wait3A_40 = tpu.memref_slice %arg5[%multiple_of3A, %dma_wait3A_39] : memref<4096x64xf32, #tpu.memory_space<hbm>> -> memref<128x64xf32, #tpu.memory_space<hbm>>
      tpu.wait_dma2 semaphore(%run_scoped3A : memref<!tpu.dma_semaphore, #tpu.memory_space<semaphore_mem>>) src(%arg9 : memref<128x64xf32, #tpu.memory_space<vmem>>) dst(%dma_wait3A_40 : memref<128x64xf32, #tpu.memory_space<hbm>>)
      tpu.yield
    }) : () -> ()
    return
  }
}

module attributes {stable_mosaic.version = 14 : i64} {
  func.func @_fc_body(%arg0: memref<4096x64xf32, #tpu.memory_space<vmem>>, %arg1: memref<64x50xf32, #tpu.memory_space<vmem>>, %arg2: memref<1x50xf32, #tpu.memory_space<vmem>>, %arg3: memref<4096x50xf32, #tpu.memory_space<vmem>>) attributes {dimension_semantics = [], scalar_prefetch = 0 : i64, scratch_operands = 0 : i64, tpu.core_type = #tpu.core_type<tc>} {
    %get3A = arith.constant 0 : index
    %get3A_0 = arith.constant 0 : index
    %get3A_1 = vector.load %arg0[%get3A, %get3A_0] : memref<4096x64xf32, #tpu.memory_space<vmem>>, vector<4096x64xf32>
    %get3A_2 = arith.constant 0 : index
    %get3A_3 = arith.constant 0 : index
    %get3A_4 = vector.load %arg1[%get3A_2, %get3A_3] : memref<64x50xf32, #tpu.memory_space<vmem>>, vector<64x50xf32>
    %dot_general3A = arith.constant dense<0.000000e+00> : vector<4096x50xf32>
    %dot_general3A_5 = tpu.matmul %get3A_1, %get3A_4, %dot_general3A {dimension_numbers = #tpu.dot_dimension_numbers<[1], [0], [0], [1], [0, 0, 1, 1], [], []>, transpose_lhs_hint = false} : vector<4096x64xf32>, vector<64x50xf32>, vector<4096x50xf32> -> vector<4096x50xf32>
    %get3A_6 = arith.constant 0 : index
    %get3A_7 = arith.constant 0 : index
    %get3A_8 = vector.load %arg2[%get3A_6, %get3A_7] : memref<1x50xf32, #tpu.memory_space<vmem>>, vector<1x50xf32>
    %add3A = vector.broadcast %get3A_8 : vector<1x50xf32> to vector<4096x50xf32>
    %add3A_9 = arith.addf %dot_general3A_5, %add3A : vector<4096x50xf32>
    %swap3A = arith.constant 0 : index
    %swap3A_10 = arith.constant 0 : index
    %swap3A_11 = vector.load %arg3[%swap3A, %swap3A_10] : memref<4096x50xf32, #tpu.memory_space<vmem>>, vector<4096x50xf32>
    tpu.vector_store %arg3[%swap3A, %swap3A_10], %add3A_9 {strides = array<i32>} : memref<4096x50xf32, #tpu.memory_space<vmem>>, vector<4096x50xf32>,
    return
  }
}

</mosaic_0001>

<sc_bundles>
// kernel: kernel.5.cloned.1.call-start
scs
__scs_entry_jumppad:
0x0: {  	(pc) =	sbr.rel $0x88, $3  }
0x1: {  	(tag) =	ssettag $0x0;
	lr =	simm.s32 $0x1  }
0x2: {  	[smem:$0x3F9D] =	sst lr;
	_ =	strace $0xD0000000  }
0x3: {  	_ = 	snop  }
0x4: {  	_ = 	snop  }
0x5: {  	_ = 	snop  }
0x6: {  	_ = 	snop  }
0x7: {  	_ = 	snop  }
__scs_overlays_trampoline_lowered:
0x8: {  	[smem:$0x3FAC] =	sst s0  }
0x9: {  	[smem:$0x3FAD] =	sst s1  }
0xa: {  	[smem:$0x3FAE] =	sst s2  }
0xb: {  	[smem:$0x3FAF] =	sst s3  }
0xc: {  	[smem:$0x3FB0] =	sst s4  }
0xd: {  	[smem:$0x3FB1] =	sst s5  }
0xe: {  	[smem:$0x3FB2] =	sst s6  }
0xf: {  	[smem:$0x3FB3] =	sst s7  }
0x10: {  	[smem:$0x3FB4] =	sst s8  }
0x11: {  	[smem:$0x3FB5] =	sst s9;
	s0 =	simm.s32 @!p0 $0x0  }
0x12: {  	s1 =	sld [smem:$0x3F9B];
	s0 =	simm.s32 @p0 $0x1  }
0x13: {  	[smem:$0x3FB6] =	sst s0;
	s0 =	simm.s32 @!p1 $0x0  }
0x14: {  	s2 =	sld [smem:$0x3F9A];
	s0 =	simm.s32 @p1 $0x1  }
0x15: {  	[smem:$0x3FB7] =	sst s0;
	s0 =	simm.s32 @!p2 $0x0  }
0x16: {  	s3 =	sld [smem:$0x3FDB];
	s0 =	simm.s32 @p2 $0x1  }
0x17: {  	s4 =	simm.s32 $0x1BF5;
	[smem:$0x3FB9] =	sst s0  }
0x18: {  	s0 =	sld [smem:$0x3F9C];
	_ =	swait.ge [sflag:s4], $0x0  }
0x19: {  	s7 =	sld [smem:$0x3F9D]  }
0x1a: {  	s8 =	sadd.s32 $0xFFFFE003, lr  }
0x1b: {  	s9 =	sadd.s32 $0xFFFFFEF7, lr;
	s5 =	simm.s32 $0xFFFFFFFF;
	p2 =	slt.u32 s8, $0xFFFFF086  }
0x1c: {  	p1 =	slt.u32 s9, $0xF7A;
	s5 =	simm.s32 @!p2 $0x0  }
0x1d: {  	s5 =	simm.s32 @p1 $0x1;
	p0 =	seq.s32 s7, s2  }
0x1e: {  	s7 =	smul.u32 @!p0 $0xF7A, s2;
	p2 =	seq.s32 @!p0 s5, $0x0  }
0x1f: {  	s9 =	smul.u32 $0xF7A, s1;
	s8 =	simm.s32 @!p0 $0x1BF5;
	p2 =	por !p2, p0  }
0x20: {  	[sflag:s8] =	ssyncset.s32 @!p0 $0xFFFFF086;
	s6 =	sadd.s32 @!p0 s3, s7;
	s7 =	simm.s32 @!p0 $0x108  }
0x21: {  	s3 =	sadd.s32 s3, s9;
	s6 =	sadd.s32 @!p0 $0x88, s6;
	s7 =	simm.s32 @p2 $0x1082  }
0x22: {  	[simem:s7], [sflag:s8] =	dma.local @!p0 [hbm:s6], $0xF7A  }
0x23: {  	s9 =	sor.u32 $0xD0000000, s2;
	s6 =	simm.s32 $0x108;
	_ =	swait.ge @!p0 [sflag:s8], $0x0  }
0x24: {  	s3 =	sadd.s32 $0x88, s3;
	s6 =	simm.s32 @!p1 $0x1082;
	[sflag:s4] =	ssyncset.s32 $0xFFFFF086  }
0x25: {  	[simem:s6], [sflag:s4] =	dma.local [hbm:s3], $0xF7A  }
0x26: {  	[smem:$0x3F9D] =	sst s1;
	(tag) =	ssettag s2;
	_ =	strace s9  }
0x27: {  	s1 =	sld [smem:$0x3FAD]  }
0x28: {  	s2 =	sld [smem:$0x3FAE]  }
0x29: {  	s4 =	sld [smem:$0x3FB0]  }
0x2a: {  	p0 =	seq.s32 s5, $0x0;
	s5 =	sld [smem:$0x3FB1]  }
0x2b: {  	s6 =	sld [smem:$0x3FB2]  }
0x2c: {  	s7 =	sld [smem:$0x3FB3]  }
0x2d: {  	s3 =	simm.s32 $0x108;
	s8 =	sld [smem:$0x3FB4]  }
0x2e: {  	s3 =	simm.s32 @!p0 $0x1082;
	s9 =	sld [smem:$0x3FB5]  }
0x2f: {  	lr =	sadd.s32 s0, s3;
	s0 =	sld [smem:$0x3FAC]  }
0x30: {  	s3 =	sld [smem:$0x3FAF]  }
0x31: {  	[smem:$0x3FB8] =	sst s10  }
0x32: {  	s10 =	sld [smem:$0x3FB6];
	_ =	sdelay $0x3  }
0x33: {  	p0 =	seq.s32 s10, $0x1;
	s10 =	sld [smem:$0x3FB8];
	_ =	sdelay $0x3  }
0x34: {  	[smem:$0x3FB8] =	sst s10  }
0x35: {  	s10 =	sld [smem:$0x3FB7];
	_ =	sdelay $0x3  }
0x36: {  	p1 =	seq.s32 s10, $0x1;
	s10 =	sld [smem:$0x3FB8];
	_ =	sdelay $0x3  }
0x37: {  	[smem:$0x3FB8] =	sst s10  }
0x38: {  	s10 =	sld [smem:$0x3FB9]  }
0x39: {  	_ = 	snop;
	(pc) =	sbr.ind lr, $3  }
0x3a: {  	_ = 	snop  }
0x3b: {  	_ = 	snop  }
0x3c: {  	p2 =	seq.s32 s10, $0x1;
	s10 =	sld [smem:$0x3FB8]  }
0x3d: {  	_ =	shalt  }
0x3e: {  	_ =	shalt  }
0x3f: {  	_ =	shalt  }
0x40: {  	_ =	shalt  }
0x41: {  	_ =	shalt  }
0x42: {  	_ =	shalt  }
0x43: {  	_ =	shalt  }
0x44: {  	_ =	shalt  }
0x45: {  	_ =	shalt  }
0x46: {  	_ =	shalt  }
0x47: {  	_ =	shalt  }
0x48: {  	_ =	shalt  }
0x49: {  	_ =	shalt  }
0x4a: {  	_ =	shalt  }
0x4b: {  	_ =	shalt  }
0x4c: {  	_ =	shalt  }
0x4d: {  	_ =	shalt  }
0x4e: {  	_ =	shalt  }
0x4f: {  	_ =	shalt  }
0x50: {  	_ =	shalt  }
0x51: {  	_ =	shalt  }
0x52: {  	_ =	shalt  }
0x53: {  	_ =	shalt  }
0x54: {  	_ =	shalt  }
0x55: {  	_ =	shalt  }
0x56: {  	_ =	shalt  }
0x57: {  	_ =	shalt  }
0x58: {  	_ =	shalt  }
0x59: {  	_ =	shalt  }
0x5a: {  	_ =	shalt  }
0x5b: {  	_ =	shalt  }
0x5c: {  	_ =	shalt  }
0x5d: {  	_ =	shalt  }
0x5e: {  	_ =	shalt  }
0x5f: {  	_ =	shalt  }
0x60: {  	_ =	shalt  }
0x61: {  	_ =	shalt  }
0x62: {  	_ =	shalt  }
0x63: {  	_ =	shalt  }
0x64: {  	_ =	shalt  }
0x65: {  	_ =	shalt  }
0x66: {  	_ =	shalt  }
0x67: {  	_ =	shalt  }
0x68: {  	_ =	shalt  }
0x69: {  	_ =	shalt  }
0x6a: {  	_ =	shalt  }
0x6b: {  	_ =	shalt  }
0x6c: {  	_ =	shalt  }
0x6d: {  	_ =	shalt  }
0x6e: {  	_ =	shalt  }
0x6f: {  	_ =	shalt  }
0x70: {  	_ =	shalt  }
0x71: {  	_ =	shalt  }
0x72: {  	_ =	shalt  }
0x73: {  	_ =	shalt  }
0x74: {  	_ =	shalt  }
0x75: {  	_ =	shalt  }
0x76: {  	_ =	shalt  }
0x77: {  	_ =	shalt  }
0x78: {  	_ =	shalt  }
0x79: {  	_ =	shalt  }
0x7a: {  	_ =	shalt  }
0x7b: {  	_ =	shalt  }
0x7c: {  	_ =	shalt  }
0x7d: {  	_ =	shalt  }
0x7e: {  	_ =	shalt  }
0x7f: {  	_ =	shalt  }
0x80: {  	_ =	shalt  }
0x81: {  	_ =	shalt  }
0x82: {  	_ =	shalt  }
0x83: {  	_ =	shalt  }
0x84: {  	_ =	shalt  }
0x85: {  	_ =	shalt  }
0x86: {  	_ =	shalt  }
0x87: {  	_ =	shalt  }
.Lfunc_end0:
.L_simem_size_0:
called_computation_lowered:
.L_overlay_start_0:
0x88: {  	s2 =	sld [smem:$0x3FD9]  }
0x89: {  	s3 =	sld [smem:$0x3FFE];
	_ =	sdelay $0x1  }
0x8a: {  	s1 =	srdreg.scid  }
0x8b: {  	s0 =	sand.u32 $0x1, s1  }
0x8c: {  	s17 =	sshll.u32 s0, $0xA;
	s2 =	sadd.s32 s3, s2  }
0x8d: {  	s2 =	sadd.s32 s2, s17  }
0x8e: {  	[smem:$0x3FC4] =	sst s2  }
0x8f: {  	_ = 	snop  }
0x90: {  	s2 =	sld [smem:$0x3FC8];
	(tm) =	ssettm $0x1  }
0x91: {  	s18 =	sld [smem:$0x3FFB];
	_ =	sdelay $0x3  }
0x92: {  	_ =	strace s18  }
0x93: {  	s3 =	sld [smem:$0x3FFC];
	_ =	sdelay $0x3  }
0x94: {  	_ =	strace s3  }
0x95: {  	s3 =	sld [smem:$0x3FFD];
	_ =	sdelay $0x3  }
0x96: {  	_ =	strace s3  }
0x97: {  	_ =	strace $0x8FFFFFFF  }
0x98: {  	s19 =	sld [smem:$0x3FDB];
	_ =	sdelay $0x1  }
0x99: {  	s4 =	simm.s32 $_scs_section_size  }
0x9a: {  	s5 =	simm.s32 $_size__tile_overlayer_lowered;
	s6 =	simm.s32 $_tile_overlayer_lowered  }
0x9b: {  	s22 =	simm.s32 $0x1BFF;
	s21 =	sshll.u32 s6, $0x1;
	s3 =	sadd.s32 s4, s19  }
0x9c: {  	s7 =	simm.s32 $0x0;
	s20 =	sshll.u32 s5, $0x1;
	s5 =	sadd.s32 s21, s3  }
0x9d: {  	[timem:s7], [sflag:s22] =	dma.local [hbm:s5], s20  }
0x9e: {  	_ =	swait.ge [sflag:s22], s20  }
0x9f: {  	s4 =	ssub.s32 $0x0, s20;
	[sflag:s22] =	ssyncset.done $0x0  }
0xa0: {  	[sflag:s22] =	ssyncadd.s32 s4;
	_ =	sdelay $0x1  }
0xa1: {  	s23 =	simm.s32 $0x1B8B  }
0xa2: {  	_ =	swait.ge [sflag:s23], $0x1  }
0xa3: {  	[sflag:s23] =	ssyncset.done $0x0  }
0xa4: {  	s25 =	simm.s32 $0x1B8E;
	s24 =	sld [smem:$0x3FFE];
	[sflag:s23] =	ssyncadd.s32 $0xFFFFFFFF  }
0xa5: {  	s26 =	simm.s32 $execute0_lowered;
	[smem:$0x3FD2] =	sst s25  }
0xa6: {  	s5 =	sshll.u32 s26, $0x1;
	_ =	strace $0x80000046;
	[dreg:$0x1] =	wrdreg $0xFFFFFFFF  }
0xa7: {  	s28 =	simm.s32 $_size_execute0_lowered;
	s3 =	sadd.s32 s3, s5;
	[dreg:$0x0] =	wrdreg $0x0  }
0xa8: {  	s5 =	sshll.u32 s28, $0x1;
	[dreg:$0x2] =	wrdreg s3  }
0xa9: {  	[dreg:$0x3] =	wrdreg s5  }
0xaa: {  	[dreg:$0x4] =	wrdreg $0xC0  }
0xab: {  	_ =	task [dreg:s7], $0x5FFFF  }
0xac: {  	[dreg:$0x1] =	wrdreg $0xFFFFFFFF  }
0xad: {  	[dreg:$0x0] =	wrdreg $0x60  }
0xae: {  	[dreg:$0x2] =	wrdreg s2  }
0xaf: {  	[dreg:$0x3] =	wrdreg s24  }
0xb0: {  	[dreg:$0x4] =	wrdreg $0x9  }
0xb1: {  	_ =	task.clear_ibuf [dreg:s7], $0x5FFFF;
	_ =	strace $0x90000046  }
0xb2: {  	s29 =	simm.s32 $0x9;
	_ =	strace $0x80000048  }
0xb3: {  	_ =	swait.ge [sflag:s29], $0x1  }
0xb4: {  	[sflag:s29] =	ssyncadd.s32 $0xFFFFFFFF  }
0xb5: {  	_ =	strace $0x90000048  }
0xb6: {  	_ =	sfence  }
0xb7: {  	s30 =	sld [smem:$0x0];
	_ =	sdelay $0x2  }
0xb8: {  	s31 =	sshll.u32 s1, $0xD;
	s1 =	sshrl.u32 s1, $0x2  }
0xb9: {  	s3 =	sand.u32 $0x4000, s31;
	s1 =	sadd.s32 s1, s30  }
0xba: {  	s0 =	sor.u32 s3, s0;
	s1 =	sshll.u32 s1, $0x11  }
0xbb: {  	s0 =	sor.u32 s1, s0  }
0xbc: {  	s0 =	sadd.s32 $0x8F2B, s0  }
0xbd: {  	[sflag:s0] =	ssyncadd.remote.s32 $0x1  }
0xbe: {  	_ =	sfence.sel $0xFFFF  }
0xbf: {  	[dreg:$0x0] =	wrdreg $0xFFFFFFFF;
	(pc) =	sbr.abs _section_cstart, $3  }
0xc0: {  	[dreg:$0x1] =	wrdreg $0xFFFFFFFF  }
0xc1: {  	_ =	task.clear_ibuf [dreg:s7], $0x2FFFF;
	_ =	strace $0x9FFFFFFF  }
0xc2: {  	(tm) =	ssettm $0x7FFFFFFF  }
0xc3: {  	_ =	shalt  }
tec
execute0_lowered:
.L_overlay_start_1:
0x0: {  	(tag) =	ssettag $0x1  }
0x1: {  	v0 =	vimm.s32 $0xFEDCBA9  }
0x2: {  	v1 =	vimm.s32 $0x87654321;
	v3 =	vimm.s32 $0x98765432;
	v6 =	vimm.s32 $0xA9876543  }
0x3: {  	v7 =	vimm.s32 $0x3210FEDC;
	v8 =	vimm.s32 $0xBA987654;
	v15 =	vimm.s32 $0xDCBA9876  }
0x4: {  	v16 =	vimm.s32 $0x6543210F;
	v17 =	vimm.s32 $0xFEDCBA98;
	v18 =	vimm.s32 $0xEDCBA987  }
0x5: {  	v19 =	vimm.s32 $0x76543210;
	vm0 =	vcmask $0x1F10;
	v26 =	vimm.s32 $0x13521150  }
0x6: {  	v27 =	vimm.s32 $0x17561554;
	v32 =	vimm.s32 $0x37763574;
	vm1 =	vcmask $0x300  }
0x7: {  	vm2 =	vcmask $0x704;
	vm3 =	vcmask $0xB08;
	vm4 =	vcmask $0xF0C  }
0x8: {  	vm14 =	vcmask $0x1310;
	vm15 =	vcmask $0x1714;
	vm5 =	vcmask $0x1B18  }
0x9: {  	vm8 =	vcmask $0x1F1C;
	vm9 =	vcmask $0x2320;
	vm10 =	vcmask $0x2724  }
0xa: {  	vm11 =	vcmask $0x2B28;
	vm12 =	vcmask $0x2F2C;
	vm13 =	vcmask $0x3330  }
0xb: {  	v0 =	vunpack.c.l.s4.s8 v0;
	v1 =	vunpack.c.l.s4.s8 v1;
	v6 =	vunpack.c.l.s4.s8 v6  }
0xc: {  	v7 =	vunpack.c.l.s4.s8 v7;
	v15 =	vunpack.c.l.s4.s8 v15;
	v17 =	vunpack.c.l.s4.s8 v17  }
0xd: {  	v16 =	vunpack.c.l.s4.s8 v16;
	v18 =	vunpack.c.l.s4.s8 v18;
	v19 =	vunpack.c.l.s4.s8 v19  }
0xe: {  	v32 =	vunpack.c.0.s8.s32 v32;
	v2 =	vunpack.c.0.s8.s32 v0;
	v0 =	vimm.s32 $0x10FEDCBA  }
0xf: {  	v1 =	vunpack.c.0.s8.s32 v1;
	v6 =	vunpack.c.0.s8.s32 v6;
	v0 =	vunpack.c.l.s4.s8 v0  }
0x10: {  	v7 =	vunpack.c.0.s8.s32 v7;
	v21 =	vunpack.c.0.s8.s32 v15;
	v22 =	vunpack.c.0.s8.s32 v16  }
0x11: {  	v23 =	vunpack.c.0.s8.s32 v18;
	v4 =	vunpack.c.0.s8.s32 v0;
	v0 =	vunpack.c.l.s4.s8 v3  }
0x12: {  	v15 =	vunpack.c.0.s8.s32 v19;
	v5 =	vcombine.low v1, v2;
	v3 =	vimm.s32 $0x210FEDCB  }
0x13: {  	v3 =	vunpack.c.l.s4.s8 v3;
	v9 =	vunpack.c.0.s8.s32 v0;
	v0 =	vunpack.c.l.s4.s8 v8  }
0x14: {  	v29 =	vcombine.low v23, v22;
	v5 =	vand.u32 $0xF, v5;
	v8 =	vimm.s32 $0x43210FED  }
0x15: {  	v3 =	vunpack.c.0.s8.s32 v3;
	v10 =	vunpack.c.0.s8.s32 v0;
	v0 =	vunpack.c.l.s4.s8 v8  }
0x16: {  	v8 =	vimm.s32 $0xCBA98765;
	v11 =	vcombine.low v9, v4;
	v16 =	vcombine.low v4, v9  }
0x17: {  	v4 =	vimm.s32 $0x47064504;
	v9 =	vimm.s32 $0x63226120;
	v12 =	vcombine.low v6, v3  }
0x18: {  	v13 =	vunpack.c.l.s4.s8 v8;
	v4 =	vunpack.c.0.s8.s32 v4;
	v8 =	vcombine.low v10, v7  }
0x19: {  	v14 =	vunpack.c.0.s8.s32 v0;
	v0 =	vimm.s32 $0x543210FE;
	v18 =	vcombine.low v7, v10  }
0x1a: {  	v7 =	vimm.s32 $0x5F1E5D1C;
	v10 =	vimm.s32 $0x67266524;
	v0 =	vunpack.c.l.s4.s8 v0  }
0x1b: {  	v16 =	vand.u32 $0xF, v16;
	v13 =	vunpack.c.0.s8.s32 v13;
	v7 =	vunpack.c.0.s8.s32 v7  }
0x1c: {  	v8 =	vand.u32 $0xF, v8;
	v18 =	vand.u32 $0xF, v18;
	v20 =	vunpack.c.0.s8.s32 v0  }
0x1d: {  	v0 =	vunpack.c.0.s8.s32 v17;
	v24 =	vcombine.low v13, v14;
	v17 =	vcombine.low v3, v6  }
0x1e: {  	v19 =	vcombine.low v14, v13;
	v3 =	vimm.s32 $0x43024100;
	v6 =	vimm.s32 $0x5B1A5918  }
0x1f: {  	v13 =	vimm.s32 $0x3420140;
	v14 =	vimm.s32 $0x7460544;
	v3 =	vunpack.c.0.s8.s32 v3  }
0x20: {  	v6 =	vunpack.c.0.s8.s32 v6;
	v13 =	vunpack.c.0.s8.s32 v13;
	v14 =	vunpack.c.0.s8.s32 v14  }
0x21: {  	v25 =	vcombine.low v21, v20;
	v0 =	vand.u32 $0xF, v0;
	v20 =	vcombine.low v20, v21  }
0x22: {  	v21 =	vcombine.low v22, v23;
	v22 =	vimm.s32 $0x1B5A1958;
	v23 =	vimm.s32 $0x1F5E1D5C  }
0x23: {  	v17 =	vand.u32 $0xF, v17;
	v0 =	vcombine.low v0, v15;
	v15 =	vcombine.low v2, v1  }
0x24: {  	v1 =	vimm.s32 $0x4B0A4908;
	v2 =	vimm.s32 $0x4F0E4D0C;
	v22 =	vunpack.c.0.s8.s32 v22  }
0x25: {  	v23 =	vunpack.c.0.s8.s32 v23;
	v1 =	vunpack.c.0.s8.s32 v1;
	v2 =	vunpack.c.0.s8.s32 v2  }
0x26: {  	v19 =	vand.u32 $0xF, v19;
	v13 =	vsel vm0, v14, v13;
	v20 =	vand.u32 $0xF, v20  }
0x27: {  	v21 =	vand.u32 $0xF, v21;
	v14 =	vsel vm0, v23, v22;
	v1 =	vsel vm0, v2, v1  }
0x28: {  	v2 =	vsel vm0, v4, v3;
	v3 =	vimm.s32 $0x53125110;
	v4 =	vimm.s32 $0x57165514  }
0x29: {  	v1 =	vcombine.low v2, v1;
	v2 =	vsel vm0, v7, v6;
	v3 =	vunpack.c.0.s8.s32 v3  }
0x2a: {  	v6 =	vimm.s32 $0x6B2A6928;
	v4 =	vunpack.c.0.s8.s32 v4;
	v7 =	vimm.s32 $0x6F2E6D2C  }
0x2b: {  	v23 =	vimm.s32 $0x3B7A3978;
	v6 =	vunpack.c.0.s8.s32 v6;
	v7 =	vunpack.c.0.s8.s32 v7  }
0x2c: {  	v3 =	vsel vm0, v4, v3;
	v4 =	vunpack.c.0.s8.s32 v9;
	v9 =	vunpack.c.0.s8.s32 v10  }
0x2d: {  	v10 =	vimm.s32 $0x7F3E7D3C;
	v6 =	vsel vm0, v7, v6;
	v7 =	vimm.s32 $0x7B3A7938  }
0x2e: {  	v4 =	vsel vm0, v9, v4;
	v7 =	vunpack.c.0.s8.s32 v7;
	v9 =	vunpack.c.0.s8.s32 v10  }
0x2f: {  	v2 =	vcombine.low v3, v2;
	v3 =	vcombine.low v4, v6;
	v4 =	vimm.s32 $0x73327130  }
0x30: {  	v6 =	vimm.s32 $0x77367534;
	v10 =	vsel vm0, v9, v7;
	v4 =	vunpack.c.0.s8.s32 v4  }
0x31: {  	v6 =	vunpack.c.0.s8.s32 v6;
	v7 =	vimm.s32 $0xB4A0948;
	v9 =	vimm.s32 $0xF4E0D4C  }
0x32: {  	v23 =	vunpack.c.0.s8.s32 v23;
	v7 =	vunpack.c.0.s8.s32 v7;
	v9 =	vunpack.c.0.s8.s32 v9  }
0x33: {  	v30 =	vsel vm0, v6, v4;
	v4 =	vunpack.c.0.s8.s32 v26;
	v6 =	vunpack.c.0.s8.s32 v27  }
0x34: {  	v26 =	vimm.s32 $0x3F7E3D7C;
	v27 =	vimm.s32 $0x33723170;
	v31 =	vsel vm0, v9, v7  }
0x35: {  	v22 =	vsel vm0, v6, v4;
	v4 =	vimm.s32 $0x2B6A2968;
	v6 =	vimm.s32 $0x2F6E2D6C  }
0x36: {  	v7 =	vimm.s32 $0x23622160;
	v4 =	vunpack.c.0.s8.s32 v4;
	v6 =	vunpack.c.0.s8.s32 v6  }
0x37: {  	v9 =	vimm.s32 $0x27662564;
	v28 =	vunpack.c.0.s8.s32 v26;
	v7 =	vunpack.c.0.s8.s32 v7  }
0x38: {  	v9 =	vunpack.c.0.s8.s32 v9;
	v26 =	vsel vm0, v6, v4;
	v6 =	vunpack.c.0.s8.s32 v27  }
0x39: {  	v15 =	vand.u32 $0xF, v15;
	v10 =	vcombine.low v30, v10;
	v28 =	vsel vm0, v28, v23  }
0x3a: {  	v27 =	vsel vm0, v9, v7;
	v32 =	vsel vm0, v32, v6;
	v6 =	vimm.s32 $0xB80  }
0x3b: {  	v4 =	vlaneseq.u32;
	v26 =	vcombine.low v27, v26;
	v7 =	vsel vm1, $0x0, v6  }
0x3c: {  	v6 =	vand.u32 $0xF, v11;
	v27 =	vcombine.low v32, v28;
	v9 =	vsel vm2, $0x80, v7  }
0x3d: {  	v7 =	vand.u32 $0xF, v12;
	v12 =	vimm.s32 $0x1B80;
	v11 =	vsel vm3, $0x100, v9  }
0x3e: {  	v9 =	vand.u32 $0xF, v24;
	v24 =	vsel vm1, $0x1000, v12;
	v12 =	vcombine.low v22, v14  }
0x3f: {  	v14 =	vimm.s32 $0x3B80;
	v11 =	vsel vm4, $0x180, v11;
	v24 =	vsel vm2, $0x1080, v24  }
0x40: {  	v23 =	vsel vm14, $0x200, v11;
	v11 =	vcombine.low v13, v31;
	v13 =	vimm.s32 $0x2B80  }
0x41: {  	v14 =	vsel vm1, $0x3000, v14;
	v24 =	vsel vm3, $0x1100, v24;
	v22 =	vsel vm1, $0x2000, v13  }
0x42: {  	v13 =	vand.u32 $0xF, v25;
	v23 =	vsel vm15, $0x280, v23;
	v25 =	vsel vm2, $0x3080, v14  }
0x43: {  	v14 =	vand.u32 $0xF, v29;
	v24 =	vsel vm4, $0x1180, v24;
	v22 =	vsel vm2, $0x2080, v22  }
0x44: {  	v23 =	vsel vm5, $0x300, v23;
	v25 =	vsel vm3, $0x3100, v25;
	v24 =	vsel vm14, $0x1200, v24  }
0x45: {  	v22 =	vsel vm3, $0x2100, v22;
	v23 =	vsel vm8, $0x380, v23;
	v25 =	vsel vm4, $0x3180, v25  }
0x46: {  	v24 =	vsel vm15, $0x1280, v24;
	v22 =	vsel vm4, $0x2180, v22;
	v23 =	vsel vm9, $0x800, v23  }
0x47: {  	s0 =	rddreg [dreg:$0x0];
	v25 =	vsel vm14, $0x3200, v25;
	v24 =	vsel vm5, $0x1300, v24;
	v22 =	vsel vm14, $0x2200, v22  }
0x48: {  	s3 =	rddreg [dreg:$0x1];
	v23 =	vsel vm10, $0x880, v23;
	v25 =	vsel vm15, $0x3280, v25;
	v24 =	vsel vm8, $0x1380, v24  }
0x49: {  	s1 =	rddreg [dreg:$0x2];
	s2 =	simm.s32 $0x0;
	vm14 =	vcmask $0x3734;
	v22 =	vsel vm15, $0x2280, v22;
	v23 =	vsel vm11, $0x900, v23  }
0x4a: {  	s4 =	srdreg.scid;
	s16 =	stileid.u32;
	s9 =	simm.s32 $0x800;
	v25 =	vsel vm5, $0x3300, v25;
	v24 =	vsel vm9, $0x1800, v24;
	vm15 =	vcmask $0x3B38  }
0x4b: {  	s10 =	simm.s32 $0x7A1400;
	s11 =	simm.s32 $0x4000;
	s12 =	simm.s32 $0x1;
	v22 =	vsel vm5, $0x2300, v22;
	v23 =	vsel vm12, $0x980, v23;
	v25 =	vsel vm8, $0x3380, v25  }
0x4c: {  	s13 =	simm.s32 $0x8000;
	s14 =	simm.s32 $0x2;
	s15 =	simm.s32 $0xC000;
	v24 =	vsel vm10, $0x1880, v24;
	v22 =	vsel vm8, $0x2380, v22;
	v23 =	vsel vm13, $0xA00, v23  }
0x4d: {  	s17 =	simm.s32 $0x4;
	s18 =	simm.s32 $0x0;
	[smem:$0x7FF] =	sst s2;
	v25 =	vsel vm9, $0x3800, v25;
	v22 =	vsel vm9, $0x2800, v22;
	v23 =	vsel vm14, $0xA80, v23  }
0x4e: {  	s5 =	sand.u32 $0x1, s4;
	s3 =	sadd.s32 $0x1200, s3;
	s29 =	sshll.u32 s16, $0x1;
	v25 =	vsel vm10, $0x3880, v25;
	v29 =	vsel vm10, $0x2880, v22;
	v22 =	vsel vm15, $0xB00, v23  }
.Ltmp0:
0x4f: {  	p0 =	sne.s32 s16, $0x0;
	s16 =	simm.s32 $0x3;
	v23 =	vsel vm11, $0x1900, v24;
	v25 =	vsel vm11, $0x3900, v25;
	v24 =	vsel vm11, $0x2900, v29;
	(pc) =	sbr.rel .LBB2_1-.Ltmp0, $4  }
0x50: {  	_ =	strace $0x80000047;
	s6 =	ssub.s32 $0x2, s5;
	s4 =	sor.u32 s5, s29;
	v23 =	vsel vm12, $0x1980, v23;
	v25 =	vsel vm12, $0x3980, v25;
	v24 =	vsel vm12, $0x2980, v24  }
0x51: {  	s5 =	sshll.u32 s5, $0xB;
	s7 =	sshrl.u32 s6, $0x1;
	s30 =	sshll.u32 s4, $0x8;
	v23 =	vsel vm13, $0x1A00, v23;
	v25 =	vsel vm13, $0x3A00, v25;
	v24 =	vsel vm13, $0x2A00, v24  }
0x52: {  	s31 =	sadd.s32 s5, s3;
	s8 =	ssub.s32 s6, s7;
	s5 =	sadd.s32 s0, s30;
	v23 =	vsel vm14, $0x1A80, v23;
	v25 =	vsel vm14, $0x3A80, v25;
	v24 =	vsel vm14, $0x2A80, v24  }
0x53: {  	s6 =	sadd.s32 $0x2000, s0;
	s7 =	sadd.s32 $0x7A0000, s31;
	s8 =	smax.u32 s8, $0x1;
	v23 =	vsel vm15, $0x1B00, v23;
	v25 =	vsel vm15, $0x3B00, v25;
	v24 =	vsel vm15, $0x2B00, v24  }
.LBB2_11:
0x54: {  	s18 =	sadd.s32 $0x1, s18  }
0x55: {  	_ =	swait.ge [sflag:s17], $0x4000;
	p1 =	sne.s32 s18, s8  }
.Ltmp1:
0x56: {  	[sflag:s17] =	ssyncset.done $0x0;
	(pc) =	sbr.rel @!p1 .LBB2_12-.Ltmp1, $4  }
0x57: {  	[sflag:s17] =	ssyncadd.s32 $0xFFFFC000  }
0x58: {  	_ =	swait.ge [sflag:s16], $0x4000  }
0x59: {  	[sflag:s16] =	ssyncset.done $0x0  }
0x5a: {  	[sflag:s16] =	ssyncadd.s32 $0xFFFFC000  }
.LBB2_1:
0x5b: {  	[tilespmem:s2], [sflag:$0x1] =	stream.strided.gather [hbm4b:s5+s9], $0x4000, s10, s9, $0x38;
	[tilespmem:$0x10000] =	vst v63  }
0x5c: {  	s19 =	simm.s32 $0x0  }
.LBB2_2:
0x5d: {  	s20 =	sshll.u32 s19, $0x6  }
0x5e: {  	s22 =	sor.u32 s4, s20  }
0x5f: {  	s20 =	sor.u32 $0x20, s22  }
0x60: {  	s21 =	sshll.u32 s20, $0x8  }
0x61: {  	s23 =	sadd.s32 s0, s21  }
0x62: {  	[tilespmem:s11], [sflag:$0x2] =	stream.strided.gather [hbm4b:s23+s9], $0x4000, s10, s9, $0x38;
	[tilespmem:$0x10000] =	vst v63  }
0x63: {  	_ =	swait.ge [sflag:s12], $0x4000  }
0x64: {  	p1 =	seq.s32 s19, $0x0;
	[sflag:s12] =	ssyncset.done $0x0  }
0x65: {  	s23 =	simm.s32 @!p1 $0x3;
	[sflag:s12] =	ssyncadd.s32 $0xFFFFC000  }
0x66: {  	_ =	swait.ge @!p1 [sflag:s23], $0x4000  }
0x67: {  	[sflag:s23] =	ssyncset.done @!p1 $0x0  }
0x68: {  	[sflag:s23] =	ssyncadd.s32 @!p1 $0xFFFFC000;
	s23 =	simm.s32 $0x0  }
.LBB2_3:
0x69: {  	v28 =	vmov s23  }
0x6a: {  	v28 =	vshll.u32 v28, $0x3  }
0x6b: {  	v32 =	vor.u32 s23, v4;
	v28 =	vand.u32 $0x400, v28  }
0x6c: {  	v33 =	vand.u32 $0x7F, v32;
	v31 =	vor.u32 v22, v28  }
0x6d: {  	v30 =	vor.u32 v23, v28;
	v34 =	vor.u32 v33, v31  }
0x6e: {  	v29 =	vor.u32 v24, v28;
	v35 =	vor.u32 v33, v30  }
0x6f: {  	v36 =	vor.u32 s23, v5;
	v28 =	vor.u32 v25, v28;
	v37 =	vor.u32 v33, v29  }
0x70: {  	v38 =	vand.u32 $0x7F, v36;
	v33 =	vor.u32 v33, v28  }
0x71: {  	v41 =	vor.u32 s23, v6;
	v39 =	vor.u32 v38, v31  }
0x72: {  	v50 =	vor.u32 s23, v7;
	v43 =	vand.u32 $0x7F, v41;
	v40 =	vor.u32 v38, v30;
	v34 =	vld.idx.msk [tilespmem:v34+s2+$0x0], $0xffff  }
0x73: {  	v32 =	vshll.u32 v32, $0x6;
	v52 =	vand.u32 $0x7F, v50;
	v42 =	vor.u32 v38, v29;
	v35 =	vld.idx.msk [tilespmem:v35+s2+$0x0], $0xffff  }
0x74: {  	v36 =	vshll.u32 v36, $0x6;
	v32 =	vand.u32 $0x3F80, v32;
	v38 =	vor.u32 v38, v28;
	v37 =	vld.idx.msk [tilespmem:v37+s2+$0x0], $0xffff  }
0x75: {  	v41 =	vshll.u32 v41, $0x6;
	v45 =	vor.u32 v1, v32;
	v44 =	vor.u32 v43, v31;
	v33 =	vld.idx.msk [tilespmem:v33+s2+$0x0], $0xffff  }
0x76: {  	v36 =	vand.u32 $0x3F80, v36;
	v47 =	vor.u32 v2, v32;
	v46 =	vor.u32 v43, v30;
	v39 =	vld.idx.msk [tilespmem:v39+s2+$0x0], $0xffff  }
0x77: {  	v41 =	vand.u32 $0x3F80, v41;
	v49 =	vor.u32 v3, v32;
	v48 =	vor.u32 v43, v29;
	v40 =	vld.idx.msk [tilespmem:v40+s2+$0x0], $0xffff  }
0x78: {  	v32 =	vor.u32 v10, v32;
	v54 =	vor.u32 v11, v36;
	v51 =	vor.u32 v43, v28;
	v42 =	vld.idx.msk [tilespmem:v42+s2+$0x0], $0xffff  }
0x79: {  	v56 =	vor.u32 v12, v36;
	v58 =	vor.u32 v26, v36;
	v53 =	vor.u32 v52, v31;
	v38 =	vld.idx.msk [tilespmem:v38+s2+$0x0], $0xffff  }
0x7a: {  	v36 =	vor.u32 v27, v36;
	v55 =	vor.u32 v52, v30;
	v44 =	vld.idx.msk [tilespmem:v44+s2+$0x0], $0xffff;
	[tilespmem:v45+s13+$0x0] =	vst.idx.msk $0xffff, v34  }
0x7b: {  	v62 =	vor.u32 v1, v41;
	v57 =	vor.u32 v52, v29;
	v43 =	vld.idx.msk [tilespmem:v46+s2+$0x0], $0xffff;
	[tilespmem:v47+s13+$0x0] =	vst.idx.msk $0xffff, v35  }
0x7c: {  	v59 =	vor.u32 v52, v28;
	v46 =	vld.idx.msk [tilespmem:v48+s2+$0x0], $0xffff;
	[tilespmem:v49+s13+$0x0] =	vst.idx.msk $0xffff, v37;
	v49 =	vor.u32 s23, v8  }
0x7d: {  	v52 =	vor.u32 v2, v41;
	v34 =	vld.idx.msk [tilespmem:v51+s2+$0x0], $0xffff;
	[tilespmem:v32+s13+$0x0] =	vst.idx.msk $0xffff, v33;
	v60 =	vand.u32 $0x7F, v49  }
0x7e: {  	v33 =	vld.idx.msk [tilespmem:v53+s2+$0x0], $0xffff;
	[tilespmem:v54+s13+$0x0] =	vst.idx.msk $0xffff, v39;
	v61 =	vor.u32 v60, v31;
	v63 =	vor.u32 v60, v30  }
0x7f: {  	v53 =	vor.u32 v60, v29;
	v54 =	vor.u32 v3, v41;
	v37 =	vld.idx.msk [tilespmem:v55+s2+$0x0], $0xffff;
	[tilespmem:v56+s13+$0x0] =	vst.idx.msk $0xffff, v40  }
0x80: {  	v48 =	vor.u32 s23, v9;
	v41 =	vor.u32 v10, v41;
	v32 =	vld.idx.msk [tilespmem:v57+s2+$0x0], $0xffff;
	[tilespmem:v58+s13+$0x0] =	vst.idx.msk $0xffff, v42;
	v57 =	vshll.u32 v50, $0x6  }
0x81: {  	v55 =	vor.u32 v60, v28;
	v56 =	vand.u32 $0x7F, v48;
	v39 =	vld.idx.msk [tilespmem:v59+s2+$0x0], $0xffff;
	v59 =	vand.u32 $0x3F80, v57  }
0x82: {  	v58 =	vor.u32 v56, v31;
	[tilespmem:v36+s13+$0x0] =	vst.idx.msk $0xffff, v38;
	v47 =	vor.u32 v11, v59  }
0x83: {  	v60 =	vor.u32 v56, v30;
	v38 =	vld.idx.msk [tilespmem:v61+s2+$0x0], $0xffff;
	[tilespmem:v62+s13+$0x0] =	vst.idx.msk $0xffff, v44;
	v61 =	vor.u32 v12, v59  }
0x84: {  	v62 =	vor.u32 v56, v29;
	v35 =	vld.idx.msk [tilespmem:v63+s2+$0x0], $0xffff;
	[tilespmem:v52+s13+$0x0] =	vst.idx.msk $0xffff, v43;
	v63 =	vor.u32 v26, v59  }
0x85: {  	v50 =	vor.u32 s23, v13;
	v52 =	vor.u32 v56, v28;
	v36 =	vld.idx.msk [tilespmem:v53+s2+$0x0], $0xffff;
	[tilespmem:v54+s13+$0x0] =	vst.idx.msk $0xffff, v46;
	v54 =	vshll.u32 v49, $0x6  }
0x86: {  	v43 =	vor.u32 v27, v59;
	v53 =	vand.u32 $0x7F, v50;
	v44 =	vld.idx.msk [tilespmem:v55+s2+$0x0], $0xffff;
	[tilespmem:v41+s13+$0x0] =	vst.idx.msk $0xffff, v34;
	v56 =	vand.u32 $0x3F80, v54  }
0x87: {  	v55 =	vor.u32 v53, v31;
	v41 =	vld.idx.msk [tilespmem:v58+s2+$0x0], $0xffff;
	[tilespmem:v47+s13+$0x0] =	vst.idx.msk $0xffff, v33;
	v47 =	vor.u32 v1, v56  }
0x88: {  	v57 =	vor.u32 v53, v30;
	v58 =	vor.u32 v2, v56;
	v40 =	vld.idx.msk [tilespmem:v60+s2+$0x0], $0xffff;
	[tilespmem:v61+s13+$0x0] =	vst.idx.msk $0xffff, v37  }
0x89: {  	v59 =	vor.u32 v53, v29;
	v60 =	vor.u32 v3, v56;
	v34 =	vld.idx.msk [tilespmem:v62+s2+$0x0], $0xffff;
	[tilespmem:v63+s13+$0x0] =	vst.idx.msk $0xffff, v32  }
0x8a: {  	v49 =	vor.u32 s23, v14;
	v61 =	vor.u32 v53, v28;
	v33 =	vld.idx.msk [tilespmem:v52+s2+$0x0], $0xffff;
	v52 =	vshll.u32 v48, $0x6  }
0x8b: {  	v62 =	vor.u32 v10, v56;
	v63 =	vand.u32 $0x7F, v49;
	[tilespmem:v43+s13+$0x0] =	vst.idx.msk $0xffff, v39;
	v54 =	vand.u32 $0x3F80, v52  }
0x8c: {  	v53 =	vor.u32 v63, v31;
	v37 =	vld.idx.msk [tilespmem:v55+s2+$0x0], $0xffff;
	[tilespmem:v47+s13+$0x0] =	vst.idx.msk $0xffff, v38;
	v47 =	vor.u32 v11, v54  }
0x8d: {  	v48 =	vor.u32 s23, v0;
	v55 =	vor.u32 v63, v30;
	v32 =	vld.idx.msk [tilespmem:v57+s2+$0x0], $0xffff;
	[tilespmem:v58+s13+$0x0] =	vst.idx.msk $0xffff, v35  }
0x8e: {  	v56 =	vor.u32 v12, v54;
	v42 =	vor.u32 v27, v54;
	v39 =	vld.idx.msk [tilespmem:v59+s2+$0x0], $0xffff;
	[tilespmem:v60+s13+$0x0] =	vst.idx.msk $0xffff, v36  }
0x8f: {  	v57 =	vor.u32 v63, v29;
	v58 =	vor.u32 v26, v54;
	v38 =	vld.idx.msk [tilespmem:v61+s2+$0x0], $0xffff;
	v61 =	vshll.u32 v50, $0x6  }
0x90: {  	v59 =	vor.u32 v63, v28;
	v60 =	vand.u32 $0x7F, v48;
	[tilespmem:v62+s13+$0x0] =	vst.idx.msk $0xffff, v44;
	v63 =	vand.u32 $0x3F80, v61  }
0x91: {  	v62 =	vor.u32 v60, v31;
	v35 =	vld.idx.msk [tilespmem:v53+s2+$0x0], $0xffff;
	[tilespmem:v47+s13+$0x0] =	vst.idx.msk $0xffff, v41;
	v47 =	vor.u32 v1, v63  }
0x92: {  	v52 =	vor.u32 v60, v30;
	v54 =	vor.u32 v60, v29  }
0x93: {  	v53 =	vor.u32 v2, v63;
	v43 =	vor.u32 v10, v63;
	v36 =	vld.idx.msk [tilespmem:v55+s2+$0x0], $0xffff;
	[tilespmem:v56+s13+$0x0] =	vst.idx.msk $0xffff, v40  }
0x94: {  	v50 =	vor.u32 s23, v15;
	v55 =	vor.u32 v3, v63;
	v44 =	vld.idx.msk [tilespmem:v57+s2+$0x0], $0xffff;
	[tilespmem:v58+s13+$0x0] =	vst.idx.msk $0xffff, v34;
	v58 =	vshll.u32 v49, $0x6  }
0x95: {  	v56 =	vor.u32 v60, v28;
	v57 =	vand.u32 $0x7F, v50;
	v41 =	vld.idx.msk [tilespmem:v59+s2+$0x0], $0xffff;
	[tilespmem:v42+s13+$0x0] =	vst.idx.msk $0xffff, v33;
	v60 =	vand.u32 $0x3F80, v58  }
0x96: {  	v59 =	vor.u32 v57, v31;
	v40 =	vld.idx.msk [tilespmem:v62+s2+$0x0], $0xffff;
	[tilespmem:v47+s13+$0x0] =	vst.idx.msk $0xffff, v37;
	v47 =	vor.u32 v11, v60  }
0x97: {  	v61 =	vor.u32 v57, v30;
	v63 =	vor.u32 v57, v29  }
0x98: {  	v62 =	vor.u32 v12, v60;
	v45 =	vor.u32 v27, v60;
	v34 =	vld.idx.msk [tilespmem:v52+s2+$0x0], $0xffff;
	[tilespmem:v53+s13+$0x0] =	vst.idx.msk $0xffff, v32  }
0x99: {  	v49 =	vor.u32 s23, v16;
	v52 =	vor.u32 v26, v60;
	v33 =	vld.idx.msk [tilespmem:v54+s2+$0x0], $0xffff;
	[tilespmem:v55+s13+$0x0] =	vst.idx.msk $0xffff, v39;
	v55 =	vshll.u32 v48, $0x6  }
0x9a: {  	v53 =	vor.u32 v57, v28;
	v54 =	vand.u32 $0x7F, v49;
	v37 =	vld.idx.msk [tilespmem:v56+s2+$0x0], $0xffff;
	[tilespmem:v43+s13+$0x0] =	vst.idx.msk $0xffff, v38;
	v57 =	vand.u32 $0x3F80, v55  }
0x9b: {  	v56 =	vor.u32 v54, v31;
	v32 =	vld.idx.msk [tilespmem:v59+s2+$0x0], $0xffff;
	[tilespmem:v47+s13+$0x0] =	vst.idx.msk $0xffff, v35;
	v47 =	vor.u32 v1, v57  }
0x9c: {  	v51 =	vshll.u32 v50, $0x6;
	v48 =	vor.u32 s23, v17;
	v58 =	vor.u32 v54, v30  }
0x9d: {  	v60 =	vor.u32 v54, v29;
	v59 =	vor.u32 v2, v57;
	v39 =	vld.idx.msk [tilespmem:v61+s2+$0x0], $0xffff;
	[tilespmem:v62+s13+$0x0] =	vst.idx.msk $0xffff, v36  }
0x9e: {  	v42 =	vor.u32 v10, v57;
	v61 =	vor.u32 v3, v57;
	v38 =	vld.idx.msk [tilespmem:v63+s2+$0x0], $0xffff;
	[tilespmem:v52+s13+$0x0] =	vst.idx.msk $0xffff, v44  }
0x9f: {  	v62 =	vor.u32 v54, v28;
	v63 =	vand.u32 $0x7F, v48;
	v35 =	vld.idx.msk [tilespmem:v53+s2+$0x0], $0xffff;
	[tilespmem:v45+s13+$0x0] =	vst.idx.msk $0xffff, v41;
	v53 =	vand.u32 $0x3F80, v51  }
0xa0: {  	v52 =	vor.u32 v63, v31;
	v36 =	vld.idx.msk [tilespmem:v56+s2+$0x0], $0xffff;
	[tilespmem:v47+s13+$0x0] =	vst.idx.msk $0xffff, v40;
	v47 =	vor.u32 v11, v53  }
0xa1: {  	v54 =	vor.u32 v63, v30;
	v55 =	vor.u32 v12, v53  }
0xa2: {  	v56 =	vor.u32 v63, v29;
	v57 =	vor.u32 v26, v53;
	v43 =	vld.idx.msk [tilespmem:v58+s2+$0x0], $0xffff;
	[tilespmem:v59+s13+$0x0] =	vst.idx.msk $0xffff, v34  }
0xa3: {  	v50 =	vor.u32 s23, v18;
	v44 =	vor.u32 v27, v53;
	v41 =	vld.idx.msk [tilespmem:v60+s2+$0x0], $0xffff;
	[tilespmem:v61+s13+$0x0] =	vst.idx.msk $0xffff, v33;
	v60 =	vshll.u32 v49, $0x6  }
0xa4: {  	v58 =	vor.u32 v63, v28;
	v59 =	vand.u32 $0x7F, v50;
	v40 =	vld.idx.msk [tilespmem:v62+s2+$0x0], $0xffff;
	[tilespmem:v42+s13+$0x0] =	vst.idx.msk $0xffff, v37;
	v62 =	vand.u32 $0x3F80, v60  }
0xa5: {  	v61 =	vor.u32 v59, v31;
	v34 =	vld.idx.msk [tilespmem:v52+s2+$0x0], $0xffff;
	[tilespmem:v47+s13+$0x0] =	vst.idx.msk $0xffff, v32;
	v47 =	vor.u32 v1, v62  }
0xa6: {  	v63 =	vor.u32 v59, v30;
	v53 =	vor.u32 v59, v29;
	v52 =	vor.u32 v2, v62  }
0xa7: {  	v45 =	vor.u32 v10, v62;
	v33 =	vld.idx.msk [tilespmem:v54+s2+$0x0], $0xffff;
	[tilespmem:v55+s13+$0x0] =	vst.idx.msk $0xffff, v39;
	v54 =	vor.u32 v3, v62  }
0xa8: {  	v49 =	vor.u32 s23, v19;
	v55 =	vor.u32 v59, v28;
	v37 =	vld.idx.msk [tilespmem:v56+s2+$0x0], $0xffff;
	[tilespmem:v57+s13+$0x0] =	vst.idx.msk $0xffff, v38;
	v57 =	vshll.u32 v48, $0x6  }
0xa9: {  	v56 =	vand.u32 $0x7F, v49;
	v48 =	vor.u32 s23, v20;
	v32 =	vld.idx.msk [tilespmem:v58+s2+$0x0], $0xffff;
	[tilespmem:v44+s13+$0x0] =	vst.idx.msk $0xffff, v35;
	v59 =	vand.u32 $0x3F80, v57  }
0xaa: {  	v58 =	vor.u32 v56, v31;
	v39 =	vld.idx.msk [tilespmem:v61+s2+$0x0], $0xffff;
	[tilespmem:v47+s13+$0x0] =	vst.idx.msk $0xffff, v36;
	v47 =	vor.u32 v11, v59  }
0xab: {  	v60 =	vor.u32 v56, v30;
	v62 =	vor.u32 v56, v29;
	v61 =	vor.u32 v12, v59  }
0xac: {  	v38 =	vld.idx.msk [tilespmem:v63+s2+$0x0], $0xffff;
	[tilespmem:v52+s13+$0x0] =	vst.idx.msk $0xffff, v43;
	v63 =	vor.u32 v26, v59;
	v52 =	vor.u32 v56, v28  }
0xad: {  	v43 =	vor.u32 v27, v59;
	v35 =	vld.idx.msk [tilespmem:v53+s2+$0x0], $0xffff;
	[tilespmem:v54+s13+$0x0] =	vst.idx.msk $0xffff, v41;
	v53 =	vand.u32 $0x7F, v48;
	v54 =	vshll.u32 v50, $0x6  }
0xae: {  	v36 =	vld.idx.msk [tilespmem:v55+s2+$0x0], $0xffff;
	[tilespmem:v45+s13+$0x0] =	vst.idx.msk $0xffff, v40;
	v55 =	vor.u32 v53, v31;
	v56 =	vand.u32 $0x3F80, v54  }
0xaf: {  	v57 =	vor.u32 v53, v30;
	v42 =	vld.idx.msk [tilespmem:v58+s2+$0x0], $0xffff;
	[tilespmem:v47+s13+$0x0] =	vst.idx.msk $0xffff, v34;
	v47 =	vor.u32 v1, v56  }
0xb0: {  	v59 =	vor.u32 v53, v29;
	v58 =	vor.u32 v2, v56;
	v44 =	vor.u32 v10, v56  }
0xb1: {  	v49 =	vshll.u32 v49, $0x6;
	v41 =	vld.idx.msk [tilespmem:v60+s2+$0x0], $0xffff;
	[tilespmem:v61+s13+$0x0] =	vst.idx.msk $0xffff, v33;
	v60 =	vor.u32 v3, v56;
	v61 =	vor.u32 s23, v21  }
0xb2: {  	v51 =	vand.u32 $0x3F80, v49;
	v40 =	vld.idx.msk [tilespmem:v62+s2+$0x0], $0xffff;
	[tilespmem:v63+s13+$0x0] =	vst.idx.msk $0xffff, v37;
	v62 =	vor.u32 v53, v28;
	v63 =	vand.u32 $0x7F, v61  }
0xb3: {  	v34 =	vld.idx.msk [tilespmem:v52+s2+$0x0], $0xffff;
	[tilespmem:v43+s13+$0x0] =	vst.idx.msk $0xffff, v32;
	v31 =	vor.u32 v63, v31;
	v52 =	vor.u32 v11, v51  }
0xb4: {  	v33 =	vld.idx.msk [tilespmem:v55+s2+$0x0], $0xffff;
	[tilespmem:v47+s13+$0x0] =	vst.idx.msk $0xffff, v39  }
0xb5: {  	v54 =	vor.u32 v26, v51;
	v53 =	vor.u32 v12, v51;
	v37 =	vld.idx.msk [tilespmem:v57+s2+$0x0], $0xffff;
	[tilespmem:v58+s13+$0x0] =	vst.idx.msk $0xffff, v38  }
0xb6: {  	v30 =	vor.u32 v63, v30;
	v29 =	vor.u32 v63, v29;
	v32 =	vld.idx.msk [tilespmem:v59+s2+$0x0], $0xffff;
	[tilespmem:v60+s13+$0x0] =	vst.idx.msk $0xffff, v35  }
0xb7: {  	v28 =	vor.u32 v63, v28;
	v55 =	vshll.u32 v48, $0x6;
	v35 =	vld.idx.msk [tilespmem:v62+s2+$0x0], $0xffff;
	[tilespmem:v44+s13+$0x0] =	vst.idx.msk $0xffff, v36  }
0xb8: {  	v38 =	vor.u32 v27, v51;
	v31 =	vld.idx.msk [tilespmem:v31+s2+$0x0], $0xffff;
	[tilespmem:v52+s13+$0x0] =	vst.idx.msk $0xffff, v42;
	v42 =	vand.u32 $0x3F80, v55  }
0xb9: {  	v56 =	vor.u32 v1, v42  }
0xba: {  	v57 =	vor.u32 v2, v42  }
0xbb: {  	v59 =	vshll.u32 v61, $0x6;
	v30 =	vld.idx.msk [tilespmem:v30+s2+$0x0], $0xffff;
	[tilespmem:v53+s13+$0x0] =	vst.idx.msk $0xffff, v41;
	v58 =	vor.u32 v3, v42  }
0xbc: {  	v42 =	vor.u32 v10, v42;
	v29 =	vld.idx.msk [tilespmem:v29+s2+$0x0], $0xffff;
	[tilespmem:v54+s13+$0x0] =	vst.idx.msk $0xffff, v40;
	v40 =	vand.u32 $0x3F80, v59  }
0xbd: {  	v28 =	vld.idx.msk [tilespmem:v28+s2+$0x0], $0xffff;
	[tilespmem:v38+s13+$0x0] =	vst.idx.msk $0xffff, v34;
	v60 =	vor.u32 v11, v40  }
0xbe: {  	v61 =	vor.u32 v12, v40;
	[tilespmem:v56+s13+$0x0] =	vst.idx.msk $0xffff, v33  }
0xbf: {  	v62 =	vor.u32 v26, v40;
	[tilespmem:v57+s13+$0x0] =	vst.idx.msk $0xffff, v37  }
0xc0: {  	p2 =	sne.s32 s23, $0xF0;
	v63 =	vor.u32 v27, v40;
	[tilespmem:v58+s13+$0x0] =	vst.idx.msk $0xffff, v32  }
.Ltmp2:
0xc1: {  	[tilespmem:v42+s13+$0x0] =	vst.idx.msk $0xffff, v35;
	(pc) =	sbr.rel @p2 .LBB2_3-.Ltmp2, $4  }
0xc2: {  	[tilespmem:v60+s13+$0x0] =	vst.idx.msk $0xffff, v31  }
0xc3: {  	[tilespmem:v61+s13+$0x0] =	vst.idx.msk $0xffff, v30  }
0xc4: {  	[tilespmem:v62+s13+$0x0] =	vst.idx.msk $0xffff, v29  }
0xc5: {  	s23 =	sadd.s32 $0x10, s23;
	[tilespmem:v63+s13+$0x0] =	vst.idx.msk $0xffff, v28  }
0xc6: {  	s22 =	sshll.u32 s22, $0xB;
	p2 =	sgt.u32 s20, $0xF21  }
0xc7: {  	s22 =	sadd.s32 s3, s22;
	s21 =	sadd.s32 @!p2 s21, s6  }
0xc8: {  	[hbm4b:s22+s2] =	stream.linear.scatter [tilespmem:s13], [sflag:$0x3], $0x4000, $0x38;
	[tilespmem:$0x10000] =	vst v63  }
0xc9: {  	s23 =	simm.s32 @!p2 $0x7A1400;
	s24 =	simm.s32 @!p2 $0x0;
	s22 =	simm.s32 @!p2 $0x800  }
0xca: {  	[tilespmem:s24], [sflag:$0x1] =	stream.strided.gather @!p2 [hbm4b:s21+s22], $0x4000, s23, s22, $0x38;
	[tilespmem:$0x10000] =	vst v63  }
0xcb: {  	_ =	swait.ge [sflag:s14], $0x4000  }
0xcc: {  	[sflag:s14] =	ssyncset.done $0x0  }
0xcd: {  	s21 =	simm.s32 @!p1 $0x4;
	[sflag:s14] =	ssyncadd.s32 $0xFFFFC000  }
0xce: {  	_ =	swait.ge @!p1 [sflag:s21], $0x4000  }
0xcf: {  	[sflag:s21] =	ssyncset.done @!p1 $0x0  }
0xd0: {  	[sflag:s21] =	ssyncadd.s32 @!p1 $0xFFFFC000;
	s21 =	simm.s32 $0x0  }
.LBB2_5:
0xd1: {  	v28 =	vmov s21  }
0xd2: {  	v28 =	vshll.u32 v28, $0x3  }
0xd3: {  	v32 =	vor.u32 s21, v4;
	v28 =	vand.u32 $0x400, v28  }
0xd4: {  	v33 =	vand.u32 $0x7F, v32;
	v31 =	vor.u32 v22, v28  }
0xd5: {  	v30 =	vor.u32 v23, v28;
	v34 =	vor.u32 v33, v31  }
0xd6: {  	v29 =	vor.u32 v24, v28;
	v35 =	vor.u32 v33, v30  }
0xd7: {  	v36 =	vor.u32 s21, v5;
	v28 =	vor.u32 v25, v28;
	v37 =	vor.u32 v33, v29  }
0xd8: {  	v38 =	vand.u32 $0x7F, v36;
	v33 =	vor.u32 v33, v28  }
0xd9: {  	v41 =	vor.u32 s21, v6;
	v39 =	vor.u32 v38, v31  }
0xda: {  	v50 =	vor.u32 s21, v7;
	v43 =	vand.u32 $0x7F, v41;
	v40 =	vor.u32 v38, v30;
	v34 =	vld.idx.msk [tilespmem:v34+s11+$0x0], $0xffff  }
0xdb: {  	v32 =	vshll.u32 v32, $0x6;
	v52 =	vand.u32 $0x7F, v50;
	v42 =	vor.u32 v38, v29;
	v35 =	vld.idx.msk [tilespmem:v35+s11+$0x0], $0xffff  }
0xdc: {  	v36 =	vshll.u32 v36, $0x6;
	v32 =	vand.u32 $0x3F80, v32;
	v38 =	vor.u32 v38, v28;
	v37 =	vld.idx.msk [tilespmem:v37+s11+$0x0], $0xffff  }
0xdd: {  	v41 =	vshll.u32 v41, $0x6;
	v45 =	vor.u32 v1, v32;
	v44 =	vor.u32 v43, v31;
	v33 =	vld.idx.msk [tilespmem:v33+s11+$0x0], $0xffff  }
0xde: {  	v36 =	vand.u32 $0x3F80, v36;
	v47 =	vor.u32 v2, v32;
	v46 =	vor.u32 v43, v30;
	v39 =	vld.idx.msk [tilespmem:v39+s11+$0x0], $0xffff  }
0xdf: {  	v41 =	vand.u32 $0x3F80, v41;
	v49 =	vor.u32 v3, v32;
	v48 =	vor.u32 v43, v29;
	v40 =	vld.idx.msk [tilespmem:v40+s11+$0x0], $0xffff  }
0xe0: {  	v32 =	vor.u32 v10, v32;
	v54 =	vor.u32 v11, v36;
	v51 =	vor.u32 v43, v28;
	v42 =	vld.idx.msk [tilespmem:v42+s11+$0x0], $0xffff  }
0xe1: {  	v56 =	vor.u32 v12, v36;
	v58 =	vor.u32 v26, v36;
	v53 =	vor.u32 v52, v31;
	v38 =	vld.idx.msk [tilespmem:v38+s11+$0x0], $0xffff  }
0xe2: {  	v36 =	vor.u32 v27, v36;
	v55 =	vor.u32 v52, v30;
	v44 =	vld.idx.msk [tilespmem:v44+s11+$0x0], $0xffff;
	[tilespmem:v45+s15+$0x0] =	vst.idx.msk $0xffff, v34  }
0xe3: {  	v62 =	vor.u32 v1, v41;
	v57 =	vor.u32 v52, v29;
	v43 =	vld.idx.msk [tilespmem:v46+s11+$0x0], $0xffff;
	[tilespmem:v47+s15+$0x0] =	vst.idx.msk $0xffff, v35  }
0xe4: {  	v59 =	vor.u32 v52, v28;
	v46 =	vld.idx.msk [tilespmem:v48+s11+$0x0], $0xffff;
	[tilespmem:v49+s15+$0x0] =	vst.idx.msk $0xffff, v37;
	v49 =	vor.u32 s21, v8  }
0xe5: {  	v52 =	vor.u32 v2, v41;
	v34 =	vld.idx.msk [tilespmem:v51+s11+$0x0], $0xffff;
	[tilespmem:v32+s15+$0x0] =	vst.idx.msk $0xffff, v33;
	v60 =	vand.u32 $0x7F, v49  }
0xe6: {  	v33 =	vld.idx.msk [tilespmem:v53+s11+$0x0], $0xffff;
	[tilespmem:v54+s15+$0x0] =	vst.idx.msk $0xffff, v39;
	v61 =	vor.u32 v60, v31;
	v63 =	vor.u32 v60, v30  }
0xe7: {  	v53 =	vor.u32 v60, v29;
	v54 =	vor.u32 v3, v41;
	v37 =	vld.idx.msk [tilespmem:v55+s11+$0x0], $0xffff;
	[tilespmem:v56+s15+$0x0] =	vst.idx.msk $0xffff, v40  }
0xe8: {  	v48 =	vor.u32 s21, v9;
	v41 =	vor.u32 v10, v41;
	v32 =	vld.idx.msk [tilespmem:v57+s11+$0x0], $0xffff;
	[tilespmem:v58+s15+$0x0] =	vst.idx.msk $0xffff, v42;
	v57 =	vshll.u32 v50, $0x6  }
0xe9: {  	v55 =	vor.u32 v60, v28;
	v56 =	vand.u32 $0x7F, v48;
	v39 =	vld.idx.msk [tilespmem:v59+s11+$0x0], $0xffff;
	v59 =	vand.u32 $0x3F80, v57  }
0xea: {  	v58 =	vor.u32 v56, v31;
	[tilespmem:v36+s15+$0x0] =	vst.idx.msk $0xffff, v38;
	v47 =	vor.u32 v11, v59  }
0xeb: {  	v60 =	vor.u32 v56, v30;
	v38 =	vld.idx.msk [tilespmem:v61+s11+$0x0], $0xffff;
	[tilespmem:v62+s15+$0x0] =	vst.idx.msk $0xffff, v44;
	v61 =	vor.u32 v12, v59  }
0xec: {  	v62 =	vor.u32 v56, v29;
	v35 =	vld.idx.msk [tilespmem:v63+s11+$0x0], $0xffff;
	[tilespmem:v52+s15+$0x0] =	vst.idx.msk $0xffff, v43;
	v63 =	vor.u32 v26, v59  }
0xed: {  	v50 =	vor.u32 s21, v13;
	v52 =	vor.u32 v56, v28;
	v36 =	vld.idx.msk [tilespmem:v53+s11+$0x0], $0xffff;
	[tilespmem:v54+s15+$0x0] =	vst.idx.msk $0xffff, v46;
	v54 =	vshll.u32 v49, $0x6  }
0xee: {  	v43 =	vor.u32 v27, v59;
	v53 =	vand.u32 $0x7F, v50;
	v44 =	vld.idx.msk [tilespmem:v55+s11+$0x0], $0xffff;
	[tilespmem:v41+s15+$0x0] =	vst.idx.msk $0xffff, v34;
	v56 =	vand.u32 $0x3F80, v54  }
0xef: {  	v55 =	vor.u32 v53, v31;
	v41 =	vld.idx.msk [tilespmem:v58+s11+$0x0], $0xffff;
	[tilespmem:v47+s15+$0x0] =	vst.idx.msk $0xffff, v33;
	v47 =	vor.u32 v1, v56  }
0xf0: {  	v57 =	vor.u32 v53, v30;
	v58 =	vor.u32 v2, v56;
	v40 =	vld.idx.msk [tilespmem:v60+s11+$0x0], $0xffff;
	[tilespmem:v61+s15+$0x0] =	vst.idx.msk $0xffff, v37  }
0xf1: {  	v59 =	vor.u32 v53, v29;
	v60 =	vor.u32 v3, v56;
	v34 =	vld.idx.msk [tilespmem:v62+s11+$0x0], $0xffff;
	[tilespmem:v63+s15+$0x0] =	vst.idx.msk $0xffff, v32  }
0xf2: {  	v49 =	vor.u32 s21, v14;
	v61 =	vor.u32 v53, v28;
	v33 =	vld.idx.msk [tilespmem:v52+s11+$0x0], $0xffff;
	v52 =	vshll.u32 v48, $0x6  }
0xf3: {  	v62 =	vor.u32 v10, v56;
	v63 =	vand.u32 $0x7F, v49;
	[tilespmem:v43+s15+$0x0] =	vst.idx.msk $0xffff, v39;
	v54 =	vand.u32 $0x3F80, v52  }
0xf4: {  	v53 =	vor.u32 v63, v31;
	v37 =	vld.idx.msk [tilespmem:v55+s11+$0x0], $0xffff;
	[tilespmem:v47+s15+$0x0] =	vst.idx.msk $0xffff, v38;
	v47 =	vor.u32 v11, v54  }
0xf5: {  	v48 =	vor.u32 s21, v0;
	v55 =	vor.u32 v63, v30;
	v32 =	vld.idx.msk [tilespmem:v57+s11+$0x0], $0xffff;
	[tilespmem:v58+s15+$0x0] =	vst.idx.msk $0xffff, v35  }
0xf6: {  	v56 =	vor.u32 v12, v54;
	v42 =	vor.u32 v27, v54;
	v39 =	vld.idx.msk [tilespmem:v59+s11+$0x0], $0xffff;
	[tilespmem:v60+s15+$0x0] =	vst.idx.msk $0xffff, v36  }
0xf7: {  	v57 =	vor.u32 v63, v29;
	v58 =	vor.u32 v26, v54;
	v38 =	vld.idx.msk [tilespmem:v61+s11+$0x0], $0xffff;
	v61 =	vshll.u32 v50, $0x6  }
0xf8: {  	v59 =	vor.u32 v63, v28;
	v60 =	vand.u32 $0x7F, v48;
	[tilespmem:v62+s15+$0x0] =	vst.idx.msk $0xffff, v44;
	v63 =	vand.u32 $0x3F80, v61  }
0xf9: {  	v62 =	vor.u32 v60, v31;
	v35 =	vld.idx.msk [tilespmem:v53+s11+$0x0], $0xffff;
	[tilespmem:v47+s15+$0x0] =	vst.idx.msk $0xffff, v41;
	v47 =	vor.u32 v1, v63  }
0xfa: {  	v52 =	vor.u32 v60, v30;
	v54 =	vor.u32 v60, v29  }
0xfb: {  	v53 =	vor.u32 v2, v63;
	v43 =	vor.u32 v10, v63;
	v36 =	vld.idx.msk [tilespmem:v55+s11+$0x0], $0xffff;
	[tilespmem:v56+s15+$0x0] =	vst.idx.msk $0xffff, v40  }
0xfc: {  	v50 =	vor.u32 s21, v15;
	v55 =	vor.u32 v3, v63;
	v44 =	vld.idx.msk [tilespmem:v57+s11+$0x0], $0xffff;
	[tilespmem:v58+s15+$0x0] =	vst.idx.msk $0xffff, v34;
	v58 =	vshll.u32 v49, $0x6  }
0xfd: {  	v56 =	vor.u32 v60, v28;
	v57 =	vand.u32 $0x7F, v50;
	v41 =	vld.idx.msk [tilespmem:v59+s11+$0x0], $0xffff;
	[tilespmem:v42+s15+$0x0] =	vst.idx.msk $0xffff, v33;
	v60 =	vand.u32 $0x3F80, v58  }
0xfe: {  	v59 =	vor.u32 v57, v31;
	v40 =	vld.idx.msk [tilespmem:v62+s11+$0x0], $0xffff;
	[tilespmem:v47+s15+$0x0] =	vst.idx.msk $0xffff, v37;
	v47 =	vor.u32 v11, v60  }
0xff: {  	v61 =	vor.u32 v57, v30;
	v63 =	vor.u32 v57, v29  }
0x100: {  	v62 =	vor.u32 v12, v60;
	v45 =	vor.u32 v27, v60;
	v34 =	vld.idx.msk [tilespmem:v52+s11+$0x0], $0xffff;
	[tilespmem:v53+s15+$0x0] =	vst.idx.msk $0xffff, v32  }
0x101: {  	v49 =	vor.u32 s21, v16;
	v52 =	vor.u32 v26, v60;
	v33 =	vld.idx.msk [tilespmem:v54+s11+$0x0], $0xffff;
	[tilespmem:v55+s15+$0x0] =	vst.idx.msk $0xffff, v39;
	v55 =	vshll.u32 v48, $0x6  }
0x102: {  	v53 =	vor.u32 v57, v28;
	v54 =	vand.u32 $0x7F, v49;
	v37 =	vld.idx.msk [tilespmem:v56+s11+$0x0], $0xffff;
	[tilespmem:v43+s15+$0x0] =	vst.idx.msk $0xffff, v38;
	v57 =	vand.u32 $0x3F80, v55  }
0x103: {  	v56 =	vor.u32 v54, v31;
	v32 =	vld.idx.msk [tilespmem:v59+s11+$0x0], $0xffff;
	[tilespmem:v47+s15+$0x0] =	vst.idx.msk $0xffff, v35;
	v47 =	vor.u32 v1, v57  }
0x104: {  	v51 =	vshll.u32 v50, $0x6;
	v48 =	vor.u32 s21, v17;
	v58 =	vor.u32 v54, v30  }
0x105: {  	v60 =	vor.u32 v54, v29;
	v59 =	vor.u32 v2, v57;
	v39 =	vld.idx.msk [tilespmem:v61+s11+$0x0], $0xffff;
	[tilespmem:v62+s15+$0x0] =	vst.idx.msk $0xffff, v36  }
0x106: {  	v42 =	vor.u32 v10, v57;
	v61 =	vor.u32 v3, v57;
	v38 =	vld.idx.msk [tilespmem:v63+s11+$0x0], $0xffff;
	[tilespmem:v52+s15+$0x0] =	vst.idx.msk $0xffff, v44  }
0x107: {  	v62 =	vor.u32 v54, v28;
	v63 =	vand.u32 $0x7F, v48;
	v35 =	vld.idx.msk [tilespmem:v53+s11+$0x0], $0xffff;
	[tilespmem:v45+s15+$0x0] =	vst.idx.msk $0xffff, v41;
	v53 =	vand.u32 $0x3F80, v51  }
0x108: {  	v52 =	vor.u32 v63, v31;
	v36 =	vld.idx.msk [tilespmem:v56+s11+$0x0], $0xffff;
	[tilespmem:v47+s15+$0x0] =	vst.idx.msk $0xffff, v40;
	v47 =	vor.u32 v11, v53  }
0x109: {  	v54 =	vor.u32 v63, v30;
	v55 =	vor.u32 v12, v53  }
0x10a: {  	v56 =	vor.u32 v63, v29;
	v57 =	vor.u32 v26, v53;
	v43 =	vld.idx.msk [tilespmem:v58+s11+$0x0], $0xffff;
	[tilespmem:v59+s15+$0x0] =	vst.idx.msk $0xffff, v34  }
0x10b: {  	v50 =	vor.u32 s21, v18;
	v44 =	vor.u32 v27, v53;
	v41 =	vld.idx.msk [tilespmem:v60+s11+$0x0], $0xffff;
	[tilespmem:v61+s15+$0x0] =	vst.idx.msk $0xffff, v33;
	v60 =	vshll.u32 v49, $0x6  }
0x10c: {  	v58 =	vor.u32 v63, v28;
	v59 =	vand.u32 $0x7F, v50;
	v40 =	vld.idx.msk [tilespmem:v62+s11+$0x0], $0xffff;
	[tilespmem:v42+s15+$0x0] =	vst.idx.msk $0xffff, v37;
	v62 =	vand.u32 $0x3F80, v60  }
0x10d: {  	v61 =	vor.u32 v59, v31;
	v34 =	vld.idx.msk [tilespmem:v52+s11+$0x0], $0xffff;
	[tilespmem:v47+s15+$0x0] =	vst.idx.msk $0xffff, v32;
	v47 =	vor.u32 v1, v62  }
0x10e: {  	v63 =	vor.u32 v59, v30;
	v53 =	vor.u32 v59, v29;
	v52 =	vor.u32 v2, v62  }
0x10f: {  	v45 =	vor.u32 v10, v62;
	v33 =	vld.idx.msk [tilespmem:v54+s11+$0x0], $0xffff;
	[tilespmem:v55+s15+$0x0] =	vst.idx.msk $0xffff, v39;
	v54 =	vor.u32 v3, v62  }
0x110: {  	v49 =	vor.u32 s21, v19;
	v55 =	vor.u32 v59, v28;
	v37 =	vld.idx.msk [tilespmem:v56+s11+$0x0], $0xffff;
	[tilespmem:v57+s15+$0x0] =	vst.idx.msk $0xffff, v38;
	v57 =	vshll.u32 v48, $0x6  }
0x111: {  	v56 =	vand.u32 $0x7F, v49;
	v48 =	vor.u32 s21, v20;
	v32 =	vld.idx.msk [tilespmem:v58+s11+$0x0], $0xffff;
	[tilespmem:v44+s15+$0x0] =	vst.idx.msk $0xffff, v35;
	v59 =	vand.u32 $0x3F80, v57  }
0x112: {  	v58 =	vor.u32 v56, v31;
	v39 =	vld.idx.msk [tilespmem:v61+s11+$0x0], $0xffff;
	[tilespmem:v47+s15+$0x0] =	vst.idx.msk $0xffff, v36;
	v47 =	vor.u32 v11, v59  }
0x113: {  	v60 =	vor.u32 v56, v30;
	v62 =	vor.u32 v56, v29;
	v61 =	vor.u32 v12, v59  }
0x114: {  	v38 =	vld.idx.msk [tilespmem:v63+s11+$0x0], $0xffff;
	[tilespmem:v52+s15+$0x0] =	vst.idx.msk $0xffff, v43;
	v63 =	vor.u32 v26, v59;
	v52 =	vor.u32 v56, v28  }
0x115: {  	v43 =	vor.u32 v27, v59;
	v35 =	vld.idx.msk [tilespmem:v53+s11+$0x0], $0xffff;
	[tilespmem:v54+s15+$0x0] =	vst.idx.msk $0xffff, v41;
	v53 =	vand.u32 $0x7F, v48;
	v54 =	vshll.u32 v50, $0x6  }
0x116: {  	v36 =	vld.idx.msk [tilespmem:v55+s11+$0x0], $0xffff;
	[tilespmem:v45+s15+$0x0] =	vst.idx.msk $0xffff, v40;
	v55 =	vor.u32 v53, v31;
	v56 =	vand.u32 $0x3F80, v54  }
0x117: {  	v57 =	vor.u32 v53, v30;
	v42 =	vld.idx.msk [tilespmem:v58+s11+$0x0], $0xffff;
	[tilespmem:v47+s15+$0x0] =	vst.idx.msk $0xffff, v34;
	v47 =	vor.u32 v1, v56  }
0x118: {  	v59 =	vor.u32 v53, v29;
	v58 =	vor.u32 v2, v56;
	v44 =	vor.u32 v10, v56  }
0x119: {  	v49 =	vshll.u32 v49, $0x6;
	v41 =	vld.idx.msk [tilespmem:v60+s11+$0x0], $0xffff;
	[tilespmem:v61+s15+$0x0] =	vst.idx.msk $0xffff, v33;
	v60 =	vor.u32 v3, v56;
	v61 =	vor.u32 s21, v21  }
0x11a: {  	v51 =	vand.u32 $0x3F80, v49;
	v40 =	vld.idx.msk [tilespmem:v62+s11+$0x0], $0xffff;
	[tilespmem:v63+s15+$0x0] =	vst.idx.msk $0xffff, v37;
	v62 =	vor.u32 v53, v28;
	v63 =	vand.u32 $0x7F, v61  }
0x11b: {  	v34 =	vld.idx.msk [tilespmem:v52+s11+$0x0], $0xffff;
	[tilespmem:v43+s15+$0x0] =	vst.idx.msk $0xffff, v32;
	v31 =	vor.u32 v63, v31;
	v52 =	vor.u32 v11, v51  }
0x11c: {  	v33 =	vld.idx.msk [tilespmem:v55+s11+$0x0], $0xffff;
	[tilespmem:v47+s15+$0x0] =	vst.idx.msk $0xffff, v39  }
0x11d: {  	v54 =	vor.u32 v26, v51;
	v53 =	vor.u32 v12, v51;
	v37 =	vld.idx.msk [tilespmem:v57+s11+$0x0], $0xffff;
	[tilespmem:v58+s15+$0x0] =	vst.idx.msk $0xffff, v38  }
0x11e: {  	v30 =	vor.u32 v63, v30;
	v29 =	vor.u32 v63, v29;
	v32 =	vld.idx.msk [tilespmem:v59+s11+$0x0], $0xffff;
	[tilespmem:v60+s15+$0x0] =	vst.idx.msk $0xffff, v35  }
0x11f: {  	v28 =	vor.u32 v63, v28;
	v55 =	vshll.u32 v48, $0x6;
	v35 =	vld.idx.msk [tilespmem:v62+s11+$0x0], $0xffff;
	[tilespmem:v44+s15+$0x0] =	vst.idx.msk $0xffff, v36  }
0x120: {  	v38 =	vor.u32 v27, v51;
	v31 =	vld.idx.msk [tilespmem:v31+s11+$0x0], $0xffff;
	[tilespmem:v52+s15+$0x0] =	vst.idx.msk $0xffff, v42;
	v42 =	vand.u32 $0x3F80, v55  }
0x121: {  	v56 =	vor.u32 v1, v42  }
0x122: {  	v57 =	vor.u32 v2, v42  }
0x123: {  	v59 =	vshll.u32 v61, $0x6;
	v30 =	vld.idx.msk [tilespmem:v30+s11+$0x0], $0xffff;
	[tilespmem:v53+s15+$0x0] =	vst.idx.msk $0xffff, v41;
	v58 =	vor.u32 v3, v42  }
0x124: {  	v42 =	vor.u32 v10, v42;
	v29 =	vld.idx.msk [tilespmem:v29+s11+$0x0], $0xffff;
	[tilespmem:v54+s15+$0x0] =	vst.idx.msk $0xffff, v40;
	v40 =	vand.u32 $0x3F80, v59  }
0x125: {  	v28 =	vld.idx.msk [tilespmem:v28+s11+$0x0], $0xffff;
	[tilespmem:v38+s15+$0x0] =	vst.idx.msk $0xffff, v34;
	v60 =	vor.u32 v11, v40  }
0x126: {  	v61 =	vor.u32 v12, v40;
	[tilespmem:v56+s15+$0x0] =	vst.idx.msk $0xffff, v33  }
0x127: {  	v62 =	vor.u32 v26, v40;
	[tilespmem:v57+s15+$0x0] =	vst.idx.msk $0xffff, v37  }
0x128: {  	p1 =	sne.s32 s21, $0xF0;
	v63 =	vor.u32 v27, v40;
	[tilespmem:v58+s15+$0x0] =	vst.idx.msk $0xffff, v32  }
.Ltmp3:
0x129: {  	[tilespmem:v42+s15+$0x0] =	vst.idx.msk $0xffff, v35;
	(pc) =	sbr.rel @p1 .LBB2_5-.Ltmp3, $4  }
0x12a: {  	[tilespmem:v60+s15+$0x0] =	vst.idx.msk $0xffff, v31  }
0x12b: {  	[tilespmem:v61+s15+$0x0] =	vst.idx.msk $0xffff, v30  }
0x12c: {  	[tilespmem:v62+s15+$0x0] =	vst.idx.msk $0xffff, v29  }
0x12d: {  	s21 =	sadd.s32 $0x10, s21;
	[tilespmem:v63+s15+$0x0] =	vst.idx.msk $0xffff, v28  }
0x12e: {  	s19 =	sadd.s32 $0x1, s19  }
0x12f: {  	p1 =	sne.s32 s19, $0x3D  }
.Ltmp4:
0x130: {  	_ = 	snop;
	(pc) =	sbr.rel @p1 .LBB2_2-.Ltmp4, $4  }
0x131: {  	_ = 	snop  }
0x132: {  	s20 =	sshll.u32 s20, $0xB  }
0x133: {  	s20 =	sadd.s32 s3, s20  }
0x134: {  	[hbm4b:s20+s2] =	stream.linear.scatter [tilespmem:s15], [sflag:$0x4], $0x4000, $0x38;
	[tilespmem:$0x10000] =	vst v63  }
.Ltmp5:
0x135: {  	(pc) =	sbr.rel @p0 .LBB2_11-.Ltmp5, $1  }
0x136: {  	_ =	sdelay $0x3  }
0x137: {  	_ =	swait.ge [sflag:s12], $0x4000  }
0x138: {  	[sflag:s12] =	ssyncset.done $0x0  }
0x139: {  	[sflag:s12] =	ssyncadd.s32 $0xFFFFC000  }
0x13a: {  	_ =	swait.ge [sflag:s16], $0x4000  }
0x13b: {  	[sflag:s16] =	ssyncset.done $0x0  }
0x13c: {  	s19 =	simm.s32 $0x0;
	[sflag:s16] =	ssyncadd.s32 $0xFFFFC000  }
.LBB2_9:
0x13d: {  	v28 =	vmov s19  }
0x13e: {  	v28 =	vshll.u32 v28, $0x3  }
0x13f: {  	v32 =	vor.u32 s19, v4;
	v28 =	vand.u32 $0x400, v28  }
0x140: {  	v33 =	vand.u32 $0x7F, v32;
	v31 =	vor.u32 v22, v28  }
0x141: {  	v30 =	vor.u32 v23, v28;
	v34 =	vor.u32 v33, v31  }
0x142: {  	v29 =	vor.u32 v24, v28;
	v35 =	vor.u32 v33, v30  }
0x143: {  	v36 =	vor.u32 s19, v5;
	v28 =	vor.u32 v25, v28;
	v37 =	vor.u32 v33, v29  }
0x144: {  	v38 =	vand.u32 $0x7F, v36;
	v33 =	vor.u32 v33, v28  }
0x145: {  	v41 =	vor.u32 s19, v6;
	v39 =	vor.u32 v38, v31  }
0x146: {  	v50 =	vor.u32 s19, v7;
	v43 =	vand.u32 $0x7F, v41;
	v40 =	vor.u32 v38, v30;
	v34 =	vld.idx.msk [tilespmem:v34+s2+$0x0], $0xffff  }
0x147: {  	v32 =	vshll.u32 v32, $0x6;
	v52 =	vand.u32 $0x7F, v50;
	v42 =	vor.u32 v38, v29;
	v35 =	vld.idx.msk [tilespmem:v35+s2+$0x0], $0xffff  }
0x148: {  	v36 =	vshll.u32 v36, $0x6;
	v32 =	vand.u32 $0x3F80, v32;
	v38 =	vor.u32 v38, v28;
	v37 =	vld.idx.msk [tilespmem:v37+s2+$0x0], $0xffff  }
0x149: {  	v41 =	vshll.u32 v41, $0x6;
	v45 =	vor.u32 v1, v32;
	v44 =	vor.u32 v43, v31;
	v33 =	vld.idx.msk [tilespmem:v33+s2+$0x0], $0xffff  }
0x14a: {  	v36 =	vand.u32 $0x3F80, v36;
	v47 =	vor.u32 v2, v32;
	v46 =	vor.u32 v43, v30;
	v39 =	vld.idx.msk [tilespmem:v39+s2+$0x0], $0xffff  }
0x14b: {  	v41 =	vand.u32 $0x3F80, v41;
	v49 =	vor.u32 v3, v32;
	v48 =	vor.u32 v43, v29;
	v40 =	vld.idx.msk [tilespmem:v40+s2+$0x0], $0xffff  }
0x14c: {  	v32 =	vor.u32 v10, v32;
	v54 =	vor.u32 v11, v36;
	v51 =	vor.u32 v43, v28;
	v42 =	vld.idx.msk [tilespmem:v42+s2+$0x0], $0xffff  }
0x14d: {  	v56 =	vor.u32 v12, v36;
	v58 =	vor.u32 v26, v36;
	v53 =	vor.u32 v52, v31;
	v38 =	vld.idx.msk [tilespmem:v38+s2+$0x0], $0xffff  }
0x14e: {  	v36 =	vor.u32 v27, v36;
	v55 =	vor.u32 v52, v30;
	v44 =	vld.idx.msk [tilespmem:v44+s2+$0x0], $0xffff;
	[tilespmem:v45+s13+$0x0] =	vst.idx.msk $0xffff, v34  }
0x14f: {  	v62 =	vor.u32 v1, v41;
	v57 =	vor.u32 v52, v29;
	v43 =	vld.idx.msk [tilespmem:v46+s2+$0x0], $0xffff;
	[tilespmem:v47+s13+$0x0] =	vst.idx.msk $0xffff, v35  }
0x150: {  	v59 =	vor.u32 v52, v28;
	v46 =	vld.idx.msk [tilespmem:v48+s2+$0x0], $0xffff;
	[tilespmem:v49+s13+$0x0] =	vst.idx.msk $0xffff, v37;
	v49 =	vor.u32 s19, v8  }
0x151: {  	v52 =	vor.u32 v2, v41;
	v34 =	vld.idx.msk [tilespmem:v51+s2+$0x0], $0xffff;
	[tilespmem:v32+s13+$0x0] =	vst.idx.msk $0xffff, v33;
	v60 =	vand.u32 $0x7F, v49  }
0x152: {  	v33 =	vld.idx.msk [tilespmem:v53+s2+$0x0], $0xffff;
	[tilespmem:v54+s13+$0x0] =	vst.idx.msk $0xffff, v39;
	v61 =	vor.u32 v60, v31;
	v63 =	vor.u32 v60, v30  }
0x153: {  	v53 =	vor.u32 v60, v29;
	v54 =	vor.u32 v3, v41;
	v37 =	vld.idx.msk [tilespmem:v55+s2+$0x0], $0xffff;
	[tilespmem:v56+s13+$0x0] =	vst.idx.msk $0xffff, v40  }
0x154: {  	v48 =	vor.u32 s19, v9;
	v41 =	vor.u32 v10, v41;
	v32 =	vld.idx.msk [tilespmem:v57+s2+$0x0], $0xffff;
	[tilespmem:v58+s13+$0x0] =	vst.idx.msk $0xffff, v42;
	v57 =	vshll.u32 v50, $0x6  }
0x155: {  	v55 =	vor.u32 v60, v28;
	v56 =	vand.u32 $0x7F, v48;
	v39 =	vld.idx.msk [tilespmem:v59+s2+$0x0], $0xffff;
	v59 =	vand.u32 $0x3F80, v57  }
0x156: {  	v58 =	vor.u32 v56, v31;
	[tilespmem:v36+s13+$0x0] =	vst.idx.msk $0xffff, v38;
	v47 =	vor.u32 v11, v59  }
0x157: {  	v60 =	vor.u32 v56, v30;
	v38 =	vld.idx.msk [tilespmem:v61+s2+$0x0], $0xffff;
	[tilespmem:v62+s13+$0x0] =	vst.idx.msk $0xffff, v44;
	v61 =	vor.u32 v12, v59  }
0x158: {  	v62 =	vor.u32 v56, v29;
	v35 =	vld.idx.msk [tilespmem:v63+s2+$0x0], $0xffff;
	[tilespmem:v52+s13+$0x0] =	vst.idx.msk $0xffff, v43;
	v63 =	vor.u32 v26, v59  }
0x159: {  	v50 =	vor.u32 s19, v13;
	v52 =	vor.u32 v56, v28;
	v36 =	vld.idx.msk [tilespmem:v53+s2+$0x0], $0xffff;
	[tilespmem:v54+s13+$0x0] =	vst.idx.msk $0xffff, v46;
	v54 =	vshll.u32 v49, $0x6  }
0x15a: {  	v43 =	vor.u32 v27, v59;
	v53 =	vand.u32 $0x7F, v50;
	v44 =	vld.idx.msk [tilespmem:v55+s2+$0x0], $0xffff;
	[tilespmem:v41+s13+$0x0] =	vst.idx.msk $0xffff, v34;
	v56 =	vand.u32 $0x3F80, v54  }
0x15b: {  	v55 =	vor.u32 v53, v31;
	v41 =	vld.idx.msk [tilespmem:v58+s2+$0x0], $0xffff;
	[tilespmem:v47+s13+$0x0] =	vst.idx.msk $0xffff, v33;
	v47 =	vor.u32 v1, v56  }
0x15c: {  	v57 =	vor.u32 v53, v30;
	v58 =	vor.u32 v2, v56;
	v40 =	vld.idx.msk [tilespmem:v60+s2+$0x0], $0xffff;
	[tilespmem:v61+s13+$0x0] =	vst.idx.msk $0xffff, v37  }
0x15d: {  	v59 =	vor.u32 v53, v29;
	v60 =	vor.u32 v3, v56;
	v34 =	vld.idx.msk [tilespmem:v62+s2+$0x0], $0xffff;
	[tilespmem:v63+s13+$0x0] =	vst.idx.msk $0xffff, v32  }
0x15e: {  	v49 =	vor.u32 s19, v14;
	v61 =	vor.u32 v53, v28;
	v33 =	vld.idx.msk [tilespmem:v52+s2+$0x0], $0xffff;
	v52 =	vshll.u32 v48, $0x6  }
0x15f: {  	v62 =	vor.u32 v10, v56;
	v63 =	vand.u32 $0x7F, v49;
	[tilespmem:v43+s13+$0x0] =	vst.idx.msk $0xffff, v39;
	v54 =	vand.u32 $0x3F80, v52  }
0x160: {  	v53 =	vor.u32 v63, v31;
	v37 =	vld.idx.msk [tilespmem:v55+s2+$0x0], $0xffff;
	[tilespmem:v47+s13+$0x0] =	vst.idx.msk $0xffff, v38;
	v47 =	vor.u32 v11, v54  }
0x161: {  	v48 =	vor.u32 s19, v0;
	v55 =	vor.u32 v63, v30;
	v32 =	vld.idx.msk [tilespmem:v57+s2+$0x0], $0xffff;
	[tilespmem:v58+s13+$0x0] =	vst.idx.msk $0xffff, v35  }
0x162: {  	v56 =	vor.u32 v12, v54;
	v42 =	vor.u32 v27, v54;
	v39 =	vld.idx.msk [tilespmem:v59+s2+$0x0], $0xffff;
	[tilespmem:v60+s13+$0x0] =	vst.idx.msk $0xffff, v36  }
0x163: {  	v57 =	vor.u32 v63, v29;
	v58 =	vor.u32 v26, v54;
	v38 =	vld.idx.msk [tilespmem:v61+s2+$0x0], $0xffff;
	v61 =	vshll.u32 v50, $0x6  }
0x164: {  	v59 =	vor.u32 v63, v28;
	v60 =	vand.u32 $0x7F, v48;
	[tilespmem:v62+s13+$0x0] =	vst.idx.msk $0xffff, v44;
	v63 =	vand.u32 $0x3F80, v61  }
0x165: {  	v62 =	vor.u32 v60, v31;
	v35 =	vld.idx.msk [tilespmem:v53+s2+$0x0], $0xffff;
	[tilespmem:v47+s13+$0x0] =	vst.idx.msk $0xffff, v41;
	v47 =	vor.u32 v1, v63  }
0x166: {  	v52 =	vor.u32 v60, v30;
	v54 =	vor.u32 v60, v29  }
0x167: {  	v53 =	vor.u32 v2, v63;
	v43 =	vor.u32 v10, v63;
	v36 =	vld.idx.msk [tilespmem:v55+s2+$0x0], $0xffff;
	[tilespmem:v56+s13+$0x0] =	vst.idx.msk $0xffff, v40  }
0x168: {  	v50 =	vor.u32 s19, v15;
	v55 =	vor.u32 v3, v63;
	v44 =	vld.idx.msk [tilespmem:v57+s2+$0x0], $0xffff;
	[tilespmem:v58+s13+$0x0] =	vst.idx.msk $0xffff, v34;
	v58 =	vshll.u32 v49, $0x6  }
0x169: {  	v56 =	vor.u32 v60, v28;
	v57 =	vand.u32 $0x7F, v50;
	v41 =	vld.idx.msk [tilespmem:v59+s2+$0x0], $0xffff;
	[tilespmem:v42+s13+$0x0] =	vst.idx.msk $0xffff, v33;
	v60 =	vand.u32 $0x3F80, v58  }
0x16a: {  	v59 =	vor.u32 v57, v31;
	v40 =	vld.idx.msk [tilespmem:v62+s2+$0x0], $0xffff;
	[tilespmem:v47+s13+$0x0] =	vst.idx.msk $0xffff, v37;
	v47 =	vor.u32 v11, v60  }
0x16b: {  	v61 =	vor.u32 v57, v30;
	v63 =	vor.u32 v57, v29  }
0x16c: {  	v62 =	vor.u32 v12, v60;
	v45 =	vor.u32 v27, v60;
	v34 =	vld.idx.msk [tilespmem:v52+s2+$0x0], $0xffff;
	[tilespmem:v53+s13+$0x0] =	vst.idx.msk $0xffff, v32  }
0x16d: {  	v49 =	vor.u32 s19, v16;
	v52 =	vor.u32 v26, v60;
	v33 =	vld.idx.msk [tilespmem:v54+s2+$0x0], $0xffff;
	[tilespmem:v55+s13+$0x0] =	vst.idx.msk $0xffff, v39;
	v55 =	vshll.u32 v48, $0x6  }
0x16e: {  	v53 =	vor.u32 v57, v28;
	v54 =	vand.u32 $0x7F, v49;
	v37 =	vld.idx.msk [tilespmem:v56+s2+$0x0], $0xffff;
	[tilespmem:v43+s13+$0x0] =	vst.idx.msk $0xffff, v38;
	v57 =	vand.u32 $0x3F80, v55  }
0x16f: {  	v56 =	vor.u32 v54, v31;
	v32 =	vld.idx.msk [tilespmem:v59+s2+$0x0], $0xffff;
	[tilespmem:v47+s13+$0x0] =	vst.idx.msk $0xffff, v35;
	v47 =	vor.u32 v1, v57  }
0x170: {  	v51 =	vshll.u32 v50, $0x6;
	v48 =	vor.u32 s19, v17;
	v58 =	vor.u32 v54, v30  }
0x171: {  	v60 =	vor.u32 v54, v29;
	v59 =	vor.u32 v2, v57;
	v39 =	vld.idx.msk [tilespmem:v61+s2+$0x0], $0xffff;
	[tilespmem:v62+s13+$0x0] =	vst.idx.msk $0xffff, v36  }
0x172: {  	v42 =	vor.u32 v10, v57;
	v61 =	vor.u32 v3, v57;
	v38 =	vld.idx.msk [tilespmem:v63+s2+$0x0], $0xffff;
	[tilespmem:v52+s13+$0x0] =	vst.idx.msk $0xffff, v44  }
0x173: {  	v62 =	vor.u32 v54, v28;
	v63 =	vand.u32 $0x7F, v48;
	v35 =	vld.idx.msk [tilespmem:v53+s2+$0x0], $0xffff;
	[tilespmem:v45+s13+$0x0] =	vst.idx.msk $0xffff, v41;
	v53 =	vand.u32 $0x3F80, v51  }
0x174: {  	v52 =	vor.u32 v63, v31;
	v36 =	vld.idx.msk [tilespmem:v56+s2+$0x0], $0xffff;
	[tilespmem:v47+s13+$0x0] =	vst.idx.msk $0xffff, v40;
	v47 =	vor.u32 v11, v53  }
0x175: {  	v54 =	vor.u32 v63, v30;
	v55 =	vor.u32 v12, v53  }
0x176: {  	v56 =	vor.u32 v63, v29;
	v57 =	vor.u32 v26, v53;
	v43 =	vld.idx.msk [tilespmem:v58+s2+$0x0], $0xffff;
	[tilespmem:v59+s13+$0x0] =	vst.idx.msk $0xffff, v34  }
0x177: {  	v50 =	vor.u32 s19, v18;
	v44 =	vor.u32 v27, v53;
	v41 =	vld.idx.msk [tilespmem:v60+s2+$0x0], $0xffff;
	[tilespmem:v61+s13+$0x0] =	vst.idx.msk $0xffff, v33;
	v60 =	vshll.u32 v49, $0x6  }
0x178: {  	v58 =	vor.u32 v63, v28;
	v59 =	vand.u32 $0x7F, v50;
	v40 =	vld.idx.msk [tilespmem:v62+s2+$0x0], $0xffff;
	[tilespmem:v42+s13+$0x0] =	vst.idx.msk $0xffff, v37;
	v62 =	vand.u32 $0x3F80, v60  }
0x179: {  	v61 =	vor.u32 v59, v31;
	v34 =	vld.idx.msk [tilespmem:v52+s2+$0x0], $0xffff;
	[tilespmem:v47+s13+$0x0] =	vst.idx.msk $0xffff, v32;
	v47 =	vor.u32 v1, v62  }
0x17a: {  	v63 =	vor.u32 v59, v30;
	v53 =	vor.u32 v59, v29;
	v52 =	vor.u32 v2, v62  }
0x17b: {  	v45 =	vor.u32 v10, v62;
	v33 =	vld.idx.msk [tilespmem:v54+s2+$0x0], $0xffff;
	[tilespmem:v55+s13+$0x0] =	vst.idx.msk $0xffff, v39;
	v54 =	vor.u32 v3, v62  }
0x17c: {  	v49 =	vor.u32 s19, v19;
	v55 =	vor.u32 v59, v28;
	v37 =	vld.idx.msk [tilespmem:v56+s2+$0x0], $0xffff;
	[tilespmem:v57+s13+$0x0] =	vst.idx.msk $0xffff, v38;
	v57 =	vshll.u32 v48, $0x6  }
0x17d: {  	v56 =	vand.u32 $0x7F, v49;
	v48 =	vor.u32 s19, v20;
	v32 =	vld.idx.msk [tilespmem:v58+s2+$0x0], $0xffff;
	[tilespmem:v44+s13+$0x0] =	vst.idx.msk $0xffff, v35;
	v59 =	vand.u32 $0x3F80, v57  }
0x17e: {  	v58 =	vor.u32 v56, v31;
	v39 =	vld.idx.msk [tilespmem:v61+s2+$0x0], $0xffff;
	[tilespmem:v47+s13+$0x0] =	vst.idx.msk $0xffff, v36;
	v47 =	vor.u32 v11, v59  }
0x17f: {  	v60 =	vor.u32 v56, v30;
	v62 =	vor.u32 v56, v29;
	v61 =	vor.u32 v12, v59  }
0x180: {  	v38 =	vld.idx.msk [tilespmem:v63+s2+$0x0], $0xffff;
	[tilespmem:v52+s13+$0x0] =	vst.idx.msk $0xffff, v43;
	v63 =	vor.u32 v26, v59;
	v52 =	vor.u32 v56, v28  }
0x181: {  	v43 =	vor.u32 v27, v59;
	v35 =	vld.idx.msk [tilespmem:v53+s2+$0x0], $0xffff;
	[tilespmem:v54+s13+$0x0] =	vst.idx.msk $0xffff, v41;
	v53 =	vand.u32 $0x7F, v48;
	v54 =	vshll.u32 v50, $0x6  }
0x182: {  	v36 =	vld.idx.msk [tilespmem:v55+s2+$0x0], $0xffff;
	[tilespmem:v45+s13+$0x0] =	vst.idx.msk $0xffff, v40;
	v55 =	vor.u32 v53, v31;
	v56 =	vand.u32 $0x3F80, v54  }
0x183: {  	v57 =	vor.u32 v53, v30;
	v42 =	vld.idx.msk [tilespmem:v58+s2+$0x0], $0xffff;
	[tilespmem:v47+s13+$0x0] =	vst.idx.msk $0xffff, v34;
	v47 =	vor.u32 v1, v56  }
0x184: {  	v59 =	vor.u32 v53, v29;
	v58 =	vor.u32 v2, v56;
	v44 =	vor.u32 v10, v56  }
0x185: {  	v49 =	vshll.u32 v49, $0x6;
	v41 =	vld.idx.msk [tilespmem:v60+s2+$0x0], $0xffff;
	[tilespmem:v61+s13+$0x0] =	vst.idx.msk $0xffff, v33;
	v60 =	vor.u32 v3, v56;
	v61 =	vor.u32 s19, v21  }
0x186: {  	v51 =	vand.u32 $0x3F80, v49;
	v40 =	vld.idx.msk [tilespmem:v62+s2+$0x0], $0xffff;
	[tilespmem:v63+s13+$0x0] =	vst.idx.msk $0xffff, v37;
	v62 =	vor.u32 v53, v28;
	v63 =	vand.u32 $0x7F, v61  }
0x187: {  	v34 =	vld.idx.msk [tilespmem:v52+s2+$0x0], $0xffff;
	[tilespmem:v43+s13+$0x0] =	vst.idx.msk $0xffff, v32;
	v31 =	vor.u32 v63, v31;
	v52 =	vor.u32 v11, v51  }
0x188: {  	v33 =	vld.idx.msk [tilespmem:v55+s2+$0x0], $0xffff;
	[tilespmem:v47+s13+$0x0] =	vst.idx.msk $0xffff, v39  }
0x189: {  	v54 =	vor.u32 v26, v51;
	v53 =	vor.u32 v12, v51;
	v37 =	vld.idx.msk [tilespmem:v57+s2+$0x0], $0xffff;
	[tilespmem:v58+s13+$0x0] =	vst.idx.msk $0xffff, v38  }
0x18a: {  	v30 =	vor.u32 v63, v30;
	v29 =	vor.u32 v63, v29;
	v32 =	vld.idx.msk [tilespmem:v59+s2+$0x0], $0xffff;
	[tilespmem:v60+s13+$0x0] =	vst.idx.msk $0xffff, v35  }
0x18b: {  	v28 =	vor.u32 v63, v28;
	v55 =	vshll.u32 v48, $0x6;
	v35 =	vld.idx.msk [tilespmem:v62+s2+$0x0], $0xffff;
	[tilespmem:v44+s13+$0x0] =	vst.idx.msk $0xffff, v36  }
0x18c: {  	v38 =	vor.u32 v27, v51;
	v31 =	vld.idx.msk [tilespmem:v31+s2+$0x0], $0xffff;
	[tilespmem:v52+s13+$0x0] =	vst.idx.msk $0xffff, v42;
	v42 =	vand.u32 $0x3F80, v55  }
0x18d: {  	v56 =	vor.u32 v1, v42  }
0x18e: {  	v57 =	vor.u32 v2, v42  }
0x18f: {  	v59 =	vshll.u32 v61, $0x6;
	v30 =	vld.idx.msk [tilespmem:v30+s2+$0x0], $0xffff;
	[tilespmem:v53+s13+$0x0] =	vst.idx.msk $0xffff, v41;
	v58 =	vor.u32 v3, v42  }
0x190: {  	v42 =	vor.u32 v10, v42;
	v29 =	vld.idx.msk [tilespmem:v29+s2+$0x0], $0xffff;
	[tilespmem:v54+s13+$0x0] =	vst.idx.msk $0xffff, v40;
	v40 =	vand.u32 $0x3F80, v59  }
0x191: {  	v28 =	vld.idx.msk [tilespmem:v28+s2+$0x0], $0xffff;
	[tilespmem:v38+s13+$0x0] =	vst.idx.msk $0xffff, v34;
	v60 =	vor.u32 v11, v40  }
0x192: {  	v61 =	vor.u32 v12, v40;
	[tilespmem:v56+s13+$0x0] =	vst.idx.msk $0xffff, v33  }
0x193: {  	v62 =	vor.u32 v26, v40;
	[tilespmem:v57+s13+$0x0] =	vst.idx.msk $0xffff, v37  }
0x194: {  	p1 =	sne.s32 s19, $0xF0;
	v63 =	vor.u32 v27, v40;
	[tilespmem:v58+s13+$0x0] =	vst.idx.msk $0xffff, v32  }
.Ltmp6:
0x195: {  	[tilespmem:v42+s13+$0x0] =	vst.idx.msk $0xffff, v35;
	(pc) =	sbr.rel @p1 .LBB2_9-.Ltmp6, $4  }
0x196: {  	[tilespmem:v60+s13+$0x0] =	vst.idx.msk $0xffff, v31  }
0x197: {  	[tilespmem:v61+s13+$0x0] =	vst.idx.msk $0xffff, v30  }
0x198: {  	[tilespmem:v62+s13+$0x0] =	vst.idx.msk $0xffff, v29  }
0x199: {  	s19 =	sadd.s32 $0x10, s19;
	[tilespmem:v63+s13+$0x0] =	vst.idx.msk $0xffff, v28  }
.Ltmp7:
0x19a: {  	(pc) =	sbr.rel .LBB2_11-.Ltmp7, $2  }
0x19b: {  	_ =	sdelay $0x2  }
0x19c: {  	[hbm4b:s7+s2] =	stream.linear.scatter [tilespmem:s13], [sflag:$0x3], $0x4000, $0x38;
	[tilespmem:$0x10000] =	vst v63  }
.LBB2_12:
0x19d: {  	_ =	sfence.sel $0x180000  }
0x19e: {  	[bflag:$0x0] =	sbarrier.arrive $0xFFFF  }
0x19f: {  	_ =	strace $0x90000047  }
0x1a0: {  	s0 =	sadd.s32 @!p0 $0x100000, s1;
	[bflag:$0x2] =	sbarrier.arrive $0xFFFF  }
0x1a1: {  	[sflag:s0] =	ssyncadd.tile.s32 @!p0 $0x1;
	_ =	shalt  }
.Lfunc_end2:
_tile_overlayer_lowered:
.L_overlay_start_2:
0x1a2: {  	(tag) =	ssettag $0x2  }
0x1a3: {  	s0 =	rddreg [dreg:$0x0];
	s2 =	stileid.u32  }
0x1a4: {  	s1 =	rddreg [dreg:$0x1];
	p0 =	sne.s32 s2, $0x0  }
0x1a5: {  	s3 =	rddreg [dreg:$0x2];
	[bflag:$0x3] =	sbarrier.arrive $0xFFFF;
	s2 =	simm.s32 @!p0 $0x1C05  }
0x1a6: {  	[timem:s3], [sflag:s2] =	dma.local @!p0 [hbm:s0], s1  }
0x1a7: {  	s0 =	simm.s32 @!p0 $0x5  }
0x1a8: {  	_ =	swait.ge @!p0 [sflag:s0], s1  }
0x1a9: {  	s1 =	ssub.s32 @!p0 $0x0, s1;
	[sflag:s0] =	ssyncset.done @!p0 $0x0  }
0x1aa: {  	[sflag:s0] =	ssyncadd.s32 @!p0 s1  }
0x1ab: {  	[bflag:$0x3] =	sbarrier.arrive $0xFFFF  }
0x1ac: {  	_ =	shalt  }

// kernel: kernel.8.cloned.1.call-start
scs
__scs_entry_jumppad:
0x0: {  	(pc) =	sbr.rel $0x88, $3  }
0x1: {  	(tag) =	ssettag $0x0;
	lr =	simm.s32 $0x1  }
0x2: {  	[smem:$0x3F9D] =	sst lr;
	_ =	strace $0xD0000000  }
0x3: {  	_ = 	snop  }
0x4: {  	_ = 	snop  }
0x5: {  	_ = 	snop  }
0x6: {  	_ = 	snop  }
0x7: {  	_ = 	snop  }
__scs_overlays_trampoline_lowered:
0x8: {  	[smem:$0x3FAC] =	sst s0  }
0x9: {  	[smem:$0x3FAD] =	sst s1  }
0xa: {  	[smem:$0x3FAE] =	sst s2  }
0xb: {  	[smem:$0x3FAF] =	sst s3  }
0xc: {  	[smem:$0x3FB0] =	sst s4  }
0xd: {  	[smem:$0x3FB1] =	sst s5  }
0xe: {  	[smem:$0x3FB2] =	sst s6  }
0xf: {  	[smem:$0x3FB3] =	sst s7  }
0x10: {  	[smem:$0x3FB4] =	sst s8  }
0x11: {  	[smem:$0x3FB5] =	sst s9;
	s0 =	simm.s32 @!p0 $0x0  }
0x12: {  	s1 =	sld [smem:$0x3F9B];
	s0 =	simm.s32 @p0 $0x1  }
0x13: {  	[smem:$0x3FB6] =	sst s0;
	s0 =	simm.s32 @!p1 $0x0  }
0x14: {  	s2 =	sld [smem:$0x3F9A];
	s0 =	simm.s32 @p1 $0x1  }
0x15: {  	[smem:$0x3FB7] =	sst s0;
	s0 =	simm.s32 @!p2 $0x0  }
0x16: {  	s3 =	sld [smem:$0x3FDB];
	s0 =	simm.s32 @p2 $0x1  }
0x17: {  	s4 =	simm.s32 $0x1BF5;
	[smem:$0x3FB9] =	sst s0  }
0x18: {  	s0 =	sld [smem:$0x3F9C];
	_ =	swait.ge [sflag:s4], $0x0  }
0x19: {  	s7 =	sld [smem:$0x3F9D]  }
0x1a: {  	s8 =	sadd.s32 $0xFFFFE003, lr  }
0x1b: {  	s9 =	sadd.s32 $0xFFFFFEF7, lr;
	s5 =	simm.s32 $0xFFFFFFFF;
	p2 =	slt.u32 s8, $0xFFFFF086  }
0x1c: {  	p1 =	slt.u32 s9, $0xF7A;
	s5 =	simm.s32 @!p2 $0x0  }
0x1d: {  	s5 =	simm.s32 @p1 $0x1;
	p0 =	seq.s32 s7, s2  }
0x1e: {  	s7 =	smul.u32 @!p0 $0xF7A, s2;
	p2 =	seq.s32 @!p0 s5, $0x0  }
0x1f: {  	s9 =	smul.u32 $0xF7A, s1;
	s8 =	simm.s32 @!p0 $0x1BF5;
	p2 =	por !p2, p0  }
0x20: {  	[sflag:s8] =	ssyncset.s32 @!p0 $0xFFFFF086;
	s6 =	sadd.s32 @!p0 s3, s7;
	s7 =	simm.s32 @!p0 $0x108  }
0x21: {  	s3 =	sadd.s32 s3, s9;
	s6 =	sadd.s32 @!p0 $0x88, s6;
	s7 =	simm.s32 @p2 $0x1082  }
0x22: {  	[simem:s7], [sflag:s8] =	dma.local @!p0 [hbm:s6], $0xF7A  }
0x23: {  	s9 =	sor.u32 $0xD0000000, s2;
	s6 =	simm.s32 $0x108;
	_ =	swait.ge @!p0 [sflag:s8], $0x0  }
0x24: {  	s3 =	sadd.s32 $0x88, s3;
	s6 =	simm.s32 @!p1 $0x1082;
	[sflag:s4] =	ssyncset.s32 $0xFFFFF086  }
0x25: {  	[simem:s6], [sflag:s4] =	dma.local [hbm:s3], $0xF7A  }
0x26: {  	[smem:$0x3F9D] =	sst s1;
	(tag) =	ssettag s2;
	_ =	strace s9  }
0x27: {  	s1 =	sld [smem:$0x3FAD]  }
0x28: {  	s2 =	sld [smem:$0x3FAE]  }
0x29: {  	s4 =	sld [smem:$0x3FB0]  }
0x2a: {  	p0 =	seq.s32 s5, $0x0;
	s5 =	sld [smem:$0x3FB1]  }
0x2b: {  	s6 =	sld [smem:$0x3FB2]  }
0x2c: {  	s7 =	sld [smem:$0x3FB3]  }
0x2d: {  	s3 =	simm.s32 $0x108;
	s8 =	sld [smem:$0x3FB4]  }
0x2e: {  	s3 =	simm.s32 @!p0 $0x1082;
	s9 =	sld [smem:$0x3FB5]  }
0x2f: {  	lr =	sadd.s32 s0, s3;
	s0 =	sld [smem:$0x3FAC]  }
0x30: {  	s3 =	sld [smem:$0x3FAF]  }
0x31: {  	[smem:$0x3FB8] =	sst s10  }
0x32: {  	s10 =	sld [smem:$0x3FB6];
	_ =	sdelay $0x3  }
0x33: {  	p0 =	seq.s32 s10, $0x1;
	s10 =	sld [smem:$0x3FB8];
	_ =	sdelay $0x3  }
0x34: {  	[smem:$0x3FB8] =	sst s10  }
0x35: {  	s10 =	sld [smem:$0x3FB7];
	_ =	sdelay $0x3  }
0x36: {  	p1 =	seq.s32 s10, $0x1;
	s10 =	sld [smem:$0x3FB8];
	_ =	sdelay $0x3  }
0x37: {  	[smem:$0x3FB8] =	sst s10  }
0x38: {  	s10 =	sld [smem:$0x3FB9]  }
0x39: {  	_ = 	snop;
	(pc) =	sbr.ind lr, $3  }
0x3a: {  	_ = 	snop  }
0x3b: {  	_ = 	snop  }
0x3c: {  	p2 =	seq.s32 s10, $0x1;
	s10 =	sld [smem:$0x3FB8]  }
0x3d: {  	_ =	shalt  }
0x3e: {  	_ =	shalt  }
0x3f: {  	_ =	shalt  }
0x40: {  	_ =	shalt  }
0x41: {  	_ =	shalt  }
0x42: {  	_ =	shalt  }
0x43: {  	_ =	shalt  }
0x44: {  	_ =	shalt  }
0x45: {  	_ =	shalt  }
0x46: {  	_ =	shalt  }
0x47: {  	_ =	shalt  }
0x48: {  	_ =	shalt  }
0x49: {  	_ =	shalt  }
0x4a: {  	_ =	shalt  }
0x4b: {  	_ =	shalt  }
0x4c: {  	_ =	shalt  }
0x4d: {  	_ =	shalt  }
0x4e: {  	_ =	shalt  }
0x4f: {  	_ =	shalt  }
0x50: {  	_ =	shalt  }
0x51: {  	_ =	shalt  }
0x52: {  	_ =	shalt  }
0x53: {  	_ =	shalt  }
0x54: {  	_ =	shalt  }
0x55: {  	_ =	shalt  }
0x56: {  	_ =	shalt  }
0x57: {  	_ =	shalt  }
0x58: {  	_ =	shalt  }
0x59: {  	_ =	shalt  }
0x5a: {  	_ =	shalt  }
0x5b: {  	_ =	shalt  }
0x5c: {  	_ =	shalt  }
0x5d: {  	_ =	shalt  }
0x5e: {  	_ =	shalt  }
0x5f: {  	_ =	shalt  }
0x60: {  	_ =	shalt  }
0x61: {  	_ =	shalt  }
0x62: {  	_ =	shalt  }
0x63: {  	_ =	shalt  }
0x64: {  	_ =	shalt  }
0x65: {  	_ =	shalt  }
0x66: {  	_ =	shalt  }
0x67: {  	_ =	shalt  }
0x68: {  	_ =	shalt  }
0x69: {  	_ =	shalt  }
0x6a: {  	_ =	shalt  }
0x6b: {  	_ =	shalt  }
0x6c: {  	_ =	shalt  }
0x6d: {  	_ =	shalt  }
0x6e: {  	_ =	shalt  }
0x6f: {  	_ =	shalt  }
0x70: {  	_ =	shalt  }
0x71: {  	_ =	shalt  }
0x72: {  	_ =	shalt  }
0x73: {  	_ =	shalt  }
0x74: {  	_ =	shalt  }
0x75: {  	_ =	shalt  }
0x76: {  	_ =	shalt  }
0x77: {  	_ =	shalt  }
0x78: {  	_ =	shalt  }
0x79: {  	_ =	shalt  }
0x7a: {  	_ =	shalt  }
0x7b: {  	_ =	shalt  }
0x7c: {  	_ =	shalt  }
0x7d: {  	_ =	shalt  }
0x7e: {  	_ =	shalt  }
0x7f: {  	_ =	shalt  }
0x80: {  	_ =	shalt  }
0x81: {  	_ =	shalt  }
0x82: {  	_ =	shalt  }
0x83: {  	_ =	shalt  }
0x84: {  	_ =	shalt  }
0x85: {  	_ =	shalt  }
0x86: {  	_ =	shalt  }
0x87: {  	_ =	shalt  }
.Lfunc_end0:
.L_simem_size_0:
called_computation.1_lowered:
.L_overlay_start_0:
0x88: {  	s2 =	sld [smem:$0x3FD9]  }
0x89: {  	s3 =	sld [smem:$0x3FFE];
	_ =	sdelay $0x1  }
0x8a: {  	s1 =	srdreg.scid  }
0x8b: {  	s0 =	sand.u32 $0x1, s1  }
0x8c: {  	s16 =	sshll.u32 s0, $0xA;
	s2 =	sadd.s32 s3, s2  }
0x8d: {  	s2 =	sadd.s32 s2, s16  }
0x8e: {  	[smem:$0x3FC4] =	sst s2  }
0x8f: {  	_ = 	snop  }
0x90: {  	(tm) =	ssettm $0x1  }
0x91: {  	s17 =	sld [smem:$0x3FFB];
	_ =	sdelay $0x3  }
0x92: {  	_ =	strace s17  }
0x93: {  	s2 =	sld [smem:$0x3FFC];
	_ =	sdelay $0x3  }
0x94: {  	_ =	strace s2  }
0x95: {  	s2 =	sld [smem:$0x3FFD];
	_ =	sdelay $0x3  }
0x96: {  	_ =	strace s2  }
0x97: {  	_ =	strace $0x8FFFFFFF  }
0x98: {  	s18 =	sld [smem:$0x3FDB];
	_ =	sdelay $0x1  }
0x99: {  	s19 =	simm.s32 $_scs_section_size  }
0x9a: {  	s4 =	simm.s32 $_size__tile_overlayer_lowered;
	s5 =	simm.s32 $_tile_overlayer_lowered  }
0x9b: {  	s22 =	simm.s32 $0x1BFF;
	s21 =	sshll.u32 s5, $0x1;
	s2 =	sadd.s32 s19, s18  }
0x9c: {  	s6 =	simm.s32 $0x0;
	s20 =	sshll.u32 s4, $0x1;
	s4 =	sadd.s32 s21, s2  }
0x9d: {  	[timem:s6], [sflag:s22] =	dma.local [hbm:s4], s20  }
0x9e: {  	_ =	swait.ge [sflag:s22], s20  }
0x9f: {  	s3 =	ssub.s32 $0x0, s20;
	[sflag:s22] =	ssyncset.done $0x0  }
0xa0: {  	[sflag:s22] =	ssyncadd.s32 s3;
	_ =	sdelay $0x1  }
0xa1: {  	s23 =	simm.s32 $0x1B8B  }
0xa2: {  	_ =	swait.ge [sflag:s23], $0x1  }
0xa3: {  	[sflag:s23] =	ssyncset.done $0x0  }
0xa4: {  	s25 =	simm.s32 $0x1B8E;
	s24 =	sld [smem:$0x3FFE];
	[sflag:s23] =	ssyncadd.s32 $0xFFFFFFFF  }
0xa5: {  	s26 =	simm.s32 $execute0_lowered;
	[smem:$0x3FD2] =	sst s25  }
0xa6: {  	s4 =	sshll.u32 s26, $0x1;
	_ =	strace $0x80000049;
	[dreg:$0x1] =	wrdreg $0xFFFFFFFF  }
0xa7: {  	s28 =	simm.s32 $_size_execute0_lowered;
	s2 =	sadd.s32 s2, s4;
	[dreg:$0x0] =	wrdreg $0x0  }
0xa8: {  	s4 =	sshll.u32 s28, $0x1;
	[dreg:$0x2] =	wrdreg s2  }
0xa9: {  	[dreg:$0x3] =	wrdreg s4  }
0xaa: {  	[dreg:$0x4] =	wrdreg $0xC0  }
0xab: {  	_ =	task [dreg:s6], $0x5FFFF  }
0xac: {  	[dreg:$0x1] =	wrdreg $0xFFFFFFFF  }
0xad: {  	[dreg:$0x0] =	wrdreg $0x60  }
0xae: {  	[dreg:$0x2] =	wrdreg s24  }
0xaf: {  	[dreg:$0x3] =	wrdreg $0x9  }
0xb0: {  	_ =	task.clear_ibuf [dreg:s6], $0x4FFFF;
	_ =	strace $0x90000049  }
0xb1: {  	s29 =	simm.s32 $0x9;
	_ =	strace $0x8000004B  }
0xb2: {  	_ =	swait.ge [sflag:s29], $0x1  }
0xb3: {  	[sflag:s29] =	ssyncadd.s32 $0xFFFFFFFF  }
0xb4: {  	_ =	strace $0x9000004B  }
0xb5: {  	_ =	sfence  }
0xb6: {  	s30 =	sld [smem:$0x0];
	_ =	sdelay $0x2  }
0xb7: {  	s31 =	sshll.u32 s1, $0xD;
	s1 =	sshrl.u32 s1, $0x2  }
0xb8: {  	s3 =	sand.u32 $0x4000, s31;
	s1 =	sadd.s32 s1, s30  }
0xb9: {  	s0 =	sor.u32 s3, s0;
	s1 =	sshll.u32 s1, $0x11  }
0xba: {  	s0 =	sor.u32 s1, s0  }
0xbb: {  	s0 =	sadd.s32 $0x8F2B, s0  }
0xbc: {  	[sflag:s0] =	ssyncadd.remote.s32 $0x1  }
0xbd: {  	_ =	sfence.sel $0xFFFF  }
0xbe: {  	[dreg:$0x0] =	wrdreg $0xFFFFFFFF;
	(pc) =	sbr.abs _section_cstart, $3  }
0xbf: {  	[dreg:$0x1] =	wrdreg $0xFFFFFFFF  }
0xc0: {  	_ =	task.clear_ibuf [dreg:s6], $0x2FFFF;
	_ =	strace $0x9FFFFFFF  }
0xc1: {  	(tm) =	ssettm $0x7FFFFFFF  }
tec
execute0_lowered:
.L_overlay_start_1:
0x0: {  	(tag) =	ssettag $0x1  }
0x1: {  	s1 =	srdreg.scid  }
0x2: {  	s0 =	stileid.u32;
	s5 =	rddreg [dreg:$0x0];
	s9 =	simm.s32 $0x80  }
0x3: {  	s10 =	simm.s32 $0xC880;
	s11 =	simm.s32 $0x48;
	s12 =	simm.s32 $0x10880  }
0x4: {  	s13 =	simm.s32 $0x12C80;
	s14 =	simm.s32 $0x16C80;
	s15 =	simm.s32 $0x1  }
0x5: {  	s16 =	simm.s32 $0x2;
	s17 =	simm.s32 $0x19080;
	s4 =	sand.u32 $0x1, s1  }
0x6: {  	s18 =	simm.s32 $0x0;
	s30 =	sshll.u32 s0, $0x8;
	s2 =	sshll.u32 s4, $0x7  }
0x7: {  	s1 =	rddreg [dreg:$0x1];
	s6 =	sor.u32 s2, s30;
	s2 =	simm.s32 $0x0  }
0x8: {  	s8 =	ssub.s32 $0x2, s4;
	s3 =	smul.u32 $0x19, s6;
	[smem:$0x7FF] =	sst s2  }
0x9: {  	s31 =	sshrl.u32 s8, $0x1;
	s6 =	sshll.u32 s6, $0x4;
	_ =	strace $0x8000004A  }
0xa: {  	s6 =	sadd.s32 s6, s5;
	s7 =	sadd.s32 s3, s5;
	s3 =	sadd.s32 $0x1200, s5  }
0xb: {  	s8 =	ssub.s32 s8, s31;
	s6 =	sadd.s32 $0x7D4400, s6;
	s4 =	sadd.s32 $0x7A2400, s7  }
0xc: {  	s5 =	sadd.s32 $0x7BB400, s7;
	s7 =	smax.u32 s8, $0x1;
	s8 =	simm.s32 $0x3  }
.LBB2_1:
0xd: {  	[tilespmem:s2], [sflag:$0x3] =	stream.linear.gather [hbm4b:s4+s2], $0x6400, $0x38;
	[tilespmem:$0x1D080] =	vst v63  }
0xe: {  	_ =	swait.ge [sflag:s8], $0x6400  }
0xf: {  	[sflag:s8] =	ssyncset.done $0x0  }
0x10: {  	s19 =	simm.s32 $0x6400;
	[sflag:s8] =	ssyncadd.s32 $0xFFFF9C00  }
0x11: {  	[tilespmem:s19], [sflag:$0x3] =	stream.linear.gather [hbm4b:s5+s2], $0x6400, $0x38;
	[tilespmem:$0x1D080] =	vst v63  }
0x12: {  	_ =	swait.ge [sflag:s8], $0x6400  }
0x13: {  	[sflag:s8] =	ssyncset.done $0x0  }
0x14: {  	[sflag:s8] =	ssyncadd.s32 $0xFFFF9C00  }
0x15: {  	[tilespmem:s10], [sflag:$0x1] =	stream.indirect.gather [hbm4b:s3+s9], $0x80, s2, s9, $0xb8;
	[tilespmem:$0x1D080] =	vst v63  }
0x16: {  	s20 =	simm.s32 $0x64C8;
	s21 =	simm.s32 $0x0  }
0x17: {  	[tilespmem:s12], [sflag:$0x1] =	stream.indirect.gather [hbm4b:s3+s11], $0x80, s9, s11, $0xb8;
	[tilespmem:$0x1D080] =	vst v63  }
.LBB2_2:
0x18: {  	s22 =	sshllo.u32 s21, $0x1  }
0x19: {  	s23 =	smul.u32 $0x320, s22;
	_ =	sdelay $0x1  }
0x1a: {  	s23 =	sshra.s32 s23, $0x2  }
0x1b: {  	[tilespmem:s13], [sflag:$0x2] =	stream.indirect.gather [hbm4b:s3+s9], $0x80, s23, s9, $0xb8;
	[tilespmem:$0x1D080] =	vst v63  }
0x1c: {  	s23 =	sadd.s32 $0x80, s23  }
0x1d: {  	[tilespmem:s14], [sflag:$0x2] =	stream.indirect.gather [hbm4b:s3+s11], $0x80, s23, s11, $0xb8;
	[tilespmem:$0x1D080] =	vst v63  }
0x1e: {  	_ =	swait.ge [sflag:s15], $0x4000  }
0x1f: {  	v5 =	vmov s19;
	[sflag:s15] =	ssyncset.done $0x0  }
0x20: {  	[sflag:s15] =	ssyncadd.s32 $0xFFFFC000  }
0x21: {  	_ =	swait.ge [sflag:s15], $0x2400  }
0x22: {  	[sflag:s15] =	ssyncset.done $0x0  }
0x23: {  	s30 =	simm.s32 $0x0;
	[sflag:s15] =	ssyncadd.s32 $0xFFFFDC00  }
0x24: {  	v0 =	vld.idx.msk [tilespmem:v5+s30+$0x0 ss:$0x1], $0xffff;
	_ =	sdelay $0x4  }
0x25: {  	(v2sf) =	vpush v0, $0x0  }
0x26: {  	s31 =	simm.s32 $0x1  }
0x27: {  	v0 =	vld.idx.msk [tilespmem:v5+s31+$0x0 ss:$0x1], $0xffff;
	_ =	sdelay $0x4  }
0x28: {  	(v2sf) =	vpush v0, $0x0;
	_ =	sdelay $0x1  }
0x29: {  	s24 =	simm.s32 $0x2  }
0x2a: {  	v1 =	vld.idx.msk [tilespmem:v5+s24+$0x0 ss:$0x1], $0xffff;
	_ =	sdelay $0x4  }
0x2b: {  	(v2sf) =	vpush v1, $0x0;
	s25 =	spop (v2sf)  }
0x2c: {  	s24 =	sshll.u32 s25, $0x8;
	s23 =	sand.u32 $0x1, s25;
	s25 =	simm.s32 $0x3  }
0x2d: {  	s26 =	simm.s32 $0x4;
	v0 =	vld.idx.msk [tilespmem:v5+s25+$0x0 ss:$0x1], $0xffff  }
0x2e: {  	v1 =	vld.idx.msk [tilespmem:v5+s26+$0x0 ss:$0x1], $0xffff;
	_ =	sdelay $0x2  }
0x2f: {  	s24 =	sand.u32 $0xFFFFFE00, s24;
	s23 =	sshll.u32 s23, $0x8  }
0x30: {  	s23 =	sor.u32 s23, s24;
	s30 =	spop (v2sf);
	(v2sf) =	vpush v0, $0x0  }
0x31: {  	s23 =	sshra.s32 s23, $0x2;
	(v2sf) =	vpush v1, $0x0  }
0x32: {  	s24 =	sadd.s32 $0xC880, s23  }
0x33: {  	v6 =	vld [tilespmem:s24+$0x30]  }
0x34: {  	s31 =	sshll.u32 s30, $0x8;
	s23 =	sand.u32 $0x1, s30;
	v7 =	vld [tilespmem:s24+$0x0]  }
0x35: {  	s26 =	simm.s32 $0x5;
	s25 =	sand.u32 $0xFFFFFE00, s31;
	s23 =	sshll.u32 s23, $0x8  }
0x36: {  	v8 =	vld.idx.msk [tilespmem:v5+s26+$0x0 ss:$0x1], $0xffff;
	s23 =	sor.u32 s23, s25  }
0x37: {  	v3 =	vld [tilespmem:s24+$0x10];
	s25 =	sshra.s32 s23, $0x2  }
0x38: {  	v2 =	vimm.f32 $0.0e+00;
	s26 =	simm.s32 $0x18;
	v4 =	vld [tilespmem:s24+$0x20];
	s28 =	spop (v2sf);
	s24 =	sadd.s32 $0xC900, s25  }
0x39: {  	s29 =	sshll.u32 s28, $0x8;
	s23 =	smul.u32 $0x640, s21;
	s25 =	simm.s32 $0xC900;
	v0 =	vadd.f32 v6, v2;
	v1 =	vld [tilespmem:s24+$0x30];
	v6 =	vadd.f32 v7, v2;
	v7 =	vimm.f32 $0.0e+00  }
.LBB2_3:
0x3a: {  	s30 =	sshra.s32 s26, $0x2  }
0x3b: {  	s29 =	sand.u32 $0xFFFFFE00, s29;
	s28 =	sand.u32 $0x1, s28;
	v9 =	vld [tilespmem:s24+$0x0];
	p0 =	sne.s32 s26, $0x31C  }
.Ltmp0:
0x3c: {  	s26 =	sadd.s32 $0x4, s26;
	(v2sf) =	vpush v8, $0x0;
	v8 =	vld.idx.msk [tilespmem:v5+s30+$0x0 ss:$0x1], $0xffff;
	s28 =	sshll.u32 s28, $0x8;
	v2 =	vadd.f32 v3, v2;
	(pc) =	sbr.rel @p0 .LBB2_3-.Ltmp0, $4  }
0x3d: {  	s28 =	sor.u32 s28, s29;
	v3 =	vld [tilespmem:s24+$0x10];
	v7 =	vadd.f32 v4, v7  }
0x3e: {  	s25 =	sadd.s32 $0x80, s25;
	s29 =	sshra.s32 s28, $0x2;
	v4 =	vld [tilespmem:s24+$0x20]  }
0x3f: {  	s28 =	spop (v2sf);
	s24 =	sadd.s32 s29, s25;
	v0 =	vadd.f32 v1, v0  }
0x40: {  	s29 =	sshll.u32 s28, $0x8;
	v1 =	vld [tilespmem:s24+$0x30];
	v6 =	vadd.f32 v9, v6  }
0x41: {  	(v2sf) =	vpush v8, $0x0;
	_ =	sdelay $0x3  }
0x42: {  	s26 =	sand.u32 $0x1, s28  }
0x43: {  	s28 =	sand.u32 $0xFFFFFE00, s29;
	s26 =	sshll.u32 s26, $0x8  }
0x44: {  	v5 =	vld [tilespmem:s24+$0x0];
	s26 =	sor.u32 s26, s28  }
0x45: {  	v8 =	vld [tilespmem:s24+$0x10];
	s25 =	sadd.s32 $0x80, s25;
	s28 =	spop (v2sf);
	s26 =	sshra.s32 s26, $0x2  }
0x46: {  	v9 =	vld [tilespmem:s24+$0x20];
	s31 =	sshll.u32 s28, $0x8;
	s28 =	sand.u32 $0x1, s28;
	s30 =	sadd.s32 s26, s25  }
0x47: {  	s26 =	sand.u32 $0xFFFFFE00, s31;
	s28 =	sshll.u32 s28, $0x8;
	v10 =	vld [tilespmem:s30+$0x30]  }
0x48: {  	v11 =	vld [tilespmem:s30+$0x0];
	s26 =	sor.u32 s28, s26  }
0x49: {  	s25 =	sadd.s32 $0x80, s25;
	v12 =	vld [tilespmem:s30+$0x10];
	s26 =	sshra.s32 s26, $0x2;
	s28 =	spop (v2sf)  }
0x4a: {  	v13 =	vld [tilespmem:s30+$0x20];
	s29 =	sadd.s32 s26, s25;
	s30 =	sshll.u32 s28, $0x8;
	s28 =	sand.u32 $0x1, s28  }
0x4b: {  	v14 =	vld [tilespmem:s29+$0x30];
	s26 =	sand.u32 $0xFFFFFE00, s30;
	s28 =	sshll.u32 s28, $0x8  }
0x4c: {  	v15 =	vld [tilespmem:s29+$0x0];
	s26 =	sor.u32 s28, s26  }
0x4d: {  	s25 =	sadd.s32 $0x80, s25;
	v16 =	vld [tilespmem:s29+$0x10];
	s26 =	sshra.s32 s26, $0x2;
	s28 =	spop (v2sf)  }
0x4e: {  	v17 =	vld [tilespmem:s29+$0x20];
	s31 =	sadd.s32 s26, s25;
	s29 =	sshll.u32 s28, $0x8;
	s28 =	sand.u32 $0x1, s28  }
0x4f: {  	v2 =	vadd.f32 v3, v2;
	v5 =	vadd.f32 v5, v6;
	v3 =	vld [tilespmem:s31+$0x30];
	s26 =	sand.u32 $0xFFFFFE00, s29;
	s28 =	sshll.u32 s28, $0x8  }
0x50: {  	v4 =	vadd.f32 v4, v7;
	v6 =	vld [tilespmem:s31+$0x0];
	s26 =	sor.u32 s28, s26  }
0x51: {  	v2 =	vadd.f32 v8, v2;
	v5 =	vadd.f32 v11, v5;
	s25 =	sadd.s32 $0x80, s25;
	v7 =	vld [tilespmem:s31+$0x10];
	s26 =	sshra.s32 s26, $0x2  }
0x52: {  	v0 =	vadd.f32 v1, v0;
	v4 =	vadd.f32 v9, v4;
	v8 =	vld [tilespmem:s31+$0x20];
	s30 =	sadd.s32 s26, s25  }
0x53: {  	v1 =	vadd.f32 v12, v2;
	v5 =	vadd.f32 v15, v5;
	v2 =	vld [tilespmem:s30+$0x0]  }
0x54: {  	v4 =	vadd.f32 v13, v4;
	v0 =	vadd.f32 v10, v0;
	v9 =	vld [tilespmem:s30+$0x10]  }
0x55: {  	v1 =	vadd.f32 v16, v1;
	v5 =	vadd.f32 v6, v5;
	v6 =	vld [tilespmem:s30+$0x30]  }
0x56: {  	v0 =	vadd.f32 v14, v0;
	v10 =	vld [tilespmem:s30+$0x20]  }
0x57: {  	v4 =	vadd.f32 v17, v4;
	v1 =	vadd.f32 v7, v1  }
0x58: {  	v0 =	vadd.f32 v3, v0;
	v2 =	vadd.f32 v2, v5  }
0x59: {  	v4 =	vadd.f32 v8, v4;
	v1 =	vadd.f32 v9, v1  }
0x5a: {  	s31 =	sshll.u32 s21, $0x8;
	v0 =	vadd.f32 v6, v0;
	v2 =	vmul.f32 $4.999999890e-03, v2  }
0x5b: {  	s24 =	sand.u32 $0x3FFFFF00, s31;
	v3 =	vadd.f32 v10, v4;
	v1 =	vmul.f32 $4.999999890e-03, v1  }
0x5c: {  	v0 =	vmul.f32 $4.999999890e-03, v0;
	[tilespmem:s24+$0x19080] =	vst v2  }
0x5d: {  	p0 =	seq.s32 s21, $0x3F;
	v2 =	vmul.f32 $4.999999890e-03, v3;
	[tilespmem:s24+$0x19090] =	vst v1  }
0x5e: {  	s23 =	sshra.s32 @!p0 s23, $0x2;
	[tilespmem:s24+$0x190B0] =	vst v0  }
0x5f: {  	s25 =	simm.s32 @!p0 $0x80;
	s26 =	simm.s32 @!p0 $0xC880;
	[tilespmem:s24+$0x190A0] =	vst v2;
	s24 =	sadd.s32 @!p0 $0x190, s23  }
0x60: {  	[tilespmem:s26], [sflag:$0x1] =	stream.indirect.gather @!p0 [hbm4b:s3+s25], $0x80, s24, s25, $0xb8;
	[tilespmem:$0x1D080] =	vst v63  }
0x61: {  	s23 =	sadd.s32 @!p0 $0x210, s23;
	s24 =	simm.s32 @!p0 $0x48;
	s25 =	simm.s32 @!p0 $0x10880  }
0x62: {  	[tilespmem:s25], [sflag:$0x1] =	stream.indirect.gather @!p0 [hbm4b:s3+s24], $0x80, s23, s24, $0xb8;
	[tilespmem:$0x1D080] =	vst v63  }
0x63: {  	_ =	swait.ge [sflag:s16], $0x4000  }
0x64: {  	v5 =	vmov s20;
	[sflag:s16] =	ssyncset.done $0x0  }
0x65: {  	[sflag:s16] =	ssyncadd.s32 $0xFFFFC000  }
0x66: {  	_ =	swait.ge [sflag:s16], $0x2400  }
0x67: {  	[sflag:s16] =	ssyncset.done $0x0  }
0x68: {  	s24 =	simm.s32 $0x0;
	[sflag:s16] =	ssyncadd.s32 $0xFFFFDC00  }
0x69: {  	v0 =	vld.idx.msk [tilespmem:v5+s24+$0x0 ss:$0x1], $0xffff;
	_ =	sdelay $0x3  }
0x6a: {  	s25 =	simm.s32 $0x1  }
0x6b: {  	(v2sf) =	vpush v0, $0x0;
	v0 =	vld.idx.msk [tilespmem:v5+s25+$0x0 ss:$0x1], $0xffff;
	_ =	sdelay $0x4  }
0x6c: {  	(v2sf) =	vpush v0, $0x0;
	_ =	sdelay $0x1  }
0x6d: {  	s26 =	simm.s32 $0x2  }
0x6e: {  	v1 =	vld.idx.msk [tilespmem:v5+s26+$0x0 ss:$0x1], $0xffff;
	_ =	sdelay $0x4  }
0x6f: {  	(v2sf) =	vpush v1, $0x0  }
0x70: {  	s31 =	simm.s32 $0x3  }
0x71: {  	s26 =	simm.s32 $0x4;
	v0 =	vld.idx.msk [tilespmem:v5+s31+$0x0 ss:$0x1], $0xffff  }
0x72: {  	v1 =	vld.idx.msk [tilespmem:v5+s26+$0x0 ss:$0x1], $0xffff  }
0x73: {  	s29 =	spop (v2sf)  }
0x74: {  	s30 =	sshll.u32 s29, $0x8;
	s23 =	sand.u32 $0x1, s29  }
0x75: {  	s24 =	sand.u32 $0xFFFFFE00, s30;
	s23 =	sshll.u32 s23, $0x8  }
0x76: {  	s23 =	sor.u32 s23, s24;
	s29 =	spop (v2sf);
	(v2sf) =	vpush v0, $0x0  }
0x77: {  	s23 =	sshra.s32 s23, $0x2;
	(v2sf) =	vpush v1, $0x0  }
0x78: {  	s23 =	sadd.s32 $0x12CB0, s23  }
0x79: {  	v6 =	vld [tilespmem:s23+$0x0]  }
0x7a: {  	s30 =	sshll.u32 s29, $0x8;
	s24 =	sand.u32 $0x1, s29;
	v7 =	vld [tilespmem:s23+$0xFFFFFFD0]  }
0x7b: {  	s31 =	simm.s32 $0x5;
	s25 =	sand.u32 $0xFFFFFE00, s30;
	s24 =	sshll.u32 s24, $0x8  }
0x7c: {  	v8 =	vld.idx.msk [tilespmem:v5+s31+$0x0 ss:$0x1], $0xffff;
	s24 =	sor.u32 s24, s25  }
0x7d: {  	v3 =	vld [tilespmem:s23+$0xFFFFFFE0];
	s24 =	sshra.s32 s24, $0x2  }
0x7e: {  	v2 =	vimm.f32 $0.0e+00;
	v4 =	vld [tilespmem:s23+$0xFFFFFFF0];
	s26 =	spop (v2sf);
	s23 =	sadd.s32 $0x12D30, s24  }
0x7f: {  	s28 =	sshll.u32 s26, $0x8;
	s25 =	simm.s32 $0x18;
	s24 =	simm.s32 $0x12D30;
	v0 =	vadd.f32 v6, v2;
	v1 =	vld [tilespmem:s23+$0x0];
	v6 =	vadd.f32 v7, v2;
	v7 =	vimm.f32 $0.0e+00  }
.LBB2_5:
0x80: {  	s29 =	sshra.s32 s25, $0x2  }
0x81: {  	s28 =	sand.u32 $0xFFFFFE00, s28;
	s26 =	sand.u32 $0x1, s26;
	v9 =	vld [tilespmem:s23+$0xFFFFFFD0];
	p0 =	sne.s32 s25, $0x31C  }
.Ltmp1:
0x82: {  	s25 =	sadd.s32 $0x4, s25;
	(v2sf) =	vpush v8, $0x0;
	v8 =	vld.idx.msk [tilespmem:v5+s29+$0x0 ss:$0x1], $0xffff;
	s26 =	sshll.u32 s26, $0x8;
	v2 =	vadd.f32 v3, v2;
	(pc) =	sbr.rel @p0 .LBB2_5-.Ltmp1, $4  }
0x83: {  	s26 =	sor.u32 s26, s28;
	v3 =	vld [tilespmem:s23+$0xFFFFFFE0];
	v7 =	vadd.f32 v4, v7  }
0x84: {  	s24 =	sadd.s32 $0x80, s24;
	s28 =	sshra.s32 s26, $0x2;
	v4 =	vld [tilespmem:s23+$0xFFFFFFF0]  }
0x85: {  	s26 =	spop (v2sf);
	s23 =	sadd.s32 s28, s24;
	v0 =	vadd.f32 v1, v0  }
0x86: {  	s28 =	sshll.u32 s26, $0x8;
	v1 =	vld [tilespmem:s23+$0x0];
	v6 =	vadd.f32 v9, v6  }
0x87: {  	(v2sf) =	vpush v8, $0x0;
	_ =	sdelay $0x3  }
0x88: {  	s25 =	sand.u32 $0x1, s26  }
0x89: {  	s29 =	sand.u32 $0xFFFFFE00, s28;
	s25 =	sshll.u32 s25, $0x8  }
0x8a: {  	v5 =	vld [tilespmem:s23+$0xFFFFFFD0];
	s25 =	sor.u32 s25, s29  }
0x8b: {  	v52 =	vld [tilespmem:s23+$0xFFFFFFE0];
	s24 =	sadd.s32 $0x80, s24;
	s30 =	spop (v2sf);
	s25 =	sshra.s32 s25, $0x2  }
0x8c: {  	v9 =	vld [tilespmem:s23+$0xFFFFFFF0];
	s28 =	sshll.u32 s30, $0x8;
	s26 =	sand.u32 $0x1, s30;
	s31 =	sadd.s32 s25, s24  }
0x8d: {  	s26 =	sshll.u32 s26, $0x8;
	s25 =	sand.u32 $0xFFFFFE00, s28;
	v10 =	vld [tilespmem:s31+$0x0]  }
0x8e: {  	v11 =	vld [tilespmem:s31+$0xFFFFFFD0];
	s25 =	sor.u32 s26, s25  }
0x8f: {  	s24 =	sadd.s32 $0x80, s24;
	v12 =	vld [tilespmem:s31+$0xFFFFFFE0];
	s25 =	sshra.s32 s25, $0x2;
	s29 =	spop (v2sf)  }
0x90: {  	v13 =	vld [tilespmem:s31+$0xFFFFFFF0];
	s30 =	sadd.s32 s25, s24;
	s31 =	sshll.u32 s29, $0x8;
	s26 =	sand.u32 $0x1, s29  }
0x91: {  	v14 =	vld [tilespmem:s30+$0x0];
	s25 =	sand.u32 $0xFFFFFE00, s31;
	s26 =	sshll.u32 s26, $0x8  }
0x92: {  	v15 =	vld [tilespmem:s30+$0xFFFFFFD0];
	s25 =	sor.u32 s26, s25  }
0x93: {  	s24 =	sadd.s32 $0x80, s24;
	v16 =	vld [tilespmem:s30+$0xFFFFFFE0];
	s25 =	sshra.s32 s25, $0x2;
	s28 =	spop (v2sf)  }
0x94: {  	v17 =	vld [tilespmem:s30+$0xFFFFFFF0];
	s29 =	sadd.s32 s25, s24;
	s30 =	sshll.u32 s28, $0x8;
	s26 =	sand.u32 $0x1, s28  }
0x95: {  	v2 =	vadd.f32 v3, v2;
	v53 =	vld [tilespmem:s29+$0x0];
	s25 =	sand.u32 $0xFFFFFE00, s30;
	s26 =	sshll.u32 s26, $0x8  }
0x96: {  	v4 =	vadd.f32 v4, v7;
	v5 =	vadd.f32 v5, v6;
	v54 =	vld [tilespmem:s29+$0xFFFFFFD0];
	s25 =	sor.u32 s26, s25  }
0x97: {  	v2 =	vadd.f32 v52, v2;
	s24 =	sadd.s32 $0x80, s24;
	v55 =	vld [tilespmem:s29+$0xFFFFFFE0];
	s25 =	sshra.s32 s25, $0x2  }
0x98: {  	v4 =	vadd.f32 v9, v4;
	v5 =	vadd.f32 v11, v5;
	v56 =	vld [tilespmem:s29+$0xFFFFFFF0];
	s31 =	sadd.s32 s25, s24  }
0x99: {  	v0 =	vadd.f32 v1, v0;
	v57 =	vadd.f32 v12, v2;
	v58 =	vld [tilespmem:s31+$0xFFFFFFD0]  }
0x9a: {  	v4 =	vadd.f32 v13, v4;
	v5 =	vadd.f32 v15, v5;
	v59 =	vld [tilespmem:s31+$0xFFFFFFE0]  }
0x9b: {  	v0 =	vadd.f32 v10, v0;
	v1 =	vadd.f32 v16, v57;
	v60 =	vld [tilespmem:s31+$0xFFFFFFF0]  }
0x9c: {  	v4 =	vadd.f32 v17, v4;
	v5 =	vadd.f32 v54, v5;
	v61 =	vld [tilespmem:s31+$0x0]  }
0x9d: {  	v0 =	vadd.f32 v14, v0;
	v1 =	vadd.f32 v55, v1  }
0x9e: {  	v4 =	vadd.f32 v56, v4;
	v2 =	vadd.f32 v58, v5  }
0x9f: {  	s21 =	sadd.s32 $0x1, s21;
	v0 =	vadd.f32 v53, v0;
	v1 =	vadd.f32 v59, v1  }
0xa0: {  	s22 =	sshll.u32 s22, $0x7;
	p0 =	sne.s32 s21, $0x40;
	v62 =	vadd.f32 v60, v4;
	v2 =	vmul.f32 $4.999999890e-03, v2  }
.Ltmp2:
0xa1: {  	s22 =	sand.u32 $0x3FFFFF80, s22;
	v0 =	vadd.f32 v61, v0;
	v1 =	vmul.f32 $4.999999890e-03, v1;
	(pc) =	sbr.rel @p0 .LBB2_2-.Ltmp2, $4  }
0xa2: {  	v63 =	vmul.f32 $4.999999890e-03, v62;
	[tilespmem:s22+$0x19080] =	vst v2  }
0xa3: {  	v0 =	vmul.f32 $4.999999890e-03, v0;
	[tilespmem:s22+$0x19090] =	vst v1  }
0xa4: {  	[tilespmem:s22+$0x190A0] =	vst v63  }
0xa5: {  	s19 =	sadd.s32 $0x190, s19;
	s20 =	sadd.s32 $0x190, s20;
	[tilespmem:s22+$0x190B0] =	vst v0  }
0xa6: {  	s18 =	sadd.s32 $0x1, s18  }
0xa7: {  	p0 =	sne.s32 s18, s7  }
.Ltmp3:
0xa8: {  	_ = 	snop;
	(pc) =	sbr.rel @p0 .LBB2_1-.Ltmp3, $4  }
0xa9: {  	[hbm4b:s6+s2] =	stream.linear.scatter [tilespmem:s17], [sflag:$0x3], $0x4000, $0x38;
	[tilespmem:$0x1D080] =	vst v63  }
0xaa: {  	_ =	swait.ge [sflag:s8], $0x4000  }
0xab: {  	[sflag:s8] =	ssyncset.done $0x0  }
0xac: {  	[sflag:s8] =	ssyncadd.s32 $0xFFFFC000  }
0xad: {  	_ =	sfence.sel $0x180000  }
0xae: {  	[bflag:$0x0] =	sbarrier.arrive $0xFFFF  }
0xaf: {  	p0 =	sne.s32 s0, $0x0;
	_ =	strace $0x9000004A  }
0xb0: {  	s0 =	sadd.s32 @!p0 $0x100000, s1;
	[bflag:$0x2] =	sbarrier.arrive $0xFFFF  }
0xb1: {  	[sflag:s0] =	ssyncadd.tile.s32 @!p0 $0x1;
	_ =	shalt  }
.Lfunc_end2:
_tile_overlayer_lowered:
.L_overlay_start_2:
0xb2: {  	(tag) =	ssettag $0x2  }
0xb3: {  	s0 =	rddreg [dreg:$0x0];
	s2 =	stileid.u32  }
0xb4: {  	s1 =	rddreg [dreg:$0x1];
	p0 =	sne.s32 s2, $0x0  }
0xb5: {  	s3 =	rddreg [dreg:$0x2];
	[bflag:$0x3] =	sbarrier.arrive $0xFFFF;
	s2 =	simm.s32 @!p0 $0x1C03  }
0xb6: {  	[timem:s3], [sflag:s2] =	dma.local @!p0 [hbm:s0], s1  }
0xb7: {  	s0 =	simm.s32 @!p0 $0x3  }
0xb8: {  	_ =	swait.ge @!p0 [sflag:s0], s1  }
0xb9: {  	s1 =	ssub.s32 @!p0 $0x0, s1;
	[sflag:s0] =	ssyncset.done @!p0 $0x0  }
0xba: {  	[sflag:s0] =	ssyncadd.s32 @!p0 s1  }
0xbb: {  	[bflag:$0x3] =	sbarrier.arrive $0xFFFF  }
0xbc: {  	_ =	shalt  }

</sc_bundles>
